<compile_context>
chip_gen: v7x
topology: tpu7x:2x2x1
jax: 0.10.2.dev20260603
libtpu: 0.0.44.dev20260713+nightly
codegen_flags: <defaults>
</compile_context>

<pallas_src>
import functools

import jax
import jax.numpy as jnp
from jax import lax
from jax.experimental import pallas as pl
from jax.experimental.pallas import tpu as pltpu
from jax.experimental.pallas import tpu_sc as plsc

N = 10000
E = 320000
NCLS = 41

NC, NS, L = 2, 16, 16
NW = NC * NS
K = 80
CHUNKS = 128
CH0 = 168
CH1 = 2 * CHUNKS - CH0
EPT = K * CHUNKS
EPAD = NW * EPT
T1W = 128
T2W = 64
ACC2W = 48
NPAD = 10240
RPT = NPAD // NS
RCHUNK = 80

_SC_PARAMS = pltpu.CompilerParams(use_tc_tiling_on_sc=False)


def _tc_head(x, wa, wb):
    n, d = x.shape
    ma, mb = wa.shape[1], wb.shape[1]
    bn = 1024

    def body(x_ref, wa_ref, wb_ref, oa_ref, ob_ref):
        xb = x_ref[...]
        oa_ref[...] = jnp.dot(xb, wa_ref[...],
                              preferred_element_type=jnp.float32)
        ob_ref[...] = jnp.dot(xb, wb_ref[...],
                              preferred_element_type=jnp.float32)

    return pl.pallas_call(
        body,
        grid=(n // bn,),
        in_specs=[pl.BlockSpec((bn, d), lambda i: (i, 0)),
                  pl.BlockSpec((d, ma), lambda i: (0, 0)),
                  pl.BlockSpec((d, mb), lambda i: (0, 0))],
        out_specs=[pl.BlockSpec((bn, ma), lambda i: (i, 0)),
                   pl.BlockSpec((bn, mb), lambda i: (i, 0))],
        out_shape=[jax.ShapeDtypeStruct((n, ma), jnp.float32),
                   jax.ShapeDtypeStruct((n, mb), jnp.float32)],
    )(x, wa, wb)


def _tc_mid(acc1, w2a, w2b, b1row):
    bn = 1024

    def body(a_ref, wa_ref, wb_ref, b_ref, oa_ref, ob_ref):
        s = a_ref[0] + a_ref[1]
        out1 = s[:, :64] / (s[:, 64:128] + 1e-16) + b_ref[...]
        h1 = jnp.where(out1 > 0, out1, jnp.exp(jnp.minimum(out1, 0.0)) - 1.0)
        oa_ref[...] = jnp.dot(h1, wa_ref[...],
                              preferred_element_type=jnp.float32)
        ob_ref[...] = jnp.dot(h1, wb_ref[...],
                              preferred_element_type=jnp.float32)

    return pl.pallas_call(
        body,
        grid=(NPAD // bn,),
        in_specs=[pl.BlockSpec((NC, bn, T1W), lambda i: (0, i, 0)),
                  pl.BlockSpec((64, T2W), lambda i: (0, 0)),
                  pl.BlockSpec((64, L), lambda i: (0, 0)),
                  pl.BlockSpec((1, 64), lambda i: (0, 0))],
        out_specs=[pl.BlockSpec((bn, T2W), lambda i: (i, 0)),
                   pl.BlockSpec((bn, L), lambda i: (i, 0))],
        out_shape=[jax.ShapeDtypeStruct((NPAD, T2W), jnp.float32),
                   jax.ShapeDtypeStruct((NPAD, L), jnp.float32)],
    )(acc1, w2a, w2b, b1row)


def _tc_out(acc2, b2row):
    bn = 1000

    def body(a_ref, b_ref, o_ref):
        s = a_ref[0] + a_ref[1]
        den = s[:, 41:42]
        z = s[:, :41] / (den + 1e-16) + b_ref[...]
        m = jnp.max(z, axis=1, keepdims=True)
        z = z - m
        lse = jnp.log(jnp.sum(jnp.exp(z), axis=1, keepdims=True))
        o_ref[...] = z - lse

    return pl.pallas_call(
        body,
        grid=(N // bn,),
        in_specs=[pl.BlockSpec((NC, bn, ACC2W), lambda i: (0, i, 0)),
                  pl.BlockSpec((1, NCLS), lambda i: (0, 0))],
        out_specs=pl.BlockSpec((bn, NCLS), lambda i: (i, 0)),
        out_shape=jax.ShapeDtypeStruct((N, NCLS), jnp.float32),
    )(acc2, b2row)


def _sc_edge1(t1, ade, src_p, dst_p):
    mesh = plsc.VectorSubcoreMesh(core_axis_name="c", subcore_axis_name="s",
                                  num_cores=NC, num_subcores=NS)

    @functools.partial(
        pl.kernel,
        out_type=jax.ShapeDtypeStruct((NC, NPAD, T1W), jnp.float32),
        mesh=mesh,
        compiler_params=_SC_PARAMS,
        scratch_types=[
            pltpu.VMEM((K,), jnp.int32),
            pltpu.VMEM((K,), jnp.int32),
            pltpu.VMEM((K,), jnp.int32),
            pltpu.VMEM((K,), jnp.int32),
            pltpu.VMEM((K, T1W), jnp.float32),
            pltpu.VMEM((K, 64), jnp.float32),
            pltpu.VMEM((K, T1W), jnp.float32),
            pltpu.VMEM((K, 64), jnp.float32),
            pltpu.VMEM_SHARED((NPAD, T1W), jnp.float32),
            pltpu.SemaphoreType.DMA,
            pltpu.SemaphoreType.DMA,
            pltpu.SemaphoreType.DMA,
            pltpu.SemaphoreType.DMA,
            pltpu.SemaphoreType.DMA,
            pltpu.SemaphoreType.DMA,
        ],
    )
    def k(t1_hbm, ade_hbm, src_hbm, dst_hbm, out_hbm,
          si0, di0, si1, di1, srows0, drows0, srows1, drows1, acc,
          semt0, sema0, semt1, sema1, semi0, semi1):
        cid = lax.axis_index("c")
        sid = lax.axis_index("s")
        wid = cid * NS + sid
        zeros16 = jnp.zeros((L,), jnp.float32)
        p02 = jnp.full((L,), 0.2, jnp.float32)
        bufs = [(srows0, drows0, semt0, sema0, si0, di0, semi0),
                (srows1, drows1, semt1, sema1, si1, di1, semi1)]
        ch = CH0 + (CH1 - CH0) * cid
        ebase = (cid * NS * CH0 + sid * ch) * K

        def zrow(i, _):
            for j in range(T1W // L):
                srows0[i, pl.ds(L * j, L)] = zeros16
            return 0
        lax.fori_loop(0, K, zrow, 0)
        for kk in range(RPT // RCHUNK):
            pltpu.sync_copy(
                srows0.at[pl.ds(0, RCHUNK)],
                acc.at[pl.ds(sid * RPT + kk * RCHUNK, RCHUNK)])
        plsc.subcore_barrier()

        def issue_idx(g, b):
            _, _, _, _, si, di, smi = bufs[b]
            pltpu.async_copy(src_hbm.at[pl.ds(ebase + g * K, K)], si, smi)
            pltpu.async_copy(dst_hbm.at[pl.ds(ebase + g * K, K)], di, smi)

        def wait_idx(b):
            _, _, _, _, si, di, smi = bufs[b]
            pltpu.make_async_copy(src_hbm.at[pl.ds(ebase, K)], si, smi).wait()
            pltpu.make_async_copy(dst_hbm.at[pl.ds(ebase, K)], di, smi).wait()

        def issue_data(b):
            sb, db, st, sa, si, di, _ = bufs[b]
            pltpu.async_copy(t1_hbm.at[si], sb, st)
            pltpu.async_copy(ade_hbm.at[di], db, sa)

        def wait_data(b):
            sb, db, st, sa, si, di, _ = bufs[b]
            pltpu.make_async_copy(t1_hbm.at[si], sb, st).wait()
            pltpu.make_async_copy(ade_hbm.at[di], db, sa).wait()

        issue_idx(0, 0)
        wait_idx(0)
        issue_data(0)
        issue_idx(1, 1)

        def outer(go, _):
            for b in (0, 1):
                g = 2 * go + b
                sb, db, _, _, si, di, _ = bufs[b]
                wait_data(b)
                wait_idx(1 - b)
                issue_data(1 - b)

                @plsc.parallel_loop(0, K, unroll=4)
                def edge(i):
                    for j in range(4):
                        asv = sb[i, pl.ds(64 + L * j, L)]
                        adv = db[i, pl.ds(L * j, L)]
                        e = asv + adv
                        w = jnp.exp(jnp.maximum(e, e * p02))
                        hv = sb[i, pl.ds(L * j, L)]
                        sb[i, pl.ds(L * j, L)] = hv * w
                        sb[i, pl.ds(64 + L * j, L)] = w

                pltpu.sync_copy(sb, acc.at[di], add=True)
                issue_idx(jnp.minimum(g + 2, ch - 1), b)
            return 0
        lax.fori_loop(0, ch // 2, outer, 0)
        wait_data(0)
        wait_idx(1)

        plsc.subcore_barrier()
        for kk in range(RPT // RCHUNK):
            r0 = sid * RPT + kk * RCHUNK
            pltpu.sync_copy(acc.at[pl.ds(r0, RCHUNK)],
                            out_hbm.at[cid, pl.ds(r0, RCHUNK)])

    return k(t1, ade, src_p, dst_p)


def _sc_edge2(t2, ad2, src_p, dst_p):
    mesh = plsc.VectorSubcoreMesh(core_axis_name="c", subcore_axis_name="s",
                                  num_cores=NC, num_subcores=NS)

    @functools.partial(
        pl.kernel,
        out_type=jax.ShapeDtypeStruct((NC, NPAD, ACC2W), jnp.float32),
        mesh=mesh,
        compiler_params=_SC_PARAMS,
        scratch_types=[
            pltpu.VMEM((K,), jnp.int32),
            pltpu.VMEM((K,), jnp.int32),
            pltpu.VMEM((K,), jnp.int32),
            pltpu.VMEM((K,), jnp.int32),
            pltpu.VMEM((K, T2W), jnp.float32),
            pltpu.VMEM((K, L), jnp.float32),
            pltpu.VMEM((K, T2W), jnp.float32),
            pltpu.VMEM((K, L), jnp.float32),
            pltpu.VMEM((K, ACC2W), jnp.float32),
            pltpu.VMEM_SHARED((NPAD, ACC2W), jnp.float32),
            pltpu.SemaphoreType.DMA,
            pltpu.SemaphoreType.DMA,
            pltpu.SemaphoreType.DMA,
            pltpu.SemaphoreType.DMA,
            pltpu.SemaphoreType.DMA,
            pltpu.SemaphoreType.DMA,
        ],
    )
    def k(t2_hbm, ad2_hbm, src_hbm, dst_hbm, out_hbm,
          si0, di0, si1, di1, srows0, drows0, srows1, drows1, msg, acc,
          semt0, sema0, semt1, sema1, semi0, semi1):
        cid = lax.axis_index("c")
        sid = lax.axis_index("s")
        wid = cid * NS + sid
        lane = lax.iota(jnp.int32, L)
        zeros16 = jnp.zeros((L,), jnp.float32)
        p02 = jnp.full((L,), 0.2, jnp.float32)
        ones = jnp.full((L,), 1, jnp.int32)
        zero_i = jnp.full((L,), 0, jnp.int32)
        nine = jnp.full((L,), 9, jnp.int32)
        lt9f = jnp.minimum(jnp.maximum(nine - lane, zero_i),
                           ones).astype(jnp.float32)
        eq9f = (ones - jnp.minimum(jnp.abs(lane - nine),
                                   ones)).astype(jnp.float32)
        bufs = [(srows0, drows0, semt0, sema0, si0, di0, semi0),
                (srows1, drows1, semt1, sema1, si1, di1, semi1)]
        ch = CH0 + (CH1 - CH0) * cid
        ebase = (cid * NS * CH0 + sid * ch) * K

        def zrow(i, _):
            for j in range(ACC2W // L):
                msg[i, pl.ds(L * j, L)] = zeros16
            return 0
        lax.fori_loop(0, K, zrow, 0)
        for kk in range(RPT // RCHUNK):
            pltpu.sync_copy(
                msg.at[pl.ds(0, RCHUNK)],
                acc.at[pl.ds(sid * RPT + kk * RCHUNK, RCHUNK)])
        plsc.subcore_barrier()

        def issue_idx(g, b):
            _, _, _, _, si, di, smi = bufs[b]
            pltpu.async_copy(src_hbm.at[pl.ds(ebase + g * K, K)], si, smi)
            pltpu.async_copy(dst_hbm.at[pl.ds(ebase + g * K, K)], di, smi)

        def wait_idx(b):
            _, _, _, _, si, di, smi = bufs[b]
            pltpu.make_async_copy(src_hbm.at[pl.ds(ebase, K)], si, smi).wait()
            pltpu.make_async_copy(dst_hbm.at[pl.ds(ebase, K)], di, smi).wait()

        def issue_data(b):
            sb, db, st, sa, si, di, _ = bufs[b]
            pltpu.async_copy(t2_hbm.at[si], sb, st)
            pltpu.async_copy(ad2_hbm.at[di], db, sa)

        def wait_data(b):
            sb, db, st, sa, si, di, _ = bufs[b]
            pltpu.make_async_copy(t2_hbm.at[si], sb, st).wait()
            pltpu.make_async_copy(ad2_hbm.at[di], db, sa).wait()

        issue_idx(0, 0)
        wait_idx(0)
        issue_data(0)
        issue_idx(1, 1)

        def outer(go, _):
            for b in (0, 1):
                g = 2 * go + b
                sb, db, _, _, si, di, _ = bufs[b]
                wait_data(b)
                wait_idx(1 - b)
                issue_data(1 - b)

                @plsc.parallel_loop(0, K, unroll=4)
                def edge(i):
                    asv = sb[i, pl.ds(48, L)]
                    adv = db[i, pl.ds(0, L)]
                    e = asv + adv
                    w = jnp.exp(jnp.maximum(e, e * p02))
                    for j in range(2):
                        hv = sb[i, pl.ds(L * j, L)]
                        msg[i, pl.ds(L * j, L)] = hv * w
                    hv = sb[i, pl.ds(32, L)]
                    msg[i, pl.ds(32, L)] = hv * w * lt9f + w * eq9f

                pltpu.sync_copy(msg, acc.at[di], add=True)
                issue_idx(jnp.minimum(g + 2, ch - 1), b)
            return 0
        lax.fori_loop(0, ch // 2, outer, 0)
        wait_data(0)
        wait_idx(1)

        plsc.subcore_barrier()
        for kk in range(RPT // RCHUNK):
            r0 = sid * RPT + kk * RCHUNK
            pltpu.sync_copy(acc.at[pl.ds(r0, RCHUNK)],
                            out_hbm.at[cid, pl.ds(r0, RCHUNK)])

    return k(t2, ad2, src_p, dst_p)


def kernel(x, edge_index, W1, a1_src, a1_dst, b1, W2, a2_src, a2_dst, b2):
    f32 = jnp.float32
    x = x.astype(f32)
    xp = jnp.concatenate(
        [x, jnp.zeros((NPAD - N, x.shape[1]), f32)], axis=0)
    src = edge_index[0].astype(jnp.int32)
    dst = edge_index[1].astype(jnp.int32)
    pad = EPAD - E
    src_p = jnp.concatenate([src, jnp.zeros((pad,), jnp.int32)])
    dst_p = jnp.concatenate([dst, jnp.full((pad,), N, jnp.int32)])

    idx64 = jnp.arange(64)
    same_head = (idx64[:, None] // 8 == idx64[None, :] // 8).astype(f32)
    mes = a1_src.reshape(-1)[:, None] * same_head
    med = a1_dst.reshape(-1)[:, None] * same_head
    w1a = jnp.concatenate([W1.astype(f32), W1 @ mes], axis=1)
    w1b = W1 @ med

    t1, ade = _tc_head(xp, w1a, w1b)
    acc1 = _sc_edge1(t1, ade, src_p, dst_p)

    a2s_col = (W2 @ a2_src.T)
    a2d_col = (W2 @ a2_dst.T)
    w2a = jnp.concatenate(
        [W2.astype(f32), jnp.zeros((64, T2W - NCLS - L), f32),
         jnp.tile(a2s_col, (1, L))], axis=1)
    w2b = jnp.tile(a2d_col, (1, L))

    t2, ad2 = _tc_mid(acc1, w2a, w2b, b1.reshape(1, 64).astype(f32))
    acc2 = _sc_edge2(t2, ad2, src_p, dst_p)

    return _tc_out(acc2, b2.reshape(1, NCLS).astype(f32))

# --- scband reference (transcript-rebuilt; emitter-appended) ---
"""Pipeline reference for scband-gat-72791105733218 (READ-ONLY COPY).

The authoritative reference and input builder live on the scoring server;
editing this copy changes nothing except your own understanding.
"""

import jax, jax.numpy as jnp
import numpy as np

N_NODES = 10000
N_EDGES = 320000
D_IN = 128
H1, C1 = 8, 8
N_CLASSES = 41


def setup_inputs(seed: int = 0) -> dict:
    key = jax.random.key(seed)
    ks = jax.random.split(key, 10)
    x = jax.random.normal(ks[0], (N_NODES, D_IN), dtype=jnp.float32)
    edge_index = jax.random.randint(ks[1], (2, N_EDGES), 0, N_NODES, dtype=jnp.int64)
    W1 = jax.random.normal(ks[2], (D_IN, H1 * C1), dtype=jnp.float32) * 0.1
    a1_src = jax.random.normal(ks[3], (H1, C1), dtype=jnp.float32) * 0.1
    a1_dst = jax.random.normal(ks[4], (H1, C1), dtype=jnp.float32) * 0.1
    b1 = jnp.zeros((H1 * C1,), dtype=jnp.float32)
    W2 = jax.random.normal(ks[5], (H1 * C1, 1 * N_CLASSES), dtype=jnp.float32) * 0.1
    a2_src = jax.random.normal(ks[6], (1, N_CLASSES), dtype=jnp.float32) * 0.1
    a2_dst = jax.random.normal(ks[7], (1, N_CLASSES), dtype=jnp.float32) * 0.1
    b2 = jnp.zeros((N_CLASSES,), dtype=jnp.float32)
    return {"x": x, "edge_index": edge_index, "W1": W1, "a1_src": a1_src,
            "a1_dst": a1_dst, "b1": b1, "W2": W2, "a2_src": a2_src,
            "a2_dst": a2_dst, "b2": b2}


def _gat_conv(x, edge_index, W, a_src, a_dst, bias, heads, out_ch, concat):
    N = x.shape[0]
    h = (x @ W).reshape(N, heads, out_ch)
    alpha_src = jnp.sum(h * a_src[None, :, :], axis=-1)  # [N, H]
    alpha_dst = jnp.sum(h * a_dst[None, :, :], axis=-1)  # [N, H]
    src = edge_index[0]
    dst = edge_index[1]
    e = alpha_src[src] + alpha_dst[dst]                  # [E, H]
    e = jax.nn.leaky_relu(e, negative_slope=0.2)
    e_max = jax.ops.segment_max(e, dst, num_segments=N)  # [N, H]
    e_max = jnp.where(jnp.isfinite(e_max), e_max, 0.0)
    e_exp = jnp.exp(e - e_max[dst])
    denom = jax.ops.segment_sum(e_exp, dst, num_segments=N)
    alpha = e_exp / (denom[dst] + 1e-16)                 # [E, H]
    msg = h[src] * alpha[:, :, None]                     # [E, H, C]
    out = jax.ops.segment_sum(msg, dst, num_segments=N)  # [N, H, C]
    if concat:
        out = out.reshape(N, heads * out_ch)
    else:
        out = out.mean(axis=1)
    return out + bias


def reference(x, edge_index, W1, a1_src, a1_dst, b1, W2, a2_src, a2_dst, b2):
    # eval mode: dropout layers are identity
    h = _gat_conv(x, edge_index, W1, a1_src, a1_dst, b1, H1, C1, True)
    h = jax.nn.elu(h)
    h = _gat_conv(h, edge_index, W2, a2_src, a2_dst, b2, 1, N_CLASSES, False)
    return jax.nn.log_softmax(h, axis=1)

if __name__ == "__main__":
    import jax
    _d = setup_inputs()
    print(jax.jit(kernel)(*tuple(_d.values())))

</pallas_src>

<mosaic_0001>
#map = affine_map<(d0, d1) -> (0, 0)>
#map1 = affine_map<(d0, d1) -> (0)>
#map2 = affine_map<(d0, d1) -> (0, 0, 0)>
module attributes {stable_mosaic.version = 14 : i64} {
  func.func @k(%arg0: i32, %arg1: i32, %arg2: memref<10240x128xf32, #tpu.memory_space<hbm>>, %arg3: memref<10240x64xf32, #tpu.memory_space<hbm>>, %arg4: memref<327680xi32, #tpu.memory_space<hbm>>, %arg5: memref<327680xi32, #tpu.memory_space<hbm>>, %arg6: memref<2x10240x128xf32, #tpu.memory_space<hbm>>, %arg7: memref<80xi32, #tpu.memory_space<vmem>>, %arg8: memref<80xi32, #tpu.memory_space<vmem>>, %arg9: memref<80xi32, #tpu.memory_space<vmem>>, %arg10: memref<80xi32, #tpu.memory_space<vmem>>, %arg11: memref<80x128xf32, #tpu.memory_space<vmem>>, %arg12: memref<80x64xf32, #tpu.memory_space<vmem>>, %arg13: memref<80x128xf32, #tpu.memory_space<vmem>>, %arg14: memref<80x64xf32, #tpu.memory_space<vmem>>, %arg15: memref<10240x128xf32, #tpu.memory_space<vmem_shared>>, %arg16: memref<!tpu.dma_semaphore, #tpu.memory_space<semaphore_mem>>, %arg17: memref<!tpu.dma_semaphore, #tpu.memory_space<semaphore_mem>>, %arg18: memref<!tpu.dma_semaphore, #tpu.memory_space<semaphore_mem>>, %arg19: memref<!tpu.dma_semaphore, #tpu.memory_space<semaphore_mem>>, %arg20: memref<!tpu.dma_semaphore, #tpu.memory_space<semaphore_mem>>, %arg21: memref<!tpu.dma_semaphore, #tpu.memory_space<semaphore_mem>>) attributes {dimension_semantics = [#tpu.dimension_semantics<core_parallel>, #tpu.dimension_semantics<subcore_parallel>], iteration_bounds = array<i64: 2, 16>, scalar_prefetch = 0 : i64, scratch_operands = 15 : i64, tpu.core_type = #tpu.core_type<sc_vector_subcore>, window_params = [{transform_indices = #map}, {transform_indices = #map}, {transform_indices = #map1}, {transform_indices = #map1}, {transform_indices = #map2}]} {
    %mul3A = arith.constant 16 : i32
    %mul3A_0 = arith.muli %arg0, %mul3A : i32
    %add3A = arith.addi %mul3A_0, %arg1 : i32
    %broadcast_in_dim3A = arith.constant 0.000000e+00 : f32
    %broadcast_in_dim3A_1 = vector.broadcast %broadcast_in_dim3A : f32 to vector<16xf32>
    %broadcast_in_dim3A_2 = arith.constant 2.000000e-01 : f32
    %broadcast_in_dim3A_3 = vector.broadcast %broadcast_in_dim3A_2 : f32 to vector<16xf32>
    %mul3A_4 = arith.constant -80 : i32
    %mul3A_5 = arith.muli %mul3A_4, %arg0 : i32
    %add3A_6 = arith.constant 168 : i32
    %add3A_7 = arith.addi %add3A_6, %mul3A_5 : i32
    %mul3A_8 = arith.constant 16 : i32
    %mul3A_9 = arith.muli %arg0, %mul3A_8 : i32
    %mul3A_10 = arith.constant 168 : i32
    %mul3A_11 = arith.muli %mul3A_9, %mul3A_10 : i32
    %mul3A_12 = arith.muli %arg1, %add3A_7 : i32
    %add3A_13 = arith.addi %mul3A_11, %mul3A_12 : i32
    %mul3A_14 = arith.constant 80 : i32
    %mul3A_15 = arith.muli %add3A_13, %mul3A_14 : i32
    %scan3A = arith.constant 0 : i32
    %scan3A_16 = arith.constant 0 : i32
    %scan3A_17 = arith.constant 80 : i32
    %scan3A_18 = arith.addi %scan3A_16, %scan3A_17 : i32
    %scan3A_19 = arith.constant 1 : i32
    %scan3A_20 = scf.for %scan3A_148 = %scan3A_16 to %scan3A_18 step %scan3A_19 iter_args(%scan3A_149 = %scan3A) -> (i32)  : i32 {
      %swap3A = arith.index_cast %scan3A_148 : i32 to index
      %swap3A_150 = arith.constant 0 : index
      %swap3A_151 = tpu.vector_load %arg11[%swap3A, %swap3A_150] {strides = array<i32>} : memref<80x128xf32, #tpu.memory_space<vmem>>, vector<1x16xf32>,
      %swap3A_152 = vector.shape_cast %swap3A_151 : vector<1x16xf32> to vector<16xf32>
      %swap3A_153 = vector.shape_cast %broadcast_in_dim3A_1 : vector<16xf32> to vector<1x16xf32>
      tpu.vector_store %arg11[%swap3A, %swap3A_150], %swap3A_153 {strides = array<i32>} : memref<80x128xf32, #tpu.memory_space<vmem>>, vector<1x16xf32>,
      %swap3A_154 = arith.index_cast %scan3A_148 : i32 to index
      %swap3A_155 = arith.constant 16 : index
      %swap3A_156 = tpu.vector_load %arg11[%swap3A_154, %swap3A_155] {strides = array<i32>} : memref<80x128xf32, #tpu.memory_space<vmem>>, vector<1x16xf32>,
      %swap3A_157 = vector.shape_cast %swap3A_156 : vector<1x16xf32> to vector<16xf32>
      %swap3A_158 = vector.shape_cast %broadcast_in_dim3A_1 : vector<16xf32> to vector<1x16xf32>
      tpu.vector_store %arg11[%swap3A_154, %swap3A_155], %swap3A_158 {strides = array<i32>} : memref<80x128xf32, #tpu.memory_space<vmem>>, vector<1x16xf32>,
      %swap3A_159 = arith.index_cast %scan3A_148 : i32 to index
      %swap3A_160 = arith.constant 32 : index
      %swap3A_161 = tpu.vector_load %arg11[%swap3A_159, %swap3A_160] {strides = array<i32>} : memref<80x128xf32, #tpu.memory_space<vmem>>, vector<1x16xf32>,
      %swap3A_162 = vector.shape_cast %swap3A_161 : vector<1x16xf32> to vector<16xf32>
      %swap3A_163 = vector.shape_cast %broadcast_in_dim3A_1 : vector<16xf32> to vector<1x16xf32>
      tpu.vector_store %arg11[%swap3A_159, %swap3A_160], %swap3A_163 {strides = array<i32>} : memref<80x128xf32, #tpu.memory_space<vmem>>, vector<1x16xf32>,
      %swap3A_164 = arith.index_cast %scan3A_148 : i32 to index
      %swap3A_165 = arith.constant 48 : index
      %swap3A_166 = tpu.vector_load %arg11[%swap3A_164, %swap3A_165] {strides = array<i32>} : memref<80x128xf32, #tpu.memory_space<vmem>>, vector<1x16xf32>,
      %swap3A_167 = vector.shape_cast %swap3A_166 : vector<1x16xf32> to vector<16xf32>
      %swap3A_168 = vector.shape_cast %broadcast_in_dim3A_1 : vector<16xf32> to vector<1x16xf32>
      tpu.vector_store %arg11[%swap3A_164, %swap3A_165], %swap3A_168 {strides = array<i32>} : memref<80x128xf32, #tpu.memory_space<vmem>>, vector<1x16xf32>,
      %swap3A_169 = arith.index_cast %scan3A_148 : i32 to index
      %swap3A_170 = arith.constant 64 : index
      %swap3A_171 = tpu.vector_load %arg11[%swap3A_169, %swap3A_170] {strides = array<i32>} : memref<80x128xf32, #tpu.memory_space<vmem>>, vector<1x16xf32>,
      %swap3A_172 = vector.shape_cast %swap3A_171 : vector<1x16xf32> to vector<16xf32>
      %swap3A_173 = vector.shape_cast %broadcast_in_dim3A_1 : vector<16xf32> to vector<1x16xf32>
      tpu.vector_store %arg11[%swap3A_169, %swap3A_170], %swap3A_173 {strides = array<i32>} : memref<80x128xf32, #tpu.memory_space<vmem>>, vector<1x16xf32>,
      %swap3A_174 = arith.index_cast %scan3A_148 : i32 to index
      %swap3A_175 = arith.constant 80 : index
      %swap3A_176 = tpu.vector_load %arg11[%swap3A_174, %swap3A_175] {strides = array<i32>} : memref<80x128xf32, #tpu.memory_space<vmem>>, vector<1x16xf32>,
      %swap3A_177 = vector.shape_cast %swap3A_176 : vector<1x16xf32> to vector<16xf32>
      %swap3A_178 = vector.shape_cast %broadcast_in_dim3A_1 : vector<16xf32> to vector<1x16xf32>
      tpu.vector_store %arg11[%swap3A_174, %swap3A_175], %swap3A_178 {strides = array<i32>} : memref<80x128xf32, #tpu.memory_space<vmem>>, vector<1x16xf32>,
      %swap3A_179 = arith.index_cast %scan3A_148 : i32 to index
      %swap3A_180 = arith.constant 96 : index
      %swap3A_181 = tpu.vector_load %arg11[%swap3A_179, %swap3A_180] {strides = array<i32>} : memref<80x128xf32, #tpu.memory_space<vmem>>, vector<1x16xf32>,
      %swap3A_182 = vector.shape_cast %swap3A_181 : vector<1x16xf32> to vector<16xf32>
      %swap3A_183 = vector.shape_cast %broadcast_in_dim3A_1 : vector<16xf32> to vector<1x16xf32>
      tpu.vector_store %arg11[%swap3A_179, %swap3A_180], %swap3A_183 {strides = array<i32>} : memref<80x128xf32, #tpu.memory_space<vmem>>, vector<1x16xf32>,
      %swap3A_184 = arith.index_cast %scan3A_148 : i32 to index
      %swap3A_185 = arith.constant 112 : index
      %swap3A_186 = tpu.vector_load %arg11[%swap3A_184, %swap3A_185] {strides = array<i32>} : memref<80x128xf32, #tpu.memory_space<vmem>>, vector<1x16xf32>,
      %swap3A_187 = vector.shape_cast %swap3A_186 : vector<1x16xf32> to vector<16xf32>
      %swap3A_188 = vector.shape_cast %broadcast_in_dim3A_1 : vector<16xf32> to vector<1x16xf32>
      tpu.vector_store %arg11[%swap3A_184, %swap3A_185], %swap3A_188 {strides = array<i32>} : memref<80x128xf32, #tpu.memory_space<vmem>>, vector<1x16xf32>,
      %scan3A_189 = arith.constant 0 : i32
      scf.yield %scan3A_189 : i32
    }
    %scan3A_21 = arith.constant 80 : i32
    %mul3A_22 = arith.constant 640 : i32
    %mul3A_23 = arith.muli %arg1, %mul3A_22 : i32
    %add3A_24 = arith.constant 0 : i32
    %add3A_25 = arith.addi %mul3A_23, %add3A_24 : i32
    "tpu.region"() ({
      %run_scoped3A = tpu.sem_alloc : memref<!tpu.dma_semaphore, #tpu.memory_space<semaphore_mem>>
      %dma_start3A_148 = arith.constant 0 : i32
      %dma_start3A_149 = arith.constant 0 : i32
      %dma_start3A_150 = tpu.memref_slice %arg11[%dma_start3A_148, %dma_start3A_149] : memref<80x128xf32, #tpu.memory_space<vmem>> -> memref<80x128xf32, #tpu.memory_space<vmem>>
      %dma_start3A_151 = arith.constant 0 : i32
      %dma_start3A_152 = tpu.memref_slice %arg15[%add3A_25, %dma_start3A_151] : memref<10240x128xf32, #tpu.memory_space<vmem_shared>> -> memref<80x128xf32, #tpu.memory_space<vmem_shared>>
      %dma_start3A_153 = arith.constant 0 : i32
      %dma_start3A_154 = tpu.memref_slice %arg15[%add3A_25, %dma_start3A_153] : memref<10240x128xf32, #tpu.memory_space<vmem_shared>> -> memref<80x128xf32, #tpu.memory_space<vmem_shared>>
      %dma_start3A_155 = arith.constant 0 : i32
      %dma_start3A_156 = arith.constant 0 : i32
      %dma_start3A_157 = tpu.memref_slice %arg11[%dma_start3A_155, %dma_start3A_156] : memref<80x128xf32, #tpu.memory_space<vmem>> -> memref<80x128xf32, #tpu.memory_space<vmem>>
      tpu.enqueue_dma source(%dma_start3A_157 : memref<80x128xf32, #tpu.memory_space<vmem>>) target(%dma_start3A_154 : memref<80x128xf32, #tpu.memory_space<vmem_shared>>) target_semaphore(%run_scoped3A : memref<!tpu.dma_semaphore, #tpu.memory_space<semaphore_mem>>)
      %dma_wait3A_158 = arith.constant 0 : i32
      %dma_wait3A_159 = arith.constant 0 : i32
      %dma_wait3A_160 = tpu.memref_slice %arg11[%dma_wait3A_158, %dma_wait3A_159] : memref<80x128xf32, #tpu.memory_space<vmem>> -> memref<80x128xf32, #tpu.memory_space<vmem>>
      %dma_wait3A_161 = arith.constant 0 : i32
      %dma_wait3A_162 = tpu.memref_slice %arg15[%add3A_25, %dma_wait3A_161] : memref<10240x128xf32, #tpu.memory_space<vmem_shared>> -> memref<80x128xf32, #tpu.memory_space<vmem_shared>>
      %dma_wait3A_163 = arith.constant 0 : i32
      %dma_wait3A_164 = tpu.memref_slice %arg15[%add3A_25, %dma_wait3A_163] : memref<10240x128xf32, #tpu.memory_space<vmem_shared>> -> memref<80x128xf32, #tpu.memory_space<vmem_shared>>
      %dma_wait3A_165 = arith.constant 0 : i32
      %dma_wait3A_166 = arith.constant 0 : i32
      %dma_wait3A_167 = tpu.memref_slice %arg11[%dma_wait3A_165, %dma_wait3A_166] : memref<80x128xf32, #tpu.memory_space<vmem>> -> memref<80x128xf32, #tpu.memory_space<vmem>>
      tpu.wait_dma2 semaphore(%run_scoped3A : memref<!tpu.dma_semaphore, #tpu.memory_space<semaphore_mem>>) src(%dma_wait3A_167 : memref<80x128xf32, #tpu.memory_space<vmem>>) dst(%dma_wait3A_164 : memref<80x128xf32, #tpu.memory_space<vmem_shared>>)
      tpu.yield
    }) : () -> ()
    %mul3A_26 = arith.constant 640 : i32
    %mul3A_27 = arith.muli %arg1, %mul3A_26 : i32
    %add3A_28 = arith.constant 80 : i32
    %add3A_29 = arith.addi %mul3A_27, %add3A_28 : i32
    "tpu.region"() ({
      %run_scoped3A = tpu.sem_alloc : memref<!tpu.dma_semaphore, #tpu.memory_space<semaphore_mem>>
      %dma_start3A_148 = arith.constant 0 : i32
      %dma_start3A_149 = arith.constant 0 : i32
      %dma_start3A_150 = tpu.memref_slice %arg11[%dma_start3A_148, %dma_start3A_149] : memref<80x128xf32, #tpu.memory_space<vmem>> -> memref<80x128xf32, #tpu.memory_space<vmem>>
      %dma_start3A_151 = arith.constant 0 : i32
      %dma_start3A_152 = tpu.memref_slice %arg15[%add3A_29, %dma_start3A_151] : memref<10240x128xf32, #tpu.memory_space<vmem_shared>> -> memref<80x128xf32, #tpu.memory_space<vmem_shared>>
      %dma_start3A_153 = arith.constant 0 : i32
      %dma_start3A_154 = tpu.memref_slice %arg15[%add3A_29, %dma_start3A_153] : memref<10240x128xf32, #tpu.memory_space<vmem_shared>> -> memref<80x128xf32, #tpu.memory_space<vmem_shared>>
      %dma_start3A_155 = arith.constant 0 : i32
      %dma_start3A_156 = arith.constant 0 : i32
      %dma_start3A_157 = tpu.memref_slice %arg11[%dma_start3A_155, %dma_start3A_156] : memref<80x128xf32, #tpu.memory_space<vmem>> -> memref<80x128xf32, #tpu.memory_space<vmem>>
      tpu.enqueue_dma source(%dma_start3A_157 : memref<80x128xf32, #tpu.memory_space<vmem>>) target(%dma_start3A_154 : memref<80x128xf32, #tpu.memory_space<vmem_shared>>) target_semaphore(%run_scoped3A : memref<!tpu.dma_semaphore, #tpu.memory_space<semaphore_mem>>)
      %dma_wait3A_158 = arith.constant 0 : i32
      %dma_wait3A_159 = arith.constant 0 : i32
      %dma_wait3A_160 = tpu.memref_slice %arg11[%dma_wait3A_158, %dma_wait3A_159] : memref<80x128xf32, #tpu.memory_space<vmem>> -> memref<80x128xf32, #tpu.memory_space<vmem>>
      %dma_wait3A_161 = arith.constant 0 : i32
      %dma_wait3A_162 = tpu.memref_slice %arg15[%add3A_29, %dma_wait3A_161] : memref<10240x128xf32, #tpu.memory_space<vmem_shared>> -> memref<80x128xf32, #tpu.memory_space<vmem_shared>>
      %dma_wait3A_163 = arith.constant 0 : i32
      %dma_wait3A_164 = tpu.memref_slice %arg15[%add3A_29, %dma_wait3A_163] : memref<10240x128xf32, #tpu.memory_space<vmem_shared>> -> memref<80x128xf32, #tpu.memory_space<vmem_shared>>
      %dma_wait3A_165 = arith.constant 0 : i32
      %dma_wait3A_166 = arith.constant 0 : i32
      %dma_wait3A_167 = tpu.memref_slice %arg11[%dma_wait3A_165, %dma_wait3A_166] : memref<80x128xf32, #tpu.memory_space<vmem>> -> memref<80x128xf32, #tpu.memory_space<vmem>>
      tpu.wait_dma2 semaphore(%run_scoped3A : memref<!tpu.dma_semaphore, #tpu.memory_space<semaphore_mem>>) src(%dma_wait3A_167 : memref<80x128xf32, #tpu.memory_space<vmem>>) dst(%dma_wait3A_164 : memref<80x128xf32, #tpu.memory_space<vmem_shared>>)
      tpu.yield
    }) : () -> ()
    %mul3A_30 = arith.constant 640 : i32
    %mul3A_31 = arith.muli %arg1, %mul3A_30 : i32
    %add3A_32 = arith.constant 160 : i32
    %add3A_33 = arith.addi %mul3A_31, %add3A_32 : i32
    "tpu.region"() ({
      %run_scoped3A = tpu.sem_alloc : memref<!tpu.dma_semaphore, #tpu.memory_space<semaphore_mem>>
      %dma_start3A_148 = arith.constant 0 : i32
      %dma_start3A_149 = arith.constant 0 : i32
      %dma_start3A_150 = tpu.memref_slice %arg11[%dma_start3A_148, %dma_start3A_149] : memref<80x128xf32, #tpu.memory_space<vmem>> -> memref<80x128xf32, #tpu.memory_space<vmem>>
      %dma_start3A_151 = arith.constant 0 : i32
      %dma_start3A_152 = tpu.memref_slice %arg15[%add3A_33, %dma_start3A_151] : memref<10240x128xf32, #tpu.memory_space<vmem_shared>> -> memref<80x128xf32, #tpu.memory_space<vmem_shared>>
      %dma_start3A_153 = arith.constant 0 : i32
      %dma_start3A_154 = tpu.memref_slice %arg15[%add3A_33, %dma_start3A_153] : memref<10240x128xf32, #tpu.memory_space<vmem_shared>> -> memref<80x128xf32, #tpu.memory_space<vmem_shared>>
      %dma_start3A_155 = arith.constant 0 : i32
      %dma_start3A_156 = arith.constant 0 : i32
      %dma_start3A_157 = tpu.memref_slice %arg11[%dma_start3A_155, %dma_start3A_156] : memref<80x128xf32, #tpu.memory_space<vmem>> -> memref<80x128xf32, #tpu.memory_space<vmem>>
      tpu.enqueue_dma source(%dma_start3A_157 : memref<80x128xf32, #tpu.memory_space<vmem>>) target(%dma_start3A_154 : memref<80x128xf32, #tpu.memory_space<vmem_shared>>) target_semaphore(%run_scoped3A : memref<!tpu.dma_semaphore, #tpu.memory_space<semaphore_mem>>)
      %dma_wait3A_158 = arith.constant 0 : i32
      %dma_wait3A_159 = arith.constant 0 : i32
      %dma_wait3A_160 = tpu.memref_slice %arg11[%dma_wait3A_158, %dma_wait3A_159] : memref<80x128xf32, #tpu.memory_space<vmem>> -> memref<80x128xf32, #tpu.memory_space<vmem>>
      %dma_wait3A_161 = arith.constant 0 : i32
      %dma_wait3A_162 = tpu.memref_slice %arg15[%add3A_33, %dma_wait3A_161] : memref<10240x128xf32, #tpu.memory_space<vmem_shared>> -> memref<80x128xf32, #tpu.memory_space<vmem_shared>>
      %dma_wait3A_163 = arith.constant 0 : i32
      %dma_wait3A_164 = tpu.memref_slice %arg15[%add3A_33, %dma_wait3A_163] : memref<10240x128xf32, #tpu.memory_space<vmem_shared>> -> memref<80x128xf32, #tpu.memory_space<vmem_shared>>
      %dma_wait3A_165 = arith.constant 0 : i32
      %dma_wait3A_166 = arith.constant 0 : i32
      %dma_wait3A_167 = tpu.memref_slice %arg11[%dma_wait3A_165, %dma_wait3A_166] : memref<80x128xf32, #tpu.memory_space<vmem>> -> memref<80x128xf32, #tpu.memory_space<vmem>>
      tpu.wait_dma2 semaphore(%run_scoped3A : memref<!tpu.dma_semaphore, #tpu.memory_space<semaphore_mem>>) src(%dma_wait3A_167 : memref<80x128xf32, #tpu.memory_space<vmem>>) dst(%dma_wait3A_164 : memref<80x128xf32, #tpu.memory_space<vmem_shared>>)
      tpu.yield
    }) : () -> ()
    %mul3A_34 = arith.constant 640 : i32
    %mul3A_35 = arith.muli %arg1, %mul3A_34 : i32
    %add3A_36 = arith.constant 240 : i32
    %add3A_37 = arith.addi %mul3A_35, %add3A_36 : i32
    "tpu.region"() ({
      %run_scoped3A = tpu.sem_alloc : memref<!tpu.dma_semaphore, #tpu.memory_space<semaphore_mem>>
      %dma_start3A_148 = arith.constant 0 : i32
      %dma_start3A_149 = arith.constant 0 : i32
      %dma_start3A_150 = tpu.memref_slice %arg11[%dma_start3A_148, %dma_start3A_149] : memref<80x128xf32, #tpu.memory_space<vmem>> -> memref<80x128xf32, #tpu.memory_space<vmem>>
      %dma_start3A_151 = arith.constant 0 : i32
      %dma_start3A_152 = tpu.memref_slice %arg15[%add3A_37, %dma_start3A_151] : memref<10240x128xf32, #tpu.memory_space<vmem_shared>> -> memref<80x128xf32, #tpu.memory_space<vmem_shared>>
      %dma_start3A_153 = arith.constant 0 : i32
      %dma_start3A_154 = tpu.memref_slice %arg15[%add3A_37, %dma_start3A_153] : memref<10240x128xf32, #tpu.memory_space<vmem_shared>> -> memref<80x128xf32, #tpu.memory_space<vmem_shared>>
      %dma_start3A_155 = arith.constant 0 : i32
      %dma_start3A_156 = arith.constant 0 : i32
      %dma_start3A_157 = tpu.memref_slice %arg11[%dma_start3A_155, %dma_start3A_156] : memref<80x128xf32, #tpu.memory_space<vmem>> -> memref<80x128xf32, #tpu.memory_space<vmem>>
      tpu.enqueue_dma source(%dma_start3A_157 : memref<80x128xf32, #tpu.memory_space<vmem>>) target(%dma_start3A_154 : memref<80x128xf32, #tpu.memory_space<vmem_shared>>) target_semaphore(%run_scoped3A : memref<!tpu.dma_semaphore, #tpu.memory_space<semaphore_mem>>)
      %dma_wait3A_158 = arith.constant 0 : i32
      %dma_wait3A_159 = arith.constant 0 : i32
      %dma_wait3A_160 = tpu.memref_slice %arg11[%dma_wait3A_158, %dma_wait3A_159] : memref<80x128xf32, #tpu.memory_space<vmem>> -> memref<80x128xf32, #tpu.memory_space<vmem>>
      %dma_wait3A_161 = arith.constant 0 : i32
      %dma_wait3A_162 = tpu.memref_slice %arg15[%add3A_37, %dma_wait3A_161] : memref<10240x128xf32, #tpu.memory_space<vmem_shared>> -> memref<80x128xf32, #tpu.memory_space<vmem_shared>>
      %dma_wait3A_163 = arith.constant 0 : i32
      %dma_wait3A_164 = tpu.memref_slice %arg15[%add3A_37, %dma_wait3A_163] : memref<10240x128xf32, #tpu.memory_space<vmem_shared>> -> memref<80x128xf32, #tpu.memory_space<vmem_shared>>
      %dma_wait3A_165 = arith.constant 0 : i32
      %dma_wait3A_166 = arith.constant 0 : i32
      %dma_wait3A_167 = tpu.memref_slice %arg11[%dma_wait3A_165, %dma_wait3A_166] : memref<80x128xf32, #tpu.memory_space<vmem>> -> memref<80x128xf32, #tpu.memory_space<vmem>>
      tpu.wait_dma2 semaphore(%run_scoped3A : memref<!tpu.dma_semaphore, #tpu.memory_space<semaphore_mem>>) src(%dma_wait3A_167 : memref<80x128xf32, #tpu.memory_space<vmem>>) dst(%dma_wait3A_164 : memref<80x128xf32, #tpu.memory_space<vmem_shared>>)
      tpu.yield
    }) : () -> ()
    %mul3A_38 = arith.constant 640 : i32
    %mul3A_39 = arith.muli %arg1, %mul3A_38 : i32
    %add3A_40 = arith.constant 320 : i32
    %add3A_41 = arith.addi %mul3A_39, %add3A_40 : i32
    "tpu.region"() ({
      %run_scoped3A = tpu.sem_alloc : memref<!tpu.dma_semaphore, #tpu.memory_space<semaphore_mem>>
      %dma_start3A_148 = arith.constant 0 : i32
      %dma_start3A_149 = arith.constant 0 : i32
      %dma_start3A_150 = tpu.memref_slice %arg11[%dma_start3A_148, %dma_start3A_149] : memref<80x128xf32, #tpu.memory_space<vmem>> -> memref<80x128xf32, #tpu.memory_space<vmem>>
      %dma_start3A_151 = arith.constant 0 : i32
      %dma_start3A_152 = tpu.memref_slice %arg15[%add3A_41, %dma_start3A_151] : memref<10240x128xf32, #tpu.memory_space<vmem_shared>> -> memref<80x128xf32, #tpu.memory_space<vmem_shared>>
      %dma_start3A_153 = arith.constant 0 : i32
      %dma_start3A_154 = tpu.memref_slice %arg15[%add3A_41, %dma_start3A_153] : memref<10240x128xf32, #tpu.memory_space<vmem_shared>> -> memref<80x128xf32, #tpu.memory_space<vmem_shared>>
      %dma_start3A_155 = arith.constant 0 : i32
      %dma_start3A_156 = arith.constant 0 : i32
      %dma_start3A_157 = tpu.memref_slice %arg11[%dma_start3A_155, %dma_start3A_156] : memref<80x128xf32, #tpu.memory_space<vmem>> -> memref<80x128xf32, #tpu.memory_space<vmem>>
      tpu.enqueue_dma source(%dma_start3A_157 : memref<80x128xf32, #tpu.memory_space<vmem>>) target(%dma_start3A_154 : memref<80x128xf32, #tpu.memory_space<vmem_shared>>) target_semaphore(%run_scoped3A : memref<!tpu.dma_semaphore, #tpu.memory_space<semaphore_mem>>)
      %dma_wait3A_158 = arith.constant 0 : i32
      %dma_wait3A_159 = arith.constant 0 : i32
      %dma_wait3A_160 = tpu.memref_slice %arg11[%dma_wait3A_158, %dma_wait3A_159] : memref<80x128xf32, #tpu.memory_space<vmem>> -> memref<80x128xf32, #tpu.memory_space<vmem>>
      %dma_wait3A_161 = arith.constant 0 : i32
      %dma_wait3A_162 = tpu.memref_slice %arg15[%add3A_41, %dma_wait3A_161] : memref<10240x128xf32, #tpu.memory_space<vmem_shared>> -> memref<80x128xf32, #tpu.memory_space<vmem_shared>>
      %dma_wait3A_163 = arith.constant 0 : i32
      %dma_wait3A_164 = tpu.memref_slice %arg15[%add3A_41, %dma_wait3A_163] : memref<10240x128xf32, #tpu.memory_space<vmem_shared>> -> memref<80x128xf32, #tpu.memory_space<vmem_shared>>
      %dma_wait3A_165 = arith.constant 0 : i32
      %dma_wait3A_166 = arith.constant 0 : i32
      %dma_wait3A_167 = tpu.memref_slice %arg11[%dma_wait3A_165, %dma_wait3A_166] : memref<80x128xf32, #tpu.memory_space<vmem>> -> memref<80x128xf32, #tpu.memory_space<vmem>>
      tpu.wait_dma2 semaphore(%run_scoped3A : memref<!tpu.dma_semaphore, #tpu.memory_space<semaphore_mem>>) src(%dma_wait3A_167 : memref<80x128xf32, #tpu.memory_space<vmem>>) dst(%dma_wait3A_164 : memref<80x128xf32, #tpu.memory_space<vmem_shared>>)
      tpu.yield
    }) : () -> ()
    %mul3A_42 = arith.constant 640 : i32
    %mul3A_43 = arith.muli %arg1, %mul3A_42 : i32
    %add3A_44 = arith.constant 400 : i32
    %add3A_45 = arith.addi %mul3A_43, %add3A_44 : i32
    "tpu.region"() ({
      %run_scoped3A = tpu.sem_alloc : memref<!tpu.dma_semaphore, #tpu.memory_space<semaphore_mem>>
      %dma_start3A_148 = arith.constant 0 : i32
      %dma_start3A_149 = arith.constant 0 : i32
      %dma_start3A_150 = tpu.memref_slice %arg11[%dma_start3A_148, %dma_start3A_149] : memref<80x128xf32, #tpu.memory_space<vmem>> -> memref<80x128xf32, #tpu.memory_space<vmem>>
      %dma_start3A_151 = arith.constant 0 : i32
      %dma_start3A_152 = tpu.memref_slice %arg15[%add3A_45, %dma_start3A_151] : memref<10240x128xf32, #tpu.memory_space<vmem_shared>> -> memref<80x128xf32, #tpu.memory_space<vmem_shared>>
      %dma_start3A_153 = arith.constant 0 : i32
      %dma_start3A_154 = tpu.memref_slice %arg15[%add3A_45, %dma_start3A_153] : memref<10240x128xf32, #tpu.memory_space<vmem_shared>> -> memref<80x128xf32, #tpu.memory_space<vmem_shared>>
      %dma_start3A_155 = arith.constant 0 : i32
      %dma_start3A_156 = arith.constant 0 : i32
      %dma_start3A_157 = tpu.memref_slice %arg11[%dma_start3A_155, %dma_start3A_156] : memref<80x128xf32, #tpu.memory_space<vmem>> -> memref<80x128xf32, #tpu.memory_space<vmem>>
      tpu.enqueue_dma source(%dma_start3A_157 : memref<80x128xf32, #tpu.memory_space<vmem>>) target(%dma_start3A_154 : memref<80x128xf32, #tpu.memory_space<vmem_shared>>) target_semaphore(%run_scoped3A : memref<!tpu.dma_semaphore, #tpu.memory_space<semaphore_mem>>)
      %dma_wait3A_158 = arith.constant 0 : i32
      %dma_wait3A_159 = arith.constant 0 : i32
      %dma_wait3A_160 = tpu.memref_slice %arg11[%dma_wait3A_158, %dma_wait3A_159] : memref<80x128xf32, #tpu.memory_space<vmem>> -> memref<80x128xf32, #tpu.memory_space<vmem>>
      %dma_wait3A_161 = arith.constant 0 : i32
      %dma_wait3A_162 = tpu.memref_slice %arg15[%add3A_45, %dma_wait3A_161] : memref<10240x128xf32, #tpu.memory_space<vmem_shared>> -> memref<80x128xf32, #tpu.memory_space<vmem_shared>>
      %dma_wait3A_163 = arith.constant 0 : i32
      %dma_wait3A_164 = tpu.memref_slice %arg15[%add3A_45, %dma_wait3A_163] : memref<10240x128xf32, #tpu.memory_space<vmem_shared>> -> memref<80x128xf32, #tpu.memory_space<vmem_shared>>
      %dma_wait3A_165 = arith.constant 0 : i32
      %dma_wait3A_166 = arith.constant 0 : i32
      %dma_wait3A_167 = tpu.memref_slice %arg11[%dma_wait3A_165, %dma_wait3A_166] : memref<80x128xf32, #tpu.memory_space<vmem>> -> memref<80x128xf32, #tpu.memory_space<vmem>>
      tpu.wait_dma2 semaphore(%run_scoped3A : memref<!tpu.dma_semaphore, #tpu.memory_space<semaphore_mem>>) src(%dma_wait3A_167 : memref<80x128xf32, #tpu.memory_space<vmem>>) dst(%dma_wait3A_164 : memref<80x128xf32, #tpu.memory_space<vmem_shared>>)
      tpu.yield
    }) : () -> ()
    %mul3A_46 = arith.constant 640 : i32
    %mul3A_47 = arith.muli %arg1, %mul3A_46 : i32
    %add3A_48 = arith.constant 480 : i32
    %add3A_49 = arith.addi %mul3A_47, %add3A_48 : i32
    "tpu.region"() ({
      %run_scoped3A = tpu.sem_alloc : memref<!tpu.dma_semaphore, #tpu.memory_space<semaphore_mem>>
      %dma_start3A_148 = arith.constant 0 : i32
      %dma_start3A_149 = arith.constant 0 : i32
      %dma_start3A_150 = tpu.memref_slice %arg11[%dma_start3A_148, %dma_start3A_149] : memref<80x128xf32, #tpu.memory_space<vmem>> -> memref<80x128xf32, #tpu.memory_space<vmem>>
      %dma_start3A_151 = arith.constant 0 : i32
      %dma_start3A_152 = tpu.memref_slice %arg15[%add3A_49, %dma_start3A_151] : memref<10240x128xf32, #tpu.memory_space<vmem_shared>> -> memref<80x128xf32, #tpu.memory_space<vmem_shared>>
      %dma_start3A_153 = arith.constant 0 : i32
      %dma_start3A_154 = tpu.memref_slice %arg15[%add3A_49, %dma_start3A_153] : memref<10240x128xf32, #tpu.memory_space<vmem_shared>> -> memref<80x128xf32, #tpu.memory_space<vmem_shared>>
      %dma_start3A_155 = arith.constant 0 : i32
      %dma_start3A_156 = arith.constant 0 : i32
      %dma_start3A_157 = tpu.memref_slice %arg11[%dma_start3A_155, %dma_start3A_156] : memref<80x128xf32, #tpu.memory_space<vmem>> -> memref<80x128xf32, #tpu.memory_space<vmem>>
      tpu.enqueue_dma source(%dma_start3A_157 : memref<80x128xf32, #tpu.memory_space<vmem>>) target(%dma_start3A_154 : memref<80x128xf32, #tpu.memory_space<vmem_shared>>) target_semaphore(%run_scoped3A : memref<!tpu.dma_semaphore, #tpu.memory_space<semaphore_mem>>)
      %dma_wait3A_158 = arith.constant 0 : i32
      %dma_wait3A_159 = arith.constant 0 : i32
      %dma_wait3A_160 = tpu.memref_slice %arg11[%dma_wait3A_158, %dma_wait3A_159] : memref<80x128xf32, #tpu.memory_space<vmem>> -> memref<80x128xf32, #tpu.memory_space<vmem>>
      %dma_wait3A_161 = arith.constant 0 : i32
      %dma_wait3A_162 = tpu.memref_slice %arg15[%add3A_49, %dma_wait3A_161] : memref<10240x128xf32, #tpu.memory_space<vmem_shared>> -> memref<80x128xf32, #tpu.memory_space<vmem_shared>>
      %dma_wait3A_163 = arith.constant 0 : i32
      %dma_wait3A_164 = tpu.memref_slice %arg15[%add3A_49, %dma_wait3A_163] : memref<10240x128xf32, #tpu.memory_space<vmem_shared>> -> memref<80x128xf32, #tpu.memory_space<vmem_shared>>
      %dma_wait3A_165 = arith.constant 0 : i32
      %dma_wait3A_166 = arith.constant 0 : i32
      %dma_wait3A_167 = tpu.memref_slice %arg11[%dma_wait3A_165, %dma_wait3A_166] : memref<80x128xf32, #tpu.memory_space<vmem>> -> memref<80x128xf32, #tpu.memory_space<vmem>>
      tpu.wait_dma2 semaphore(%run_scoped3A : memref<!tpu.dma_semaphore, #tpu.memory_space<semaphore_mem>>) src(%dma_wait3A_167 : memref<80x128xf32, #tpu.memory_space<vmem>>) dst(%dma_wait3A_164 : memref<80x128xf32, #tpu.memory_space<vmem_shared>>)
      tpu.yield
    }) : () -> ()
    %mul3A_50 = arith.constant 640 : i32
    %mul3A_51 = arith.muli %arg1, %mul3A_50 : i32
    %add3A_52 = arith.constant 560 : i32
    %add3A_53 = arith.addi %mul3A_51, %add3A_52 : i32
    "tpu.region"() ({
      %run_scoped3A = tpu.sem_alloc : memref<!tpu.dma_semaphore, #tpu.memory_space<semaphore_mem>>
      %dma_start3A_148 = arith.constant 0 : i32
      %dma_start3A_149 = arith.constant 0 : i32
      %dma_start3A_150 = tpu.memref_slice %arg11[%dma_start3A_148, %dma_start3A_149] : memref<80x128xf32, #tpu.memory_space<vmem>> -> memref<80x128xf32, #tpu.memory_space<vmem>>
      %dma_start3A_151 = arith.constant 0 : i32
      %dma_start3A_152 = tpu.memref_slice %arg15[%add3A_53, %dma_start3A_151] : memref<10240x128xf32, #tpu.memory_space<vmem_shared>> -> memref<80x128xf32, #tpu.memory_space<vmem_shared>>
      %dma_start3A_153 = arith.constant 0 : i32
      %dma_start3A_154 = tpu.memref_slice %arg15[%add3A_53, %dma_start3A_153] : memref<10240x128xf32, #tpu.memory_space<vmem_shared>> -> memref<80x128xf32, #tpu.memory_space<vmem_shared>>
      %dma_start3A_155 = arith.constant 0 : i32
      %dma_start3A_156 = arith.constant 0 : i32
      %dma_start3A_157 = tpu.memref_slice %arg11[%dma_start3A_155, %dma_start3A_156] : memref<80x128xf32, #tpu.memory_space<vmem>> -> memref<80x128xf32, #tpu.memory_space<vmem>>
      tpu.enqueue_dma source(%dma_start3A_157 : memref<80x128xf32, #tpu.memory_space<vmem>>) target(%dma_start3A_154 : memref<80x128xf32, #tpu.memory_space<vmem_shared>>) target_semaphore(%run_scoped3A : memref<!tpu.dma_semaphore, #tpu.memory_space<semaphore_mem>>)
      %dma_wait3A_158 = arith.constant 0 : i32
      %dma_wait3A_159 = arith.constant 0 : i32
      %dma_wait3A_160 = tpu.memref_slice %arg11[%dma_wait3A_158, %dma_wait3A_159] : memref<80x128xf32, #tpu.memory_space<vmem>> -> memref<80x128xf32, #tpu.memory_space<vmem>>
      %dma_wait3A_161 = arith.constant 0 : i32
      %dma_wait3A_162 = tpu.memref_slice %arg15[%add3A_53, %dma_wait3A_161] : memref<10240x128xf32, #tpu.memory_space<vmem_shared>> -> memref<80x128xf32, #tpu.memory_space<vmem_shared>>
      %dma_wait3A_163 = arith.constant 0 : i32
      %dma_wait3A_164 = tpu.memref_slice %arg15[%add3A_53, %dma_wait3A_163] : memref<10240x128xf32, #tpu.memory_space<vmem_shared>> -> memref<80x128xf32, #tpu.memory_space<vmem_shared>>
      %dma_wait3A_165 = arith.constant 0 : i32
      %dma_wait3A_166 = arith.constant 0 : i32
      %dma_wait3A_167 = tpu.memref_slice %arg11[%dma_wait3A_165, %dma_wait3A_166] : memref<80x128xf32, #tpu.memory_space<vmem>> -> memref<80x128xf32, #tpu.memory_space<vmem>>
      tpu.wait_dma2 semaphore(%run_scoped3A : memref<!tpu.dma_semaphore, #tpu.memory_space<semaphore_mem>>) src(%dma_wait3A_167 : memref<80x128xf32, #tpu.memory_space<vmem>>) dst(%dma_wait3A_164 : memref<80x128xf32, #tpu.memory_space<vmem_shared>>)
      tpu.yield
    }) : () -> ()
    %barrier3A = arith.constant 0 : index
    tpu.barrier barrier_id(%barrier3A)
    %add3A_54 = arith.constant 0 : i32
    %add3A_55 = arith.addi %mul3A_15, %add3A_54 : i32
    %dma_start3A = tpu.memref_slice %arg4[%add3A_55] : memref<327680xi32, #tpu.memory_space<hbm>> -> memref<80xi32, #tpu.memory_space<hbm>>
    %dma_start3A_56 = tpu.memref_slice %arg4[%add3A_55] : memref<327680xi32, #tpu.memory_space<hbm>> -> memref<80xi32, #tpu.memory_space<hbm>>
    tpu.enqueue_dma source(%dma_start3A_56 : memref<80xi32, #tpu.memory_space<hbm>>) target(%arg7 : memref<80xi32, #tpu.memory_space<vmem>>) target_semaphore(%arg20 : memref<!tpu.dma_semaphore, #tpu.memory_space<semaphore_mem>>)
    %add3A_57 = arith.constant 0 : i32
    %add3A_58 = arith.addi %mul3A_15, %add3A_57 : i32
    %dma_start3A_59 = tpu.memref_slice %arg5[%add3A_58] : memref<327680xi32, #tpu.memory_space<hbm>> -> memref<80xi32, #tpu.memory_space<hbm>>
    %dma_start3A_60 = tpu.memref_slice %arg5[%add3A_58] : memref<327680xi32, #tpu.memory_space<hbm>> -> memref<80xi32, #tpu.memory_space<hbm>>
    tpu.enqueue_dma source(%dma_start3A_60 : memref<80xi32, #tpu.memory_space<hbm>>) target(%arg8 : memref<80xi32, #tpu.memory_space<vmem>>) target_semaphore(%arg20 : memref<!tpu.dma_semaphore, #tpu.memory_space<semaphore_mem>>)
    %dma_wait3A = tpu.memref_slice %arg4[%mul3A_15] : memref<327680xi32, #tpu.memory_space<hbm>> -> memref<80xi32, #tpu.memory_space<hbm>>
    %dma_wait3A_61 = tpu.memref_slice %arg4[%mul3A_15] : memref<327680xi32, #tpu.memory_space<hbm>> -> memref<80xi32, #tpu.memory_space<hbm>>
    tpu.wait_dma2 semaphore(%arg20 : memref<!tpu.dma_semaphore, #tpu.memory_space<semaphore_mem>>) src(%dma_wait3A_61 : memref<80xi32, #tpu.memory_space<hbm>>) dst(%arg7 : memref<80xi32, #tpu.memory_space<vmem>>)
    %dma_wait3A_62 = tpu.memref_slice %arg5[%mul3A_15] : memref<327680xi32, #tpu.memory_space<hbm>> -> memref<80xi32, #tpu.memory_space<hbm>>
    %dma_wait3A_63 = tpu.memref_slice %arg5[%mul3A_15] : memref<327680xi32, #tpu.memory_space<hbm>> -> memref<80xi32, #tpu.memory_space<hbm>>
    tpu.wait_dma2 semaphore(%arg20 : memref<!tpu.dma_semaphore, #tpu.memory_space<semaphore_mem>>) src(%dma_wait3A_63 : memref<80xi32, #tpu.memory_space<hbm>>) dst(%arg8 : memref<80xi32, #tpu.memory_space<vmem>>)
    %dma_start3A_64 = arith.constant 0 : i32
    %dma_start3A_65 = arith.constant 0 : i32
    %dma_start3A_66 = tpu.memref_slice %arg2[%dma_start3A_64, %dma_start3A_65] : memref<10240x128xf32, #tpu.memory_space<hbm>> -> memref<10240x128xf32, #tpu.memory_space<hbm>>
    tpu.enqueue_indirect_dma source(%dma_start3A_66 : memref<10240x128xf32, #tpu.memory_space<hbm>>) target(%arg11 : memref<80x128xf32, #tpu.memory_space<vmem>>) offsets(%arg7 : memref<80xi32, #tpu.memory_space<vmem>>) semaphore(%arg16 : memref<!tpu.dma_semaphore, #tpu.memory_space<semaphore_mem>>)
    %dma_start3A_67 = arith.constant 0 : i32
    %dma_start3A_68 = arith.constant 0 : i32
    %dma_start3A_69 = tpu.memref_slice %arg3[%dma_start3A_67, %dma_start3A_68] : memref<10240x64xf32, #tpu.memory_space<hbm>> -> memref<10240x64xf32, #tpu.memory_space<hbm>>
    tpu.enqueue_indirect_dma source(%dma_start3A_69 : memref<10240x64xf32, #tpu.memory_space<hbm>>) target(%arg12 : memref<80x64xf32, #tpu.memory_space<vmem>>) offsets(%arg8 : memref<80xi32, #tpu.memory_space<vmem>>) semaphore(%arg17 : memref<!tpu.dma_semaphore, #tpu.memory_space<semaphore_mem>>)
    %add3A_70 = arith.constant 80 : i32
    %add3A_71 = arith.addi %mul3A_15, %add3A_70 : i32
    %dma_start3A_72 = tpu.memref_slice %arg4[%add3A_71] : memref<327680xi32, #tpu.memory_space<hbm>> -> memref<80xi32, #tpu.memory_space<hbm>>
    %dma_start3A_73 = tpu.memref_slice %arg4[%add3A_71] : memref<327680xi32, #tpu.memory_space<hbm>> -> memref<80xi32, #tpu.memory_space<hbm>>
    tpu.enqueue_dma source(%dma_start3A_73 : memref<80xi32, #tpu.memory_space<hbm>>) target(%arg9 : memref<80xi32, #tpu.memory_space<vmem>>) target_semaphore(%arg21 : memref<!tpu.dma_semaphore, #tpu.memory_space<semaphore_mem>>)
    %add3A_74 = arith.constant 80 : i32
    %add3A_75 = arith.addi %mul3A_15, %add3A_74 : i32
    %dma_start3A_76 = tpu.memref_slice %arg5[%add3A_75] : memref<327680xi32, #tpu.memory_space<hbm>> -> memref<80xi32, #tpu.memory_space<hbm>>
    %dma_start3A_77 = tpu.memref_slice %arg5[%add3A_75] : memref<327680xi32, #tpu.memory_space<hbm>> -> memref<80xi32, #tpu.memory_space<hbm>>
    tpu.enqueue_dma source(%dma_start3A_77 : memref<80xi32, #tpu.memory_space<hbm>>) target(%arg10 : memref<80xi32, #tpu.memory_space<vmem>>) target_semaphore(%arg21 : memref<!tpu.dma_semaphore, #tpu.memory_space<semaphore_mem>>)
    %jit3A = arith.constant 2 : i32
    %div3A = arith.divsi %add3A_7, %jit3A : i32
    %sign3A = arith.constant 0 : i32
    %sign3A_78 = arith.cmpi sgt, %add3A_7, %sign3A : i32
    %sign3A_79 = arith.extui %sign3A_78 : i1 to i32
    %sign3A_80 = arith.constant 0 : i32
    %sign3A_81 = arith.cmpi slt, %add3A_7, %sign3A_80 : i32
    %sign3A_82 = arith.extui %sign3A_81 : i1 to i32
    %sign3A_83 = arith.subi %sign3A_79, %sign3A_82 : i32
    %sign3A_84 = arith.constant 0 : i32
    %sign3A_85 = arith.cmpi sgt, %jit3A, %sign3A_84 : i32
    %sign3A_86 = arith.extui %sign3A_85 : i1 to i32
    %sign3A_87 = arith.constant 0 : i32
    %sign3A_88 = arith.cmpi slt, %jit3A, %sign3A_87 : i32
    %sign3A_89 = arith.extui %sign3A_88 : i1 to i32
    %sign3A_90 = arith.subi %sign3A_86, %sign3A_89 : i32
    %ne3A = arith.cmpi ne, %sign3A_83, %sign3A_90 : i32
    %rem3A = arith.remsi %add3A_7, %jit3A : i32
    %ne3A_91 = arith.constant 0 : i32
    %ne3A_92 = arith.cmpi ne, %rem3A, %ne3A_91 : i32
    %and3A = arith.andi %ne3A, %ne3A_92 : i1
    %sub3A = arith.constant 1 : i32
    %sub3A_93 = arith.subi %div3A, %sub3A : i32
    %select_n3A = arith.select %and3A, %sub3A_93, %div3A : i32
    %while3A = arith.constant 0 : i32
    %while3A_94 = arith.constant 0 : i32
    %while3A_95 = arith.subi %select_n3A, %while3A : i32
    %while3A_96 = arith.addi %while3A, %while3A_95 : i32
    %while3A_97 = arith.constant 1 : i32
    %while3A_98 = arith.divsi %while3A_95, %while3A_97 : i32
    %while3A_99 = arith.muli %while3A_98, %while3A_97 : i32
    %while3A_100 = arith.addi %while3A, %while3A_99 : i32
    %while3A_101 = arith.constant 1 : i32
    %while3A_102 = scf.for %while3A_148 = %while3A to %while3A_100 step %while3A_101 iter_args(%while3A_149 = %while3A_94) -> (i32)  : i32 {
      %mul3A_150 = arith.constant 2 : i32
      %mul3A_151 = arith.muli %mul3A_150, %while3A_148 : i32
      %add3A_152 = arith.constant 0 : i32
      %add3A_153 = arith.addi %mul3A_151, %add3A_152 : i32
      %dma_wait3A_154 = arith.constant 0 : i32
      %dma_wait3A_155 = arith.constant 0 : i32
      %dma_wait3A_156 = tpu.memref_slice %arg2[%dma_wait3A_154, %dma_wait3A_155] : memref<10240x128xf32, #tpu.memory_space<hbm>> -> memref<10240x128xf32, #tpu.memory_space<hbm>>
      tpu.wait_indirect_dma semaphore(%arg16 : memref<!tpu.dma_semaphore, #tpu.memory_space<semaphore_mem>>) src(%dma_wait3A_156 : memref<10240x128xf32, #tpu.memory_space<hbm>>) dst(%arg11 : memref<80x128xf32, #tpu.memory_space<vmem>>)
      %dma_wait3A_157 = arith.constant 0 : i32
      %dma_wait3A_158 = arith.constant 0 : i32
      %dma_wait3A_159 = tpu.memref_slice %arg3[%dma_wait3A_157, %dma_wait3A_158] : memref<10240x64xf32, #tpu.memory_space<hbm>> -> memref<10240x64xf32, #tpu.memory_space<hbm>>
      tpu.wait_indirect_dma semaphore(%arg17 : memref<!tpu.dma_semaphore, #tpu.memory_space<semaphore_mem>>) src(%dma_wait3A_159 : memref<10240x64xf32, #tpu.memory_space<hbm>>) dst(%arg12 : memref<80x64xf32, #tpu.memory_space<vmem>>)
      %dma_wait3A_160 = tpu.memref_slice %arg4[%mul3A_15] : memref<327680xi32, #tpu.memory_space<hbm>> -> memref<80xi32, #tpu.memory_space<hbm>>
      %dma_wait3A_161 = tpu.memref_slice %arg4[%mul3A_15] : memref<327680xi32, #tpu.memory_space<hbm>> -> memref<80xi32, #tpu.memory_space<hbm>>
      tpu.wait_dma2 semaphore(%arg21 : memref<!tpu.dma_semaphore, #tpu.memory_space<semaphore_mem>>) src(%dma_wait3A_161 : memref<80xi32, #tpu.memory_space<hbm>>) dst(%arg9 : memref<80xi32, #tpu.memory_space<vmem>>)
      %dma_wait3A_162 = tpu.memref_slice %arg5[%mul3A_15] : memref<327680xi32, #tpu.memory_space<hbm>> -> memref<80xi32, #tpu.memory_space<hbm>>
      %dma_wait3A_163 = tpu.memref_slice %arg5[%mul3A_15] : memref<327680xi32, #tpu.memory_space<hbm>> -> memref<80xi32, #tpu.memory_space<hbm>>
      tpu.wait_dma2 semaphore(%arg21 : memref<!tpu.dma_semaphore, #tpu.memory_space<semaphore_mem>>) src(%dma_wait3A_163 : memref<80xi32, #tpu.memory_space<hbm>>) dst(%arg10 : memref<80xi32, #tpu.memory_space<vmem>>)
      %dma_start3A_164 = arith.constant 0 : i32
      %dma_start3A_165 = arith.constant 0 : i32
      %dma_start3A_166 = tpu.memref_slice %arg2[%dma_start3A_164, %dma_start3A_165] : memref<10240x128xf32, #tpu.memory_space<hbm>> -> memref<10240x128xf32, #tpu.memory_space<hbm>>
      tpu.enqueue_indirect_dma source(%dma_start3A_166 : memref<10240x128xf32, #tpu.memory_space<hbm>>) target(%arg13 : memref<80x128xf32, #tpu.memory_space<vmem>>) offsets(%arg9 : memref<80xi32, #tpu.memory_space<vmem>>) semaphore(%arg18 : memref<!tpu.dma_semaphore, #tpu.memory_space<semaphore_mem>>)
      %dma_start3A_167 = arith.constant 0 : i32
      %dma_start3A_168 = arith.constant 0 : i32
      %dma_start3A_169 = tpu.memref_slice %arg3[%dma_start3A_167, %dma_start3A_168] : memref<10240x64xf32, #tpu.memory_space<hbm>> -> memref<10240x64xf32, #tpu.memory_space<hbm>>
      tpu.enqueue_indirect_dma source(%dma_start3A_169 : memref<10240x64xf32, #tpu.memory_space<hbm>>) target(%arg14 : memref<80x64xf32, #tpu.memory_space<vmem>>) offsets(%arg10 : memref<80xi32, #tpu.memory_space<vmem>>) semaphore(%arg19 : memref<!tpu.dma_semaphore, #tpu.memory_space<semaphore_mem>>)
      %parallel_loop3A = arith.constant 0 : i32
      %parallel_loop3A_170 = arith.constant 80 : i32
      %parallel_loop3A_171 = arith.constant 1 : i32
      scf.for %parallel_loop3A_225 = %parallel_loop3A to %parallel_loop3A_170 step %parallel_loop3A_171  : i32 {
        %parallel_loop3A_226 = arith.index_cast %parallel_loop3A_225 : i32 to index
        %parallel_loop3A_227 = arith.constant 64 : index
        %parallel_loop3A_228 = tpu.vector_load %arg11[%parallel_loop3A_226, %parallel_loop3A_227] {strides = array<i32>} : memref<80x128xf32, #tpu.memory_space<vmem>>, vector<1x16xf32>,
        %parallel_loop3A_229 = vector.shape_cast %parallel_loop3A_228 : vector<1x16xf32> to vector<16xf32>
        %parallel_loop3A_230 = arith.index_cast %parallel_loop3A_225 : i32 to index
        %parallel_loop3A_231 = arith.constant 0 : index
        %parallel_loop3A_232 = tpu.vector_load %arg12[%parallel_loop3A_230, %parallel_loop3A_231] {strides = array<i32>} : memref<80x64xf32, #tpu.memory_space<vmem>>, vector<1x16xf32>,
        %parallel_loop3A_233 = vector.shape_cast %parallel_loop3A_232 : vector<1x16xf32> to vector<16xf32>
        %parallel_loop3A_234 = arith.addf %parallel_loop3A_229, %parallel_loop3A_233 : vector<16xf32>
        %parallel_loop3A_235 = arith.mulf %parallel_loop3A_234, %broadcast_in_dim3A_3 : vector<16xf32>
        %parallel_loop3A_236 = arith.maximumf %parallel_loop3A_234, %parallel_loop3A_235 : vector<16xf32>
        %parallel_loop3A_237 = math.exp %parallel_loop3A_236 : vector<16xf32>
        %parallel_loop3A_238 = arith.index_cast %parallel_loop3A_225 : i32 to index
        %parallel_loop3A_239 = arith.constant 0 : index
        %parallel_loop3A_240 = tpu.vector_load %arg11[%parallel_loop3A_238, %parallel_loop3A_239] {strides = array<i32>} : memref<80x128xf32, #tpu.memory_space<vmem>>, vector<1x16xf32>,
        %parallel_loop3A_241 = vector.shape_cast %parallel_loop3A_240 : vector<1x16xf32> to vector<16xf32>
        %parallel_loop3A_242 = arith.mulf %parallel_loop3A_241, %parallel_loop3A_237 : vector<16xf32>
        %parallel_loop3A_243 = arith.index_cast %parallel_loop3A_225 : i32 to index
        %parallel_loop3A_244 = arith.constant 0 : index
        %parallel_loop3A_245 = tpu.vector_load %arg11[%parallel_loop3A_243, %parallel_loop3A_244] {strides = array<i32>} : memref<80x128xf32, #tpu.memory_space<vmem>>, vector<1x16xf32>,
        %parallel_loop3A_246 = vector.shape_cast %parallel_loop3A_245 : vector<1x16xf32> to vector<16xf32>
        %parallel_loop3A_247 = vector.shape_cast %parallel_loop3A_242 : vector<16xf32> to vector<1x16xf32>
        tpu.vector_store %arg11[%parallel_loop3A_243, %parallel_loop3A_244], %parallel_loop3A_247 {strides = array<i32>} : memref<80x128xf32, #tpu.memory_space<vmem>>, vector<1x16xf32>,
        %parallel_loop3A_248 = arith.index_cast %parallel_loop3A_225 : i32 to index
        %parallel_loop3A_249 = arith.constant 64 : index
        %parallel_loop3A_250 = tpu.vector_load %arg11[%parallel_loop3A_248, %parallel_loop3A_249] {strides = array<i32>} : memref<80x128xf32, #tpu.memory_space<vmem>>, vector<1x16xf32>,
        %parallel_loop3A_251 = vector.shape_cast %parallel_loop3A_250 : vector<1x16xf32> to vector<16xf32>
        %parallel_loop3A_252 = vector.shape_cast %parallel_loop3A_237 : vector<16xf32> to vector<1x16xf32>
        tpu.vector_store %arg11[%parallel_loop3A_248, %parallel_loop3A_249], %parallel_loop3A_252 {strides = array<i32>} : memref<80x128xf32, #tpu.memory_space<vmem>>, vector<1x16xf32>,
        %parallel_loop3A_253 = arith.index_cast %parallel_loop3A_225 : i32 to index
        %parallel_loop3A_254 = arith.constant 80 : index
        %parallel_loop3A_255 = tpu.vector_load %arg11[%parallel_loop3A_253, %parallel_loop3A_254] {strides = array<i32>} : memref<80x128xf32, #tpu.memory_space<vmem>>, vector<1x16xf32>,
        %parallel_loop3A_256 = vector.shape_cast %parallel_loop3A_255 : vector<1x16xf32> to vector<16xf32>
        %parallel_loop3A_257 = arith.index_cast %parallel_loop3A_225 : i32 to index
        %parallel_loop3A_258 = arith.constant 16 : index
        %parallel_loop3A_259 = tpu.vector_load %arg12[%parallel_loop3A_257, %parallel_loop3A_258] {strides = array<i32>} : memref<80x64xf32, #tpu.memory_space<vmem>>, vector<1x16xf32>,
        %parallel_loop3A_260 = vector.shape_cast %parallel_loop3A_259 : vector<1x16xf32> to vector<16xf32>
        %parallel_loop3A_261 = arith.addf %parallel_loop3A_256, %parallel_loop3A_260 : vector<16xf32>
        %parallel_loop3A_262 = arith.mulf %parallel_loop3A_261, %broadcast_in_dim3A_3 : vector<16xf32>
        %parallel_loop3A_263 = arith.maximumf %parallel_loop3A_261, %parallel_loop3A_262 : vector<16xf32>
        %parallel_loop3A_264 = math.exp %parallel_loop3A_263 : vector<16xf32>
        %parallel_loop3A_265 = arith.index_cast %parallel_loop3A_225 : i32 to index
        %parallel_loop3A_266 = arith.constant 16 : index
        %parallel_loop3A_267 = tpu.vector_load %arg11[%parallel_loop3A_265, %parallel_loop3A_266] {strides = array<i32>} : memref<80x128xf32, #tpu.memory_space<vmem>>, vector<1x16xf32>,
        %parallel_loop3A_268 = vector.shape_cast %parallel_loop3A_267 : vector<1x16xf32> to vector<16xf32>
        %parallel_loop3A_269 = arith.mulf %parallel_loop3A_268, %parallel_loop3A_264 : vector<16xf32>
        %parallel_loop3A_270 = arith.index_cast %parallel_loop3A_225 : i32 to index
        %parallel_loop3A_271 = arith.constant 16 : index
        %parallel_loop3A_272 = tpu.vector_load %arg11[%parallel_loop3A_270, %parallel_loop3A_271] {strides = array<i32>} : memref<80x128xf32, #tpu.memory_space<vmem>>, vector<1x16xf32>,
        %parallel_loop3A_273 = vector.shape_cast %parallel_loop3A_272 : vector<1x16xf32> to vector<16xf32>
        %parallel_loop3A_274 = vector.shape_cast %parallel_loop3A_269 : vector<16xf32> to vector<1x16xf32>
        tpu.vector_store %arg11[%parallel_loop3A_270, %parallel_loop3A_271], %parallel_loop3A_274 {strides = array<i32>} : memref<80x128xf32, #tpu.memory_space<vmem>>, vector<1x16xf32>,
        %parallel_loop3A_275 = arith.index_cast %parallel_loop3A_225 : i32 to index
        %parallel_loop3A_276 = arith.constant 80 : index
        %parallel_loop3A_277 = tpu.vector_load %arg11[%parallel_loop3A_275, %parallel_loop3A_276] {strides = array<i32>} : memref<80x128xf32, #tpu.memory_space<vmem>>, vector<1x16xf32>,
        %parallel_loop3A_278 = vector.shape_cast %parallel_loop3A_277 : vector<1x16xf32> to vector<16xf32>
        %parallel_loop3A_279 = vector.shape_cast %parallel_loop3A_264 : vector<16xf32> to vector<1x16xf32>
        tpu.vector_store %arg11[%parallel_loop3A_275, %parallel_loop3A_276], %parallel_loop3A_279 {strides = array<i32>} : memref<80x128xf32, #tpu.memory_space<vmem>>, vector<1x16xf32>,
        %parallel_loop3A_280 = arith.index_cast %parallel_loop3A_225 : i32 to index
        %parallel_loop3A_281 = arith.constant 96 : index
        %parallel_loop3A_282 = tpu.vector_load %arg11[%parallel_loop3A_280, %parallel_loop3A_281] {strides = array<i32>} : memref<80x128xf32, #tpu.memory_space<vmem>>, vector<1x16xf32>,
        %parallel_loop3A_283 = vector.shape_cast %parallel_loop3A_282 : vector<1x16xf32> to vector<16xf32>
        %parallel_loop3A_284 = arith.index_cast %parallel_loop3A_225 : i32 to index
        %parallel_loop3A_285 = arith.constant 32 : index
        %parallel_loop3A_286 = tpu.vector_load %arg12[%parallel_loop3A_284, %parallel_loop3A_285] {strides = array<i32>} : memref<80x64xf32, #tpu.memory_space<vmem>>, vector<1x16xf32>,
        %parallel_loop3A_287 = vector.shape_cast %parallel_loop3A_286 : vector<1x16xf32> to vector<16xf32>
        %parallel_loop3A_288 = arith.addf %parallel_loop3A_283, %parallel_loop3A_287 : vector<16xf32>
        %parallel_loop3A_289 = arith.mulf %parallel_loop3A_288, %broadcast_in_dim3A_3 : vector<16xf32>
        %parallel_loop3A_290 = arith.maximumf %parallel_loop3A_288, %parallel_loop3A_289 : vector<16xf32>
        %parallel_loop3A_291 = math.exp %parallel_loop3A_290 : vector<16xf32>
        %parallel_loop3A_292 = arith.index_cast %parallel_loop3A_225 : i32 to index
        %parallel_loop3A_293 = arith.constant 32 : index
        %parallel_loop3A_294 = tpu.vector_load %arg11[%parallel_loop3A_292, %parallel_loop3A_293] {strides = array<i32>} : memref<80x128xf32, #tpu.memory_space<vmem>>, vector<1x16xf32>,
        %parallel_loop3A_295 = vector.shape_cast %parallel_loop3A_294 : vector<1x16xf32> to vector<16xf32>
        %parallel_loop3A_296 = arith.mulf %parallel_loop3A_295, %parallel_loop3A_291 : vector<16xf32>
        %parallel_loop3A_297 = arith.index_cast %parallel_loop3A_225 : i32 to index
        %parallel_loop3A_298 = arith.constant 32 : index
        %parallel_loop3A_299 = tpu.vector_load %arg11[%parallel_loop3A_297, %parallel_loop3A_298] {strides = array<i32>} : memref<80x128xf32, #tpu.memory_space<vmem>>, vector<1x16xf32>,
        %parallel_loop3A_300 = vector.shape_cast %parallel_loop3A_299 : vector<1x16xf32> to vector<16xf32>
        %parallel_loop3A_301 = vector.shape_cast %parallel_loop3A_296 : vector<16xf32> to vector<1x16xf32>
        tpu.vector_store %arg11[%parallel_loop3A_297, %parallel_loop3A_298], %parallel_loop3A_301 {strides = array<i32>} : memref<80x128xf32, #tpu.memory_space<vmem>>, vector<1x16xf32>,
        %parallel_loop3A_302 = arith.index_cast %parallel_loop3A_225 : i32 to index
        %parallel_loop3A_303 = arith.constant 96 : index
        %parallel_loop3A_304 = tpu.vector_load %arg11[%parallel_loop3A_302, %parallel_loop3A_303] {strides = array<i32>} : memref<80x128xf32, #tpu.memory_space<vmem>>, vector<1x16xf32>,
        %parallel_loop3A_305 = vector.shape_cast %parallel_loop3A_304 : vector<1x16xf32> to vector<16xf32>
        %parallel_loop3A_306 = vector.shape_cast %parallel_loop3A_291 : vector<16xf32> to vector<1x16xf32>
        tpu.vector_store %arg11[%parallel_loop3A_302, %parallel_loop3A_303], %parallel_loop3A_306 {strides = array<i32>} : memref<80x128xf32, #tpu.memory_space<vmem>>, vector<1x16xf32>,
        %parallel_loop3A_307 = arith.index_cast %parallel_loop3A_225 : i32 to index
        %parallel_loop3A_308 = arith.constant 112 : index
        %parallel_loop3A_309 = tpu.vector_load %arg11[%parallel_loop3A_307, %parallel_loop3A_308] {strides = array<i32>} : memref<80x128xf32, #tpu.memory_space<vmem>>, vector<1x16xf32>,
        %parallel_loop3A_310 = vector.shape_cast %parallel_loop3A_309 : vector<1x16xf32> to vector<16xf32>
        %parallel_loop3A_311 = arith.index_cast %parallel_loop3A_225 : i32 to index
        %parallel_loop3A_312 = arith.constant 48 : index
        %parallel_loop3A_313 = tpu.vector_load %arg12[%parallel_loop3A_311, %parallel_loop3A_312] {strides = array<i32>} : memref<80x64xf32, #tpu.memory_space<vmem>>, vector<1x16xf32>,
        %parallel_loop3A_314 = vector.shape_cast %parallel_loop3A_313 : vector<1x16xf32> to vector<16xf32>
        %parallel_loop3A_315 = arith.addf %parallel_loop3A_310, %parallel_loop3A_314 : vector<16xf32>
        %parallel_loop3A_316 = arith.mulf %parallel_loop3A_315, %broadcast_in_dim3A_3 : vector<16xf32>
        %parallel_loop3A_317 = arith.maximumf %parallel_loop3A_315, %parallel_loop3A_316 : vector<16xf32>
        %parallel_loop3A_318 = math.exp %parallel_loop3A_317 : vector<16xf32>
        %parallel_loop3A_319 = arith.index_cast %parallel_loop3A_225 : i32 to index
        %parallel_loop3A_320 = arith.constant 48 : index
        %parallel_loop3A_321 = tpu.vector_load %arg11[%parallel_loop3A_319, %parallel_loop3A_320] {strides = array<i32>} : memref<80x128xf32, #tpu.memory_space<vmem>>, vector<1x16xf32>,
        %parallel_loop3A_322 = vector.shape_cast %parallel_loop3A_321 : vector<1x16xf32> to vector<16xf32>
        %parallel_loop3A_323 = arith.mulf %parallel_loop3A_322, %parallel_loop3A_318 : vector<16xf32>
        %parallel_loop3A_324 = arith.index_cast %parallel_loop3A_225 : i32 to index
        %parallel_loop3A_325 = arith.constant 48 : index
        %parallel_loop3A_326 = tpu.vector_load %arg11[%parallel_loop3A_324, %parallel_loop3A_325] {strides = array<i32>} : memref<80x128xf32, #tpu.memory_space<vmem>>, vector<1x16xf32>,
        %parallel_loop3A_327 = vector.shape_cast %parallel_loop3A_326 : vector<1x16xf32> to vector<16xf32>
        %parallel_loop3A_328 = vector.shape_cast %parallel_loop3A_323 : vector<16xf32> to vector<1x16xf32>
        tpu.vector_store %arg11[%parallel_loop3A_324, %parallel_loop3A_325], %parallel_loop3A_328 {strides = array<i32>} : memref<80x128xf32, #tpu.memory_space<vmem>>, vector<1x16xf32>,
        %parallel_loop3A_329 = arith.index_cast %parallel_loop3A_225 : i32 to index
        %parallel_loop3A_330 = arith.constant 112 : index
        %parallel_loop3A_331 = tpu.vector_load %arg11[%parallel_loop3A_329, %parallel_loop3A_330] {strides = array<i32>} : memref<80x128xf32, #tpu.memory_space<vmem>>, vector<1x16xf32>,
        %parallel_loop3A_332 = vector.shape_cast %parallel_loop3A_331 : vector<1x16xf32> to vector<16xf32>
        %parallel_loop3A_333 = vector.shape_cast %parallel_loop3A_318 : vector<16xf32> to vector<1x16xf32>
        tpu.vector_store %arg11[%parallel_loop3A_329, %parallel_loop3A_330], %parallel_loop3A_333 {strides = array<i32>} : memref<80x128xf32, #tpu.memory_space<vmem>>, vector<1x16xf32>,
      } {sc.loop_unroll_factor = 4 : i64, sc.parallel_access}
      "tpu.region"() ({
        %run_scoped3A = tpu.sem_alloc : memref<!tpu.dma_semaphore, #tpu.memory_space<semaphore_mem>>
        %dma_start3A_225 = arith.constant 0 : i32
        %dma_start3A_226 = arith.constant 0 : i32
        %dma_start3A_227 = tpu.memref_slice %arg15[%dma_start3A_225, %dma_start3A_226] : memref<10240x128xf32, #tpu.memory_space<vmem_shared>> -> memref<10240x128xf32, #tpu.memory_space<vmem_shared>>
        tpu.enqueue_indirect_dma source(%arg11 : memref<80x128xf32, #tpu.memory_space<vmem>>) target(%dma_start3A_227 : memref<10240x128xf32, #tpu.memory_space<vmem_shared>>) offsets(%arg8 : memref<80xi32, #tpu.memory_space<vmem>>) semaphore(%run_scoped3A : memref<!tpu.dma_semaphore, #tpu.memory_space<semaphore_mem>>) {add = true}
        %dma_wait3A_228 = arith.constant 0 : i32
        %dma_wait3A_229 = arith.constant 0 : i32
        %dma_wait3A_230 = tpu.memref_slice %arg15[%dma_wait3A_228, %dma_wait3A_229] : memref<10240x128xf32, #tpu.memory_space<vmem_shared>> -> memref<10240x128xf32, #tpu.memory_space<vmem_shared>>
        tpu.wait_indirect_dma semaphore(%run_scoped3A : memref<!tpu.dma_semaphore, #tpu.memory_space<semaphore_mem>>) src(%arg11 : memref<80x128xf32, #tpu.memory_space<vmem>>) dst(%dma_wait3A_230 : memref<10240x128xf32, #tpu.memory_space<vmem_shared>>)
        tpu.yield
      }) : () -> ()
      %add3A_172 = arith.constant 2 : i32
      %add3A_173 = arith.addi %add3A_153, %add3A_172 : i32
      %sub3A_174 = arith.constant 1 : i32
      %sub3A_175 = arith.subi %add3A_7, %sub3A_174 : i32
      %min3A = arith.minsi %add3A_173, %sub3A_175 : i32
      %mul3A_176 = arith.constant 80 : i32
      %mul3A_177 = arith.muli %min3A, %mul3A_176 : i32
      %add3A_178 = arith.addi %mul3A_15, %mul3A_177 : i32
      %dma_start3A_179 = tpu.memref_slice %arg4[%add3A_178] : memref<327680xi32, #tpu.memory_space<hbm>> -> memref<80xi32, #tpu.memory_space<hbm>>
      %dma_start3A_180 = tpu.memref_slice %arg4[%add3A_178] : memref<327680xi32, #tpu.memory_space<hbm>> -> memref<80xi32, #tpu.memory_space<hbm>>
      tpu.enqueue_dma source(%dma_start3A_180 : memref<80xi32, #tpu.memory_space<hbm>>) target(%arg7 : memref<80xi32, #tpu.memory_space<vmem>>) target_semaphore(%arg20 : memref<!tpu.dma_semaphore, #tpu.memory_space<semaphore_mem>>)
      %mul3A_181 = arith.constant 80 : i32
      %mul3A_182 = arith.muli %min3A, %mul3A_181 : i32
      %add3A_183 = arith.addi %mul3A_15, %mul3A_182 : i32
      %dma_start3A_184 = tpu.memref_slice %arg5[%add3A_183] : memref<327680xi32, #tpu.memory_space<hbm>> -> memref<80xi32, #tpu.memory_space<hbm>>
      %dma_start3A_185 = tpu.memref_slice %arg5[%add3A_183] : memref<327680xi32, #tpu.memory_space<hbm>> -> memref<80xi32, #tpu.memory_space<hbm>>
      tpu.enqueue_dma source(%dma_start3A_185 : memref<80xi32, #tpu.memory_space<hbm>>) target(%arg8 : memref<80xi32, #tpu.memory_space<vmem>>) target_semaphore(%arg20 : memref<!tpu.dma_semaphore, #tpu.memory_space<semaphore_mem>>)
      %mul3A_186 = arith.constant 2 : i32
      %mul3A_187 = arith.muli %mul3A_186, %while3A_148 : i32
      %add3A_188 = arith.constant 1 : i32
      %add3A_189 = arith.addi %mul3A_187, %add3A_188 : i32
      %dma_wait3A_190 = arith.constant 0 : i32
      %dma_wait3A_191 = arith.constant 0 : i32
      %dma_wait3A_192 = tpu.memref_slice %arg2[%dma_wait3A_190, %dma_wait3A_191] : memref<10240x128xf32, #tpu.memory_space<hbm>> -> memref<10240x128xf32, #tpu.memory_space<hbm>>
      tpu.wait_indirect_dma semaphore(%arg18 : memref<!tpu.dma_semaphore, #tpu.memory_space<semaphore_mem>>) src(%dma_wait3A_192 : memref<10240x128xf32, #tpu.memory_space<hbm>>) dst(%arg13 : memref<80x128xf32, #tpu.memory_space<vmem>>)
      %dma_wait3A_193 = arith.constant 0 : i32
      %dma_wait3A_194 = arith.constant 0 : i32
      %dma_wait3A_195 = tpu.memref_slice %arg3[%dma_wait3A_193, %dma_wait3A_194] : memref<10240x64xf32, #tpu.memory_space<hbm>> -> memref<10240x64xf32, #tpu.memory_space<hbm>>
      tpu.wait_indirect_dma semaphore(%arg19 : memref<!tpu.dma_semaphore, #tpu.memory_space<semaphore_mem>>) src(%dma_wait3A_195 : memref<10240x64xf32, #tpu.memory_space<hbm>>) dst(%arg14 : memref<80x64xf32, #tpu.memory_space<vmem>>)
      %dma_wait3A_196 = tpu.memref_slice %arg4[%mul3A_15] : memref<327680xi32, #tpu.memory_space<hbm>> -> memref<80xi32, #tpu.memory_space<hbm>>
      %dma_wait3A_197 = tpu.memref_slice %arg4[%mul3A_15] : memref<327680xi32, #tpu.memory_space<hbm>> -> memref<80xi32, #tpu.memory_space<hbm>>
      tpu.wait_dma2 semaphore(%arg20 : memref<!tpu.dma_semaphore, #tpu.memory_space<semaphore_mem>>) src(%dma_wait3A_197 : memref<80xi32, #tpu.memory_space<hbm>>) dst(%arg7 : memref<80xi32, #tpu.memory_space<vmem>>)
      %dma_wait3A_198 = tpu.memref_slice %arg5[%mul3A_15] : memref<327680xi32, #tpu.memory_space<hbm>> -> memref<80xi32, #tpu.memory_space<hbm>>
      %dma_wait3A_199 = tpu.memref_slice %arg5[%mul3A_15] : memref<327680xi32, #tpu.memory_space<hbm>> -> memref<80xi32, #tpu.memory_space<hbm>>
      tpu.wait_dma2 semaphore(%arg20 : memref<!tpu.dma_semaphore, #tpu.memory_space<semaphore_mem>>) src(%dma_wait3A_199 : memref<80xi32, #tpu.memory_space<hbm>>) dst(%arg8 : memref<80xi32, #tpu.memory_space<vmem>>)
      %dma_start3A_200 = arith.constant 0 : i32
      %dma_start3A_201 = arith.constant 0 : i32
      %dma_start3A_202 = tpu.memref_slice %arg2[%dma_start3A_200, %dma_start3A_201] : memref<10240x128xf32, #tpu.memory_space<hbm>> -> memref<10240x128xf32, #tpu.memory_space<hbm>>
      tpu.enqueue_indirect_dma source(%dma_start3A_202 : memref<10240x128xf32, #tpu.memory_space<hbm>>) target(%arg11 : memref<80x128xf32, #tpu.memory_space<vmem>>) offsets(%arg7 : memref<80xi32, #tpu.memory_space<vmem>>) semaphore(%arg16 : memref<!tpu.dma_semaphore, #tpu.memory_space<semaphore_mem>>)
      %dma_start3A_203 = arith.constant 0 : i32
      %dma_start3A_204 = arith.constant 0 : i32
      %dma_start3A_205 = tpu.memref_slice %arg3[%dma_start3A_203, %dma_start3A_204] : memref<10240x64xf32, #tpu.memory_space<hbm>> -> memref<10240x64xf32, #tpu.memory_space<hbm>>
      tpu.enqueue_indirect_dma source(%dma_start3A_205 : memref<10240x64xf32, #tpu.memory_space<hbm>>) target(%arg12 : memref<80x64xf32, #tpu.memory_space<vmem>>) offsets(%arg8 : memref<80xi32, #tpu.memory_space<vmem>>) semaphore(%arg17 : memref<!tpu.dma_semaphore, #tpu.memory_space<semaphore_mem>>)
      %parallel_loop3A_206 = arith.constant 0 : i32
      %parallel_loop3A_207 = arith.constant 80 : i32
      %parallel_loop3A_208 = arith.constant 1 : i32
      scf.for %parallel_loop3A_225 = %parallel_loop3A_206 to %parallel_loop3A_207 step %parallel_loop3A_208  : i32 {
        %parallel_loop3A_226 = arith.index_cast %parallel_loop3A_225 : i32 to index
        %parallel_loop3A_227 = arith.constant 64 : index
        %parallel_loop3A_228 = tpu.vector_load %arg13[%parallel_loop3A_226, %parallel_loop3A_227] {strides = array<i32>} : memref<80x128xf32, #tpu.memory_space<vmem>>, vector<1x16xf32>,
        %parallel_loop3A_229 = vector.shape_cast %parallel_loop3A_228 : vector<1x16xf32> to vector<16xf32>
        %parallel_loop3A_230 = arith.index_cast %parallel_loop3A_225 : i32 to index
        %parallel_loop3A_231 = arith.constant 0 : index
        %parallel_loop3A_232 = tpu.vector_load %arg14[%parallel_loop3A_230, %parallel_loop3A_231] {strides = array<i32>} : memref<80x64xf32, #tpu.memory_space<vmem>>, vector<1x16xf32>,
        %parallel_loop3A_233 = vector.shape_cast %parallel_loop3A_232 : vector<1x16xf32> to vector<16xf32>
        %parallel_loop3A_234 = arith.addf %parallel_loop3A_229, %parallel_loop3A_233 : vector<16xf32>
        %parallel_loop3A_235 = arith.mulf %parallel_loop3A_234, %broadcast_in_dim3A_3 : vector<16xf32>
        %parallel_loop3A_236 = arith.maximumf %parallel_loop3A_234, %parallel_loop3A_235 : vector<16xf32>
        %parallel_loop3A_237 = math.exp %parallel_loop3A_236 : vector<16xf32>
        %parallel_loop3A_238 = arith.index_cast %parallel_loop3A_225 : i32 to index
        %parallel_loop3A_239 = arith.constant 0 : index
        %parallel_loop3A_240 = tpu.vector_load %arg13[%parallel_loop3A_238, %parallel_loop3A_239] {strides = array<i32>} : memref<80x128xf32, #tpu.memory_space<vmem>>, vector<1x16xf32>,
        %parallel_loop3A_241 = vector.shape_cast %parallel_loop3A_240 : vector<1x16xf32> to vector<16xf32>
        %parallel_loop3A_242 = arith.mulf %parallel_loop3A_241, %parallel_loop3A_237 : vector<16xf32>
        %parallel_loop3A_243 = arith.index_cast %parallel_loop3A_225 : i32 to index
        %parallel_loop3A_244 = arith.constant 0 : index
        %parallel_loop3A_245 = tpu.vector_load %arg13[%parallel_loop3A_243, %parallel_loop3A_244] {strides = array<i32>} : memref<80x128xf32, #tpu.memory_space<vmem>>, vector<1x16xf32>,
        %parallel_loop3A_246 = vector.shape_cast %parallel_loop3A_245 : vector<1x16xf32> to vector<16xf32>
        %parallel_loop3A_247 = vector.shape_cast %parallel_loop3A_242 : vector<16xf32> to vector<1x16xf32>
        tpu.vector_store %arg13[%parallel_loop3A_243, %parallel_loop3A_244], %parallel_loop3A_247 {strides = array<i32>} : memref<80x128xf32, #tpu.memory_space<vmem>>, vector<1x16xf32>,
        %parallel_loop3A_248 = arith.index_cast %parallel_loop3A_225 : i32 to index
        %parallel_loop3A_249 = arith.constant 64 : index
        %parallel_loop3A_250 = tpu.vector_load %arg13[%parallel_loop3A_248, %parallel_loop3A_249] {strides = array<i32>} : memref<80x128xf32, #tpu.memory_space<vmem>>, vector<1x16xf32>,
        %parallel_loop3A_251 = vector.shape_cast %parallel_loop3A_250 : vector<1x16xf32> to vector<16xf32>
        %parallel_loop3A_252 = vector.shape_cast %parallel_loop3A_237 : vector<16xf32> to vector<1x16xf32>
        tpu.vector_store %arg13[%parallel_loop3A_248, %parallel_loop3A_249], %parallel_loop3A_252 {strides = array<i32>} : memref<80x128xf32, #tpu.memory_space<vmem>>, vector<1x16xf32>,
        %parallel_loop3A_253 = arith.index_cast %parallel_loop3A_225 : i32 to index
        %parallel_loop3A_254 = arith.constant 80 : index
        %parallel_loop3A_255 = tpu.vector_load %arg13[%parallel_loop3A_253, %parallel_loop3A_254] {strides = array<i32>} : memref<80x128xf32, #tpu.memory_space<vmem>>, vector<1x16xf32>,
        %parallel_loop3A_256 = vector.shape_cast %parallel_loop3A_255 : vector<1x16xf32> to vector<16xf32>
        %parallel_loop3A_257 = arith.index_cast %parallel_loop3A_225 : i32 to index
        %parallel_loop3A_258 = arith.constant 16 : index
        %parallel_loop3A_259 = tpu.vector_load %arg14[%parallel_loop3A_257, %parallel_loop3A_258] {strides = array<i32>} : memref<80x64xf32, #tpu.memory_space<vmem>>, vector<1x16xf32>,
        %parallel_loop3A_260 = vector.shape_cast %parallel_loop3A_259 : vector<1x16xf32> to vector<16xf32>
        %parallel_loop3A_261 = arith.addf %parallel_loop3A_256, %parallel_loop3A_260 : vector<16xf32>
        %parallel_loop3A_262 = arith.mulf %parallel_loop3A_261, %broadcast_in_dim3A_3 : vector<16xf32>
        %parallel_loop3A_263 = arith.maximumf %parallel_loop3A_261, %parallel_loop3A_262 : vector<16xf32>
        %parallel_loop3A_264 = math.exp %parallel_loop3A_263 : vector<16xf32>
        %parallel_loop3A_265 = arith.index_cast %parallel_loop3A_225 : i32 to index
        %parallel_loop3A_266 = arith.constant 16 : index
        %parallel_loop3A_267 = tpu.vector_load %arg13[%parallel_loop3A_265, %parallel_loop3A_266] {strides = array<i32>} : memref<80x128xf32, #tpu.memory_space<vmem>>, vector<1x16xf32>,
        %parallel_loop3A_268 = vector.shape_cast %parallel_loop3A_267 : vector<1x16xf32> to vector<16xf32>
        %parallel_loop3A_269 = arith.mulf %parallel_loop3A_268, %parallel_loop3A_264 : vector<16xf32>
        %parallel_loop3A_270 = arith.index_cast %parallel_loop3A_225 : i32 to index
        %parallel_loop3A_271 = arith.constant 16 : index
        %parallel_loop3A_272 = tpu.vector_load %arg13[%parallel_loop3A_270, %parallel_loop3A_271] {strides = array<i32>} : memref<80x128xf32, #tpu.memory_space<vmem>>, vector<1x16xf32>,
        %parallel_loop3A_273 = vector.shape_cast %parallel_loop3A_272 : vector<1x16xf32> to vector<16xf32>
        %parallel_loop3A_274 = vector.shape_cast %parallel_loop3A_269 : vector<16xf32> to vector<1x16xf32>
        tpu.vector_store %arg13[%parallel_loop3A_270, %parallel_loop3A_271], %parallel_loop3A_274 {strides = array<i32>} : memref<80x128xf32, #tpu.memory_space<vmem>>, vector<1x16xf32>,
        %parallel_loop3A_275 = arith.index_cast %parallel_loop3A_225 : i32 to index
        %parallel_loop3A_276 = arith.constant 80 : index
        %parallel_loop3A_277 = tpu.vector_load %arg13[%parallel_loop3A_275, %parallel_loop3A_276] {strides = array<i32>} : memref<80x128xf32, #tpu.memory_space<vmem>>, vector<1x16xf32>,
        %parallel_loop3A_278 = vector.shape_cast %parallel_loop3A_277 : vector<1x16xf32> to vector<16xf32>
        %parallel_loop3A_279 = vector.shape_cast %parallel_loop3A_264 : vector<16xf32> to vector<1x16xf32>
        tpu.vector_store %arg13[%parallel_loop3A_275, %parallel_loop3A_276], %parallel_loop3A_279 {strides = array<i32>} : memref<80x128xf32, #tpu.memory_space<vmem>>, vector<1x16xf32>,
        %parallel_loop3A_280 = arith.index_cast %parallel_loop3A_225 : i32 to index
        %parallel_loop3A_281 = arith.constant 96 : index
        %parallel_loop3A_282 = tpu.vector_load %arg13[%parallel_loop3A_280, %parallel_loop3A_281] {strides = array<i32>} : memref<80x128xf32, #tpu.memory_space<vmem>>, vector<1x16xf32>,
        %parallel_loop3A_283 = vector.shape_cast %parallel_loop3A_282 : vector<1x16xf32> to vector<16xf32>
        %parallel_loop3A_284 = arith.index_cast %parallel_loop3A_225 : i32 to index
        %parallel_loop3A_285 = arith.constant 32 : index
        %parallel_loop3A_286 = tpu.vector_load %arg14[%parallel_loop3A_284, %parallel_loop3A_285] {strides = array<i32>} : memref<80x64xf32, #tpu.memory_space<vmem>>, vector<1x16xf32>,
        %parallel_loop3A_287 = vector.shape_cast %parallel_loop3A_286 : vector<1x16xf32> to vector<16xf32>
        %parallel_loop3A_288 = arith.addf %parallel_loop3A_283, %parallel_loop3A_287 : vector<16xf32>
        %parallel_loop3A_289 = arith.mulf %parallel_loop3A_288, %broadcast_in_dim3A_3 : vector<16xf32>
        %parallel_loop3A_290 = arith.maximumf %parallel_loop3A_288, %parallel_loop3A_289 : vector<16xf32>
        %parallel_loop3A_291 = math.exp %parallel_loop3A_290 : vector<16xf32>
        %parallel_loop3A_292 = arith.index_cast %parallel_loop3A_225 : i32 to index
        %parallel_loop3A_293 = arith.constant 32 : index
        %parallel_loop3A_294 = tpu.vector_load %arg13[%parallel_loop3A_292, %parallel_loop3A_293] {strides = array<i32>} : memref<80x128xf32, #tpu.memory_space<vmem>>, vector<1x16xf32>,
        %parallel_loop3A_295 = vector.shape_cast %parallel_loop3A_294 : vector<1x16xf32> to vector<16xf32>
        %parallel_loop3A_296 = arith.mulf %parallel_loop3A_295, %parallel_loop3A_291 : vector<16xf32>
        %parallel_loop3A_297 = arith.index_cast %parallel_loop3A_225 : i32 to index
        %parallel_loop3A_298 = arith.constant 32 : index
        %parallel_loop3A_299 = tpu.vector_load %arg13[%parallel_loop3A_297, %parallel_loop3A_298] {strides = array<i32>} : memref<80x128xf32, #tpu.memory_space<vmem>>, vector<1x16xf32>,
        %parallel_loop3A_300 = vector.shape_cast %parallel_loop3A_299 : vector<1x16xf32> to vector<16xf32>
        %parallel_loop3A_301 = vector.shape_cast %parallel_loop3A_296 : vector<16xf32> to vector<1x16xf32>
        tpu.vector_store %arg13[%parallel_loop3A_297, %parallel_loop3A_298], %parallel_loop3A_301 {strides = array<i32>} : memref<80x128xf32, #tpu.memory_space<vmem>>, vector<1x16xf32>,
        %parallel_loop3A_302 = arith.index_cast %parallel_loop3A_225 : i32 to index
        %parallel_loop3A_303 = arith.constant 96 : index
        %parallel_loop3A_304 = tpu.vector_load %arg13[%parallel_loop3A_302, %parallel_loop3A_303] {strides = array<i32>} : memref<80x128xf32, #tpu.memory_space<vmem>>, vector<1x16xf32>,
        %parallel_loop3A_305 = vector.shape_cast %parallel_loop3A_304 : vector<1x16xf32> to vector<16xf32>
        %parallel_loop3A_306 = vector.shape_cast %parallel_loop3A_291 : vector<16xf32> to vector<1x16xf32>
        tpu.vector_store %arg13[%parallel_loop3A_302, %parallel_loop3A_303], %parallel_loop3A_306 {strides = array<i32>} : memref<80x128xf32, #tpu.memory_space<vmem>>, vector<1x16xf32>,
        %parallel_loop3A_307 = arith.index_cast %parallel_loop3A_225 : i32 to index
        %parallel_loop3A_308 = arith.constant 112 : index
        %parallel_loop3A_309 = tpu.vector_load %arg13[%parallel_loop3A_307, %parallel_loop3A_308] {strides = array<i32>} : memref<80x128xf32, #tpu.memory_space<vmem>>, vector<1x16xf32>,
        %parallel_loop3A_310 = vector.shape_cast %parallel_loop3A_309 : vector<1x16xf32> to vector<16xf32>
        %parallel_loop3A_311 = arith.index_cast %parallel_loop3A_225 : i32 to index
        %parallel_loop3A_312 = arith.constant 48 : index
        %parallel_loop3A_313 = tpu.vector_load %arg14[%parallel_loop3A_311, %parallel_loop3A_312] {strides = array<i32>} : memref<80x64xf32, #tpu.memory_space<vmem>>, vector<1x16xf32>,
        %parallel_loop3A_314 = vector.shape_cast %parallel_loop3A_313 : vector<1x16xf32> to vector<16xf32>
        %parallel_loop3A_315 = arith.addf %parallel_loop3A_310, %parallel_loop3A_314 : vector<16xf32>
        %parallel_loop3A_316 = arith.mulf %parallel_loop3A_315, %broadcast_in_dim3A_3 : vector<16xf32>
        %parallel_loop3A_317 = arith.maximumf %parallel_loop3A_315, %parallel_loop3A_316 : vector<16xf32>
        %parallel_loop3A_318 = math.exp %parallel_loop3A_317 : vector<16xf32>
        %parallel_loop3A_319 = arith.index_cast %parallel_loop3A_225 : i32 to index
        %parallel_loop3A_320 = arith.constant 48 : index
        %parallel_loop3A_321 = tpu.vector_load %arg13[%parallel_loop3A_319, %parallel_loop3A_320] {strides = array<i32>} : memref<80x128xf32, #tpu.memory_space<vmem>>, vector<1x16xf32>,
        %parallel_loop3A_322 = vector.shape_cast %parallel_loop3A_321 : vector<1x16xf32> to vector<16xf32>
        %parallel_loop3A_323 = arith.mulf %parallel_loop3A_322, %parallel_loop3A_318 : vector<16xf32>
        %parallel_loop3A_324 = arith.index_cast %parallel_loop3A_225 : i32 to index
        %parallel_loop3A_325 = arith.constant 48 : index
        %parallel_loop3A_326 = tpu.vector_load %arg13[%parallel_loop3A_324, %parallel_loop3A_325] {strides = array<i32>} : memref<80x128xf32, #tpu.memory_space<vmem>>, vector<1x16xf32>,
        %parallel_loop3A_327 = vector.shape_cast %parallel_loop3A_326 : vector<1x16xf32> to vector<16xf32>
        %parallel_loop3A_328 = vector.shape_cast %parallel_loop3A_323 : vector<16xf32> to vector<1x16xf32>
        tpu.vector_store %arg13[%parallel_loop3A_324, %parallel_loop3A_325], %parallel_loop3A_328 {strides = array<i32>} : memref<80x128xf32, #tpu.memory_space<vmem>>, vector<1x16xf32>,
        %parallel_loop3A_329 = arith.index_cast %parallel_loop3A_225 : i32 to index
        %parallel_loop3A_330 = arith.constant 112 : index
        %parallel_loop3A_331 = tpu.vector_load %arg13[%parallel_loop3A_329, %parallel_loop3A_330] {strides = array<i32>} : memref<80x128xf32, #tpu.memory_space<vmem>>, vector<1x16xf32>,
        %parallel_loop3A_332 = vector.shape_cast %parallel_loop3A_331 : vector<1x16xf32> to vector<16xf32>
        %parallel_loop3A_333 = vector.shape_cast %parallel_loop3A_318 : vector<16xf32> to vector<1x16xf32>
        tpu.vector_store %arg13[%parallel_loop3A_329, %parallel_loop3A_330], %parallel_loop3A_333 {strides = array<i32>} : memref<80x128xf32, #tpu.memory_space<vmem>>, vector<1x16xf32>,
      } {sc.loop_unroll_factor = 4 : i64, sc.parallel_access}
      "tpu.region"() ({
        %run_scoped3A = tpu.sem_alloc : memref<!tpu.dma_semaphore, #tpu.memory_space<semaphore_mem>>
        %dma_start3A_225 = arith.constant 0 : i32
        %dma_start3A_226 = arith.constant 0 : i32
        %dma_start3A_227 = tpu.memref_slice %arg15[%dma_start3A_225, %dma_start3A_226] : memref<10240x128xf32, #tpu.memory_space<vmem_shared>> -> memref<10240x128xf32, #tpu.memory_space<vmem_shared>>
        tpu.enqueue_indirect_dma source(%arg13 : memref<80x128xf32, #tpu.memory_space<vmem>>) target(%dma_start3A_227 : memref<10240x128xf32, #tpu.memory_space<vmem_shared>>) offsets(%arg10 : memref<80xi32, #tpu.memory_space<vmem>>) semaphore(%run_scoped3A : memref<!tpu.dma_semaphore, #tpu.memory_space<semaphore_mem>>) {add = true}
        %dma_wait3A_228 = arith.constant 0 : i32
        %dma_wait3A_229 = arith.constant 0 : i32
        %dma_wait3A_230 = tpu.memref_slice %arg15[%dma_wait3A_228, %dma_wait3A_229] : memref<10240x128xf32, #tpu.memory_space<vmem_shared>> -> memref<10240x128xf32, #tpu.memory_space<vmem_shared>>
        tpu.wait_indirect_dma semaphore(%run_scoped3A : memref<!tpu.dma_semaphore, #tpu.memory_space<semaphore_mem>>) src(%arg13 : memref<80x128xf32, #tpu.memory_space<vmem>>) dst(%dma_wait3A_230 : memref<10240x128xf32, #tpu.memory_space<vmem_shared>>)
        tpu.yield
      }) : () -> ()
      %add3A_209 = arith.constant 2 : i32
      %add3A_210 = arith.addi %add3A_189, %add3A_209 : i32
      %sub3A_211 = arith.constant 1 : i32
      %sub3A_212 = arith.subi %add3A_7, %sub3A_211 : i32
      %min3A_213 = arith.minsi %add3A_210, %sub3A_212 : i32
      %mul3A_214 = arith.constant 80 : i32
      %mul3A_215 = arith.muli %min3A_213, %mul3A_214 : i32
      %add3A_216 = arith.addi %mul3A_15, %mul3A_215 : i32
      %dma_start3A_217 = tpu.memref_slice %arg4[%add3A_216] : memref<327680xi32, #tpu.memory_space<hbm>> -> memref<80xi32, #tpu.memory_space<hbm>>
      %dma_start3A_218 = tpu.memref_slice %arg4[%add3A_216] : memref<327680xi32, #tpu.memory_space<hbm>> -> memref<80xi32, #tpu.memory_space<hbm>>
      tpu.enqueue_dma source(%dma_start3A_218 : memref<80xi32, #tpu.memory_space<hbm>>) target(%arg9 : memref<80xi32, #tpu.memory_space<vmem>>) target_semaphore(%arg21 : memref<!tpu.dma_semaphore, #tpu.memory_space<semaphore_mem>>)
      %mul3A_219 = arith.constant 80 : i32
      %mul3A_220 = arith.muli %min3A_213, %mul3A_219 : i32
      %add3A_221 = arith.addi %mul3A_15, %mul3A_220 : i32
      %dma_start3A_222 = tpu.memref_slice %arg5[%add3A_221] : memref<327680xi32, #tpu.memory_space<hbm>> -> memref<80xi32, #tpu.memory_space<hbm>>
      %dma_start3A_223 = tpu.memref_slice %arg5[%add3A_221] : memref<327680xi32, #tpu.memory_space<hbm>> -> memref<80xi32, #tpu.memory_space<hbm>>
      tpu.enqueue_dma source(%dma_start3A_223 : memref<80xi32, #tpu.memory_space<hbm>>) target(%arg10 : memref<80xi32, #tpu.memory_space<vmem>>) target_semaphore(%arg21 : memref<!tpu.dma_semaphore, #tpu.memory_space<semaphore_mem>>)
      %while3A_224 = arith.constant 0 : i32
      scf.yield %while3A_224 : i32
    }
    %while3A_103 = arith.constant 1 : i32
    %while3A_104 = scf.for %while3A_148 = %while3A_100 to %while3A_96 step %while3A_103 iter_args(%while3A_149 = %while3A_102) -> (i32)  : i32 {
      %mul3A_150 = arith.constant 2 : i32
      %mul3A_151 = arith.muli %mul3A_150, %while3A_148 : i32
      %add3A_152 = arith.constant 0 : i32
      %add3A_153 = arith.addi %mul3A_151, %add3A_152 : i32
      %dma_wait3A_154 = arith.constant 0 : i32
      %dma_wait3A_155 = arith.constant 0 : i32
      %dma_wait3A_156 = tpu.memref_slice %arg2[%dma_wait3A_154, %dma_wait3A_155] : memref<10240x128xf32, #tpu.memory_space<hbm>> -> memref<10240x128xf32, #tpu.memory_space<hbm>>
      tpu.wait_indirect_dma semaphore(%arg16 : memref<!tpu.dma_semaphore, #tpu.memory_space<semaphore_mem>>) src(%dma_wait3A_156 : memref<10240x128xf32, #tpu.memory_space<hbm>>) dst(%arg11 : memref<80x128xf32, #tpu.memory_space<vmem>>)
      %dma_wait3A_157 = arith.constant 0 : i32
      %dma_wait3A_158 = arith.constant 0 : i32
      %dma_wait3A_159 = tpu.memref_slice %arg3[%dma_wait3A_157, %dma_wait3A_158] : memref<10240x64xf32, #tpu.memory_space<hbm>> -> memref<10240x64xf32, #tpu.memory_space<hbm>>
      tpu.wait_indirect_dma semaphore(%arg17 : memref<!tpu.dma_semaphore, #tpu.memory_space<semaphore_mem>>) src(%dma_wait3A_159 : memref<10240x64xf32, #tpu.memory_space<hbm>>) dst(%arg12 : memref<80x64xf32, #tpu.memory_space<vmem>>)
      %dma_wait3A_160 = tpu.memref_slice %arg4[%mul3A_15] : memref<327680xi32, #tpu.memory_space<hbm>> -> memref<80xi32, #tpu.memory_space<hbm>>
      %dma_wait3A_161 = tpu.memref_slice %arg4[%mul3A_15] : memref<327680xi32, #tpu.memory_space<hbm>> -> memref<80xi32, #tpu.memory_space<hbm>>
      tpu.wait_dma2 semaphore(%arg21 : memref<!tpu.dma_semaphore, #tpu.memory_space<semaphore_mem>>) src(%dma_wait3A_161 : memref<80xi32, #tpu.memory_space<hbm>>) dst(%arg9 : memref<80xi32, #tpu.memory_space<vmem>>)
      %dma_wait3A_162 = tpu.memref_slice %arg5[%mul3A_15] : memref<327680xi32, #tpu.memory_space<hbm>> -> memref<80xi32, #tpu.memory_space<hbm>>
      %dma_wait3A_163 = tpu.memref_slice %arg5[%mul3A_15] : memref<327680xi32, #tpu.memory_space<hbm>> -> memref<80xi32, #tpu.memory_space<hbm>>
      tpu.wait_dma2 semaphore(%arg21 : memref<!tpu.dma_semaphore, #tpu.memory_space<semaphore_mem>>) src(%dma_wait3A_163 : memref<80xi32, #tpu.memory_space<hbm>>) dst(%arg10 : memref<80xi32, #tpu.memory_space<vmem>>)
      %dma_start3A_164 = arith.constant 0 : i32
      %dma_start3A_165 = arith.constant 0 : i32
      %dma_start3A_166 = tpu.memref_slice %arg2[%dma_start3A_164, %dma_start3A_165] : memref<10240x128xf32, #tpu.memory_space<hbm>> -> memref<10240x128xf32, #tpu.memory_space<hbm>>
      tpu.enqueue_indirect_dma source(%dma_start3A_166 : memref<10240x128xf32, #tpu.memory_space<hbm>>) target(%arg13 : memref<80x128xf32, #tpu.memory_space<vmem>>) offsets(%arg9 : memref<80xi32, #tpu.memory_space<vmem>>) semaphore(%arg18 : memref<!tpu.dma_semaphore, #tpu.memory_space<semaphore_mem>>)
      %dma_start3A_167 = arith.constant 0 : i32
      %dma_start3A_168 = arith.constant 0 : i32
      %dma_start3A_169 = tpu.memref_slice %arg3[%dma_start3A_167, %dma_start3A_168] : memref<10240x64xf32, #tpu.memory_space<hbm>> -> memref<10240x64xf32, #tpu.memory_space<hbm>>
      tpu.enqueue_indirect_dma source(%dma_start3A_169 : memref<10240x64xf32, #tpu.memory_space<hbm>>) target(%arg14 : memref<80x64xf32, #tpu.memory_space<vmem>>) offsets(%arg10 : memref<80xi32, #tpu.memory_space<vmem>>) semaphore(%arg19 : memref<!tpu.dma_semaphore, #tpu.memory_space<semaphore_mem>>)
      %parallel_loop3A = arith.constant 0 : i32
      %parallel_loop3A_170 = arith.constant 80 : i32
      %parallel_loop3A_171 = arith.constant 1 : i32
      scf.for %parallel_loop3A_225 = %parallel_loop3A to %parallel_loop3A_170 step %parallel_loop3A_171  : i32 {
        %parallel_loop3A_226 = arith.index_cast %parallel_loop3A_225 : i32 to index
        %parallel_loop3A_227 = arith.constant 64 : index
        %parallel_loop3A_228 = tpu.vector_load %arg11[%parallel_loop3A_226, %parallel_loop3A_227] {strides = array<i32>} : memref<80x128xf32, #tpu.memory_space<vmem>>, vector<1x16xf32>,
        %parallel_loop3A_229 = vector.shape_cast %parallel_loop3A_228 : vector<1x16xf32> to vector<16xf32>
        %parallel_loop3A_230 = arith.index_cast %parallel_loop3A_225 : i32 to index
        %parallel_loop3A_231 = arith.constant 0 : index
        %parallel_loop3A_232 = tpu.vector_load %arg12[%parallel_loop3A_230, %parallel_loop3A_231] {strides = array<i32>} : memref<80x64xf32, #tpu.memory_space<vmem>>, vector<1x16xf32>,
        %parallel_loop3A_233 = vector.shape_cast %parallel_loop3A_232 : vector<1x16xf32> to vector<16xf32>
        %parallel_loop3A_234 = arith.addf %parallel_loop3A_229, %parallel_loop3A_233 : vector<16xf32>
        %parallel_loop3A_235 = arith.mulf %parallel_loop3A_234, %broadcast_in_dim3A_3 : vector<16xf32>
        %parallel_loop3A_236 = arith.maximumf %parallel_loop3A_234, %parallel_loop3A_235 : vector<16xf32>
        %parallel_loop3A_237 = math.exp %parallel_loop3A_236 : vector<16xf32>
        %parallel_loop3A_238 = arith.index_cast %parallel_loop3A_225 : i32 to index
        %parallel_loop3A_239 = arith.constant 0 : index
        %parallel_loop3A_240 = tpu.vector_load %arg11[%parallel_loop3A_238, %parallel_loop3A_239] {strides = array<i32>} : memref<80x128xf32, #tpu.memory_space<vmem>>, vector<1x16xf32>,
        %parallel_loop3A_241 = vector.shape_cast %parallel_loop3A_240 : vector<1x16xf32> to vector<16xf32>
        %parallel_loop3A_242 = arith.mulf %parallel_loop3A_241, %parallel_loop3A_237 : vector<16xf32>
        %parallel_loop3A_243 = arith.index_cast %parallel_loop3A_225 : i32 to index
        %parallel_loop3A_244 = arith.constant 0 : index
        %parallel_loop3A_245 = tpu.vector_load %arg11[%parallel_loop3A_243, %parallel_loop3A_244] {strides = array<i32>} : memref<80x128xf32, #tpu.memory_space<vmem>>, vector<1x16xf32>,
        %parallel_loop3A_246 = vector.shape_cast %parallel_loop3A_245 : vector<1x16xf32> to vector<16xf32>
        %parallel_loop3A_247 = vector.shape_cast %parallel_loop3A_242 : vector<16xf32> to vector<1x16xf32>
        tpu.vector_store %arg11[%parallel_loop3A_243, %parallel_loop3A_244], %parallel_loop3A_247 {strides = array<i32>} : memref<80x128xf32, #tpu.memory_space<vmem>>, vector<1x16xf32>,
        %parallel_loop3A_248 = arith.index_cast %parallel_loop3A_225 : i32 to index
        %parallel_loop3A_249 = arith.constant 64 : index
        %parallel_loop3A_250 = tpu.vector_load %arg11[%parallel_loop3A_248, %parallel_loop3A_249] {strides = array<i32>} : memref<80x128xf32, #tpu.memory_space<vmem>>, vector<1x16xf32>,
        %parallel_loop3A_251 = vector.shape_cast %parallel_loop3A_250 : vector<1x16xf32> to vector<16xf32>
        %parallel_loop3A_252 = vector.shape_cast %parallel_loop3A_237 : vector<16xf32> to vector<1x16xf32>
        tpu.vector_store %arg11[%parallel_loop3A_248, %parallel_loop3A_249], %parallel_loop3A_252 {strides = array<i32>} : memref<80x128xf32, #tpu.memory_space<vmem>>, vector<1x16xf32>,
        %parallel_loop3A_253 = arith.index_cast %parallel_loop3A_225 : i32 to index
        %parallel_loop3A_254 = arith.constant 80 : index
        %parallel_loop3A_255 = tpu.vector_load %arg11[%parallel_loop3A_253, %parallel_loop3A_254] {strides = array<i32>} : memref<80x128xf32, #tpu.memory_space<vmem>>, vector<1x16xf32>,
        %parallel_loop3A_256 = vector.shape_cast %parallel_loop3A_255 : vector<1x16xf32> to vector<16xf32>
        %parallel_loop3A_257 = arith.index_cast %parallel_loop3A_225 : i32 to index
        %parallel_loop3A_258 = arith.constant 16 : index
        %parallel_loop3A_259 = tpu.vector_load %arg12[%parallel_loop3A_257, %parallel_loop3A_258] {strides = array<i32>} : memref<80x64xf32, #tpu.memory_space<vmem>>, vector<1x16xf32>,
        %parallel_loop3A_260 = vector.shape_cast %parallel_loop3A_259 : vector<1x16xf32> to vector<16xf32>
        %parallel_loop3A_261 = arith.addf %parallel_loop3A_256, %parallel_loop3A_260 : vector<16xf32>
        %parallel_loop3A_262 = arith.mulf %parallel_loop3A_261, %broadcast_in_dim3A_3 : vector<16xf32>
        %parallel_loop3A_263 = arith.maximumf %parallel_loop3A_261, %parallel_loop3A_262 : vector<16xf32>
        %parallel_loop3A_264 = math.exp %parallel_loop3A_263 : vector<16xf32>
        %parallel_loop3A_265 = arith.index_cast %parallel_loop3A_225 : i32 to index
        %parallel_loop3A_266 = arith.constant 16 : index
        %parallel_loop3A_267 = tpu.vector_load %arg11[%parallel_loop3A_265, %parallel_loop3A_266] {strides = array<i32>} : memref<80x128xf32, #tpu.memory_space<vmem>>, vector<1x16xf32>,
        %parallel_loop3A_268 = vector.shape_cast %parallel_loop3A_267 : vector<1x16xf32> to vector<16xf32>
        %parallel_loop3A_269 = arith.mulf %parallel_loop3A_268, %parallel_loop3A_264 : vector<16xf32>
        %parallel_loop3A_270 = arith.index_cast %parallel_loop3A_225 : i32 to index
        %parallel_loop3A_271 = arith.constant 16 : index
        %parallel_loop3A_272 = tpu.vector_load %arg11[%parallel_loop3A_270, %parallel_loop3A_271] {strides = array<i32>} : memref<80x128xf32, #tpu.memory_space<vmem>>, vector<1x16xf32>,
        %parallel_loop3A_273 = vector.shape_cast %parallel_loop3A_272 : vector<1x16xf32> to vector<16xf32>
        %parallel_loop3A_274 = vector.shape_cast %parallel_loop3A_269 : vector<16xf32> to vector<1x16xf32>
        tpu.vector_store %arg11[%parallel_loop3A_270, %parallel_loop3A_271], %parallel_loop3A_274 {strides = array<i32>} : memref<80x128xf32, #tpu.memory_space<vmem>>, vector<1x16xf32>,
        %parallel_loop3A_275 = arith.index_cast %parallel_loop3A_225 : i32 to index
        %parallel_loop3A_276 = arith.constant 80 : index
        %parallel_loop3A_277 = tpu.vector_load %arg11[%parallel_loop3A_275, %parallel_loop3A_276] {strides = array<i32>} : memref<80x128xf32, #tpu.memory_space<vmem>>, vector<1x16xf32>,
        %parallel_loop3A_278 = vector.shape_cast %parallel_loop3A_277 : vector<1x16xf32> to vector<16xf32>
        %parallel_loop3A_279 = vector.shape_cast %parallel_loop3A_264 : vector<16xf32> to vector<1x16xf32>
        tpu.vector_store %arg11[%parallel_loop3A_275, %parallel_loop3A_276], %parallel_loop3A_279 {strides = array<i32>} : memref<80x128xf32, #tpu.memory_space<vmem>>, vector<1x16xf32>,
        %parallel_loop3A_280 = arith.index_cast %parallel_loop3A_225 : i32 to index
        %parallel_loop3A_281 = arith.constant 96 : index
        %parallel_loop3A_282 = tpu.vector_load %arg11[%parallel_loop3A_280, %parallel_loop3A_281] {strides = array<i32>} : memref<80x128xf32, #tpu.memory_space<vmem>>, vector<1x16xf32>,
        %parallel_loop3A_283 = vector.shape_cast %parallel_loop3A_282 : vector<1x16xf32> to vector<16xf32>
        %parallel_loop3A_284 = arith.index_cast %parallel_loop3A_225 : i32 to index
        %parallel_loop3A_285 = arith.constant 32 : index
        %parallel_loop3A_286 = tpu.vector_load %arg12[%parallel_loop3A_284, %parallel_loop3A_285] {strides = array<i32>} : memref<80x64xf32, #tpu.memory_space<vmem>>, vector<1x16xf32>,
        %parallel_loop3A_287 = vector.shape_cast %parallel_loop3A_286 : vector<1x16xf32> to vector<16xf32>
        %parallel_loop3A_288 = arith.addf %parallel_loop3A_283, %parallel_loop3A_287 : vector<16xf32>
        %parallel_loop3A_289 = arith.mulf %parallel_loop3A_288, %broadcast_in_dim3A_3 : vector<16xf32>
        %parallel_loop3A_290 = arith.maximumf %parallel_loop3A_288, %parallel_loop3A_289 : vector<16xf32>
        %parallel_loop3A_291 = math.exp %parallel_loop3A_290 : vector<16xf32>
        %parallel_loop3A_292 = arith.index_cast %parallel_loop3A_225 : i32 to index
        %parallel_loop3A_293 = arith.constant 32 : index
        %parallel_loop3A_294 = tpu.vector_load %arg11[%parallel_loop3A_292, %parallel_loop3A_293] {strides = array<i32>} : memref<80x128xf32, #tpu.memory_space<vmem>>, vector<1x16xf32>,
        %parallel_loop3A_295 = vector.shape_cast %parallel_loop3A_294 : vector<1x16xf32> to vector<16xf32>
        %parallel_loop3A_296 = arith.mulf %parallel_loop3A_295, %parallel_loop3A_291 : vector<16xf32>
        %parallel_loop3A_297 = arith.index_cast %parallel_loop3A_225 : i32 to index
        %parallel_loop3A_298 = arith.constant 32 : index
        %parallel_loop3A_299 = tpu.vector_load %arg11[%parallel_loop3A_297, %parallel_loop3A_298] {strides = array<i32>} : memref<80x128xf32, #tpu.memory_space<vmem>>, vector<1x16xf32>,
        %parallel_loop3A_300 = vector.shape_cast %parallel_loop3A_299 : vector<1x16xf32> to vector<16xf32>
        %parallel_loop3A_301 = vector.shape_cast %parallel_loop3A_296 : vector<16xf32> to vector<1x16xf32>
        tpu.vector_store %arg11[%parallel_loop3A_297, %parallel_loop3A_298], %parallel_loop3A_301 {strides = array<i32>} : memref<80x128xf32, #tpu.memory_space<vmem>>, vector<1x16xf32>,
        %parallel_loop3A_302 = arith.index_cast %parallel_loop3A_225 : i32 to index
        %parallel_loop3A_303 = arith.constant 96 : index
        %parallel_loop3A_304 = tpu.vector_load %arg11[%parallel_loop3A_302, %parallel_loop3A_303] {strides = array<i32>} : memref<80x128xf32, #tpu.memory_space<vmem>>, vector<1x16xf32>,
        %parallel_loop3A_305 = vector.shape_cast %parallel_loop3A_304 : vector<1x16xf32> to vector<16xf32>
        %parallel_loop3A_306 = vector.shape_cast %parallel_loop3A_291 : vector<16xf32> to vector<1x16xf32>
        tpu.vector_store %arg11[%parallel_loop3A_302, %parallel_loop3A_303], %parallel_loop3A_306 {strides = array<i32>} : memref<80x128xf32, #tpu.memory_space<vmem>>, vector<1x16xf32>,
        %parallel_loop3A_307 = arith.index_cast %parallel_loop3A_225 : i32 to index
        %parallel_loop3A_308 = arith.constant 112 : index
        %parallel_loop3A_309 = tpu.vector_load %arg11[%parallel_loop3A_307, %parallel_loop3A_308] {strides = array<i32>} : memref<80x128xf32, #tpu.memory_space<vmem>>, vector<1x16xf32>,
        %parallel_loop3A_310 = vector.shape_cast %parallel_loop3A_309 : vector<1x16xf32> to vector<16xf32>
        %parallel_loop3A_311 = arith.index_cast %parallel_loop3A_225 : i32 to index
        %parallel_loop3A_312 = arith.constant 48 : index
        %parallel_loop3A_313 = tpu.vector_load %arg12[%parallel_loop3A_311, %parallel_loop3A_312] {strides = array<i32>} : memref<80x64xf32, #tpu.memory_space<vmem>>, vector<1x16xf32>,
        %parallel_loop3A_314 = vector.shape_cast %parallel_loop3A_313 : vector<1x16xf32> to vector<16xf32>
        %parallel_loop3A_315 = arith.addf %parallel_loop3A_310, %parallel_loop3A_314 : vector<16xf32>
        %parallel_loop3A_316 = arith.mulf %parallel_loop3A_315, %broadcast_in_dim3A_3 : vector<16xf32>
        %parallel_loop3A_317 = arith.maximumf %parallel_loop3A_315, %parallel_loop3A_316 : vector<16xf32>
        %parallel_loop3A_318 = math.exp %parallel_loop3A_317 : vector<16xf32>
        %parallel_loop3A_319 = arith.index_cast %parallel_loop3A_225 : i32 to index
        %parallel_loop3A_320 = arith.constant 48 : index
        %parallel_loop3A_321 = tpu.vector_load %arg11[%parallel_loop3A_319, %parallel_loop3A_320] {strides = array<i32>} : memref<80x128xf32, #tpu.memory_space<vmem>>, vector<1x16xf32>,
        %parallel_loop3A_322 = vector.shape_cast %parallel_loop3A_321 : vector<1x16xf32> to vector<16xf32>
        %parallel_loop3A_323 = arith.mulf %parallel_loop3A_322, %parallel_loop3A_318 : vector<16xf32>
        %parallel_loop3A_324 = arith.index_cast %parallel_loop3A_225 : i32 to index
        %parallel_loop3A_325 = arith.constant 48 : index
        %parallel_loop3A_326 = tpu.vector_load %arg11[%parallel_loop3A_324, %parallel_loop3A_325] {strides = array<i32>} : memref<80x128xf32, #tpu.memory_space<vmem>>, vector<1x16xf32>,
        %parallel_loop3A_327 = vector.shape_cast %parallel_loop3A_326 : vector<1x16xf32> to vector<16xf32>
        %parallel_loop3A_328 = vector.shape_cast %parallel_loop3A_323 : vector<16xf32> to vector<1x16xf32>
        tpu.vector_store %arg11[%parallel_loop3A_324, %parallel_loop3A_325], %parallel_loop3A_328 {strides = array<i32>} : memref<80x128xf32, #tpu.memory_space<vmem>>, vector<1x16xf32>,
        %parallel_loop3A_329 = arith.index_cast %parallel_loop3A_225 : i32 to index
        %parallel_loop3A_330 = arith.constant 112 : index
        %parallel_loop3A_331 = tpu.vector_load %arg11[%parallel_loop3A_329, %parallel_loop3A_330] {strides = array<i32>} : memref<80x128xf32, #tpu.memory_space<vmem>>, vector<1x16xf32>,
        %parallel_loop3A_332 = vector.shape_cast %parallel_loop3A_331 : vector<1x16xf32> to vector<16xf32>
        %parallel_loop3A_333 = vector.shape_cast %parallel_loop3A_318 : vector<16xf32> to vector<1x16xf32>
        tpu.vector_store %arg11[%parallel_loop3A_329, %parallel_loop3A_330], %parallel_loop3A_333 {strides = array<i32>} : memref<80x128xf32, #tpu.memory_space<vmem>>, vector<1x16xf32>,
      } {sc.loop_unroll_factor = 4 : i64, sc.parallel_access}
      "tpu.region"() ({
        %run_scoped3A = tpu.sem_alloc : memref<!tpu.dma_semaphore, #tpu.memory_space<semaphore_mem>>
        %dma_start3A_225 = arith.constant 0 : i32
        %dma_start3A_226 = arith.constant 0 : i32
        %dma_start3A_227 = tpu.memref_slice %arg15[%dma_start3A_225, %dma_start3A_226] : memref<10240x128xf32, #tpu.memory_space<vmem_shared>> -> memref<10240x128xf32, #tpu.memory_space<vmem_shared>>
        tpu.enqueue_indirect_dma source(%arg11 : memref<80x128xf32, #tpu.memory_space<vmem>>) target(%dma_start3A_227 : memref<10240x128xf32, #tpu.memory_space<vmem_shared>>) offsets(%arg8 : memref<80xi32, #tpu.memory_space<vmem>>) semaphore(%run_scoped3A : memref<!tpu.dma_semaphore, #tpu.memory_space<semaphore_mem>>) {add = true}
        %dma_wait3A_228 = arith.constant 0 : i32
        %dma_wait3A_229 = arith.constant 0 : i32
        %dma_wait3A_230 = tpu.memref_slice %arg15[%dma_wait3A_228, %dma_wait3A_229] : memref<10240x128xf32, #tpu.memory_space<vmem_shared>> -> memref<10240x128xf32, #tpu.memory_space<vmem_shared>>
        tpu.wait_indirect_dma semaphore(%run_scoped3A : memref<!tpu.dma_semaphore, #tpu.memory_space<semaphore_mem>>) src(%arg11 : memref<80x128xf32, #tpu.memory_space<vmem>>) dst(%dma_wait3A_230 : memref<10240x128xf32, #tpu.memory_space<vmem_shared>>)
        tpu.yield
      }) : () -> ()
      %add3A_172 = arith.constant 2 : i32
      %add3A_173 = arith.addi %add3A_153, %add3A_172 : i32
      %sub3A_174 = arith.constant 1 : i32
      %sub3A_175 = arith.subi %add3A_7, %sub3A_174 : i32
      %min3A = arith.minsi %add3A_173, %sub3A_175 : i32
      %mul3A_176 = arith.constant 80 : i32
      %mul3A_177 = arith.muli %min3A, %mul3A_176 : i32
      %add3A_178 = arith.addi %mul3A_15, %mul3A_177 : i32
      %dma_start3A_179 = tpu.memref_slice %arg4[%add3A_178] : memref<327680xi32, #tpu.memory_space<hbm>> -> memref<80xi32, #tpu.memory_space<hbm>>
      %dma_start3A_180 = tpu.memref_slice %arg4[%add3A_178] : memref<327680xi32, #tpu.memory_space<hbm>> -> memref<80xi32, #tpu.memory_space<hbm>>
      tpu.enqueue_dma source(%dma_start3A_180 : memref<80xi32, #tpu.memory_space<hbm>>) target(%arg7 : memref<80xi32, #tpu.memory_space<vmem>>) target_semaphore(%arg20 : memref<!tpu.dma_semaphore, #tpu.memory_space<semaphore_mem>>)
      %mul3A_181 = arith.constant 80 : i32
      %mul3A_182 = arith.muli %min3A, %mul3A_181 : i32
      %add3A_183 = arith.addi %mul3A_15, %mul3A_182 : i32
      %dma_start3A_184 = tpu.memref_slice %arg5[%add3A_183] : memref<327680xi32, #tpu.memory_space<hbm>> -> memref<80xi32, #tpu.memory_space<hbm>>
      %dma_start3A_185 = tpu.memref_slice %arg5[%add3A_183] : memref<327680xi32, #tpu.memory_space<hbm>> -> memref<80xi32, #tpu.memory_space<hbm>>
      tpu.enqueue_dma source(%dma_start3A_185 : memref<80xi32, #tpu.memory_space<hbm>>) target(%arg8 : memref<80xi32, #tpu.memory_space<vmem>>) target_semaphore(%arg20 : memref<!tpu.dma_semaphore, #tpu.memory_space<semaphore_mem>>)
      %mul3A_186 = arith.constant 2 : i32
      %mul3A_187 = arith.muli %mul3A_186, %while3A_148 : i32
      %add3A_188 = arith.constant 1 : i32
      %add3A_189 = arith.addi %mul3A_187, %add3A_188 : i32
      %dma_wait3A_190 = arith.constant 0 : i32
      %dma_wait3A_191 = arith.constant 0 : i32
      %dma_wait3A_192 = tpu.memref_slice %arg2[%dma_wait3A_190, %dma_wait3A_191] : memref<10240x128xf32, #tpu.memory_space<hbm>> -> memref<10240x128xf32, #tpu.memory_space<hbm>>
      tpu.wait_indirect_dma semaphore(%arg18 : memref<!tpu.dma_semaphore, #tpu.memory_space<semaphore_mem>>) src(%dma_wait3A_192 : memref<10240x128xf32, #tpu.memory_space<hbm>>) dst(%arg13 : memref<80x128xf32, #tpu.memory_space<vmem>>)
      %dma_wait3A_193 = arith.constant 0 : i32
      %dma_wait3A_194 = arith.constant 0 : i32
      %dma_wait3A_195 = tpu.memref_slice %arg3[%dma_wait3A_193, %dma_wait3A_194] : memref<10240x64xf32, #tpu.memory_space<hbm>> -> memref<10240x64xf32, #tpu.memory_space<hbm>>
      tpu.wait_indirect_dma semaphore(%arg19 : memref<!tpu.dma_semaphore, #tpu.memory_space<semaphore_mem>>) src(%dma_wait3A_195 : memref<10240x64xf32, #tpu.memory_space<hbm>>) dst(%arg14 : memref<80x64xf32, #tpu.memory_space<vmem>>)
      %dma_wait3A_196 = tpu.memref_slice %arg4[%mul3A_15] : memref<327680xi32, #tpu.memory_space<hbm>> -> memref<80xi32, #tpu.memory_space<hbm>>
      %dma_wait3A_197 = tpu.memref_slice %arg4[%mul3A_15] : memref<327680xi32, #tpu.memory_space<hbm>> -> memref<80xi32, #tpu.memory_space<hbm>>
      tpu.wait_dma2 semaphore(%arg20 : memref<!tpu.dma_semaphore, #tpu.memory_space<semaphore_mem>>) src(%dma_wait3A_197 : memref<80xi32, #tpu.memory_space<hbm>>) dst(%arg7 : memref<80xi32, #tpu.memory_space<vmem>>)
      %dma_wait3A_198 = tpu.memref_slice %arg5[%mul3A_15] : memref<327680xi32, #tpu.memory_space<hbm>> -> memref<80xi32, #tpu.memory_space<hbm>>
      %dma_wait3A_199 = tpu.memref_slice %arg5[%mul3A_15] : memref<327680xi32, #tpu.memory_space<hbm>> -> memref<80xi32, #tpu.memory_space<hbm>>
      tpu.wait_dma2 semaphore(%arg20 : memref<!tpu.dma_semaphore, #tpu.memory_space<semaphore_mem>>) src(%dma_wait3A_199 : memref<80xi32, #tpu.memory_space<hbm>>) dst(%arg8 : memref<80xi32, #tpu.memory_space<vmem>>)
      %dma_start3A_200 = arith.constant 0 : i32
      %dma_start3A_201 = arith.constant 0 : i32
      %dma_start3A_202 = tpu.memref_slice %arg2[%dma_start3A_200, %dma_start3A_201] : memref<10240x128xf32, #tpu.memory_space<hbm>> -> memref<10240x128xf32, #tpu.memory_space<hbm>>
      tpu.enqueue_indirect_dma source(%dma_start3A_202 : memref<10240x128xf32, #tpu.memory_space<hbm>>) target(%arg11 : memref<80x128xf32, #tpu.memory_space<vmem>>) offsets(%arg7 : memref<80xi32, #tpu.memory_space<vmem>>) semaphore(%arg16 : memref<!tpu.dma_semaphore, #tpu.memory_space<semaphore_mem>>)
      %dma_start3A_203 = arith.constant 0 : i32
      %dma_start3A_204 = arith.constant 0 : i32
      %dma_start3A_205 = tpu.memref_slice %arg3[%dma_start3A_203, %dma_start3A_204] : memref<10240x64xf32, #tpu.memory_space<hbm>> -> memref<10240x64xf32, #tpu.memory_space<hbm>>
      tpu.enqueue_indirect_dma source(%dma_start3A_205 : memref<10240x64xf32, #tpu.memory_space<hbm>>) target(%arg12 : memref<80x64xf32, #tpu.memory_space<vmem>>) offsets(%arg8 : memref<80xi32, #tpu.memory_space<vmem>>) semaphore(%arg17 : memref<!tpu.dma_semaphore, #tpu.memory_space<semaphore_mem>>)
      %parallel_loop3A_206 = arith.constant 0 : i32
      %parallel_loop3A_207 = arith.constant 80 : i32
      %parallel_loop3A_208 = arith.constant 1 : i32
      scf.for %parallel_loop3A_225 = %parallel_loop3A_206 to %parallel_loop3A_207 step %parallel_loop3A_208  : i32 {
        %parallel_loop3A_226 = arith.index_cast %parallel_loop3A_225 : i32 to index
        %parallel_loop3A_227 = arith.constant 64 : index
        %parallel_loop3A_228 = tpu.vector_load %arg13[%parallel_loop3A_226, %parallel_loop3A_227] {strides = array<i32>} : memref<80x128xf32, #tpu.memory_space<vmem>>, vector<1x16xf32>,
        %parallel_loop3A_229 = vector.shape_cast %parallel_loop3A_228 : vector<1x16xf32> to vector<16xf32>
        %parallel_loop3A_230 = arith.index_cast %parallel_loop3A_225 : i32 to index
        %parallel_loop3A_231 = arith.constant 0 : index
        %parallel_loop3A_232 = tpu.vector_load %arg14[%parallel_loop3A_230, %parallel_loop3A_231] {strides = array<i32>} : memref<80x64xf32, #tpu.memory_space<vmem>>, vector<1x16xf32>,
        %parallel_loop3A_233 = vector.shape_cast %parallel_loop3A_232 : vector<1x16xf32> to vector<16xf32>
        %parallel_loop3A_234 = arith.addf %parallel_loop3A_229, %parallel_loop3A_233 : vector<16xf32>
        %parallel_loop3A_235 = arith.mulf %parallel_loop3A_234, %broadcast_in_dim3A_3 : vector<16xf32>
        %parallel_loop3A_236 = arith.maximumf %parallel_loop3A_234, %parallel_loop3A_235 : vector<16xf32>
        %parallel_loop3A_237 = math.exp %parallel_loop3A_236 : vector<16xf32>
        %parallel_loop3A_238 = arith.index_cast %parallel_loop3A_225 : i32 to index
        %parallel_loop3A_239 = arith.constant 0 : index
        %parallel_loop3A_240 = tpu.vector_load %arg13[%parallel_loop3A_238, %parallel_loop3A_239] {strides = array<i32>} : memref<80x128xf32, #tpu.memory_space<vmem>>, vector<1x16xf32>,
        %parallel_loop3A_241 = vector.shape_cast %parallel_loop3A_240 : vector<1x16xf32> to vector<16xf32>
        %parallel_loop3A_242 = arith.mulf %parallel_loop3A_241, %parallel_loop3A_237 : vector<16xf32>
        %parallel_loop3A_243 = arith.index_cast %parallel_loop3A_225 : i32 to index
        %parallel_loop3A_244 = arith.constant 0 : index
        %parallel_loop3A_245 = tpu.vector_load %arg13[%parallel_loop3A_243, %parallel_loop3A_244] {strides = array<i32>} : memref<80x128xf32, #tpu.memory_space<vmem>>, vector<1x16xf32>,
        %parallel_loop3A_246 = vector.shape_cast %parallel_loop3A_245 : vector<1x16xf32> to vector<16xf32>
        %parallel_loop3A_247 = vector.shape_cast %parallel_loop3A_242 : vector<16xf32> to vector<1x16xf32>
        tpu.vector_store %arg13[%parallel_loop3A_243, %parallel_loop3A_244], %parallel_loop3A_247 {strides = array<i32>} : memref<80x128xf32, #tpu.memory_space<vmem>>, vector<1x16xf32>,
        %parallel_loop3A_248 = arith.index_cast %parallel_loop3A_225 : i32 to index
        %parallel_loop3A_249 = arith.constant 64 : index
        %parallel_loop3A_250 = tpu.vector_load %arg13[%parallel_loop3A_248, %parallel_loop3A_249] {strides = array<i32>} : memref<80x128xf32, #tpu.memory_space<vmem>>, vector<1x16xf32>,
        %parallel_loop3A_251 = vector.shape_cast %parallel_loop3A_250 : vector<1x16xf32> to vector<16xf32>
        %parallel_loop3A_252 = vector.shape_cast %parallel_loop3A_237 : vector<16xf32> to vector<1x16xf32>
        tpu.vector_store %arg13[%parallel_loop3A_248, %parallel_loop3A_249], %parallel_loop3A_252 {strides = array<i32>} : memref<80x128xf32, #tpu.memory_space<vmem>>, vector<1x16xf32>,
        %parallel_loop3A_253 = arith.index_cast %parallel_loop3A_225 : i32 to index
        %parallel_loop3A_254 = arith.constant 80 : index
        %parallel_loop3A_255 = tpu.vector_load %arg13[%parallel_loop3A_253, %parallel_loop3A_254] {strides = array<i32>} : memref<80x128xf32, #tpu.memory_space<vmem>>, vector<1x16xf32>,
        %parallel_loop3A_256 = vector.shape_cast %parallel_loop3A_255 : vector<1x16xf32> to vector<16xf32>
        %parallel_loop3A_257 = arith.index_cast %parallel_loop3A_225 : i32 to index
        %parallel_loop3A_258 = arith.constant 16 : index
        %parallel_loop3A_259 = tpu.vector_load %arg14[%parallel_loop3A_257, %parallel_loop3A_258] {strides = array<i32>} : memref<80x64xf32, #tpu.memory_space<vmem>>, vector<1x16xf32>,
        %parallel_loop3A_260 = vector.shape_cast %parallel_loop3A_259 : vector<1x16xf32> to vector<16xf32>
        %parallel_loop3A_261 = arith.addf %parallel_loop3A_256, %parallel_loop3A_260 : vector<16xf32>
        %parallel_loop3A_262 = arith.mulf %parallel_loop3A_261, %broadcast_in_dim3A_3 : vector<16xf32>
        %parallel_loop3A_263 = arith.maximumf %parallel_loop3A_261, %parallel_loop3A_262 : vector<16xf32>
        %parallel_loop3A_264 = math.exp %parallel_loop3A_263 : vector<16xf32>
        %parallel_loop3A_265 = arith.index_cast %parallel_loop3A_225 : i32 to index
        %parallel_loop3A_266 = arith.constant 16 : index
        %parallel_loop3A_267 = tpu.vector_load %arg13[%parallel_loop3A_265, %parallel_loop3A_266] {strides = array<i32>} : memref<80x128xf32, #tpu.memory_space<vmem>>, vector<1x16xf32>,
        %parallel_loop3A_268 = vector.shape_cast %parallel_loop3A_267 : vector<1x16xf32> to vector<16xf32>
        %parallel_loop3A_269 = arith.mulf %parallel_loop3A_268, %parallel_loop3A_264 : vector<16xf32>
        %parallel_loop3A_270 = arith.index_cast %parallel_loop3A_225 : i32 to index
        %parallel_loop3A_271 = arith.constant 16 : index
        %parallel_loop3A_272 = tpu.vector_load %arg13[%parallel_loop3A_270, %parallel_loop3A_271] {strides = array<i32>} : memref<80x128xf32, #tpu.memory_space<vmem>>, vector<1x16xf32>,
        %parallel_loop3A_273 = vector.shape_cast %parallel_loop3A_272 : vector<1x16xf32> to vector<16xf32>
        %parallel_loop3A_274 = vector.shape_cast %parallel_loop3A_269 : vector<16xf32> to vector<1x16xf32>
        tpu.vector_store %arg13[%parallel_loop3A_270, %parallel_loop3A_271], %parallel_loop3A_274 {strides = array<i32>} : memref<80x128xf32, #tpu.memory_space<vmem>>, vector<1x16xf32>,
        %parallel_loop3A_275 = arith.index_cast %parallel_loop3A_225 : i32 to index
        %parallel_loop3A_276 = arith.constant 80 : index
        %parallel_loop3A_277 = tpu.vector_load %arg13[%parallel_loop3A_275, %parallel_loop3A_276] {strides = array<i32>} : memref<80x128xf32, #tpu.memory_space<vmem>>, vector<1x16xf32>,
        %parallel_loop3A_278 = vector.shape_cast %parallel_loop3A_277 : vector<1x16xf32> to vector<16xf32>
        %parallel_loop3A_279 = vector.shape_cast %parallel_loop3A_264 : vector<16xf32> to vector<1x16xf32>
        tpu.vector_store %arg13[%parallel_loop3A_275, %parallel_loop3A_276], %parallel_loop3A_279 {strides = array<i32>} : memref<80x128xf32, #tpu.memory_space<vmem>>, vector<1x16xf32>,
        %parallel_loop3A_280 = arith.index_cast %parallel_loop3A_225 : i32 to index
        %parallel_loop3A_281 = arith.constant 96 : index
        %parallel_loop3A_282 = tpu.vector_load %arg13[%parallel_loop3A_280, %parallel_loop3A_281] {strides = array<i32>} : memref<80x128xf32, #tpu.memory_space<vmem>>, vector<1x16xf32>,
        %parallel_loop3A_283 = vector.shape_cast %parallel_loop3A_282 : vector<1x16xf32> to vector<16xf32>
        %parallel_loop3A_284 = arith.index_cast %parallel_loop3A_225 : i32 to index
        %parallel_loop3A_285 = arith.constant 32 : index
        %parallel_loop3A_286 = tpu.vector_load %arg14[%parallel_loop3A_284, %parallel_loop3A_285] {strides = array<i32>} : memref<80x64xf32, #tpu.memory_space<vmem>>, vector<1x16xf32>,
        %parallel_loop3A_287 = vector.shape_cast %parallel_loop3A_286 : vector<1x16xf32> to vector<16xf32>
        %parallel_loop3A_288 = arith.addf %parallel_loop3A_283, %parallel_loop3A_287 : vector<16xf32>
        %parallel_loop3A_289 = arith.mulf %parallel_loop3A_288, %broadcast_in_dim3A_3 : vector<16xf32>
        %parallel_loop3A_290 = arith.maximumf %parallel_loop3A_288, %parallel_loop3A_289 : vector<16xf32>
        %parallel_loop3A_291 = math.exp %parallel_loop3A_290 : vector<16xf32>
        %parallel_loop3A_292 = arith.index_cast %parallel_loop3A_225 : i32 to index
        %parallel_loop3A_293 = arith.constant 32 : index
        %parallel_loop3A_294 = tpu.vector_load %arg13[%parallel_loop3A_292, %parallel_loop3A_293] {strides = array<i32>} : memref<80x128xf32, #tpu.memory_space<vmem>>, vector<1x16xf32>,
        %parallel_loop3A_295 = vector.shape_cast %parallel_loop3A_294 : vector<1x16xf32> to vector<16xf32>
        %parallel_loop3A_296 = arith.mulf %parallel_loop3A_295, %parallel_loop3A_291 : vector<16xf32>
        %parallel_loop3A_297 = arith.index_cast %parallel_loop3A_225 : i32 to index
        %parallel_loop3A_298 = arith.constant 32 : index
        %parallel_loop3A_299 = tpu.vector_load %arg13[%parallel_loop3A_297, %parallel_loop3A_298] {strides = array<i32>} : memref<80x128xf32, #tpu.memory_space<vmem>>, vector<1x16xf32>,
        %parallel_loop3A_300 = vector.shape_cast %parallel_loop3A_299 : vector<1x16xf32> to vector<16xf32>
        %parallel_loop3A_301 = vector.shape_cast %parallel_loop3A_296 : vector<16xf32> to vector<1x16xf32>
        tpu.vector_store %arg13[%parallel_loop3A_297, %parallel_loop3A_298], %parallel_loop3A_301 {strides = array<i32>} : memref<80x128xf32, #tpu.memory_space<vmem>>, vector<1x16xf32>,
        %parallel_loop3A_302 = arith.index_cast %parallel_loop3A_225 : i32 to index
        %parallel_loop3A_303 = arith.constant 96 : index
        %parallel_loop3A_304 = tpu.vector_load %arg13[%parallel_loop3A_302, %parallel_loop3A_303] {strides = array<i32>} : memref<80x128xf32, #tpu.memory_space<vmem>>, vector<1x16xf32>,
        %parallel_loop3A_305 = vector.shape_cast %parallel_loop3A_304 : vector<1x16xf32> to vector<16xf32>
        %parallel_loop3A_306 = vector.shape_cast %parallel_loop3A_291 : vector<16xf32> to vector<1x16xf32>
        tpu.vector_store %arg13[%parallel_loop3A_302, %parallel_loop3A_303], %parallel_loop3A_306 {strides = array<i32>} : memref<80x128xf32, #tpu.memory_space<vmem>>, vector<1x16xf32>,
        %parallel_loop3A_307 = arith.index_cast %parallel_loop3A_225 : i32 to index
        %parallel_loop3A_308 = arith.constant 112 : index
        %parallel_loop3A_309 = tpu.vector_load %arg13[%parallel_loop3A_307, %parallel_loop3A_308] {strides = array<i32>} : memref<80x128xf32, #tpu.memory_space<vmem>>, vector<1x16xf32>,
        %parallel_loop3A_310 = vector.shape_cast %parallel_loop3A_309 : vector<1x16xf32> to vector<16xf32>
        %parallel_loop3A_311 = arith.index_cast %parallel_loop3A_225 : i32 to index
        %parallel_loop3A_312 = arith.constant 48 : index
        %parallel_loop3A_313 = tpu.vector_load %arg14[%parallel_loop3A_311, %parallel_loop3A_312] {strides = array<i32>} : memref<80x64xf32, #tpu.memory_space<vmem>>, vector<1x16xf32>,
        %parallel_loop3A_314 = vector.shape_cast %parallel_loop3A_313 : vector<1x16xf32> to vector<16xf32>
        %parallel_loop3A_315 = arith.addf %parallel_loop3A_310, %parallel_loop3A_314 : vector<16xf32>
        %parallel_loop3A_316 = arith.mulf %parallel_loop3A_315, %broadcast_in_dim3A_3 : vector<16xf32>
        %parallel_loop3A_317 = arith.maximumf %parallel_loop3A_315, %parallel_loop3A_316 : vector<16xf32>
        %parallel_loop3A_318 = math.exp %parallel_loop3A_317 : vector<16xf32>
        %parallel_loop3A_319 = arith.index_cast %parallel_loop3A_225 : i32 to index
        %parallel_loop3A_320 = arith.constant 48 : index
        %parallel_loop3A_321 = tpu.vector_load %arg13[%parallel_loop3A_319, %parallel_loop3A_320] {strides = array<i32>} : memref<80x128xf32, #tpu.memory_space<vmem>>, vector<1x16xf32>,
        %parallel_loop3A_322 = vector.shape_cast %parallel_loop3A_321 : vector<1x16xf32> to vector<16xf32>
        %parallel_loop3A_323 = arith.mulf %parallel_loop3A_322, %parallel_loop3A_318 : vector<16xf32>
        %parallel_loop3A_324 = arith.index_cast %parallel_loop3A_225 : i32 to index
        %parallel_loop3A_325 = arith.constant 48 : index
        %parallel_loop3A_326 = tpu.vector_load %arg13[%parallel_loop3A_324, %parallel_loop3A_325] {strides = array<i32>} : memref<80x128xf32, #tpu.memory_space<vmem>>, vector<1x16xf32>,
        %parallel_loop3A_327 = vector.shape_cast %parallel_loop3A_326 : vector<1x16xf32> to vector<16xf32>
        %parallel_loop3A_328 = vector.shape_cast %parallel_loop3A_323 : vector<16xf32> to vector<1x16xf32>
        tpu.vector_store %arg13[%parallel_loop3A_324, %parallel_loop3A_325], %parallel_loop3A_328 {strides = array<i32>} : memref<80x128xf32, #tpu.memory_space<vmem>>, vector<1x16xf32>,
        %parallel_loop3A_329 = arith.index_cast %parallel_loop3A_225 : i32 to index
        %parallel_loop3A_330 = arith.constant 112 : index
        %parallel_loop3A_331 = tpu.vector_load %arg13[%parallel_loop3A_329, %parallel_loop3A_330] {strides = array<i32>} : memref<80x128xf32, #tpu.memory_space<vmem>>, vector<1x16xf32>,
        %parallel_loop3A_332 = vector.shape_cast %parallel_loop3A_331 : vector<1x16xf32> to vector<16xf32>
        %parallel_loop3A_333 = vector.shape_cast %parallel_loop3A_318 : vector<16xf32> to vector<1x16xf32>
        tpu.vector_store %arg13[%parallel_loop3A_329, %parallel_loop3A_330], %parallel_loop3A_333 {strides = array<i32>} : memref<80x128xf32, #tpu.memory_space<vmem>>, vector<1x16xf32>,
      } {sc.loop_unroll_factor = 4 : i64, sc.parallel_access}
      "tpu.region"() ({
        %run_scoped3A = tpu.sem_alloc : memref<!tpu.dma_semaphore, #tpu.memory_space<semaphore_mem>>
        %dma_start3A_225 = arith.constant 0 : i32
        %dma_start3A_226 = arith.constant 0 : i32
        %dma_start3A_227 = tpu.memref_slice %arg15[%dma_start3A_225, %dma_start3A_226] : memref<10240x128xf32, #tpu.memory_space<vmem_shared>> -> memref<10240x128xf32, #tpu.memory_space<vmem_shared>>
        tpu.enqueue_indirect_dma source(%arg13 : memref<80x128xf32, #tpu.memory_space<vmem>>) target(%dma_start3A_227 : memref<10240x128xf32, #tpu.memory_space<vmem_shared>>) offsets(%arg10 : memref<80xi32, #tpu.memory_space<vmem>>) semaphore(%run_scoped3A : memref<!tpu.dma_semaphore, #tpu.memory_space<semaphore_mem>>) {add = true}
        %dma_wait3A_228 = arith.constant 0 : i32
        %dma_wait3A_229 = arith.constant 0 : i32
        %dma_wait3A_230 = tpu.memref_slice %arg15[%dma_wait3A_228, %dma_wait3A_229] : memref<10240x128xf32, #tpu.memory_space<vmem_shared>> -> memref<10240x128xf32, #tpu.memory_space<vmem_shared>>
        tpu.wait_indirect_dma semaphore(%run_scoped3A : memref<!tpu.dma_semaphore, #tpu.memory_space<semaphore_mem>>) src(%arg13 : memref<80x128xf32, #tpu.memory_space<vmem>>) dst(%dma_wait3A_230 : memref<10240x128xf32, #tpu.memory_space<vmem_shared>>)
        tpu.yield
      }) : () -> ()
      %add3A_209 = arith.constant 2 : i32
      %add3A_210 = arith.addi %add3A_189, %add3A_209 : i32
      %sub3A_211 = arith.constant 1 : i32
      %sub3A_212 = arith.subi %add3A_7, %sub3A_211 : i32
      %min3A_213 = arith.minsi %add3A_210, %sub3A_212 : i32
      %mul3A_214 = arith.constant 80 : i32
      %mul3A_215 = arith.muli %min3A_213, %mul3A_214 : i32
      %add3A_216 = arith.addi %mul3A_15, %mul3A_215 : i32
      %dma_start3A_217 = tpu.memref_slice %arg4[%add3A_216] : memref<327680xi32, #tpu.memory_space<hbm>> -> memref<80xi32, #tpu.memory_space<hbm>>
      %dma_start3A_218 = tpu.memref_slice %arg4[%add3A_216] : memref<327680xi32, #tpu.memory_space<hbm>> -> memref<80xi32, #tpu.memory_space<hbm>>
      tpu.enqueue_dma source(%dma_start3A_218 : memref<80xi32, #tpu.memory_space<hbm>>) target(%arg9 : memref<80xi32, #tpu.memory_space<vmem>>) target_semaphore(%arg21 : memref<!tpu.dma_semaphore, #tpu.memory_space<semaphore_mem>>)
      %mul3A_219 = arith.constant 80 : i32
      %mul3A_220 = arith.muli %min3A_213, %mul3A_219 : i32
      %add3A_221 = arith.addi %mul3A_15, %mul3A_220 : i32
      %dma_start3A_222 = tpu.memref_slice %arg5[%add3A_221] : memref<327680xi32, #tpu.memory_space<hbm>> -> memref<80xi32, #tpu.memory_space<hbm>>
      %dma_start3A_223 = tpu.memref_slice %arg5[%add3A_221] : memref<327680xi32, #tpu.memory_space<hbm>> -> memref<80xi32, #tpu.memory_space<hbm>>
      tpu.enqueue_dma source(%dma_start3A_223 : memref<80xi32, #tpu.memory_space<hbm>>) target(%arg10 : memref<80xi32, #tpu.memory_space<vmem>>) target_semaphore(%arg21 : memref<!tpu.dma_semaphore, #tpu.memory_space<semaphore_mem>>)
      %while3A_224 = arith.constant 0 : i32
      scf.yield %while3A_224 : i32
    }
    %dma_wait3A_105 = arith.constant 0 : i32
    %dma_wait3A_106 = arith.constant 0 : i32
    %dma_wait3A_107 = tpu.memref_slice %arg2[%dma_wait3A_105, %dma_wait3A_106] : memref<10240x128xf32, #tpu.memory_space<hbm>> -> memref<10240x128xf32, #tpu.memory_space<hbm>>
    tpu.wait_indirect_dma semaphore(%arg16 : memref<!tpu.dma_semaphore, #tpu.memory_space<semaphore_mem>>) src(%dma_wait3A_107 : memref<10240x128xf32, #tpu.memory_space<hbm>>) dst(%arg11 : memref<80x128xf32, #tpu.memory_space<vmem>>)
    %dma_wait3A_108 = arith.constant 0 : i32
    %dma_wait3A_109 = arith.constant 0 : i32
    %dma_wait3A_110 = tpu.memref_slice %arg3[%dma_wait3A_108, %dma_wait3A_109] : memref<10240x64xf32, #tpu.memory_space<hbm>> -> memref<10240x64xf32, #tpu.memory_space<hbm>>
    tpu.wait_indirect_dma semaphore(%arg17 : memref<!tpu.dma_semaphore, #tpu.memory_space<semaphore_mem>>) src(%dma_wait3A_110 : memref<10240x64xf32, #tpu.memory_space<hbm>>) dst(%arg12 : memref<80x64xf32, #tpu.memory_space<vmem>>)
    %dma_wait3A_111 = tpu.memref_slice %arg4[%mul3A_15] : memref<327680xi32, #tpu.memory_space<hbm>> -> memref<80xi32, #tpu.memory_space<hbm>>
    %dma_wait3A_112 = tpu.memref_slice %arg4[%mul3A_15] : memref<327680xi32, #tpu.memory_space<hbm>> -> memref<80xi32, #tpu.memory_space<hbm>>
    tpu.wait_dma2 semaphore(%arg21 : memref<!tpu.dma_semaphore, #tpu.memory_space<semaphore_mem>>) src(%dma_wait3A_112 : memref<80xi32, #tpu.memory_space<hbm>>) dst(%arg9 : memref<80xi32, #tpu.memory_space<vmem>>)
    %dma_wait3A_113 = tpu.memref_slice %arg5[%mul3A_15] : memref<327680xi32, #tpu.memory_space<hbm>> -> memref<80xi32, #tpu.memory_space<hbm>>
    %dma_wait3A_114 = tpu.memref_slice %arg5[%mul3A_15] : memref<327680xi32, #tpu.memory_space<hbm>> -> memref<80xi32, #tpu.memory_space<hbm>>
    tpu.wait_dma2 semaphore(%arg21 : memref<!tpu.dma_semaphore, #tpu.memory_space<semaphore_mem>>) src(%dma_wait3A_114 : memref<80xi32, #tpu.memory_space<hbm>>) dst(%arg10 : memref<80xi32, #tpu.memory_space<vmem>>)
    %barrier3A_115 = arith.constant 0 : index
    tpu.barrier barrier_id(%barrier3A_115)
    %mul3A_116 = arith.constant 640 : i32
    %mul3A_117 = arith.muli %arg1, %mul3A_116 : i32
    %add3A_118 = arith.constant 0 : i32
    %add3A_119 = arith.addi %mul3A_117, %add3A_118 : i32
    "tpu.region"() ({
      %run_scoped3A = tpu.sem_alloc : memref<!tpu.dma_semaphore, #tpu.memory_space<semaphore_mem>>
      %dma_start3A_148 = arith.constant 0 : i32
      %dma_start3A_149 = tpu.memref_slice %arg6[%arg0, %add3A_119, %dma_start3A_148] : memref<2x10240x128xf32, #tpu.memory_space<hbm>> -> memref<1x80x128xf32, #tpu.memory_space<hbm>>
      %dma_start3A_150 = tpu.memref_squeeze %dma_start3A_149 : memref<1x80x128xf32, #tpu.memory_space<hbm>> -> memref<80x128xf32, #tpu.memory_space<hbm>>
      %dma_start3A_151 = arith.constant 0 : i32
      %dma_start3A_152 = tpu.memref_slice %arg15[%add3A_119, %dma_start3A_151] : memref<10240x128xf32, #tpu.memory_space<vmem_shared>> -> memref<80x128xf32, #tpu.memory_space<vmem_shared>>
      tpu.enqueue_dma source(%dma_start3A_152 : memref<80x128xf32, #tpu.memory_space<vmem_shared>>) target(%dma_start3A_150 : memref<80x128xf32, #tpu.memory_space<hbm>>) target_semaphore(%run_scoped3A : memref<!tpu.dma_semaphore, #tpu.memory_space<semaphore_mem>>)
      %dma_wait3A_153 = arith.constant 0 : i32
      %dma_wait3A_154 = tpu.memref_slice %arg6[%arg0, %add3A_119, %dma_wait3A_153] : memref<2x10240x128xf32, #tpu.memory_space<hbm>> -> memref<1x80x128xf32, #tpu.memory_space<hbm>>
      %dma_wait3A_155 = tpu.memref_squeeze %dma_wait3A_154 : memref<1x80x128xf32, #tpu.memory_space<hbm>> -> memref<80x128xf32, #tpu.memory_space<hbm>>
      %dma_wait3A_156 = arith.constant 0 : i32
      %dma_wait3A_157 = tpu.memref_slice %arg15[%add3A_119, %dma_wait3A_156] : memref<10240x128xf32, #tpu.memory_space<vmem_shared>> -> memref<80x128xf32, #tpu.memory_space<vmem_shared>>
      tpu.wait_dma2 semaphore(%run_scoped3A : memref<!tpu.dma_semaphore, #tpu.memory_space<semaphore_mem>>) src(%dma_wait3A_157 : memref<80x128xf32, #tpu.memory_space<vmem_shared>>) dst(%dma_wait3A_155 : memref<80x128xf32, #tpu.memory_space<hbm>>)
      tpu.yield
    }) : () -> ()
    %mul3A_120 = arith.constant 640 : i32
    %mul3A_121 = arith.muli %arg1, %mul3A_120 : i32
    %add3A_122 = arith.constant 80 : i32
    %add3A_123 = arith.addi %mul3A_121, %add3A_122 : i32
    "tpu.region"() ({
      %run_scoped3A = tpu.sem_alloc : memref<!tpu.dma_semaphore, #tpu.memory_space<semaphore_mem>>
      %dma_start3A_148 = arith.constant 0 : i32
      %dma_start3A_149 = tpu.memref_slice %arg6[%arg0, %add3A_123, %dma_start3A_148] : memref<2x10240x128xf32, #tpu.memory_space<hbm>> -> memref<1x80x128xf32, #tpu.memory_space<hbm>>
      %dma_start3A_150 = tpu.memref_squeeze %dma_start3A_149 : memref<1x80x128xf32, #tpu.memory_space<hbm>> -> memref<80x128xf32, #tpu.memory_space<hbm>>
      %dma_start3A_151 = arith.constant 0 : i32
      %dma_start3A_152 = tpu.memref_slice %arg15[%add3A_123, %dma_start3A_151] : memref<10240x128xf32, #tpu.memory_space<vmem_shared>> -> memref<80x128xf32, #tpu.memory_space<vmem_shared>>
      tpu.enqueue_dma source(%dma_start3A_152 : memref<80x128xf32, #tpu.memory_space<vmem_shared>>) target(%dma_start3A_150 : memref<80x128xf32, #tpu.memory_space<hbm>>) target_semaphore(%run_scoped3A : memref<!tpu.dma_semaphore, #tpu.memory_space<semaphore_mem>>)
      %dma_wait3A_153 = arith.constant 0 : i32
      %dma_wait3A_154 = tpu.memref_slice %arg6[%arg0, %add3A_123, %dma_wait3A_153] : memref<2x10240x128xf32, #tpu.memory_space<hbm>> -> memref<1x80x128xf32, #tpu.memory_space<hbm>>
      %dma_wait3A_155 = tpu.memref_squeeze %dma_wait3A_154 : memref<1x80x128xf32, #tpu.memory_space<hbm>> -> memref<80x128xf32, #tpu.memory_space<hbm>>
      %dma_wait3A_156 = arith.constant 0 : i32
      %dma_wait3A_157 = tpu.memref_slice %arg15[%add3A_123, %dma_wait3A_156] : memref<10240x128xf32, #tpu.memory_space<vmem_shared>> -> memref<80x128xf32, #tpu.memory_space<vmem_shared>>
      tpu.wait_dma2 semaphore(%run_scoped3A : memref<!tpu.dma_semaphore, #tpu.memory_space<semaphore_mem>>) src(%dma_wait3A_157 : memref<80x128xf32, #tpu.memory_space<vmem_shared>>) dst(%dma_wait3A_155 : memref<80x128xf32, #tpu.memory_space<hbm>>)
      tpu.yield
    }) : () -> ()
    %mul3A_124 = arith.constant 640 : i32
    %mul3A_125 = arith.muli %arg1, %mul3A_124 : i32
    %add3A_126 = arith.constant 160 : i32
    %add3A_127 = arith.addi %mul3A_125, %add3A_126 : i32
    "tpu.region"() ({
      %run_scoped3A = tpu.sem_alloc : memref<!tpu.dma_semaphore, #tpu.memory_space<semaphore_mem>>
      %dma_start3A_148 = arith.constant 0 : i32
      %dma_start3A_149 = tpu.memref_slice %arg6[%arg0, %add3A_127, %dma_start3A_148] : memref<2x10240x128xf32, #tpu.memory_space<hbm>> -> memref<1x80x128xf32, #tpu.memory_space<hbm>>
      %dma_start3A_150 = tpu.memref_squeeze %dma_start3A_149 : memref<1x80x128xf32, #tpu.memory_space<hbm>> -> memref<80x128xf32, #tpu.memory_space<hbm>>
      %dma_start3A_151 = arith.constant 0 : i32
      %dma_start3A_152 = tpu.memref_slice %arg15[%add3A_127, %dma_start3A_151] : memref<10240x128xf32, #tpu.memory_space<vmem_shared>> -> memref<80x128xf32, #tpu.memory_space<vmem_shared>>
      tpu.enqueue_dma source(%dma_start3A_152 : memref<80x128xf32, #tpu.memory_space<vmem_shared>>) target(%dma_start3A_150 : memref<80x128xf32, #tpu.memory_space<hbm>>) target_semaphore(%run_scoped3A : memref<!tpu.dma_semaphore, #tpu.memory_space<semaphore_mem>>)
      %dma_wait3A_153 = arith.constant 0 : i32
      %dma_wait3A_154 = tpu.memref_slice %arg6[%arg0, %add3A_127, %dma_wait3A_153] : memref<2x10240x128xf32, #tpu.memory_space<hbm>> -> memref<1x80x128xf32, #tpu.memory_space<hbm>>
      %dma_wait3A_155 = tpu.memref_squeeze %dma_wait3A_154 : memref<1x80x128xf32, #tpu.memory_space<hbm>> -> memref<80x128xf32, #tpu.memory_space<hbm>>
      %dma_wait3A_156 = arith.constant 0 : i32
      %dma_wait3A_157 = tpu.memref_slice %arg15[%add3A_127, %dma_wait3A_156] : memref<10240x128xf32, #tpu.memory_space<vmem_shared>> -> memref<80x128xf32, #tpu.memory_space<vmem_shared>>
      tpu.wait_dma2 semaphore(%run_scoped3A : memref<!tpu.dma_semaphore, #tpu.memory_space<semaphore_mem>>) src(%dma_wait3A_157 : memref<80x128xf32, #tpu.memory_space<vmem_shared>>) dst(%dma_wait3A_155 : memref<80x128xf32, #tpu.memory_space<hbm>>)
      tpu.yield
    }) : () -> ()
    %mul3A_128 = arith.constant 640 : i32
    %mul3A_129 = arith.muli %arg1, %mul3A_128 : i32
    %add3A_130 = arith.constant 240 : i32
    %add3A_131 = arith.addi %mul3A_129, %add3A_130 : i32
    "tpu.region"() ({
      %run_scoped3A = tpu.sem_alloc : memref<!tpu.dma_semaphore, #tpu.memory_space<semaphore_mem>>
      %dma_start3A_148 = arith.constant 0 : i32
      %dma_start3A_149 = tpu.memref_slice %arg6[%arg0, %add3A_131, %dma_start3A_148] : memref<2x10240x128xf32, #tpu.memory_space<hbm>> -> memref<1x80x128xf32, #tpu.memory_space<hbm>>
      %dma_start3A_150 = tpu.memref_squeeze %dma_start3A_149 : memref<1x80x128xf32, #tpu.memory_space<hbm>> -> memref<80x128xf32, #tpu.memory_space<hbm>>
      %dma_start3A_151 = arith.constant 0 : i32
      %dma_start3A_152 = tpu.memref_slice %arg15[%add3A_131, %dma_start3A_151] : memref<10240x128xf32, #tpu.memory_space<vmem_shared>> -> memref<80x128xf32, #tpu.memory_space<vmem_shared>>
      tpu.enqueue_dma source(%dma_start3A_152 : memref<80x128xf32, #tpu.memory_space<vmem_shared>>) target(%dma_start3A_150 : memref<80x128xf32, #tpu.memory_space<hbm>>) target_semaphore(%run_scoped3A : memref<!tpu.dma_semaphore, #tpu.memory_space<semaphore_mem>>)
      %dma_wait3A_153 = arith.constant 0 : i32
      %dma_wait3A_154 = tpu.memref_slice %arg6[%arg0, %add3A_131, %dma_wait3A_153] : memref<2x10240x128xf32, #tpu.memory_space<hbm>> -> memref<1x80x128xf32, #tpu.memory_space<hbm>>
      %dma_wait3A_155 = tpu.memref_squeeze %dma_wait3A_154 : memref<1x80x128xf32, #tpu.memory_space<hbm>> -> memref<80x128xf32, #tpu.memory_space<hbm>>
      %dma_wait3A_156 = arith.constant 0 : i32
      %dma_wait3A_157 = tpu.memref_slice %arg15[%add3A_131, %dma_wait3A_156] : memref<10240x128xf32, #tpu.memory_space<vmem_shared>> -> memref<80x128xf32, #tpu.memory_space<vmem_shared>>
      tpu.wait_dma2 semaphore(%run_scoped3A : memref<!tpu.dma_semaphore, #tpu.memory_space<semaphore_mem>>) src(%dma_wait3A_157 : memref<80x128xf32, #tpu.memory_space<vmem_shared>>) dst(%dma_wait3A_155 : memref<80x128xf32, #tpu.memory_space<hbm>>)
      tpu.yield
    }) : () -> ()
    %mul3A_132 = arith.constant 640 : i32
    %mul3A_133 = arith.muli %arg1, %mul3A_132 : i32
    %add3A_134 = arith.constant 320 : i32
    %add3A_135 = arith.addi %mul3A_133, %add3A_134 : i32
    "tpu.region"() ({
      %run_scoped3A = tpu.sem_alloc : memref<!tpu.dma_semaphore, #tpu.memory_space<semaphore_mem>>
      %dma_start3A_148 = arith.constant 0 : i32
      %dma_start3A_149 = tpu.memref_slice %arg6[%arg0, %add3A_135, %dma_start3A_148] : memref<2x10240x128xf32, #tpu.memory_space<hbm>> -> memref<1x80x128xf32, #tpu.memory_space<hbm>>
      %dma_start3A_150 = tpu.memref_squeeze %dma_start3A_149 : memref<1x80x128xf32, #tpu.memory_space<hbm>> -> memref<80x128xf32, #tpu.memory_space<hbm>>
      %dma_start3A_151 = arith.constant 0 : i32
      %dma_start3A_152 = tpu.memref_slice %arg15[%add3A_135, %dma_start3A_151] : memref<10240x128xf32, #tpu.memory_space<vmem_shared>> -> memref<80x128xf32, #tpu.memory_space<vmem_shared>>
      tpu.enqueue_dma source(%dma_start3A_152 : memref<80x128xf32, #tpu.memory_space<vmem_shared>>) target(%dma_start3A_150 : memref<80x128xf32, #tpu.memory_space<hbm>>) target_semaphore(%run_scoped3A : memref<!tpu.dma_semaphore, #tpu.memory_space<semaphore_mem>>)
      %dma_wait3A_153 = arith.constant 0 : i32
      %dma_wait3A_154 = tpu.memref_slice %arg6[%arg0, %add3A_135, %dma_wait3A_153] : memref<2x10240x128xf32, #tpu.memory_space<hbm>> -> memref<1x80x128xf32, #tpu.memory_space<hbm>>
      %dma_wait3A_155 = tpu.memref_squeeze %dma_wait3A_154 : memref<1x80x128xf32, #tpu.memory_space<hbm>> -> memref<80x128xf32, #tpu.memory_space<hbm>>
      %dma_wait3A_156 = arith.constant 0 : i32
      %dma_wait3A_157 = tpu.memref_slice %arg15[%add3A_135, %dma_wait3A_156] : memref<10240x128xf32, #tpu.memory_space<vmem_shared>> -> memref<80x128xf32, #tpu.memory_space<vmem_shared>>
      tpu.wait_dma2 semaphore(%run_scoped3A : memref<!tpu.dma_semaphore, #tpu.memory_space<semaphore_mem>>) src(%dma_wait3A_157 : memref<80x128xf32, #tpu.memory_space<vmem_shared>>) dst(%dma_wait3A_155 : memref<80x128xf32, #tpu.memory_space<hbm>>)
      tpu.yield
    }) : () -> ()
    %mul3A_136 = arith.constant 640 : i32
    %mul3A_137 = arith.muli %arg1, %mul3A_136 : i32
    %add3A_138 = arith.constant 400 : i32
    %add3A_139 = arith.addi %mul3A_137, %add3A_138 : i32
    "tpu.region"() ({
      %run_scoped3A = tpu.sem_alloc : memref<!tpu.dma_semaphore, #tpu.memory_space<semaphore_mem>>
      %dma_start3A_148 = arith.constant 0 : i32
      %dma_start3A_149 = tpu.memref_slice %arg6[%arg0, %add3A_139, %dma_start3A_148] : memref<2x10240x128xf32, #tpu.memory_space<hbm>> -> memref<1x80x128xf32, #tpu.memory_space<hbm>>
      %dma_start3A_150 = tpu.memref_squeeze %dma_start3A_149 : memref<1x80x128xf32, #tpu.memory_space<hbm>> -> memref<80x128xf32, #tpu.memory_space<hbm>>
      %dma_start3A_151 = arith.constant 0 : i32
      %dma_start3A_152 = tpu.memref_slice %arg15[%add3A_139, %dma_start3A_151] : memref<10240x128xf32, #tpu.memory_space<vmem_shared>> -> memref<80x128xf32, #tpu.memory_space<vmem_shared>>
      tpu.enqueue_dma source(%dma_start3A_152 : memref<80x128xf32, #tpu.memory_space<vmem_shared>>) target(%dma_start3A_150 : memref<80x128xf32, #tpu.memory_space<hbm>>) target_semaphore(%run_scoped3A : memref<!tpu.dma_semaphore, #tpu.memory_space<semaphore_mem>>)
      %dma_wait3A_153 = arith.constant 0 : i32
      %dma_wait3A_154 = tpu.memref_slice %arg6[%arg0, %add3A_139, %dma_wait3A_153] : memref<2x10240x128xf32, #tpu.memory_space<hbm>> -> memref<1x80x128xf32, #tpu.memory_space<hbm>>
      %dma_wait3A_155 = tpu.memref_squeeze %dma_wait3A_154 : memref<1x80x128xf32, #tpu.memory_space<hbm>> -> memref<80x128xf32, #tpu.memory_space<hbm>>
      %dma_wait3A_156 = arith.constant 0 : i32
      %dma_wait3A_157 = tpu.memref_slice %arg15[%add3A_139, %dma_wait3A_156] : memref<10240x128xf32, #tpu.memory_space<vmem_shared>> -> memref<80x128xf32, #tpu.memory_space<vmem_shared>>
      tpu.wait_dma2 semaphore(%run_scoped3A : memref<!tpu.dma_semaphore, #tpu.memory_space<semaphore_mem>>) src(%dma_wait3A_157 : memref<80x128xf32, #tpu.memory_space<vmem_shared>>) dst(%dma_wait3A_155 : memref<80x128xf32, #tpu.memory_space<hbm>>)
      tpu.yield
    }) : () -> ()
    %mul3A_140 = arith.constant 640 : i32
    %mul3A_141 = arith.muli %arg1, %mul3A_140 : i32
    %add3A_142 = arith.constant 480 : i32
    %add3A_143 = arith.addi %mul3A_141, %add3A_142 : i32
    "tpu.region"() ({
      %run_scoped3A = tpu.sem_alloc : memref<!tpu.dma_semaphore, #tpu.memory_space<semaphore_mem>>
      %dma_start3A_148 = arith.constant 0 : i32
      %dma_start3A_149 = tpu.memref_slice %arg6[%arg0, %add3A_143, %dma_start3A_148] : memref<2x10240x128xf32, #tpu.memory_space<hbm>> -> memref<1x80x128xf32, #tpu.memory_space<hbm>>
      %dma_start3A_150 = tpu.memref_squeeze %dma_start3A_149 : memref<1x80x128xf32, #tpu.memory_space<hbm>> -> memref<80x128xf32, #tpu.memory_space<hbm>>
      %dma_start3A_151 = arith.constant 0 : i32
      %dma_start3A_152 = tpu.memref_slice %arg15[%add3A_143, %dma_start3A_151] : memref<10240x128xf32, #tpu.memory_space<vmem_shared>> -> memref<80x128xf32, #tpu.memory_space<vmem_shared>>
      tpu.enqueue_dma source(%dma_start3A_152 : memref<80x128xf32, #tpu.memory_space<vmem_shared>>) target(%dma_start3A_150 : memref<80x128xf32, #tpu.memory_space<hbm>>) target_semaphore(%run_scoped3A : memref<!tpu.dma_semaphore, #tpu.memory_space<semaphore_mem>>)
      %dma_wait3A_153 = arith.constant 0 : i32
      %dma_wait3A_154 = tpu.memref_slice %arg6[%arg0, %add3A_143, %dma_wait3A_153] : memref<2x10240x128xf32, #tpu.memory_space<hbm>> -> memref<1x80x128xf32, #tpu.memory_space<hbm>>
      %dma_wait3A_155 = tpu.memref_squeeze %dma_wait3A_154 : memref<1x80x128xf32, #tpu.memory_space<hbm>> -> memref<80x128xf32, #tpu.memory_space<hbm>>
      %dma_wait3A_156 = arith.constant 0 : i32
      %dma_wait3A_157 = tpu.memref_slice %arg15[%add3A_143, %dma_wait3A_156] : memref<10240x128xf32, #tpu.memory_space<vmem_shared>> -> memref<80x128xf32, #tpu.memory_space<vmem_shared>>
      tpu.wait_dma2 semaphore(%run_scoped3A : memref<!tpu.dma_semaphore, #tpu.memory_space<semaphore_mem>>) src(%dma_wait3A_157 : memref<80x128xf32, #tpu.memory_space<vmem_shared>>) dst(%dma_wait3A_155 : memref<80x128xf32, #tpu.memory_space<hbm>>)
      tpu.yield
    }) : () -> ()
    %mul3A_144 = arith.constant 640 : i32
    %mul3A_145 = arith.muli %arg1, %mul3A_144 : i32
    %add3A_146 = arith.constant 560 : i32
    %add3A_147 = arith.addi %mul3A_145, %add3A_146 : i32
    "tpu.region"() ({
      %run_scoped3A = tpu.sem_alloc : memref<!tpu.dma_semaphore, #tpu.memory_space<semaphore_mem>>
      %dma_start3A_148 = arith.constant 0 : i32
      %dma_start3A_149 = tpu.memref_slice %arg6[%arg0, %add3A_147, %dma_start3A_148] : memref<2x10240x128xf32, #tpu.memory_space<hbm>> -> memref<1x80x128xf32, #tpu.memory_space<hbm>>
      %dma_start3A_150 = tpu.memref_squeeze %dma_start3A_149 : memref<1x80x128xf32, #tpu.memory_space<hbm>> -> memref<80x128xf32, #tpu.memory_space<hbm>>
      %dma_start3A_151 = arith.constant 0 : i32
      %dma_start3A_152 = tpu.memref_slice %arg15[%add3A_147, %dma_start3A_151] : memref<10240x128xf32, #tpu.memory_space<vmem_shared>> -> memref<80x128xf32, #tpu.memory_space<vmem_shared>>
      tpu.enqueue_dma source(%dma_start3A_152 : memref<80x128xf32, #tpu.memory_space<vmem_shared>>) target(%dma_start3A_150 : memref<80x128xf32, #tpu.memory_space<hbm>>) target_semaphore(%run_scoped3A : memref<!tpu.dma_semaphore, #tpu.memory_space<semaphore_mem>>)
      %dma_wait3A_153 = arith.constant 0 : i32
      %dma_wait3A_154 = tpu.memref_slice %arg6[%arg0, %add3A_147, %dma_wait3A_153] : memref<2x10240x128xf32, #tpu.memory_space<hbm>> -> memref<1x80x128xf32, #tpu.memory_space<hbm>>
      %dma_wait3A_155 = tpu.memref_squeeze %dma_wait3A_154 : memref<1x80x128xf32, #tpu.memory_space<hbm>> -> memref<80x128xf32, #tpu.memory_space<hbm>>
      %dma_wait3A_156 = arith.constant 0 : i32
      %dma_wait3A_157 = tpu.memref_slice %arg15[%add3A_147, %dma_wait3A_156] : memref<10240x128xf32, #tpu.memory_space<vmem_shared>> -> memref<80x128xf32, #tpu.memory_space<vmem_shared>>
      tpu.wait_dma2 semaphore(%run_scoped3A : memref<!tpu.dma_semaphore, #tpu.memory_space<semaphore_mem>>) src(%dma_wait3A_157 : memref<80x128xf32, #tpu.memory_space<vmem_shared>>) dst(%dma_wait3A_155 : memref<80x128xf32, #tpu.memory_space<hbm>>)
      tpu.yield
    }) : () -> ()
    return
  }
}

#map = affine_map<(d0, d1) -> (0, 0)>
#map1 = affine_map<(d0, d1) -> (0)>
#map2 = affine_map<(d0, d1) -> (0, 0, 0)>
module attributes {stable_mosaic.version = 14 : i64} {
  func.func @k(%arg0: i32, %arg1: i32, %arg2: memref<10240x64xf32, #tpu.memory_space<hbm>>, %arg3: memref<10240x16xf32, #tpu.memory_space<hbm>>, %arg4: memref<327680xi32, #tpu.memory_space<hbm>>, %arg5: memref<327680xi32, #tpu.memory_space<hbm>>, %arg6: memref<2x10240x48xf32, #tpu.memory_space<hbm>>, %arg7: memref<80xi32, #tpu.memory_space<vmem>>, %arg8: memref<80xi32, #tpu.memory_space<vmem>>, %arg9: memref<80xi32, #tpu.memory_space<vmem>>, %arg10: memref<80xi32, #tpu.memory_space<vmem>>, %arg11: memref<80x64xf32, #tpu.memory_space<vmem>>, %arg12: memref<80x16xf32, #tpu.memory_space<vmem>>, %arg13: memref<80x64xf32, #tpu.memory_space<vmem>>, %arg14: memref<80x16xf32, #tpu.memory_space<vmem>>, %arg15: memref<80x48xf32, #tpu.memory_space<vmem>>, %arg16: memref<10240x48xf32, #tpu.memory_space<vmem_shared>>, %arg17: memref<!tpu.dma_semaphore, #tpu.memory_space<semaphore_mem>>, %arg18: memref<!tpu.dma_semaphore, #tpu.memory_space<semaphore_mem>>, %arg19: memref<!tpu.dma_semaphore, #tpu.memory_space<semaphore_mem>>, %arg20: memref<!tpu.dma_semaphore, #tpu.memory_space<semaphore_mem>>, %arg21: memref<!tpu.dma_semaphore, #tpu.memory_space<semaphore_mem>>, %arg22: memref<!tpu.dma_semaphore, #tpu.memory_space<semaphore_mem>>) attributes {dimension_semantics = [#tpu.dimension_semantics<core_parallel>, #tpu.dimension_semantics<subcore_parallel>], iteration_bounds = array<i64: 2, 16>, scalar_prefetch = 0 : i64, scratch_operands = 16 : i64, tpu.core_type = #tpu.core_type<sc_vector_subcore>, window_params = [{transform_indices = #map}, {transform_indices = #map}, {transform_indices = #map1}, {transform_indices = #map1}, {transform_indices = #map2}]} {
    %mul3A = arith.constant 16 : i32
    %mul3A_0 = arith.muli %arg0, %mul3A : i32
    %add3A = arith.addi %mul3A_0, %arg1 : i32
    %iota3A = tpu.iota {dimensions = array<i32: 0>} : vector<16xi32>
    %broadcast_in_dim3A = arith.constant 0.000000e+00 : f32
    %broadcast_in_dim3A_1 = vector.broadcast %broadcast_in_dim3A : f32 to vector<16xf32>
    %broadcast_in_dim3A_2 = arith.constant 2.000000e-01 : f32
    %broadcast_in_dim3A_3 = vector.broadcast %broadcast_in_dim3A_2 : f32 to vector<16xf32>
    %broadcast_in_dim3A_4 = arith.constant 1 : i32
    %broadcast_in_dim3A_5 = vector.broadcast %broadcast_in_dim3A_4 : i32 to vector<16xi32>
    %broadcast_in_dim3A_6 = arith.constant 0 : i32
    %broadcast_in_dim3A_7 = vector.broadcast %broadcast_in_dim3A_6 : i32 to vector<16xi32>
    %broadcast_in_dim3A_8 = arith.constant 9 : i32
    %broadcast_in_dim3A_9 = vector.broadcast %broadcast_in_dim3A_8 : i32 to vector<16xi32>
    %sub3A = arith.subi %broadcast_in_dim3A_9, %iota3A : vector<16xi32>
    %max3A = arith.maxsi %sub3A, %broadcast_in_dim3A_7 : vector<16xi32>
    %min3A = arith.minsi %max3A, %broadcast_in_dim3A_5 : vector<16xi32>
    %convert_element_type3A = arith.sitofp %min3A : vector<16xi32> to vector<16xf32>
    %sub3A_10 = arith.subi %iota3A, %broadcast_in_dim3A_9 : vector<16xi32>
    %abs3A = math.absi %sub3A_10 : vector<16xi32>
    %min3A_11 = arith.minsi %abs3A, %broadcast_in_dim3A_5 : vector<16xi32>
    %sub3A_12 = arith.subi %broadcast_in_dim3A_5, %min3A_11 : vector<16xi32>
    %convert_element_type3A_13 = arith.sitofp %sub3A_12 : vector<16xi32> to vector<16xf32>
    %mul3A_14 = arith.constant -80 : i32
    %mul3A_15 = arith.muli %mul3A_14, %arg0 : i32
    %add3A_16 = arith.constant 168 : i32
    %add3A_17 = arith.addi %add3A_16, %mul3A_15 : i32
    %mul3A_18 = arith.constant 16 : i32
    %mul3A_19 = arith.muli %arg0, %mul3A_18 : i32
    %mul3A_20 = arith.constant 168 : i32
    %mul3A_21 = arith.muli %mul3A_19, %mul3A_20 : i32
    %mul3A_22 = arith.muli %arg1, %add3A_17 : i32
    %add3A_23 = arith.addi %mul3A_21, %mul3A_22 : i32
    %mul3A_24 = arith.constant 80 : i32
    %mul3A_25 = arith.muli %add3A_23, %mul3A_24 : i32
    %scan3A = arith.constant 0 : i32
    %scan3A_26 = arith.constant 0 : i32
    %scan3A_27 = arith.constant 80 : i32
    %scan3A_28 = arith.addi %scan3A_26, %scan3A_27 : i32
    %scan3A_29 = arith.constant 1 : i32
    %scan3A_30 = scf.for %scan3A_159 = %scan3A_26 to %scan3A_28 step %scan3A_29 iter_args(%scan3A_160 = %scan3A) -> (i32)  : i32 {
      %swap3A = arith.index_cast %scan3A_159 : i32 to index
      %swap3A_161 = arith.constant 0 : index
      %swap3A_162 = tpu.vector_load %arg15[%swap3A, %swap3A_161] {strides = array<i32>} : memref<80x48xf32, #tpu.memory_space<vmem>>, vector<1x16xf32>,
      %swap3A_163 = vector.shape_cast %swap3A_162 : vector<1x16xf32> to vector<16xf32>
      %swap3A_164 = vector.shape_cast %broadcast_in_dim3A_1 : vector<16xf32> to vector<1x16xf32>
      tpu.vector_store %arg15[%swap3A, %swap3A_161], %swap3A_164 {strides = array<i32>} : memref<80x48xf32, #tpu.memory_space<vmem>>, vector<1x16xf32>,
      %swap3A_165 = arith.index_cast %scan3A_159 : i32 to index
      %swap3A_166 = arith.constant 16 : index
      %swap3A_167 = tpu.vector_load %arg15[%swap3A_165, %swap3A_166] {strides = array<i32>} : memref<80x48xf32, #tpu.memory_space<vmem>>, vector<1x16xf32>,
      %swap3A_168 = vector.shape_cast %swap3A_167 : vector<1x16xf32> to vector<16xf32>
      %swap3A_169 = vector.shape_cast %broadcast_in_dim3A_1 : vector<16xf32> to vector<1x16xf32>
      tpu.vector_store %arg15[%swap3A_165, %swap3A_166], %swap3A_169 {strides = array<i32>} : memref<80x48xf32, #tpu.memory_space<vmem>>, vector<1x16xf32>,
      %swap3A_170 = arith.index_cast %scan3A_159 : i32 to index
      %swap3A_171 = arith.constant 32 : index
      %swap3A_172 = tpu.vector_load %arg15[%swap3A_170, %swap3A_171] {strides = array<i32>} : memref<80x48xf32, #tpu.memory_space<vmem>>, vector<1x16xf32>,
      %swap3A_173 = vector.shape_cast %swap3A_172 : vector<1x16xf32> to vector<16xf32>
      %swap3A_174 = vector.shape_cast %broadcast_in_dim3A_1 : vector<16xf32> to vector<1x16xf32>
      tpu.vector_store %arg15[%swap3A_170, %swap3A_171], %swap3A_174 {strides = array<i32>} : memref<80x48xf32, #tpu.memory_space<vmem>>, vector<1x16xf32>,
      %scan3A_175 = arith.constant 0 : i32
      scf.yield %scan3A_175 : i32
    }
    %scan3A_31 = arith.constant 80 : i32
    %mul3A_32 = arith.constant 640 : i32
    %mul3A_33 = arith.muli %arg1, %mul3A_32 : i32
    %add3A_34 = arith.constant 0 : i32
    %add3A_35 = arith.addi %mul3A_33, %add3A_34 : i32
    "tpu.region"() ({
      %run_scoped3A = tpu.sem_alloc : memref<!tpu.dma_semaphore, #tpu.memory_space<semaphore_mem>>
      %dma_start3A_159 = arith.constant 0 : i32
      %dma_start3A_160 = arith.constant 0 : i32
      %dma_start3A_161 = tpu.memref_slice %arg15[%dma_start3A_159, %dma_start3A_160] : memref<80x48xf32, #tpu.memory_space<vmem>> -> memref<80x48xf32, #tpu.memory_space<vmem>>
      %dma_start3A_162 = arith.constant 0 : i32
      %dma_start3A_163 = tpu.memref_slice %arg16[%add3A_35, %dma_start3A_162] : memref<10240x48xf32, #tpu.memory_space<vmem_shared>> -> memref<80x48xf32, #tpu.memory_space<vmem_shared>>
      %dma_start3A_164 = arith.constant 0 : i32
      %dma_start3A_165 = tpu.memref_slice %arg16[%add3A_35, %dma_start3A_164] : memref<10240x48xf32, #tpu.memory_space<vmem_shared>> -> memref<80x48xf32, #tpu.memory_space<vmem_shared>>
      %dma_start3A_166 = arith.constant 0 : i32
      %dma_start3A_167 = arith.constant 0 : i32
      %dma_start3A_168 = tpu.memref_slice %arg15[%dma_start3A_166, %dma_start3A_167] : memref<80x48xf32, #tpu.memory_space<vmem>> -> memref<80x48xf32, #tpu.memory_space<vmem>>
      tpu.enqueue_dma source(%dma_start3A_168 : memref<80x48xf32, #tpu.memory_space<vmem>>) target(%dma_start3A_165 : memref<80x48xf32, #tpu.memory_space<vmem_shared>>) target_semaphore(%run_scoped3A : memref<!tpu.dma_semaphore, #tpu.memory_space<semaphore_mem>>)
      %dma_wait3A_169 = arith.constant 0 : i32
      %dma_wait3A_170 = arith.constant 0 : i32
      %dma_wait3A_171 = tpu.memref_slice %arg15[%dma_wait3A_169, %dma_wait3A_170] : memref<80x48xf32, #tpu.memory_space<vmem>> -> memref<80x48xf32, #tpu.memory_space<vmem>>
      %dma_wait3A_172 = arith.constant 0 : i32
      %dma_wait3A_173 = tpu.memref_slice %arg16[%add3A_35, %dma_wait3A_172] : memref<10240x48xf32, #tpu.memory_space<vmem_shared>> -> memref<80x48xf32, #tpu.memory_space<vmem_shared>>
      %dma_wait3A_174 = arith.constant 0 : i32
      %dma_wait3A_175 = tpu.memref_slice %arg16[%add3A_35, %dma_wait3A_174] : memref<10240x48xf32, #tpu.memory_space<vmem_shared>> -> memref<80x48xf32, #tpu.memory_space<vmem_shared>>
      %dma_wait3A_176 = arith.constant 0 : i32
      %dma_wait3A_177 = arith.constant 0 : i32
      %dma_wait3A_178 = tpu.memref_slice %arg15[%dma_wait3A_176, %dma_wait3A_177] : memref<80x48xf32, #tpu.memory_space<vmem>> -> memref<80x48xf32, #tpu.memory_space<vmem>>
      tpu.wait_dma2 semaphore(%run_scoped3A : memref<!tpu.dma_semaphore, #tpu.memory_space<semaphore_mem>>) src(%dma_wait3A_178 : memref<80x48xf32, #tpu.memory_space<vmem>>) dst(%dma_wait3A_175 : memref<80x48xf32, #tpu.memory_space<vmem_shared>>)
      tpu.yield
    }) : () -> ()
    %mul3A_36 = arith.constant 640 : i32
    %mul3A_37 = arith.muli %arg1, %mul3A_36 : i32
    %add3A_38 = arith.constant 80 : i32
    %add3A_39 = arith.addi %mul3A_37, %add3A_38 : i32
    "tpu.region"() ({
      %run_scoped3A = tpu.sem_alloc : memref<!tpu.dma_semaphore, #tpu.memory_space<semaphore_mem>>
      %dma_start3A_159 = arith.constant 0 : i32
      %dma_start3A_160 = arith.constant 0 : i32
      %dma_start3A_161 = tpu.memref_slice %arg15[%dma_start3A_159, %dma_start3A_160] : memref<80x48xf32, #tpu.memory_space<vmem>> -> memref<80x48xf32, #tpu.memory_space<vmem>>
      %dma_start3A_162 = arith.constant 0 : i32
      %dma_start3A_163 = tpu.memref_slice %arg16[%add3A_39, %dma_start3A_162] : memref<10240x48xf32, #tpu.memory_space<vmem_shared>> -> memref<80x48xf32, #tpu.memory_space<vmem_shared>>
      %dma_start3A_164 = arith.constant 0 : i32
      %dma_start3A_165 = tpu.memref_slice %arg16[%add3A_39, %dma_start3A_164] : memref<10240x48xf32, #tpu.memory_space<vmem_shared>> -> memref<80x48xf32, #tpu.memory_space<vmem_shared>>
      %dma_start3A_166 = arith.constant 0 : i32
      %dma_start3A_167 = arith.constant 0 : i32
      %dma_start3A_168 = tpu.memref_slice %arg15[%dma_start3A_166, %dma_start3A_167] : memref<80x48xf32, #tpu.memory_space<vmem>> -> memref<80x48xf32, #tpu.memory_space<vmem>>
      tpu.enqueue_dma source(%dma_start3A_168 : memref<80x48xf32, #tpu.memory_space<vmem>>) target(%dma_start3A_165 : memref<80x48xf32, #tpu.memory_space<vmem_shared>>) target_semaphore(%run_scoped3A : memref<!tpu.dma_semaphore, #tpu.memory_space<semaphore_mem>>)
      %dma_wait3A_169 = arith.constant 0 : i32
      %dma_wait3A_170 = arith.constant 0 : i32
      %dma_wait3A_171 = tpu.memref_slice %arg15[%dma_wait3A_169, %dma_wait3A_170] : memref<80x48xf32, #tpu.memory_space<vmem>> -> memref<80x48xf32, #tpu.memory_space<vmem>>
      %dma_wait3A_172 = arith.constant 0 : i32
      %dma_wait3A_173 = tpu.memref_slice %arg16[%add3A_39, %dma_wait3A_172] : memref<10240x48xf32, #tpu.memory_space<vmem_shared>> -> memref<80x48xf32, #tpu.memory_space<vmem_shared>>
      %dma_wait3A_174 = arith.constant 0 : i32
      %dma_wait3A_175 = tpu.memref_slice %arg16[%add3A_39, %dma_wait3A_174] : memref<10240x48xf32, #tpu.memory_space<vmem_shared>> -> memref<80x48xf32, #tpu.memory_space<vmem_shared>>
      %dma_wait3A_176 = arith.constant 0 : i32
      %dma_wait3A_177 = arith.constant 0 : i32
      %dma_wait3A_178 = tpu.memref_slice %arg15[%dma_wait3A_176, %dma_wait3A_177] : memref<80x48xf32, #tpu.memory_space<vmem>> -> memref<80x48xf32, #tpu.memory_space<vmem>>
      tpu.wait_dma2 semaphore(%run_scoped3A : memref<!tpu.dma_semaphore, #tpu.memory_space<semaphore_mem>>) src(%dma_wait3A_178 : memref<80x48xf32, #tpu.memory_space<vmem>>) dst(%dma_wait3A_175 : memref<80x48xf32, #tpu.memory_space<vmem_shared>>)
      tpu.yield
    }) : () -> ()
    %mul3A_40 = arith.constant 640 : i32
    %mul3A_41 = arith.muli %arg1, %mul3A_40 : i32
    %add3A_42 = arith.constant 160 : i32
    %add3A_43 = arith.addi %mul3A_41, %add3A_42 : i32
    "tpu.region"() ({
      %run_scoped3A = tpu.sem_alloc : memref<!tpu.dma_semaphore, #tpu.memory_space<semaphore_mem>>
      %dma_start3A_159 = arith.constant 0 : i32
      %dma_start3A_160 = arith.constant 0 : i32
      %dma_start3A_161 = tpu.memref_slice %arg15[%dma_start3A_159, %dma_start3A_160] : memref<80x48xf32, #tpu.memory_space<vmem>> -> memref<80x48xf32, #tpu.memory_space<vmem>>
      %dma_start3A_162 = arith.constant 0 : i32
      %dma_start3A_163 = tpu.memref_slice %arg16[%add3A_43, %dma_start3A_162] : memref<10240x48xf32, #tpu.memory_space<vmem_shared>> -> memref<80x48xf32, #tpu.memory_space<vmem_shared>>
      %dma_start3A_164 = arith.constant 0 : i32
      %dma_start3A_165 = tpu.memref_slice %arg16[%add3A_43, %dma_start3A_164] : memref<10240x48xf32, #tpu.memory_space<vmem_shared>> -> memref<80x48xf32, #tpu.memory_space<vmem_shared>>
      %dma_start3A_166 = arith.constant 0 : i32
      %dma_start3A_167 = arith.constant 0 : i32
      %dma_start3A_168 = tpu.memref_slice %arg15[%dma_start3A_166, %dma_start3A_167] : memref<80x48xf32, #tpu.memory_space<vmem>> -> memref<80x48xf32, #tpu.memory_space<vmem>>
      tpu.enqueue_dma source(%dma_start3A_168 : memref<80x48xf32, #tpu.memory_space<vmem>>) target(%dma_start3A_165 : memref<80x48xf32, #tpu.memory_space<vmem_shared>>) target_semaphore(%run_scoped3A : memref<!tpu.dma_semaphore, #tpu.memory_space<semaphore_mem>>)
      %dma_wait3A_169 = arith.constant 0 : i32
      %dma_wait3A_170 = arith.constant 0 : i32
      %dma_wait3A_171 = tpu.memref_slice %arg15[%dma_wait3A_169, %dma_wait3A_170] : memref<80x48xf32, #tpu.memory_space<vmem>> -> memref<80x48xf32, #tpu.memory_space<vmem>>
      %dma_wait3A_172 = arith.constant 0 : i32
      %dma_wait3A_173 = tpu.memref_slice %arg16[%add3A_43, %dma_wait3A_172] : memref<10240x48xf32, #tpu.memory_space<vmem_shared>> -> memref<80x48xf32, #tpu.memory_space<vmem_shared>>
      %dma_wait3A_174 = arith.constant 0 : i32
      %dma_wait3A_175 = tpu.memref_slice %arg16[%add3A_43, %dma_wait3A_174] : memref<10240x48xf32, #tpu.memory_space<vmem_shared>> -> memref<80x48xf32, #tpu.memory_space<vmem_shared>>
      %dma_wait3A_176 = arith.constant 0 : i32
      %dma_wait3A_177 = arith.constant 0 : i32
      %dma_wait3A_178 = tpu.memref_slice %arg15[%dma_wait3A_176, %dma_wait3A_177] : memref<80x48xf32, #tpu.memory_space<vmem>> -> memref<80x48xf32, #tpu.memory_space<vmem>>
      tpu.wait_dma2 semaphore(%run_scoped3A : memref<!tpu.dma_semaphore, #tpu.memory_space<semaphore_mem>>) src(%dma_wait3A_178 : memref<80x48xf32, #tpu.memory_space<vmem>>) dst(%dma_wait3A_175 : memref<80x48xf32, #tpu.memory_space<vmem_shared>>)
      tpu.yield
    }) : () -> ()
    %mul3A_44 = arith.constant 640 : i32
    %mul3A_45 = arith.muli %arg1, %mul3A_44 : i32
    %add3A_46 = arith.constant 240 : i32
    %add3A_47 = arith.addi %mul3A_45, %add3A_46 : i32
    "tpu.region"() ({
      %run_scoped3A = tpu.sem_alloc : memref<!tpu.dma_semaphore, #tpu.memory_space<semaphore_mem>>
      %dma_start3A_159 = arith.constant 0 : i32
      %dma_start3A_160 = arith.constant 0 : i32
      %dma_start3A_161 = tpu.memref_slice %arg15[%dma_start3A_159, %dma_start3A_160] : memref<80x48xf32, #tpu.memory_space<vmem>> -> memref<80x48xf32, #tpu.memory_space<vmem>>
      %dma_start3A_162 = arith.constant 0 : i32
      %dma_start3A_163 = tpu.memref_slice %arg16[%add3A_47, %dma_start3A_162] : memref<10240x48xf32, #tpu.memory_space<vmem_shared>> -> memref<80x48xf32, #tpu.memory_space<vmem_shared>>
      %dma_start3A_164 = arith.constant 0 : i32
      %dma_start3A_165 = tpu.memref_slice %arg16[%add3A_47, %dma_start3A_164] : memref<10240x48xf32, #tpu.memory_space<vmem_shared>> -> memref<80x48xf32, #tpu.memory_space<vmem_shared>>
      %dma_start3A_166 = arith.constant 0 : i32
      %dma_start3A_167 = arith.constant 0 : i32
      %dma_start3A_168 = tpu.memref_slice %arg15[%dma_start3A_166, %dma_start3A_167] : memref<80x48xf32, #tpu.memory_space<vmem>> -> memref<80x48xf32, #tpu.memory_space<vmem>>
      tpu.enqueue_dma source(%dma_start3A_168 : memref<80x48xf32, #tpu.memory_space<vmem>>) target(%dma_start3A_165 : memref<80x48xf32, #tpu.memory_space<vmem_shared>>) target_semaphore(%run_scoped3A : memref<!tpu.dma_semaphore, #tpu.memory_space<semaphore_mem>>)
      %dma_wait3A_169 = arith.constant 0 : i32
      %dma_wait3A_170 = arith.constant 0 : i32
      %dma_wait3A_171 = tpu.memref_slice %arg15[%dma_wait3A_169, %dma_wait3A_170] : memref<80x48xf32, #tpu.memory_space<vmem>> -> memref<80x48xf32, #tpu.memory_space<vmem>>
      %dma_wait3A_172 = arith.constant 0 : i32
      %dma_wait3A_173 = tpu.memref_slice %arg16[%add3A_47, %dma_wait3A_172] : memref<10240x48xf32, #tpu.memory_space<vmem_shared>> -> memref<80x48xf32, #tpu.memory_space<vmem_shared>>
      %dma_wait3A_174 = arith.constant 0 : i32
      %dma_wait3A_175 = tpu.memref_slice %arg16[%add3A_47, %dma_wait3A_174] : memref<10240x48xf32, #tpu.memory_space<vmem_shared>> -> memref<80x48xf32, #tpu.memory_space<vmem_shared>>
      %dma_wait3A_176 = arith.constant 0 : i32
      %dma_wait3A_177 = arith.constant 0 : i32
      %dma_wait3A_178 = tpu.memref_slice %arg15[%dma_wait3A_176, %dma_wait3A_177] : memref<80x48xf32, #tpu.memory_space<vmem>> -> memref<80x48xf32, #tpu.memory_space<vmem>>
      tpu.wait_dma2 semaphore(%run_scoped3A : memref<!tpu.dma_semaphore, #tpu.memory_space<semaphore_mem>>) src(%dma_wait3A_178 : memref<80x48xf32, #tpu.memory_space<vmem>>) dst(%dma_wait3A_175 : memref<80x48xf32, #tpu.memory_space<vmem_shared>>)
      tpu.yield
    }) : () -> ()
    %mul3A_48 = arith.constant 640 : i32
    %mul3A_49 = arith.muli %arg1, %mul3A_48 : i32
    %add3A_50 = arith.constant 320 : i32
    %add3A_51 = arith.addi %mul3A_49, %add3A_50 : i32
    "tpu.region"() ({
      %run_scoped3A = tpu.sem_alloc : memref<!tpu.dma_semaphore, #tpu.memory_space<semaphore_mem>>
      %dma_start3A_159 = arith.constant 0 : i32
      %dma_start3A_160 = arith.constant 0 : i32
      %dma_start3A_161 = tpu.memref_slice %arg15[%dma_start3A_159, %dma_start3A_160] : memref<80x48xf32, #tpu.memory_space<vmem>> -> memref<80x48xf32, #tpu.memory_space<vmem>>
      %dma_start3A_162 = arith.constant 0 : i32
      %dma_start3A_163 = tpu.memref_slice %arg16[%add3A_51, %dma_start3A_162] : memref<10240x48xf32, #tpu.memory_space<vmem_shared>> -> memref<80x48xf32, #tpu.memory_space<vmem_shared>>
      %dma_start3A_164 = arith.constant 0 : i32
      %dma_start3A_165 = tpu.memref_slice %arg16[%add3A_51, %dma_start3A_164] : memref<10240x48xf32, #tpu.memory_space<vmem_shared>> -> memref<80x48xf32, #tpu.memory_space<vmem_shared>>
      %dma_start3A_166 = arith.constant 0 : i32
      %dma_start3A_167 = arith.constant 0 : i32
      %dma_start3A_168 = tpu.memref_slice %arg15[%dma_start3A_166, %dma_start3A_167] : memref<80x48xf32, #tpu.memory_space<vmem>> -> memref<80x48xf32, #tpu.memory_space<vmem>>
      tpu.enqueue_dma source(%dma_start3A_168 : memref<80x48xf32, #tpu.memory_space<vmem>>) target(%dma_start3A_165 : memref<80x48xf32, #tpu.memory_space<vmem_shared>>) target_semaphore(%run_scoped3A : memref<!tpu.dma_semaphore, #tpu.memory_space<semaphore_mem>>)
      %dma_wait3A_169 = arith.constant 0 : i32
      %dma_wait3A_170 = arith.constant 0 : i32
      %dma_wait3A_171 = tpu.memref_slice %arg15[%dma_wait3A_169, %dma_wait3A_170] : memref<80x48xf32, #tpu.memory_space<vmem>> -> memref<80x48xf32, #tpu.memory_space<vmem>>
      %dma_wait3A_172 = arith.constant 0 : i32
      %dma_wait3A_173 = tpu.memref_slice %arg16[%add3A_51, %dma_wait3A_172] : memref<10240x48xf32, #tpu.memory_space<vmem_shared>> -> memref<80x48xf32, #tpu.memory_space<vmem_shared>>
      %dma_wait3A_174 = arith.constant 0 : i32
      %dma_wait3A_175 = tpu.memref_slice %arg16[%add3A_51, %dma_wait3A_174] : memref<10240x48xf32, #tpu.memory_space<vmem_shared>> -> memref<80x48xf32, #tpu.memory_space<vmem_shared>>
      %dma_wait3A_176 = arith.constant 0 : i32
      %dma_wait3A_177 = arith.constant 0 : i32
      %dma_wait3A_178 = tpu.memref_slice %arg15[%dma_wait3A_176, %dma_wait3A_177] : memref<80x48xf32, #tpu.memory_space<vmem>> -> memref<80x48xf32, #tpu.memory_space<vmem>>
      tpu.wait_dma2 semaphore(%run_scoped3A : memref<!tpu.dma_semaphore, #tpu.memory_space<semaphore_mem>>) src(%dma_wait3A_178 : memref<80x48xf32, #tpu.memory_space<vmem>>) dst(%dma_wait3A_175 : memref<80x48xf32, #tpu.memory_space<vmem_shared>>)
      tpu.yield
    }) : () -> ()
    %mul3A_52 = arith.constant 640 : i32
    %mul3A_53 = arith.muli %arg1, %mul3A_52 : i32
    %add3A_54 = arith.constant 400 : i32
    %add3A_55 = arith.addi %mul3A_53, %add3A_54 : i32
    "tpu.region"() ({
      %run_scoped3A = tpu.sem_alloc : memref<!tpu.dma_semaphore, #tpu.memory_space<semaphore_mem>>
      %dma_start3A_159 = arith.constant 0 : i32
      %dma_start3A_160 = arith.constant 0 : i32
      %dma_start3A_161 = tpu.memref_slice %arg15[%dma_start3A_159, %dma_start3A_160] : memref<80x48xf32, #tpu.memory_space<vmem>> -> memref<80x48xf32, #tpu.memory_space<vmem>>
      %dma_start3A_162 = arith.constant 0 : i32
      %dma_start3A_163 = tpu.memref_slice %arg16[%add3A_55, %dma_start3A_162] : memref<10240x48xf32, #tpu.memory_space<vmem_shared>> -> memref<80x48xf32, #tpu.memory_space<vmem_shared>>
      %dma_start3A_164 = arith.constant 0 : i32
      %dma_start3A_165 = tpu.memref_slice %arg16[%add3A_55, %dma_start3A_164] : memref<10240x48xf32, #tpu.memory_space<vmem_shared>> -> memref<80x48xf32, #tpu.memory_space<vmem_shared>>
      %dma_start3A_166 = arith.constant 0 : i32
      %dma_start3A_167 = arith.constant 0 : i32
      %dma_start3A_168 = tpu.memref_slice %arg15[%dma_start3A_166, %dma_start3A_167] : memref<80x48xf32, #tpu.memory_space<vmem>> -> memref<80x48xf32, #tpu.memory_space<vmem>>
      tpu.enqueue_dma source(%dma_start3A_168 : memref<80x48xf32, #tpu.memory_space<vmem>>) target(%dma_start3A_165 : memref<80x48xf32, #tpu.memory_space<vmem_shared>>) target_semaphore(%run_scoped3A : memref<!tpu.dma_semaphore, #tpu.memory_space<semaphore_mem>>)
      %dma_wait3A_169 = arith.constant 0 : i32
      %dma_wait3A_170 = arith.constant 0 : i32
      %dma_wait3A_171 = tpu.memref_slice %arg15[%dma_wait3A_169, %dma_wait3A_170] : memref<80x48xf32, #tpu.memory_space<vmem>> -> memref<80x48xf32, #tpu.memory_space<vmem>>
      %dma_wait3A_172 = arith.constant 0 : i32
      %dma_wait3A_173 = tpu.memref_slice %arg16[%add3A_55, %dma_wait3A_172] : memref<10240x48xf32, #tpu.memory_space<vmem_shared>> -> memref<80x48xf32, #tpu.memory_space<vmem_shared>>
      %dma_wait3A_174 = arith.constant 0 : i32
      %dma_wait3A_175 = tpu.memref_slice %arg16[%add3A_55, %dma_wait3A_174] : memref<10240x48xf32, #tpu.memory_space<vmem_shared>> -> memref<80x48xf32, #tpu.memory_space<vmem_shared>>
      %dma_wait3A_176 = arith.constant 0 : i32
      %dma_wait3A_177 = arith.constant 0 : i32
      %dma_wait3A_178 = tpu.memref_slice %arg15[%dma_wait3A_176, %dma_wait3A_177] : memref<80x48xf32, #tpu.memory_space<vmem>> -> memref<80x48xf32, #tpu.memory_space<vmem>>
      tpu.wait_dma2 semaphore(%run_scoped3A : memref<!tpu.dma_semaphore, #tpu.memory_space<semaphore_mem>>) src(%dma_wait3A_178 : memref<80x48xf32, #tpu.memory_space<vmem>>) dst(%dma_wait3A_175 : memref<80x48xf32, #tpu.memory_space<vmem_shared>>)
      tpu.yield
    }) : () -> ()
    %mul3A_56 = arith.constant 640 : i32
    %mul3A_57 = arith.muli %arg1, %mul3A_56 : i32
    %add3A_58 = arith.constant 480 : i32
    %add3A_59 = arith.addi %mul3A_57, %add3A_58 : i32
    "tpu.region"() ({
      %run_scoped3A = tpu.sem_alloc : memref<!tpu.dma_semaphore, #tpu.memory_space<semaphore_mem>>
      %dma_start3A_159 = arith.constant 0 : i32
      %dma_start3A_160 = arith.constant 0 : i32
      %dma_start3A_161 = tpu.memref_slice %arg15[%dma_start3A_159, %dma_start3A_160] : memref<80x48xf32, #tpu.memory_space<vmem>> -> memref<80x48xf32, #tpu.memory_space<vmem>>
      %dma_start3A_162 = arith.constant 0 : i32
      %dma_start3A_163 = tpu.memref_slice %arg16[%add3A_59, %dma_start3A_162] : memref<10240x48xf32, #tpu.memory_space<vmem_shared>> -> memref<80x48xf32, #tpu.memory_space<vmem_shared>>
      %dma_start3A_164 = arith.constant 0 : i32
      %dma_start3A_165 = tpu.memref_slice %arg16[%add3A_59, %dma_start3A_164] : memref<10240x48xf32, #tpu.memory_space<vmem_shared>> -> memref<80x48xf32, #tpu.memory_space<vmem_shared>>
      %dma_start3A_166 = arith.constant 0 : i32
      %dma_start3A_167 = arith.constant 0 : i32
      %dma_start3A_168 = tpu.memref_slice %arg15[%dma_start3A_166, %dma_start3A_167] : memref<80x48xf32, #tpu.memory_space<vmem>> -> memref<80x48xf32, #tpu.memory_space<vmem>>
      tpu.enqueue_dma source(%dma_start3A_168 : memref<80x48xf32, #tpu.memory_space<vmem>>) target(%dma_start3A_165 : memref<80x48xf32, #tpu.memory_space<vmem_shared>>) target_semaphore(%run_scoped3A : memref<!tpu.dma_semaphore, #tpu.memory_space<semaphore_mem>>)
      %dma_wait3A_169 = arith.constant 0 : i32
      %dma_wait3A_170 = arith.constant 0 : i32
      %dma_wait3A_171 = tpu.memref_slice %arg15[%dma_wait3A_169, %dma_wait3A_170] : memref<80x48xf32, #tpu.memory_space<vmem>> -> memref<80x48xf32, #tpu.memory_space<vmem>>
      %dma_wait3A_172 = arith.constant 0 : i32
      %dma_wait3A_173 = tpu.memref_slice %arg16[%add3A_59, %dma_wait3A_172] : memref<10240x48xf32, #tpu.memory_space<vmem_shared>> -> memref<80x48xf32, #tpu.memory_space<vmem_shared>>
      %dma_wait3A_174 = arith.constant 0 : i32
      %dma_wait3A_175 = tpu.memref_slice %arg16[%add3A_59, %dma_wait3A_174] : memref<10240x48xf32, #tpu.memory_space<vmem_shared>> -> memref<80x48xf32, #tpu.memory_space<vmem_shared>>
      %dma_wait3A_176 = arith.constant 0 : i32
      %dma_wait3A_177 = arith.constant 0 : i32
      %dma_wait3A_178 = tpu.memref_slice %arg15[%dma_wait3A_176, %dma_wait3A_177] : memref<80x48xf32, #tpu.memory_space<vmem>> -> memref<80x48xf32, #tpu.memory_space<vmem>>
      tpu.wait_dma2 semaphore(%run_scoped3A : memref<!tpu.dma_semaphore, #tpu.memory_space<semaphore_mem>>) src(%dma_wait3A_178 : memref<80x48xf32, #tpu.memory_space<vmem>>) dst(%dma_wait3A_175 : memref<80x48xf32, #tpu.memory_space<vmem_shared>>)
      tpu.yield
    }) : () -> ()
    %mul3A_60 = arith.constant 640 : i32
    %mul3A_61 = arith.muli %arg1, %mul3A_60 : i32
    %add3A_62 = arith.constant 560 : i32
    %add3A_63 = arith.addi %mul3A_61, %add3A_62 : i32
    "tpu.region"() ({
      %run_scoped3A = tpu.sem_alloc : memref<!tpu.dma_semaphore, #tpu.memory_space<semaphore_mem>>
      %dma_start3A_159 = arith.constant 0 : i32
      %dma_start3A_160 = arith.constant 0 : i32
      %dma_start3A_161 = tpu.memref_slice %arg15[%dma_start3A_159, %dma_start3A_160] : memref<80x48xf32, #tpu.memory_space<vmem>> -> memref<80x48xf32, #tpu.memory_space<vmem>>
      %dma_start3A_162 = arith.constant 0 : i32
      %dma_start3A_163 = tpu.memref_slice %arg16[%add3A_63, %dma_start3A_162] : memref<10240x48xf32, #tpu.memory_space<vmem_shared>> -> memref<80x48xf32, #tpu.memory_space<vmem_shared>>
      %dma_start3A_164 = arith.constant 0 : i32
      %dma_start3A_165 = tpu.memref_slice %arg16[%add3A_63, %dma_start3A_164] : memref<10240x48xf32, #tpu.memory_space<vmem_shared>> -> memref<80x48xf32, #tpu.memory_space<vmem_shared>>
      %dma_start3A_166 = arith.constant 0 : i32
      %dma_start3A_167 = arith.constant 0 : i32
      %dma_start3A_168 = tpu.memref_slice %arg15[%dma_start3A_166, %dma_start3A_167] : memref<80x48xf32, #tpu.memory_space<vmem>> -> memref<80x48xf32, #tpu.memory_space<vmem>>
      tpu.enqueue_dma source(%dma_start3A_168 : memref<80x48xf32, #tpu.memory_space<vmem>>) target(%dma_start3A_165 : memref<80x48xf32, #tpu.memory_space<vmem_shared>>) target_semaphore(%run_scoped3A : memref<!tpu.dma_semaphore, #tpu.memory_space<semaphore_mem>>)
      %dma_wait3A_169 = arith.constant 0 : i32
      %dma_wait3A_170 = arith.constant 0 : i32
      %dma_wait3A_171 = tpu.memref_slice %arg15[%dma_wait3A_169, %dma_wait3A_170] : memref<80x48xf32, #tpu.memory_space<vmem>> -> memref<80x48xf32, #tpu.memory_space<vmem>>
      %dma_wait3A_172 = arith.constant 0 : i32
      %dma_wait3A_173 = tpu.memref_slice %arg16[%add3A_63, %dma_wait3A_172] : memref<10240x48xf32, #tpu.memory_space<vmem_shared>> -> memref<80x48xf32, #tpu.memory_space<vmem_shared>>
      %dma_wait3A_174 = arith.constant 0 : i32
      %dma_wait3A_175 = tpu.memref_slice %arg16[%add3A_63, %dma_wait3A_174] : memref<10240x48xf32, #tpu.memory_space<vmem_shared>> -> memref<80x48xf32, #tpu.memory_space<vmem_shared>>
      %dma_wait3A_176 = arith.constant 0 : i32
      %dma_wait3A_177 = arith.constant 0 : i32
      %dma_wait3A_178 = tpu.memref_slice %arg15[%dma_wait3A_176, %dma_wait3A_177] : memref<80x48xf32, #tpu.memory_space<vmem>> -> memref<80x48xf32, #tpu.memory_space<vmem>>
      tpu.wait_dma2 semaphore(%run_scoped3A : memref<!tpu.dma_semaphore, #tpu.memory_space<semaphore_mem>>) src(%dma_wait3A_178 : memref<80x48xf32, #tpu.memory_space<vmem>>) dst(%dma_wait3A_175 : memref<80x48xf32, #tpu.memory_space<vmem_shared>>)
      tpu.yield
    }) : () -> ()
    %barrier3A = arith.constant 0 : index
    tpu.barrier barrier_id(%barrier3A)
    %add3A_64 = arith.constant 0 : i32
    %add3A_65 = arith.addi %mul3A_25, %add3A_64 : i32
    %dma_start3A = tpu.memref_slice %arg4[%add3A_65] : memref<327680xi32, #tpu.memory_space<hbm>> -> memref<80xi32, #tpu.memory_space<hbm>>
    %dma_start3A_66 = tpu.memref_slice %arg4[%add3A_65] : memref<327680xi32, #tpu.memory_space<hbm>> -> memref<80xi32, #tpu.memory_space<hbm>>
    tpu.enqueue_dma source(%dma_start3A_66 : memref<80xi32, #tpu.memory_space<hbm>>) target(%arg7 : memref<80xi32, #tpu.memory_space<vmem>>) target_semaphore(%arg21 : memref<!tpu.dma_semaphore, #tpu.memory_space<semaphore_mem>>)
    %add3A_67 = arith.constant 0 : i32
    %add3A_68 = arith.addi %mul3A_25, %add3A_67 : i32
    %dma_start3A_69 = tpu.memref_slice %arg5[%add3A_68] : memref<327680xi32, #tpu.memory_space<hbm>> -> memref<80xi32, #tpu.memory_space<hbm>>
    %dma_start3A_70 = tpu.memref_slice %arg5[%add3A_68] : memref<327680xi32, #tpu.memory_space<hbm>> -> memref<80xi32, #tpu.memory_space<hbm>>
    tpu.enqueue_dma source(%dma_start3A_70 : memref<80xi32, #tpu.memory_space<hbm>>) target(%arg8 : memref<80xi32, #tpu.memory_space<vmem>>) target_semaphore(%arg21 : memref<!tpu.dma_semaphore, #tpu.memory_space<semaphore_mem>>)
    %dma_wait3A = tpu.memref_slice %arg4[%mul3A_25] : memref<327680xi32, #tpu.memory_space<hbm>> -> memref<80xi32, #tpu.memory_space<hbm>>
    %dma_wait3A_71 = tpu.memref_slice %arg4[%mul3A_25] : memref<327680xi32, #tpu.memory_space<hbm>> -> memref<80xi32, #tpu.memory_space<hbm>>
    tpu.wait_dma2 semaphore(%arg21 : memref<!tpu.dma_semaphore, #tpu.memory_space<semaphore_mem>>) src(%dma_wait3A_71 : memref<80xi32, #tpu.memory_space<hbm>>) dst(%arg7 : memref<80xi32, #tpu.memory_space<vmem>>)
    %dma_wait3A_72 = tpu.memref_slice %arg5[%mul3A_25] : memref<327680xi32, #tpu.memory_space<hbm>> -> memref<80xi32, #tpu.memory_space<hbm>>
    %dma_wait3A_73 = tpu.memref_slice %arg5[%mul3A_25] : memref<327680xi32, #tpu.memory_space<hbm>> -> memref<80xi32, #tpu.memory_space<hbm>>
    tpu.wait_dma2 semaphore(%arg21 : memref<!tpu.dma_semaphore, #tpu.memory_space<semaphore_mem>>) src(%dma_wait3A_73 : memref<80xi32, #tpu.memory_space<hbm>>) dst(%arg8 : memref<80xi32, #tpu.memory_space<vmem>>)
    %dma_start3A_74 = arith.constant 0 : i32
    %dma_start3A_75 = arith.constant 0 : i32
    %dma_start3A_76 = tpu.memref_slice %arg2[%dma_start3A_74, %dma_start3A_75] : memref<10240x64xf32, #tpu.memory_space<hbm>> -> memref<10240x64xf32, #tpu.memory_space<hbm>>
    tpu.enqueue_indirect_dma source(%dma_start3A_76 : memref<10240x64xf32, #tpu.memory_space<hbm>>) target(%arg11 : memref<80x64xf32, #tpu.memory_space<vmem>>) offsets(%arg7 : memref<80xi32, #tpu.memory_space<vmem>>) semaphore(%arg17 : memref<!tpu.dma_semaphore, #tpu.memory_space<semaphore_mem>>)
    %dma_start3A_77 = arith.constant 0 : i32
    %dma_start3A_78 = arith.constant 0 : i32
    %dma_start3A_79 = tpu.memref_slice %arg3[%dma_start3A_77, %dma_start3A_78] : memref<10240x16xf32, #tpu.memory_space<hbm>> -> memref<10240x16xf32, #tpu.memory_space<hbm>>
    tpu.enqueue_indirect_dma source(%dma_start3A_79 : memref<10240x16xf32, #tpu.memory_space<hbm>>) target(%arg12 : memref<80x16xf32, #tpu.memory_space<vmem>>) offsets(%arg8 : memref<80xi32, #tpu.memory_space<vmem>>) semaphore(%arg18 : memref<!tpu.dma_semaphore, #tpu.memory_space<semaphore_mem>>)
    %add3A_80 = arith.constant 80 : i32
    %add3A_81 = arith.addi %mul3A_25, %add3A_80 : i32
    %dma_start3A_82 = tpu.memref_slice %arg4[%add3A_81] : memref<327680xi32, #tpu.memory_space<hbm>> -> memref<80xi32, #tpu.memory_space<hbm>>
    %dma_start3A_83 = tpu.memref_slice %arg4[%add3A_81] : memref<327680xi32, #tpu.memory_space<hbm>> -> memref<80xi32, #tpu.memory_space<hbm>>
    tpu.enqueue_dma source(%dma_start3A_83 : memref<80xi32, #tpu.memory_space<hbm>>) target(%arg9 : memref<80xi32, #tpu.memory_space<vmem>>) target_semaphore(%arg22 : memref<!tpu.dma_semaphore, #tpu.memory_space<semaphore_mem>>)
    %add3A_84 = arith.constant 80 : i32
    %add3A_85 = arith.addi %mul3A_25, %add3A_84 : i32
    %dma_start3A_86 = tpu.memref_slice %arg5[%add3A_85] : memref<327680xi32, #tpu.memory_space<hbm>> -> memref<80xi32, #tpu.memory_space<hbm>>
    %dma_start3A_87 = tpu.memref_slice %arg5[%add3A_85] : memref<327680xi32, #tpu.memory_space<hbm>> -> memref<80xi32, #tpu.memory_space<hbm>>
    tpu.enqueue_dma source(%dma_start3A_87 : memref<80xi32, #tpu.memory_space<hbm>>) target(%arg10 : memref<80xi32, #tpu.memory_space<vmem>>) target_semaphore(%arg22 : memref<!tpu.dma_semaphore, #tpu.memory_space<semaphore_mem>>)
    %jit3A = arith.constant 2 : i32
    %div3A = arith.divsi %add3A_17, %jit3A : i32
    %sign3A = arith.constant 0 : i32
    %sign3A_88 = arith.cmpi sgt, %add3A_17, %sign3A : i32
    %sign3A_89 = arith.extui %sign3A_88 : i1 to i32
    %sign3A_90 = arith.constant 0 : i32
    %sign3A_91 = arith.cmpi slt, %add3A_17, %sign3A_90 : i32
    %sign3A_92 = arith.extui %sign3A_91 : i1 to i32
    %sign3A_93 = arith.subi %sign3A_89, %sign3A_92 : i32
    %sign3A_94 = arith.constant 0 : i32
    %sign3A_95 = arith.cmpi sgt, %jit3A, %sign3A_94 : i32
    %sign3A_96 = arith.extui %sign3A_95 : i1 to i32
    %sign3A_97 = arith.constant 0 : i32
    %sign3A_98 = arith.cmpi slt, %jit3A, %sign3A_97 : i32
    %sign3A_99 = arith.extui %sign3A_98 : i1 to i32
    %sign3A_100 = arith.subi %sign3A_96, %sign3A_99 : i32
    %ne3A = arith.cmpi ne, %sign3A_93, %sign3A_100 : i32
    %rem3A = arith.remsi %add3A_17, %jit3A : i32
    %ne3A_101 = arith.constant 0 : i32
    %ne3A_102 = arith.cmpi ne, %rem3A, %ne3A_101 : i32
    %and3A = arith.andi %ne3A, %ne3A_102 : i1
    %sub3A_103 = arith.constant 1 : i32
    %sub3A_104 = arith.subi %div3A, %sub3A_103 : i32
    %select_n3A = arith.select %and3A, %sub3A_104, %div3A : i32
    %while3A = arith.constant 0 : i32
    %while3A_105 = arith.constant 0 : i32
    %while3A_106 = arith.subi %select_n3A, %while3A : i32
    %while3A_107 = arith.addi %while3A, %while3A_106 : i32
    %while3A_108 = arith.constant 1 : i32
    %while3A_109 = arith.divsi %while3A_106, %while3A_108 : i32
    %while3A_110 = arith.muli %while3A_109, %while3A_108 : i32
    %while3A_111 = arith.addi %while3A, %while3A_110 : i32
    %while3A_112 = arith.constant 1 : i32
    %while3A_113 = scf.for %while3A_159 = %while3A to %while3A_111 step %while3A_112 iter_args(%while3A_160 = %while3A_105) -> (i32)  : i32 {
      %mul3A_161 = arith.constant 2 : i32
      %mul3A_162 = arith.muli %mul3A_161, %while3A_159 : i32
      %add3A_163 = arith.constant 0 : i32
      %add3A_164 = arith.addi %mul3A_162, %add3A_163 : i32
      %dma_wait3A_165 = arith.constant 0 : i32
      %dma_wait3A_166 = arith.constant 0 : i32
      %dma_wait3A_167 = tpu.memref_slice %arg2[%dma_wait3A_165, %dma_wait3A_166] : memref<10240x64xf32, #tpu.memory_space<hbm>> -> memref<10240x64xf32, #tpu.memory_space<hbm>>
      tpu.wait_indirect_dma semaphore(%arg17 : memref<!tpu.dma_semaphore, #tpu.memory_space<semaphore_mem>>) src(%dma_wait3A_167 : memref<10240x64xf32, #tpu.memory_space<hbm>>) dst(%arg11 : memref<80x64xf32, #tpu.memory_space<vmem>>)
      %dma_wait3A_168 = arith.constant 0 : i32
      %dma_wait3A_169 = arith.constant 0 : i32
      %dma_wait3A_170 = tpu.memref_slice %arg3[%dma_wait3A_168, %dma_wait3A_169] : memref<10240x16xf32, #tpu.memory_space<hbm>> -> memref<10240x16xf32, #tpu.memory_space<hbm>>
      tpu.wait_indirect_dma semaphore(%arg18 : memref<!tpu.dma_semaphore, #tpu.memory_space<semaphore_mem>>) src(%dma_wait3A_170 : memref<10240x16xf32, #tpu.memory_space<hbm>>) dst(%arg12 : memref<80x16xf32, #tpu.memory_space<vmem>>)
      %dma_wait3A_171 = tpu.memref_slice %arg4[%mul3A_25] : memref<327680xi32, #tpu.memory_space<hbm>> -> memref<80xi32, #tpu.memory_space<hbm>>
      %dma_wait3A_172 = tpu.memref_slice %arg4[%mul3A_25] : memref<327680xi32, #tpu.memory_space<hbm>> -> memref<80xi32, #tpu.memory_space<hbm>>
      tpu.wait_dma2 semaphore(%arg22 : memref<!tpu.dma_semaphore, #tpu.memory_space<semaphore_mem>>) src(%dma_wait3A_172 : memref<80xi32, #tpu.memory_space<hbm>>) dst(%arg9 : memref<80xi32, #tpu.memory_space<vmem>>)
      %dma_wait3A_173 = tpu.memref_slice %arg5[%mul3A_25] : memref<327680xi32, #tpu.memory_space<hbm>> -> memref<80xi32, #tpu.memory_space<hbm>>
      %dma_wait3A_174 = tpu.memref_slice %arg5[%mul3A_25] : memref<327680xi32, #tpu.memory_space<hbm>> -> memref<80xi32, #tpu.memory_space<hbm>>
      tpu.wait_dma2 semaphore(%arg22 : memref<!tpu.dma_semaphore, #tpu.memory_space<semaphore_mem>>) src(%dma_wait3A_174 : memref<80xi32, #tpu.memory_space<hbm>>) dst(%arg10 : memref<80xi32, #tpu.memory_space<vmem>>)
      %dma_start3A_175 = arith.constant 0 : i32
      %dma_start3A_176 = arith.constant 0 : i32
      %dma_start3A_177 = tpu.memref_slice %arg2[%dma_start3A_175, %dma_start3A_176] : memref<10240x64xf32, #tpu.memory_space<hbm>> -> memref<10240x64xf32, #tpu.memory_space<hbm>>
      tpu.enqueue_indirect_dma source(%dma_start3A_177 : memref<10240x64xf32, #tpu.memory_space<hbm>>) target(%arg13 : memref<80x64xf32, #tpu.memory_space<vmem>>) offsets(%arg9 : memref<80xi32, #tpu.memory_space<vmem>>) semaphore(%arg19 : memref<!tpu.dma_semaphore, #tpu.memory_space<semaphore_mem>>)
      %dma_start3A_178 = arith.constant 0 : i32
      %dma_start3A_179 = arith.constant 0 : i32
      %dma_start3A_180 = tpu.memref_slice %arg3[%dma_start3A_178, %dma_start3A_179] : memref<10240x16xf32, #tpu.memory_space<hbm>> -> memref<10240x16xf32, #tpu.memory_space<hbm>>
      tpu.enqueue_indirect_dma source(%dma_start3A_180 : memref<10240x16xf32, #tpu.memory_space<hbm>>) target(%arg14 : memref<80x16xf32, #tpu.memory_space<vmem>>) offsets(%arg10 : memref<80xi32, #tpu.memory_space<vmem>>) semaphore(%arg20 : memref<!tpu.dma_semaphore, #tpu.memory_space<semaphore_mem>>)
      %parallel_loop3A = arith.constant 0 : i32
      %parallel_loop3A_181 = arith.constant 80 : i32
      %parallel_loop3A_182 = arith.constant 1 : i32
      scf.for %parallel_loop3A_237 = %parallel_loop3A to %parallel_loop3A_181 step %parallel_loop3A_182  : i32 {
        %parallel_loop3A_238 = arith.index_cast %parallel_loop3A_237 : i32 to index
        %parallel_loop3A_239 = arith.constant 48 : index
        %parallel_loop3A_240 = tpu.vector_load %arg11[%parallel_loop3A_238, %parallel_loop3A_239] {strides = array<i32>} : memref<80x64xf32, #tpu.memory_space<vmem>>, vector<1x16xf32>,
        %parallel_loop3A_241 = vector.shape_cast %parallel_loop3A_240 : vector<1x16xf32> to vector<16xf32>
        %parallel_loop3A_242 = arith.index_cast %parallel_loop3A_237 : i32 to index
        %parallel_loop3A_243 = arith.constant 0 : index
        %parallel_loop3A_244 = tpu.vector_load %arg12[%parallel_loop3A_242, %parallel_loop3A_243] {strides = array<i32>} : memref<80x16xf32, #tpu.memory_space<vmem>>, vector<1x16xf32>,
        %parallel_loop3A_245 = vector.shape_cast %parallel_loop3A_244 : vector<1x16xf32> to vector<16xf32>
        %parallel_loop3A_246 = arith.addf %parallel_loop3A_241, %parallel_loop3A_245 : vector<16xf32>
        %parallel_loop3A_247 = arith.mulf %parallel_loop3A_246, %broadcast_in_dim3A_3 : vector<16xf32>
        %parallel_loop3A_248 = arith.maximumf %parallel_loop3A_246, %parallel_loop3A_247 : vector<16xf32>
        %parallel_loop3A_249 = math.exp %parallel_loop3A_248 : vector<16xf32>
        %parallel_loop3A_250 = arith.index_cast %parallel_loop3A_237 : i32 to index
        %parallel_loop3A_251 = arith.constant 0 : index
        %parallel_loop3A_252 = tpu.vector_load %arg11[%parallel_loop3A_250, %parallel_loop3A_251] {strides = array<i32>} : memref<80x64xf32, #tpu.memory_space<vmem>>, vector<1x16xf32>,
        %parallel_loop3A_253 = vector.shape_cast %parallel_loop3A_252 : vector<1x16xf32> to vector<16xf32>
        %parallel_loop3A_254 = arith.mulf %parallel_loop3A_253, %parallel_loop3A_249 : vector<16xf32>
        %parallel_loop3A_255 = arith.index_cast %parallel_loop3A_237 : i32 to index
        %parallel_loop3A_256 = arith.constant 0 : index
        %parallel_loop3A_257 = tpu.vector_load %arg15[%parallel_loop3A_255, %parallel_loop3A_256] {strides = array<i32>} : memref<80x48xf32, #tpu.memory_space<vmem>>, vector<1x16xf32>,
        %parallel_loop3A_258 = vector.shape_cast %parallel_loop3A_257 : vector<1x16xf32> to vector<16xf32>
        %parallel_loop3A_259 = vector.shape_cast %parallel_loop3A_254 : vector<16xf32> to vector<1x16xf32>
        tpu.vector_store %arg15[%parallel_loop3A_255, %parallel_loop3A_256], %parallel_loop3A_259 {strides = array<i32>} : memref<80x48xf32, #tpu.memory_space<vmem>>, vector<1x16xf32>,
        %parallel_loop3A_260 = arith.index_cast %parallel_loop3A_237 : i32 to index
        %parallel_loop3A_261 = arith.constant 16 : index
        %parallel_loop3A_262 = tpu.vector_load %arg11[%parallel_loop3A_260, %parallel_loop3A_261] {strides = array<i32>} : memref<80x64xf32, #tpu.memory_space<vmem>>, vector<1x16xf32>,
        %parallel_loop3A_263 = vector.shape_cast %parallel_loop3A_262 : vector<1x16xf32> to vector<16xf32>
        %parallel_loop3A_264 = arith.mulf %parallel_loop3A_263, %parallel_loop3A_249 : vector<16xf32>
        %parallel_loop3A_265 = arith.index_cast %parallel_loop3A_237 : i32 to index
        %parallel_loop3A_266 = arith.constant 16 : index
        %parallel_loop3A_267 = tpu.vector_load %arg15[%parallel_loop3A_265, %parallel_loop3A_266] {strides = array<i32>} : memref<80x48xf32, #tpu.memory_space<vmem>>, vector<1x16xf32>,
        %parallel_loop3A_268 = vector.shape_cast %parallel_loop3A_267 : vector<1x16xf32> to vector<16xf32>
        %parallel_loop3A_269 = vector.shape_cast %parallel_loop3A_264 : vector<16xf32> to vector<1x16xf32>
        tpu.vector_store %arg15[%parallel_loop3A_265, %parallel_loop3A_266], %parallel_loop3A_269 {strides = array<i32>} : memref<80x48xf32, #tpu.memory_space<vmem>>, vector<1x16xf32>,
        %parallel_loop3A_270 = arith.index_cast %parallel_loop3A_237 : i32 to index
        %parallel_loop3A_271 = arith.constant 32 : index
        %parallel_loop3A_272 = tpu.vector_load %arg11[%parallel_loop3A_270, %parallel_loop3A_271] {strides = array<i32>} : memref<80x64xf32, #tpu.memory_space<vmem>>, vector<1x16xf32>,
        %parallel_loop3A_273 = vector.shape_cast %parallel_loop3A_272 : vector<1x16xf32> to vector<16xf32>
        %parallel_loop3A_274 = arith.mulf %parallel_loop3A_273, %parallel_loop3A_249 : vector<16xf32>
        %parallel_loop3A_275 = arith.mulf %parallel_loop3A_274, %convert_element_type3A : vector<16xf32>
        %parallel_loop3A_276 = arith.mulf %parallel_loop3A_249, %convert_element_type3A_13 : vector<16xf32>
        %parallel_loop3A_277 = arith.addf %parallel_loop3A_275, %parallel_loop3A_276 : vector<16xf32>
        %parallel_loop3A_278 = arith.index_cast %parallel_loop3A_237 : i32 to index
        %parallel_loop3A_279 = arith.constant 32 : index
        %parallel_loop3A_280 = tpu.vector_load %arg15[%parallel_loop3A_278, %parallel_loop3A_279] {strides = array<i32>} : memref<80x48xf32, #tpu.memory_space<vmem>>, vector<1x16xf32>,
        %parallel_loop3A_281 = vector.shape_cast %parallel_loop3A_280 : vector<1x16xf32> to vector<16xf32>
        %parallel_loop3A_282 = vector.shape_cast %parallel_loop3A_277 : vector<16xf32> to vector<1x16xf32>
        tpu.vector_store %arg15[%parallel_loop3A_278, %parallel_loop3A_279], %parallel_loop3A_282 {strides = array<i32>} : memref<80x48xf32, #tpu.memory_space<vmem>>, vector<1x16xf32>,
      } {sc.loop_unroll_factor = 4 : i64, sc.parallel_access}
      "tpu.region"() ({
        %run_scoped3A = tpu.sem_alloc : memref<!tpu.dma_semaphore, #tpu.memory_space<semaphore_mem>>
        %dma_start3A_237 = arith.constant 0 : i32
        %dma_start3A_238 = arith.constant 0 : i32
        %dma_start3A_239 = tpu.memref_slice %arg16[%dma_start3A_237, %dma_start3A_238] : memref<10240x48xf32, #tpu.memory_space<vmem_shared>> -> memref<10240x48xf32, #tpu.memory_space<vmem_shared>>
        tpu.enqueue_indirect_dma source(%arg15 : memref<80x48xf32, #tpu.memory_space<vmem>>) target(%dma_start3A_239 : memref<10240x48xf32, #tpu.memory_space<vmem_shared>>) offsets(%arg8 : memref<80xi32, #tpu.memory_space<vmem>>) semaphore(%run_scoped3A : memref<!tpu.dma_semaphore, #tpu.memory_space<semaphore_mem>>) {add = true}
        %dma_wait3A_240 = arith.constant 0 : i32
        %dma_wait3A_241 = arith.constant 0 : i32
        %dma_wait3A_242 = tpu.memref_slice %arg16[%dma_wait3A_240, %dma_wait3A_241] : memref<10240x48xf32, #tpu.memory_space<vmem_shared>> -> memref<10240x48xf32, #tpu.memory_space<vmem_shared>>
        tpu.wait_indirect_dma semaphore(%run_scoped3A : memref<!tpu.dma_semaphore, #tpu.memory_space<semaphore_mem>>) src(%arg15 : memref<80x48xf32, #tpu.memory_space<vmem>>) dst(%dma_wait3A_242 : memref<10240x48xf32, #tpu.memory_space<vmem_shared>>)
        tpu.yield
      }) : () -> ()
      %add3A_183 = arith.constant 2 : i32
      %add3A_184 = arith.addi %add3A_164, %add3A_183 : i32
      %sub3A_185 = arith.constant 1 : i32
      %sub3A_186 = arith.subi %add3A_17, %sub3A_185 : i32
      %min3A_187 = arith.minsi %add3A_184, %sub3A_186 : i32
      %mul3A_188 = arith.constant 80 : i32
      %mul3A_189 = arith.muli %min3A_187, %mul3A_188 : i32
      %add3A_190 = arith.addi %mul3A_25, %mul3A_189 : i32
      %dma_start3A_191 = tpu.memref_slice %arg4[%add3A_190] : memref<327680xi32, #tpu.memory_space<hbm>> -> memref<80xi32, #tpu.memory_space<hbm>>
      %dma_start3A_192 = tpu.memref_slice %arg4[%add3A_190] : memref<327680xi32, #tpu.memory_space<hbm>> -> memref<80xi32, #tpu.memory_space<hbm>>
      tpu.enqueue_dma source(%dma_start3A_192 : memref<80xi32, #tpu.memory_space<hbm>>) target(%arg7 : memref<80xi32, #tpu.memory_space<vmem>>) target_semaphore(%arg21 : memref<!tpu.dma_semaphore, #tpu.memory_space<semaphore_mem>>)
      %mul3A_193 = arith.constant 80 : i32
      %mul3A_194 = arith.muli %min3A_187, %mul3A_193 : i32
      %add3A_195 = arith.addi %mul3A_25, %mul3A_194 : i32
      %dma_start3A_196 = tpu.memref_slice %arg5[%add3A_195] : memref<327680xi32, #tpu.memory_space<hbm>> -> memref<80xi32, #tpu.memory_space<hbm>>
      %dma_start3A_197 = tpu.memref_slice %arg5[%add3A_195] : memref<327680xi32, #tpu.memory_space<hbm>> -> memref<80xi32, #tpu.memory_space<hbm>>
      tpu.enqueue_dma source(%dma_start3A_197 : memref<80xi32, #tpu.memory_space<hbm>>) target(%arg8 : memref<80xi32, #tpu.memory_space<vmem>>) target_semaphore(%arg21 : memref<!tpu.dma_semaphore, #tpu.memory_space<semaphore_mem>>)
      %mul3A_198 = arith.constant 2 : i32
      %mul3A_199 = arith.muli %mul3A_198, %while3A_159 : i32
      %add3A_200 = arith.constant 1 : i32
      %add3A_201 = arith.addi %mul3A_199, %add3A_200 : i32
      %dma_wait3A_202 = arith.constant 0 : i32
      %dma_wait3A_203 = arith.constant 0 : i32
      %dma_wait3A_204 = tpu.memref_slice %arg2[%dma_wait3A_202, %dma_wait3A_203] : memref<10240x64xf32, #tpu.memory_space<hbm>> -> memref<10240x64xf32, #tpu.memory_space<hbm>>
      tpu.wait_indirect_dma semaphore(%arg19 : memref<!tpu.dma_semaphore, #tpu.memory_space<semaphore_mem>>) src(%dma_wait3A_204 : memref<10240x64xf32, #tpu.memory_space<hbm>>) dst(%arg13 : memref<80x64xf32, #tpu.memory_space<vmem>>)
      %dma_wait3A_205 = arith.constant 0 : i32
      %dma_wait3A_206 = arith.constant 0 : i32
      %dma_wait3A_207 = tpu.memref_slice %arg3[%dma_wait3A_205, %dma_wait3A_206] : memref<10240x16xf32, #tpu.memory_space<hbm>> -> memref<10240x16xf32, #tpu.memory_space<hbm>>
      tpu.wait_indirect_dma semaphore(%arg20 : memref<!tpu.dma_semaphore, #tpu.memory_space<semaphore_mem>>) src(%dma_wait3A_207 : memref<10240x16xf32, #tpu.memory_space<hbm>>) dst(%arg14 : memref<80x16xf32, #tpu.memory_space<vmem>>)
      %dma_wait3A_208 = tpu.memref_slice %arg4[%mul3A_25] : memref<327680xi32, #tpu.memory_space<hbm>> -> memref<80xi32, #tpu.memory_space<hbm>>
      %dma_wait3A_209 = tpu.memref_slice %arg4[%mul3A_25] : memref<327680xi32, #tpu.memory_space<hbm>> -> memref<80xi32, #tpu.memory_space<hbm>>
      tpu.wait_dma2 semaphore(%arg21 : memref<!tpu.dma_semaphore, #tpu.memory_space<semaphore_mem>>) src(%dma_wait3A_209 : memref<80xi32, #tpu.memory_space<hbm>>) dst(%arg7 : memref<80xi32, #tpu.memory_space<vmem>>)
      %dma_wait3A_210 = tpu.memref_slice %arg5[%mul3A_25] : memref<327680xi32, #tpu.memory_space<hbm>> -> memref<80xi32, #tpu.memory_space<hbm>>
      %dma_wait3A_211 = tpu.memref_slice %arg5[%mul3A_25] : memref<327680xi32, #tpu.memory_space<hbm>> -> memref<80xi32, #tpu.memory_space<hbm>>
      tpu.wait_dma2 semaphore(%arg21 : memref<!tpu.dma_semaphore, #tpu.memory_space<semaphore_mem>>) src(%dma_wait3A_211 : memref<80xi32, #tpu.memory_space<hbm>>) dst(%arg8 : memref<80xi32, #tpu.memory_space<vmem>>)
      %dma_start3A_212 = arith.constant 0 : i32
      %dma_start3A_213 = arith.constant 0 : i32
      %dma_start3A_214 = tpu.memref_slice %arg2[%dma_start3A_212, %dma_start3A_213] : memref<10240x64xf32, #tpu.memory_space<hbm>> -> memref<10240x64xf32, #tpu.memory_space<hbm>>
      tpu.enqueue_indirect_dma source(%dma_start3A_214 : memref<10240x64xf32, #tpu.memory_space<hbm>>) target(%arg11 : memref<80x64xf32, #tpu.memory_space<vmem>>) offsets(%arg7 : memref<80xi32, #tpu.memory_space<vmem>>) semaphore(%arg17 : memref<!tpu.dma_semaphore, #tpu.memory_space<semaphore_mem>>)
      %dma_start3A_215 = arith.constant 0 : i32
      %dma_start3A_216 = arith.constant 0 : i32
      %dma_start3A_217 = tpu.memref_slice %arg3[%dma_start3A_215, %dma_start3A_216] : memref<10240x16xf32, #tpu.memory_space<hbm>> -> memref<10240x16xf32, #tpu.memory_space<hbm>>
      tpu.enqueue_indirect_dma source(%dma_start3A_217 : memref<10240x16xf32, #tpu.memory_space<hbm>>) target(%arg12 : memref<80x16xf32, #tpu.memory_space<vmem>>) offsets(%arg8 : memref<80xi32, #tpu.memory_space<vmem>>) semaphore(%arg18 : memref<!tpu.dma_semaphore, #tpu.memory_space<semaphore_mem>>)
      %parallel_loop3A_218 = arith.constant 0 : i32
      %parallel_loop3A_219 = arith.constant 80 : i32
      %parallel_loop3A_220 = arith.constant 1 : i32
      scf.for %parallel_loop3A_237 = %parallel_loop3A_218 to %parallel_loop3A_219 step %parallel_loop3A_220  : i32 {
        %parallel_loop3A_238 = arith.index_cast %parallel_loop3A_237 : i32 to index
        %parallel_loop3A_239 = arith.constant 48 : index
        %parallel_loop3A_240 = tpu.vector_load %arg13[%parallel_loop3A_238, %parallel_loop3A_239] {strides = array<i32>} : memref<80x64xf32, #tpu.memory_space<vmem>>, vector<1x16xf32>,
        %parallel_loop3A_241 = vector.shape_cast %parallel_loop3A_240 : vector<1x16xf32> to vector<16xf32>
        %parallel_loop3A_242 = arith.index_cast %parallel_loop3A_237 : i32 to index
        %parallel_loop3A_243 = arith.constant 0 : index
        %parallel_loop3A_244 = tpu.vector_load %arg14[%parallel_loop3A_242, %parallel_loop3A_243] {strides = array<i32>} : memref<80x16xf32, #tpu.memory_space<vmem>>, vector<1x16xf32>,
        %parallel_loop3A_245 = vector.shape_cast %parallel_loop3A_244 : vector<1x16xf32> to vector<16xf32>
        %parallel_loop3A_246 = arith.addf %parallel_loop3A_241, %parallel_loop3A_245 : vector<16xf32>
        %parallel_loop3A_247 = arith.mulf %parallel_loop3A_246, %broadcast_in_dim3A_3 : vector<16xf32>
        %parallel_loop3A_248 = arith.maximumf %parallel_loop3A_246, %parallel_loop3A_247 : vector<16xf32>
        %parallel_loop3A_249 = math.exp %parallel_loop3A_248 : vector<16xf32>
        %parallel_loop3A_250 = arith.index_cast %parallel_loop3A_237 : i32 to index
        %parallel_loop3A_251 = arith.constant 0 : index
        %parallel_loop3A_252 = tpu.vector_load %arg13[%parallel_loop3A_250, %parallel_loop3A_251] {strides = array<i32>} : memref<80x64xf32, #tpu.memory_space<vmem>>, vector<1x16xf32>,
        %parallel_loop3A_253 = vector.shape_cast %parallel_loop3A_252 : vector<1x16xf32> to vector<16xf32>
        %parallel_loop3A_254 = arith.mulf %parallel_loop3A_253, %parallel_loop3A_249 : vector<16xf32>
        %parallel_loop3A_255 = arith.index_cast %parallel_loop3A_237 : i32 to index
        %parallel_loop3A_256 = arith.constant 0 : index
        %parallel_loop3A_257 = tpu.vector_load %arg15[%parallel_loop3A_255, %parallel_loop3A_256] {strides = array<i32>} : memref<80x48xf32, #tpu.memory_space<vmem>>, vector<1x16xf32>,
        %parallel_loop3A_258 = vector.shape_cast %parallel_loop3A_257 : vector<1x16xf32> to vector<16xf32>
        %parallel_loop3A_259 = vector.shape_cast %parallel_loop3A_254 : vector<16xf32> to vector<1x16xf32>
        tpu.vector_store %arg15[%parallel_loop3A_255, %parallel_loop3A_256], %parallel_loop3A_259 {strides = array<i32>} : memref<80x48xf32, #tpu.memory_space<vmem>>, vector<1x16xf32>,
        %parallel_loop3A_260 = arith.index_cast %parallel_loop3A_237 : i32 to index
        %parallel_loop3A_261 = arith.constant 16 : index
        %parallel_loop3A_262 = tpu.vector_load %arg13[%parallel_loop3A_260, %parallel_loop3A_261] {strides = array<i32>} : memref<80x64xf32, #tpu.memory_space<vmem>>, vector<1x16xf32>,
        %parallel_loop3A_263 = vector.shape_cast %parallel_loop3A_262 : vector<1x16xf32> to vector<16xf32>
        %parallel_loop3A_264 = arith.mulf %parallel_loop3A_263, %parallel_loop3A_249 : vector<16xf32>
        %parallel_loop3A_265 = arith.index_cast %parallel_loop3A_237 : i32 to index
        %parallel_loop3A_266 = arith.constant 16 : index
        %parallel_loop3A_267 = tpu.vector_load %arg15[%parallel_loop3A_265, %parallel_loop3A_266] {strides = array<i32>} : memref<80x48xf32, #tpu.memory_space<vmem>>, vector<1x16xf32>,
        %parallel_loop3A_268 = vector.shape_cast %parallel_loop3A_267 : vector<1x16xf32> to vector<16xf32>
        %parallel_loop3A_269 = vector.shape_cast %parallel_loop3A_264 : vector<16xf32> to vector<1x16xf32>
        tpu.vector_store %arg15[%parallel_loop3A_265, %parallel_loop3A_266], %parallel_loop3A_269 {strides = array<i32>} : memref<80x48xf32, #tpu.memory_space<vmem>>, vector<1x16xf32>,
        %parallel_loop3A_270 = arith.index_cast %parallel_loop3A_237 : i32 to index
        %parallel_loop3A_271 = arith.constant 32 : index
        %parallel_loop3A_272 = tpu.vector_load %arg13[%parallel_loop3A_270, %parallel_loop3A_271] {strides = array<i32>} : memref<80x64xf32, #tpu.memory_space<vmem>>, vector<1x16xf32>,
        %parallel_loop3A_273 = vector.shape_cast %parallel_loop3A_272 : vector<1x16xf32> to vector<16xf32>
        %parallel_loop3A_274 = arith.mulf %parallel_loop3A_273, %parallel_loop3A_249 : vector<16xf32>
        %parallel_loop3A_275 = arith.mulf %parallel_loop3A_274, %convert_element_type3A : vector<16xf32>
        %parallel_loop3A_276 = arith.mulf %parallel_loop3A_249, %convert_element_type3A_13 : vector<16xf32>
        %parallel_loop3A_277 = arith.addf %parallel_loop3A_275, %parallel_loop3A_276 : vector<16xf32>
        %parallel_loop3A_278 = arith.index_cast %parallel_loop3A_237 : i32 to index
        %parallel_loop3A_279 = arith.constant 32 : index
        %parallel_loop3A_280 = tpu.vector_load %arg15[%parallel_loop3A_278, %parallel_loop3A_279] {strides = array<i32>} : memref<80x48xf32, #tpu.memory_space<vmem>>, vector<1x16xf32>,
        %parallel_loop3A_281 = vector.shape_cast %parallel_loop3A_280 : vector<1x16xf32> to vector<16xf32>
        %parallel_loop3A_282 = vector.shape_cast %parallel_loop3A_277 : vector<16xf32> to vector<1x16xf32>
        tpu.vector_store %arg15[%parallel_loop3A_278, %parallel_loop3A_279], %parallel_loop3A_282 {strides = array<i32>} : memref<80x48xf32, #tpu.memory_space<vmem>>, vector<1x16xf32>,
      } {sc.loop_unroll_factor = 4 : i64, sc.parallel_access}
      "tpu.region"() ({
        %run_scoped3A = tpu.sem_alloc : memref<!tpu.dma_semaphore, #tpu.memory_space<semaphore_mem>>
        %dma_start3A_237 = arith.constant 0 : i32
        %dma_start3A_238 = arith.constant 0 : i32
        %dma_start3A_239 = tpu.memref_slice %arg16[%dma_start3A_237, %dma_start3A_238] : memref<10240x48xf32, #tpu.memory_space<vmem_shared>> -> memref<10240x48xf32, #tpu.memory_space<vmem_shared>>
        tpu.enqueue_indirect_dma source(%arg15 : memref<80x48xf32, #tpu.memory_space<vmem>>) target(%dma_start3A_239 : memref<10240x48xf32, #tpu.memory_space<vmem_shared>>) offsets(%arg10 : memref<80xi32, #tpu.memory_space<vmem>>) semaphore(%run_scoped3A : memref<!tpu.dma_semaphore, #tpu.memory_space<semaphore_mem>>) {add = true}
        %dma_wait3A_240 = arith.constant 0 : i32
        %dma_wait3A_241 = arith.constant 0 : i32
        %dma_wait3A_242 = tpu.memref_slice %arg16[%dma_wait3A_240, %dma_wait3A_241] : memref<10240x48xf32, #tpu.memory_space<vmem_shared>> -> memref<10240x48xf32, #tpu.memory_space<vmem_shared>>
        tpu.wait_indirect_dma semaphore(%run_scoped3A : memref<!tpu.dma_semaphore, #tpu.memory_space<semaphore_mem>>) src(%arg15 : memref<80x48xf32, #tpu.memory_space<vmem>>) dst(%dma_wait3A_242 : memref<10240x48xf32, #tpu.memory_space<vmem_shared>>)
        tpu.yield
      }) : () -> ()
      %add3A_221 = arith.constant 2 : i32
      %add3A_222 = arith.addi %add3A_201, %add3A_221 : i32
      %sub3A_223 = arith.constant 1 : i32
      %sub3A_224 = arith.subi %add3A_17, %sub3A_223 : i32
      %min3A_225 = arith.minsi %add3A_222, %sub3A_224 : i32
      %mul3A_226 = arith.constant 80 : i32
      %mul3A_227 = arith.muli %min3A_225, %mul3A_226 : i32
      %add3A_228 = arith.addi %mul3A_25, %mul3A_227 : i32
      %dma_start3A_229 = tpu.memref_slice %arg4[%add3A_228] : memref<327680xi32, #tpu.memory_space<hbm>> -> memref<80xi32, #tpu.memory_space<hbm>>
      %dma_start3A_230 = tpu.memref_slice %arg4[%add3A_228] : memref<327680xi32, #tpu.memory_space<hbm>> -> memref<80xi32, #tpu.memory_space<hbm>>
      tpu.enqueue_dma source(%dma_start3A_230 : memref<80xi32, #tpu.memory_space<hbm>>) target(%arg9 : memref<80xi32, #tpu.memory_space<vmem>>) target_semaphore(%arg22 : memref<!tpu.dma_semaphore, #tpu.memory_space<semaphore_mem>>)
      %mul3A_231 = arith.constant 80 : i32
      %mul3A_232 = arith.muli %min3A_225, %mul3A_231 : i32
      %add3A_233 = arith.addi %mul3A_25, %mul3A_232 : i32
      %dma_start3A_234 = tpu.memref_slice %arg5[%add3A_233] : memref<327680xi32, #tpu.memory_space<hbm>> -> memref<80xi32, #tpu.memory_space<hbm>>
      %dma_start3A_235 = tpu.memref_slice %arg5[%add3A_233] : memref<327680xi32, #tpu.memory_space<hbm>> -> memref<80xi32, #tpu.memory_space<hbm>>
      tpu.enqueue_dma source(%dma_start3A_235 : memref<80xi32, #tpu.memory_space<hbm>>) target(%arg10 : memref<80xi32, #tpu.memory_space<vmem>>) target_semaphore(%arg22 : memref<!tpu.dma_semaphore, #tpu.memory_space<semaphore_mem>>)
      %while3A_236 = arith.constant 0 : i32
      scf.yield %while3A_236 : i32
    }
    %while3A_114 = arith.constant 1 : i32
    %while3A_115 = scf.for %while3A_159 = %while3A_111 to %while3A_107 step %while3A_114 iter_args(%while3A_160 = %while3A_113) -> (i32)  : i32 {
      %mul3A_161 = arith.constant 2 : i32
      %mul3A_162 = arith.muli %mul3A_161, %while3A_159 : i32
      %add3A_163 = arith.constant 0 : i32
      %add3A_164 = arith.addi %mul3A_162, %add3A_163 : i32
      %dma_wait3A_165 = arith.constant 0 : i32
      %dma_wait3A_166 = arith.constant 0 : i32
      %dma_wait3A_167 = tpu.memref_slice %arg2[%dma_wait3A_165, %dma_wait3A_166] : memref<10240x64xf32, #tpu.memory_space<hbm>> -> memref<10240x64xf32, #tpu.memory_space<hbm>>
      tpu.wait_indirect_dma semaphore(%arg17 : memref<!tpu.dma_semaphore, #tpu.memory_space<semaphore_mem>>) src(%dma_wait3A_167 : memref<10240x64xf32, #tpu.memory_space<hbm>>) dst(%arg11 : memref<80x64xf32, #tpu.memory_space<vmem>>)
      %dma_wait3A_168 = arith.constant 0 : i32
      %dma_wait3A_169 = arith.constant 0 : i32
      %dma_wait3A_170 = tpu.memref_slice %arg3[%dma_wait3A_168, %dma_wait3A_169] : memref<10240x16xf32, #tpu.memory_space<hbm>> -> memref<10240x16xf32, #tpu.memory_space<hbm>>
      tpu.wait_indirect_dma semaphore(%arg18 : memref<!tpu.dma_semaphore, #tpu.memory_space<semaphore_mem>>) src(%dma_wait3A_170 : memref<10240x16xf32, #tpu.memory_space<hbm>>) dst(%arg12 : memref<80x16xf32, #tpu.memory_space<vmem>>)
      %dma_wait3A_171 = tpu.memref_slice %arg4[%mul3A_25] : memref<327680xi32, #tpu.memory_space<hbm>> -> memref<80xi32, #tpu.memory_space<hbm>>
      %dma_wait3A_172 = tpu.memref_slice %arg4[%mul3A_25] : memref<327680xi32, #tpu.memory_space<hbm>> -> memref<80xi32, #tpu.memory_space<hbm>>
      tpu.wait_dma2 semaphore(%arg22 : memref<!tpu.dma_semaphore, #tpu.memory_space<semaphore_mem>>) src(%dma_wait3A_172 : memref<80xi32, #tpu.memory_space<hbm>>) dst(%arg9 : memref<80xi32, #tpu.memory_space<vmem>>)
      %dma_wait3A_173 = tpu.memref_slice %arg5[%mul3A_25] : memref<327680xi32, #tpu.memory_space<hbm>> -> memref<80xi32, #tpu.memory_space<hbm>>
      %dma_wait3A_174 = tpu.memref_slice %arg5[%mul3A_25] : memref<327680xi32, #tpu.memory_space<hbm>> -> memref<80xi32, #tpu.memory_space<hbm>>
      tpu.wait_dma2 semaphore(%arg22 : memref<!tpu.dma_semaphore, #tpu.memory_space<semaphore_mem>>) src(%dma_wait3A_174 : memref<80xi32, #tpu.memory_space<hbm>>) dst(%arg10 : memref<80xi32, #tpu.memory_space<vmem>>)
      %dma_start3A_175 = arith.constant 0 : i32
      %dma_start3A_176 = arith.constant 0 : i32
      %dma_start3A_177 = tpu.memref_slice %arg2[%dma_start3A_175, %dma_start3A_176] : memref<10240x64xf32, #tpu.memory_space<hbm>> -> memref<10240x64xf32, #tpu.memory_space<hbm>>
      tpu.enqueue_indirect_dma source(%dma_start3A_177 : memref<10240x64xf32, #tpu.memory_space<hbm>>) target(%arg13 : memref<80x64xf32, #tpu.memory_space<vmem>>) offsets(%arg9 : memref<80xi32, #tpu.memory_space<vmem>>) semaphore(%arg19 : memref<!tpu.dma_semaphore, #tpu.memory_space<semaphore_mem>>)
      %dma_start3A_178 = arith.constant 0 : i32
      %dma_start3A_179 = arith.constant 0 : i32
      %dma_start3A_180 = tpu.memref_slice %arg3[%dma_start3A_178, %dma_start3A_179] : memref<10240x16xf32, #tpu.memory_space<hbm>> -> memref<10240x16xf32, #tpu.memory_space<hbm>>
      tpu.enqueue_indirect_dma source(%dma_start3A_180 : memref<10240x16xf32, #tpu.memory_space<hbm>>) target(%arg14 : memref<80x16xf32, #tpu.memory_space<vmem>>) offsets(%arg10 : memref<80xi32, #tpu.memory_space<vmem>>) semaphore(%arg20 : memref<!tpu.dma_semaphore, #tpu.memory_space<semaphore_mem>>)
      %parallel_loop3A = arith.constant 0 : i32
      %parallel_loop3A_181 = arith.constant 80 : i32
      %parallel_loop3A_182 = arith.constant 1 : i32
      scf.for %parallel_loop3A_237 = %parallel_loop3A to %parallel_loop3A_181 step %parallel_loop3A_182  : i32 {
        %parallel_loop3A_238 = arith.index_cast %parallel_loop3A_237 : i32 to index
        %parallel_loop3A_239 = arith.constant 48 : index
        %parallel_loop3A_240 = tpu.vector_load %arg11[%parallel_loop3A_238, %parallel_loop3A_239] {strides = array<i32>} : memref<80x64xf32, #tpu.memory_space<vmem>>, vector<1x16xf32>,
        %parallel_loop3A_241 = vector.shape_cast %parallel_loop3A_240 : vector<1x16xf32> to vector<16xf32>
        %parallel_loop3A_242 = arith.index_cast %parallel_loop3A_237 : i32 to index
        %parallel_loop3A_243 = arith.constant 0 : index
        %parallel_loop3A_244 = tpu.vector_load %arg12[%parallel_loop3A_242, %parallel_loop3A_243] {strides = array<i32>} : memref<80x16xf32, #tpu.memory_space<vmem>>, vector<1x16xf32>,
        %parallel_loop3A_245 = vector.shape_cast %parallel_loop3A_244 : vector<1x16xf32> to vector<16xf32>
        %parallel_loop3A_246 = arith.addf %parallel_loop3A_241, %parallel_loop3A_245 : vector<16xf32>
        %parallel_loop3A_247 = arith.mulf %parallel_loop3A_246, %broadcast_in_dim3A_3 : vector<16xf32>
        %parallel_loop3A_248 = arith.maximumf %parallel_loop3A_246, %parallel_loop3A_247 : vector<16xf32>
        %parallel_loop3A_249 = math.exp %parallel_loop3A_248 : vector<16xf32>
        %parallel_loop3A_250 = arith.index_cast %parallel_loop3A_237 : i32 to index
        %parallel_loop3A_251 = arith.constant 0 : index
        %parallel_loop3A_252 = tpu.vector_load %arg11[%parallel_loop3A_250, %parallel_loop3A_251] {strides = array<i32>} : memref<80x64xf32, #tpu.memory_space<vmem>>, vector<1x16xf32>,
        %parallel_loop3A_253 = vector.shape_cast %parallel_loop3A_252 : vector<1x16xf32> to vector<16xf32>
        %parallel_loop3A_254 = arith.mulf %parallel_loop3A_253, %parallel_loop3A_249 : vector<16xf32>
        %parallel_loop3A_255 = arith.index_cast %parallel_loop3A_237 : i32 to index
        %parallel_loop3A_256 = arith.constant 0 : index
        %parallel_loop3A_257 = tpu.vector_load %arg15[%parallel_loop3A_255, %parallel_loop3A_256] {strides = array<i32>} : memref<80x48xf32, #tpu.memory_space<vmem>>, vector<1x16xf32>,
        %parallel_loop3A_258 = vector.shape_cast %parallel_loop3A_257 : vector<1x16xf32> to vector<16xf32>
        %parallel_loop3A_259 = vector.shape_cast %parallel_loop3A_254 : vector<16xf32> to vector<1x16xf32>
        tpu.vector_store %arg15[%parallel_loop3A_255, %parallel_loop3A_256], %parallel_loop3A_259 {strides = array<i32>} : memref<80x48xf32, #tpu.memory_space<vmem>>, vector<1x16xf32>,
        %parallel_loop3A_260 = arith.index_cast %parallel_loop3A_237 : i32 to index
        %parallel_loop3A_261 = arith.constant 16 : index
        %parallel_loop3A_262 = tpu.vector_load %arg11[%parallel_loop3A_260, %parallel_loop3A_261] {strides = array<i32>} : memref<80x64xf32, #tpu.memory_space<vmem>>, vector<1x16xf32>,
        %parallel_loop3A_263 = vector.shape_cast %parallel_loop3A_262 : vector<1x16xf32> to vector<16xf32>
        %parallel_loop3A_264 = arith.mulf %parallel_loop3A_263, %parallel_loop3A_249 : vector<16xf32>
        %parallel_loop3A_265 = arith.index_cast %parallel_loop3A_237 : i32 to index
        %parallel_loop3A_266 = arith.constant 16 : index
        %parallel_loop3A_267 = tpu.vector_load %arg15[%parallel_loop3A_265, %parallel_loop3A_266] {strides = array<i32>} : memref<80x48xf32, #tpu.memory_space<vmem>>, vector<1x16xf32>,
        %parallel_loop3A_268 = vector.shape_cast %parallel_loop3A_267 : vector<1x16xf32> to vector<16xf32>
        %parallel_loop3A_269 = vector.shape_cast %parallel_loop3A_264 : vector<16xf32> to vector<1x16xf32>
        tpu.vector_store %arg15[%parallel_loop3A_265, %parallel_loop3A_266], %parallel_loop3A_269 {strides = array<i32>} : memref<80x48xf32, #tpu.memory_space<vmem>>, vector<1x16xf32>,
        %parallel_loop3A_270 = arith.index_cast %parallel_loop3A_237 : i32 to index
        %parallel_loop3A_271 = arith.constant 32 : index
        %parallel_loop3A_272 = tpu.vector_load %arg11[%parallel_loop3A_270, %parallel_loop3A_271] {strides = array<i32>} : memref<80x64xf32, #tpu.memory_space<vmem>>, vector<1x16xf32>,
        %parallel_loop3A_273 = vector.shape_cast %parallel_loop3A_272 : vector<1x16xf32> to vector<16xf32>
        %parallel_loop3A_274 = arith.mulf %parallel_loop3A_273, %parallel_loop3A_249 : vector<16xf32>
        %parallel_loop3A_275 = arith.mulf %parallel_loop3A_274, %convert_element_type3A : vector<16xf32>
        %parallel_loop3A_276 = arith.mulf %parallel_loop3A_249, %convert_element_type3A_13 : vector<16xf32>
        %parallel_loop3A_277 = arith.addf %parallel_loop3A_275, %parallel_loop3A_276 : vector<16xf32>
        %parallel_loop3A_278 = arith.index_cast %parallel_loop3A_237 : i32 to index
        %parallel_loop3A_279 = arith.constant 32 : index
        %parallel_loop3A_280 = tpu.vector_load %arg15[%parallel_loop3A_278, %parallel_loop3A_279] {strides = array<i32>} : memref<80x48xf32, #tpu.memory_space<vmem>>, vector<1x16xf32>,
        %parallel_loop3A_281 = vector.shape_cast %parallel_loop3A_280 : vector<1x16xf32> to vector<16xf32>
        %parallel_loop3A_282 = vector.shape_cast %parallel_loop3A_277 : vector<16xf32> to vector<1x16xf32>
        tpu.vector_store %arg15[%parallel_loop3A_278, %parallel_loop3A_279], %parallel_loop3A_282 {strides = array<i32>} : memref<80x48xf32, #tpu.memory_space<vmem>>, vector<1x16xf32>,
      } {sc.loop_unroll_factor = 4 : i64, sc.parallel_access}
      "tpu.region"() ({
        %run_scoped3A = tpu.sem_alloc : memref<!tpu.dma_semaphore, #tpu.memory_space<semaphore_mem>>
        %dma_start3A_237 = arith.constant 0 : i32
        %dma_start3A_238 = arith.constant 0 : i32
        %dma_start3A_239 = tpu.memref_slice %arg16[%dma_start3A_237, %dma_start3A_238] : memref<10240x48xf32, #tpu.memory_space<vmem_shared>> -> memref<10240x48xf32, #tpu.memory_space<vmem_shared>>
        tpu.enqueue_indirect_dma source(%arg15 : memref<80x48xf32, #tpu.memory_space<vmem>>) target(%dma_start3A_239 : memref<10240x48xf32, #tpu.memory_space<vmem_shared>>) offsets(%arg8 : memref<80xi32, #tpu.memory_space<vmem>>) semaphore(%run_scoped3A : memref<!tpu.dma_semaphore, #tpu.memory_space<semaphore_mem>>) {add = true}
        %dma_wait3A_240 = arith.constant 0 : i32
        %dma_wait3A_241 = arith.constant 0 : i32
        %dma_wait3A_242 = tpu.memref_slice %arg16[%dma_wait3A_240, %dma_wait3A_241] : memref<10240x48xf32, #tpu.memory_space<vmem_shared>> -> memref<10240x48xf32, #tpu.memory_space<vmem_shared>>
        tpu.wait_indirect_dma semaphore(%run_scoped3A : memref<!tpu.dma_semaphore, #tpu.memory_space<semaphore_mem>>) src(%arg15 : memref<80x48xf32, #tpu.memory_space<vmem>>) dst(%dma_wait3A_242 : memref<10240x48xf32, #tpu.memory_space<vmem_shared>>)
        tpu.yield
      }) : () -> ()
      %add3A_183 = arith.constant 2 : i32
      %add3A_184 = arith.addi %add3A_164, %add3A_183 : i32
      %sub3A_185 = arith.constant 1 : i32
      %sub3A_186 = arith.subi %add3A_17, %sub3A_185 : i32
      %min3A_187 = arith.minsi %add3A_184, %sub3A_186 : i32
      %mul3A_188 = arith.constant 80 : i32
      %mul3A_189 = arith.muli %min3A_187, %mul3A_188 : i32
      %add3A_190 = arith.addi %mul3A_25, %mul3A_189 : i32
      %dma_start3A_191 = tpu.memref_slice %arg4[%add3A_190] : memref<327680xi32, #tpu.memory_space<hbm>> -> memref<80xi32, #tpu.memory_space<hbm>>
      %dma_start3A_192 = tpu.memref_slice %arg4[%add3A_190] : memref<327680xi32, #tpu.memory_space<hbm>> -> memref<80xi32, #tpu.memory_space<hbm>>
      tpu.enqueue_dma source(%dma_start3A_192 : memref<80xi32, #tpu.memory_space<hbm>>) target(%arg7 : memref<80xi32, #tpu.memory_space<vmem>>) target_semaphore(%arg21 : memref<!tpu.dma_semaphore, #tpu.memory_space<semaphore_mem>>)
      %mul3A_193 = arith.constant 80 : i32
      %mul3A_194 = arith.muli %min3A_187, %mul3A_193 : i32
      %add3A_195 = arith.addi %mul3A_25, %mul3A_194 : i32
      %dma_start3A_196 = tpu.memref_slice %arg5[%add3A_195] : memref<327680xi32, #tpu.memory_space<hbm>> -> memref<80xi32, #tpu.memory_space<hbm>>
      %dma_start3A_197 = tpu.memref_slice %arg5[%add3A_195] : memref<327680xi32, #tpu.memory_space<hbm>> -> memref<80xi32, #tpu.memory_space<hbm>>
      tpu.enqueue_dma source(%dma_start3A_197 : memref<80xi32, #tpu.memory_space<hbm>>) target(%arg8 : memref<80xi32, #tpu.memory_space<vmem>>) target_semaphore(%arg21 : memref<!tpu.dma_semaphore, #tpu.memory_space<semaphore_mem>>)
      %mul3A_198 = arith.constant 2 : i32
      %mul3A_199 = arith.muli %mul3A_198, %while3A_159 : i32
      %add3A_200 = arith.constant 1 : i32
      %add3A_201 = arith.addi %mul3A_199, %add3A_200 : i32
      %dma_wait3A_202 = arith.constant 0 : i32
      %dma_wait3A_203 = arith.constant 0 : i32
      %dma_wait3A_204 = tpu.memref_slice %arg2[%dma_wait3A_202, %dma_wait3A_203] : memref<10240x64xf32, #tpu.memory_space<hbm>> -> memref<10240x64xf32, #tpu.memory_space<hbm>>
      tpu.wait_indirect_dma semaphore(%arg19 : memref<!tpu.dma_semaphore, #tpu.memory_space<semaphore_mem>>) src(%dma_wait3A_204 : memref<10240x64xf32, #tpu.memory_space<hbm>>) dst(%arg13 : memref<80x64xf32, #tpu.memory_space<vmem>>)
      %dma_wait3A_205 = arith.constant 0 : i32
      %dma_wait3A_206 = arith.constant 0 : i32
      %dma_wait3A_207 = tpu.memref_slice %arg3[%dma_wait3A_205, %dma_wait3A_206] : memref<10240x16xf32, #tpu.memory_space<hbm>> -> memref<10240x16xf32, #tpu.memory_space<hbm>>
      tpu.wait_indirect_dma semaphore(%arg20 : memref<!tpu.dma_semaphore, #tpu.memory_space<semaphore_mem>>) src(%dma_wait3A_207 : memref<10240x16xf32, #tpu.memory_space<hbm>>) dst(%arg14 : memref<80x16xf32, #tpu.memory_space<vmem>>)
      %dma_wait3A_208 = tpu.memref_slice %arg4[%mul3A_25] : memref<327680xi32, #tpu.memory_space<hbm>> -> memref<80xi32, #tpu.memory_space<hbm>>
      %dma_wait3A_209 = tpu.memref_slice %arg4[%mul3A_25] : memref<327680xi32, #tpu.memory_space<hbm>> -> memref<80xi32, #tpu.memory_space<hbm>>
      tpu.wait_dma2 semaphore(%arg21 : memref<!tpu.dma_semaphore, #tpu.memory_space<semaphore_mem>>) src(%dma_wait3A_209 : memref<80xi32, #tpu.memory_space<hbm>>) dst(%arg7 : memref<80xi32, #tpu.memory_space<vmem>>)
      %dma_wait3A_210 = tpu.memref_slice %arg5[%mul3A_25] : memref<327680xi32, #tpu.memory_space<hbm>> -> memref<80xi32, #tpu.memory_space<hbm>>
      %dma_wait3A_211 = tpu.memref_slice %arg5[%mul3A_25] : memref<327680xi32, #tpu.memory_space<hbm>> -> memref<80xi32, #tpu.memory_space<hbm>>
      tpu.wait_dma2 semaphore(%arg21 : memref<!tpu.dma_semaphore, #tpu.memory_space<semaphore_mem>>) src(%dma_wait3A_211 : memref<80xi32, #tpu.memory_space<hbm>>) dst(%arg8 : memref<80xi32, #tpu.memory_space<vmem>>)
      %dma_start3A_212 = arith.constant 0 : i32
      %dma_start3A_213 = arith.constant 0 : i32
      %dma_start3A_214 = tpu.memref_slice %arg2[%dma_start3A_212, %dma_start3A_213] : memref<10240x64xf32, #tpu.memory_space<hbm>> -> memref<10240x64xf32, #tpu.memory_space<hbm>>
      tpu.enqueue_indirect_dma source(%dma_start3A_214 : memref<10240x64xf32, #tpu.memory_space<hbm>>) target(%arg11 : memref<80x64xf32, #tpu.memory_space<vmem>>) offsets(%arg7 : memref<80xi32, #tpu.memory_space<vmem>>) semaphore(%arg17 : memref<!tpu.dma_semaphore, #tpu.memory_space<semaphore_mem>>)
      %dma_start3A_215 = arith.constant 0 : i32
      %dma_start3A_216 = arith.constant 0 : i32
      %dma_start3A_217 = tpu.memref_slice %arg3[%dma_start3A_215, %dma_start3A_216] : memref<10240x16xf32, #tpu.memory_space<hbm>> -> memref<10240x16xf32, #tpu.memory_space<hbm>>
      tpu.enqueue_indirect_dma source(%dma_start3A_217 : memref<10240x16xf32, #tpu.memory_space<hbm>>) target(%arg12 : memref<80x16xf32, #tpu.memory_space<vmem>>) offsets(%arg8 : memref<80xi32, #tpu.memory_space<vmem>>) semaphore(%arg18 : memref<!tpu.dma_semaphore, #tpu.memory_space<semaphore_mem>>)
      %parallel_loop3A_218 = arith.constant 0 : i32
      %parallel_loop3A_219 = arith.constant 80 : i32
      %parallel_loop3A_220 = arith.constant 1 : i32
      scf.for %parallel_loop3A_237 = %parallel_loop3A_218 to %parallel_loop3A_219 step %parallel_loop3A_220  : i32 {
        %parallel_loop3A_238 = arith.index_cast %parallel_loop3A_237 : i32 to index
        %parallel_loop3A_239 = arith.constant 48 : index
        %parallel_loop3A_240 = tpu.vector_load %arg13[%parallel_loop3A_238, %parallel_loop3A_239] {strides = array<i32>} : memref<80x64xf32, #tpu.memory_space<vmem>>, vector<1x16xf32>,
        %parallel_loop3A_241 = vector.shape_cast %parallel_loop3A_240 : vector<1x16xf32> to vector<16xf32>
        %parallel_loop3A_242 = arith.index_cast %parallel_loop3A_237 : i32 to index
        %parallel_loop3A_243 = arith.constant 0 : index
        %parallel_loop3A_244 = tpu.vector_load %arg14[%parallel_loop3A_242, %parallel_loop3A_243] {strides = array<i32>} : memref<80x16xf32, #tpu.memory_space<vmem>>, vector<1x16xf32>,
        %parallel_loop3A_245 = vector.shape_cast %parallel_loop3A_244 : vector<1x16xf32> to vector<16xf32>
        %parallel_loop3A_246 = arith.addf %parallel_loop3A_241, %parallel_loop3A_245 : vector<16xf32>
        %parallel_loop3A_247 = arith.mulf %parallel_loop3A_246, %broadcast_in_dim3A_3 : vector<16xf32>
        %parallel_loop3A_248 = arith.maximumf %parallel_loop3A_246, %parallel_loop3A_247 : vector<16xf32>
        %parallel_loop3A_249 = math.exp %parallel_loop3A_248 : vector<16xf32>
        %parallel_loop3A_250 = arith.index_cast %parallel_loop3A_237 : i32 to index
        %parallel_loop3A_251 = arith.constant 0 : index
        %parallel_loop3A_252 = tpu.vector_load %arg13[%parallel_loop3A_250, %parallel_loop3A_251] {strides = array<i32>} : memref<80x64xf32, #tpu.memory_space<vmem>>, vector<1x16xf32>,
        %parallel_loop3A_253 = vector.shape_cast %parallel_loop3A_252 : vector<1x16xf32> to vector<16xf32>
        %parallel_loop3A_254 = arith.mulf %parallel_loop3A_253, %parallel_loop3A_249 : vector<16xf32>
        %parallel_loop3A_255 = arith.index_cast %parallel_loop3A_237 : i32 to index
        %parallel_loop3A_256 = arith.constant 0 : index
        %parallel_loop3A_257 = tpu.vector_load %arg15[%parallel_loop3A_255, %parallel_loop3A_256] {strides = array<i32>} : memref<80x48xf32, #tpu.memory_space<vmem>>, vector<1x16xf32>,
        %parallel_loop3A_258 = vector.shape_cast %parallel_loop3A_257 : vector<1x16xf32> to vector<16xf32>
        %parallel_loop3A_259 = vector.shape_cast %parallel_loop3A_254 : vector<16xf32> to vector<1x16xf32>
        tpu.vector_store %arg15[%parallel_loop3A_255, %parallel_loop3A_256], %parallel_loop3A_259 {strides = array<i32>} : memref<80x48xf32, #tpu.memory_space<vmem>>, vector<1x16xf32>,
        %parallel_loop3A_260 = arith.index_cast %parallel_loop3A_237 : i32 to index
        %parallel_loop3A_261 = arith.constant 16 : index
        %parallel_loop3A_262 = tpu.vector_load %arg13[%parallel_loop3A_260, %parallel_loop3A_261] {strides = array<i32>} : memref<80x64xf32, #tpu.memory_space<vmem>>, vector<1x16xf32>,
        %parallel_loop3A_263 = vector.shape_cast %parallel_loop3A_262 : vector<1x16xf32> to vector<16xf32>
        %parallel_loop3A_264 = arith.mulf %parallel_loop3A_263, %parallel_loop3A_249 : vector<16xf32>
        %parallel_loop3A_265 = arith.index_cast %parallel_loop3A_237 : i32 to index
        %parallel_loop3A_266 = arith.constant 16 : index
        %parallel_loop3A_267 = tpu.vector_load %arg15[%parallel_loop3A_265, %parallel_loop3A_266] {strides = array<i32>} : memref<80x48xf32, #tpu.memory_space<vmem>>, vector<1x16xf32>,
        %parallel_loop3A_268 = vector.shape_cast %parallel_loop3A_267 : vector<1x16xf32> to vector<16xf32>
        %parallel_loop3A_269 = vector.shape_cast %parallel_loop3A_264 : vector<16xf32> to vector<1x16xf32>
        tpu.vector_store %arg15[%parallel_loop3A_265, %parallel_loop3A_266], %parallel_loop3A_269 {strides = array<i32>} : memref<80x48xf32, #tpu.memory_space<vmem>>, vector<1x16xf32>,
        %parallel_loop3A_270 = arith.index_cast %parallel_loop3A_237 : i32 to index
        %parallel_loop3A_271 = arith.constant 32 : index
        %parallel_loop3A_272 = tpu.vector_load %arg13[%parallel_loop3A_270, %parallel_loop3A_271] {strides = array<i32>} : memref<80x64xf32, #tpu.memory_space<vmem>>, vector<1x16xf32>,
        %parallel_loop3A_273 = vector.shape_cast %parallel_loop3A_272 : vector<1x16xf32> to vector<16xf32>
        %parallel_loop3A_274 = arith.mulf %parallel_loop3A_273, %parallel_loop3A_249 : vector<16xf32>
        %parallel_loop3A_275 = arith.mulf %parallel_loop3A_274, %convert_element_type3A : vector<16xf32>
        %parallel_loop3A_276 = arith.mulf %parallel_loop3A_249, %convert_element_type3A_13 : vector<16xf32>
        %parallel_loop3A_277 = arith.addf %parallel_loop3A_275, %parallel_loop3A_276 : vector<16xf32>
        %parallel_loop3A_278 = arith.index_cast %parallel_loop3A_237 : i32 to index
        %parallel_loop3A_279 = arith.constant 32 : index
        %parallel_loop3A_280 = tpu.vector_load %arg15[%parallel_loop3A_278, %parallel_loop3A_279] {strides = array<i32>} : memref<80x48xf32, #tpu.memory_space<vmem>>, vector<1x16xf32>,
        %parallel_loop3A_281 = vector.shape_cast %parallel_loop3A_280 : vector<1x16xf32> to vector<16xf32>
        %parallel_loop3A_282 = vector.shape_cast %parallel_loop3A_277 : vector<16xf32> to vector<1x16xf32>
        tpu.vector_store %arg15[%parallel_loop3A_278, %parallel_loop3A_279], %parallel_loop3A_282 {strides = array<i32>} : memref<80x48xf32, #tpu.memory_space<vmem>>, vector<1x16xf32>,
      } {sc.loop_unroll_factor = 4 : i64, sc.parallel_access}
      "tpu.region"() ({
        %run_scoped3A = tpu.sem_alloc : memref<!tpu.dma_semaphore, #tpu.memory_space<semaphore_mem>>
        %dma_start3A_237 = arith.constant 0 : i32
        %dma_start3A_238 = arith.constant 0 : i32
        %dma_start3A_239 = tpu.memref_slice %arg16[%dma_start3A_237, %dma_start3A_238] : memref<10240x48xf32, #tpu.memory_space<vmem_shared>> -> memref<10240x48xf32, #tpu.memory_space<vmem_shared>>
        tpu.enqueue_indirect_dma source(%arg15 : memref<80x48xf32, #tpu.memory_space<vmem>>) target(%dma_start3A_239 : memref<10240x48xf32, #tpu.memory_space<vmem_shared>>) offsets(%arg10 : memref<80xi32, #tpu.memory_space<vmem>>) semaphore(%run_scoped3A : memref<!tpu.dma_semaphore, #tpu.memory_space<semaphore_mem>>) {add = true}
        %dma_wait3A_240 = arith.constant 0 : i32
        %dma_wait3A_241 = arith.constant 0 : i32
        %dma_wait3A_242 = tpu.memref_slice %arg16[%dma_wait3A_240, %dma_wait3A_241] : memref<10240x48xf32, #tpu.memory_space<vmem_shared>> -> memref<10240x48xf32, #tpu.memory_space<vmem_shared>>
        tpu.wait_indirect_dma semaphore(%run_scoped3A : memref<!tpu.dma_semaphore, #tpu.memory_space<semaphore_mem>>) src(%arg15 : memref<80x48xf32, #tpu.memory_space<vmem>>) dst(%dma_wait3A_242 : memref<10240x48xf32, #tpu.memory_space<vmem_shared>>)
        tpu.yield
      }) : () -> ()
      %add3A_221 = arith.constant 2 : i32
      %add3A_222 = arith.addi %add3A_201, %add3A_221 : i32
      %sub3A_223 = arith.constant 1 : i32
      %sub3A_224 = arith.subi %add3A_17, %sub3A_223 : i32
      %min3A_225 = arith.minsi %add3A_222, %sub3A_224 : i32
      %mul3A_226 = arith.constant 80 : i32
      %mul3A_227 = arith.muli %min3A_225, %mul3A_226 : i32
      %add3A_228 = arith.addi %mul3A_25, %mul3A_227 : i32
      %dma_start3A_229 = tpu.memref_slice %arg4[%add3A_228] : memref<327680xi32, #tpu.memory_space<hbm>> -> memref<80xi32, #tpu.memory_space<hbm>>
      %dma_start3A_230 = tpu.memref_slice %arg4[%add3A_228] : memref<327680xi32, #tpu.memory_space<hbm>> -> memref<80xi32, #tpu.memory_space<hbm>>
      tpu.enqueue_dma source(%dma_start3A_230 : memref<80xi32, #tpu.memory_space<hbm>>) target(%arg9 : memref<80xi32, #tpu.memory_space<vmem>>) target_semaphore(%arg22 : memref<!tpu.dma_semaphore, #tpu.memory_space<semaphore_mem>>)
      %mul3A_231 = arith.constant 80 : i32
      %mul3A_232 = arith.muli %min3A_225, %mul3A_231 : i32
      %add3A_233 = arith.addi %mul3A_25, %mul3A_232 : i32
      %dma_start3A_234 = tpu.memref_slice %arg5[%add3A_233] : memref<327680xi32, #tpu.memory_space<hbm>> -> memref<80xi32, #tpu.memory_space<hbm>>
      %dma_start3A_235 = tpu.memref_slice %arg5[%add3A_233] : memref<327680xi32, #tpu.memory_space<hbm>> -> memref<80xi32, #tpu.memory_space<hbm>>
      tpu.enqueue_dma source(%dma_start3A_235 : memref<80xi32, #tpu.memory_space<hbm>>) target(%arg10 : memref<80xi32, #tpu.memory_space<vmem>>) target_semaphore(%arg22 : memref<!tpu.dma_semaphore, #tpu.memory_space<semaphore_mem>>)
      %while3A_236 = arith.constant 0 : i32
      scf.yield %while3A_236 : i32
    }
    %dma_wait3A_116 = arith.constant 0 : i32
    %dma_wait3A_117 = arith.constant 0 : i32
    %dma_wait3A_118 = tpu.memref_slice %arg2[%dma_wait3A_116, %dma_wait3A_117] : memref<10240x64xf32, #tpu.memory_space<hbm>> -> memref<10240x64xf32, #tpu.memory_space<hbm>>
    tpu.wait_indirect_dma semaphore(%arg17 : memref<!tpu.dma_semaphore, #tpu.memory_space<semaphore_mem>>) src(%dma_wait3A_118 : memref<10240x64xf32, #tpu.memory_space<hbm>>) dst(%arg11 : memref<80x64xf32, #tpu.memory_space<vmem>>)
    %dma_wait3A_119 = arith.constant 0 : i32
    %dma_wait3A_120 = arith.constant 0 : i32
    %dma_wait3A_121 = tpu.memref_slice %arg3[%dma_wait3A_119, %dma_wait3A_120] : memref<10240x16xf32, #tpu.memory_space<hbm>> -> memref<10240x16xf32, #tpu.memory_space<hbm>>
    tpu.wait_indirect_dma semaphore(%arg18 : memref<!tpu.dma_semaphore, #tpu.memory_space<semaphore_mem>>) src(%dma_wait3A_121 : memref<10240x16xf32, #tpu.memory_space<hbm>>) dst(%arg12 : memref<80x16xf32, #tpu.memory_space<vmem>>)
    %dma_wait3A_122 = tpu.memref_slice %arg4[%mul3A_25] : memref<327680xi32, #tpu.memory_space<hbm>> -> memref<80xi32, #tpu.memory_space<hbm>>
    %dma_wait3A_123 = tpu.memref_slice %arg4[%mul3A_25] : memref<327680xi32, #tpu.memory_space<hbm>> -> memref<80xi32, #tpu.memory_space<hbm>>
    tpu.wait_dma2 semaphore(%arg22 : memref<!tpu.dma_semaphore, #tpu.memory_space<semaphore_mem>>) src(%dma_wait3A_123 : memref<80xi32, #tpu.memory_space<hbm>>) dst(%arg9 : memref<80xi32, #tpu.memory_space<vmem>>)
    %dma_wait3A_124 = tpu.memref_slice %arg5[%mul3A_25] : memref<327680xi32, #tpu.memory_space<hbm>> -> memref<80xi32, #tpu.memory_space<hbm>>
    %dma_wait3A_125 = tpu.memref_slice %arg5[%mul3A_25] : memref<327680xi32, #tpu.memory_space<hbm>> -> memref<80xi32, #tpu.memory_space<hbm>>
    tpu.wait_dma2 semaphore(%arg22 : memref<!tpu.dma_semaphore, #tpu.memory_space<semaphore_mem>>) src(%dma_wait3A_125 : memref<80xi32, #tpu.memory_space<hbm>>) dst(%arg10 : memref<80xi32, #tpu.memory_space<vmem>>)
    %barrier3A_126 = arith.constant 0 : index
    tpu.barrier barrier_id(%barrier3A_126)
    %mul3A_127 = arith.constant 640 : i32
    %mul3A_128 = arith.muli %arg1, %mul3A_127 : i32
    %add3A_129 = arith.constant 0 : i32
    %add3A_130 = arith.addi %mul3A_128, %add3A_129 : i32
    "tpu.region"() ({
      %run_scoped3A = tpu.sem_alloc : memref<!tpu.dma_semaphore, #tpu.memory_space<semaphore_mem>>
      %dma_start3A_159 = arith.constant 0 : i32
      %dma_start3A_160 = tpu.memref_slice %arg6[%arg0, %add3A_130, %dma_start3A_159] : memref<2x10240x48xf32, #tpu.memory_space<hbm>> -> memref<1x80x48xf32, #tpu.memory_space<hbm>>
      %dma_start3A_161 = tpu.memref_squeeze %dma_start3A_160 : memref<1x80x48xf32, #tpu.memory_space<hbm>> -> memref<80x48xf32, #tpu.memory_space<hbm>>
      %dma_start3A_162 = arith.constant 0 : i32
      %dma_start3A_163 = tpu.memref_slice %arg16[%add3A_130, %dma_start3A_162] : memref<10240x48xf32, #tpu.memory_space<vmem_shared>> -> memref<80x48xf32, #tpu.memory_space<vmem_shared>>
      tpu.enqueue_dma source(%dma_start3A_163 : memref<80x48xf32, #tpu.memory_space<vmem_shared>>) target(%dma_start3A_161 : memref<80x48xf32, #tpu.memory_space<hbm>>) target_semaphore(%run_scoped3A : memref<!tpu.dma_semaphore, #tpu.memory_space<semaphore_mem>>)
      %dma_wait3A_164 = arith.constant 0 : i32
      %dma_wait3A_165 = tpu.memref_slice %arg6[%arg0, %add3A_130, %dma_wait3A_164] : memref<2x10240x48xf32, #tpu.memory_space<hbm>> -> memref<1x80x48xf32, #tpu.memory_space<hbm>>
      %dma_wait3A_166 = tpu.memref_squeeze %dma_wait3A_165 : memref<1x80x48xf32, #tpu.memory_space<hbm>> -> memref<80x48xf32, #tpu.memory_space<hbm>>
      %dma_wait3A_167 = arith.constant 0 : i32
      %dma_wait3A_168 = tpu.memref_slice %arg16[%add3A_130, %dma_wait3A_167] : memref<10240x48xf32, #tpu.memory_space<vmem_shared>> -> memref<80x48xf32, #tpu.memory_space<vmem_shared>>
      tpu.wait_dma2 semaphore(%run_scoped3A : memref<!tpu.dma_semaphore, #tpu.memory_space<semaphore_mem>>) src(%dma_wait3A_168 : memref<80x48xf32, #tpu.memory_space<vmem_shared>>) dst(%dma_wait3A_166 : memref<80x48xf32, #tpu.memory_space<hbm>>)
      tpu.yield
    }) : () -> ()
    %mul3A_131 = arith.constant 640 : i32
    %mul3A_132 = arith.muli %arg1, %mul3A_131 : i32
    %add3A_133 = arith.constant 80 : i32
    %add3A_134 = arith.addi %mul3A_132, %add3A_133 : i32
    "tpu.region"() ({
      %run_scoped3A = tpu.sem_alloc : memref<!tpu.dma_semaphore, #tpu.memory_space<semaphore_mem>>
      %dma_start3A_159 = arith.constant 0 : i32
      %dma_start3A_160 = tpu.memref_slice %arg6[%arg0, %add3A_134, %dma_start3A_159] : memref<2x10240x48xf32, #tpu.memory_space<hbm>> -> memref<1x80x48xf32, #tpu.memory_space<hbm>>
      %dma_start3A_161 = tpu.memref_squeeze %dma_start3A_160 : memref<1x80x48xf32, #tpu.memory_space<hbm>> -> memref<80x48xf32, #tpu.memory_space<hbm>>
      %dma_start3A_162 = arith.constant 0 : i32
      %dma_start3A_163 = tpu.memref_slice %arg16[%add3A_134, %dma_start3A_162] : memref<10240x48xf32, #tpu.memory_space<vmem_shared>> -> memref<80x48xf32, #tpu.memory_space<vmem_shared>>
      tpu.enqueue_dma source(%dma_start3A_163 : memref<80x48xf32, #tpu.memory_space<vmem_shared>>) target(%dma_start3A_161 : memref<80x48xf32, #tpu.memory_space<hbm>>) target_semaphore(%run_scoped3A : memref<!tpu.dma_semaphore, #tpu.memory_space<semaphore_mem>>)
      %dma_wait3A_164 = arith.constant 0 : i32
      %dma_wait3A_165 = tpu.memref_slice %arg6[%arg0, %add3A_134, %dma_wait3A_164] : memref<2x10240x48xf32, #tpu.memory_space<hbm>> -> memref<1x80x48xf32, #tpu.memory_space<hbm>>
      %dma_wait3A_166 = tpu.memref_squeeze %dma_wait3A_165 : memref<1x80x48xf32, #tpu.memory_space<hbm>> -> memref<80x48xf32, #tpu.memory_space<hbm>>
      %dma_wait3A_167 = arith.constant 0 : i32
      %dma_wait3A_168 = tpu.memref_slice %arg16[%add3A_134, %dma_wait3A_167] : memref<10240x48xf32, #tpu.memory_space<vmem_shared>> -> memref<80x48xf32, #tpu.memory_space<vmem_shared>>
      tpu.wait_dma2 semaphore(%run_scoped3A : memref<!tpu.dma_semaphore, #tpu.memory_space<semaphore_mem>>) src(%dma_wait3A_168 : memref<80x48xf32, #tpu.memory_space<vmem_shared>>) dst(%dma_wait3A_166 : memref<80x48xf32, #tpu.memory_space<hbm>>)
      tpu.yield
    }) : () -> ()
    %mul3A_135 = arith.constant 640 : i32
    %mul3A_136 = arith.muli %arg1, %mul3A_135 : i32
    %add3A_137 = arith.constant 160 : i32
    %add3A_138 = arith.addi %mul3A_136, %add3A_137 : i32
    "tpu.region"() ({
      %run_scoped3A = tpu.sem_alloc : memref<!tpu.dma_semaphore, #tpu.memory_space<semaphore_mem>>
      %dma_start3A_159 = arith.constant 0 : i32
      %dma_start3A_160 = tpu.memref_slice %arg6[%arg0, %add3A_138, %dma_start3A_159] : memref<2x10240x48xf32, #tpu.memory_space<hbm>> -> memref<1x80x48xf32, #tpu.memory_space<hbm>>
      %dma_start3A_161 = tpu.memref_squeeze %dma_start3A_160 : memref<1x80x48xf32, #tpu.memory_space<hbm>> -> memref<80x48xf32, #tpu.memory_space<hbm>>
      %dma_start3A_162 = arith.constant 0 : i32
      %dma_start3A_163 = tpu.memref_slice %arg16[%add3A_138, %dma_start3A_162] : memref<10240x48xf32, #tpu.memory_space<vmem_shared>> -> memref<80x48xf32, #tpu.memory_space<vmem_shared>>
      tpu.enqueue_dma source(%dma_start3A_163 : memref<80x48xf32, #tpu.memory_space<vmem_shared>>) target(%dma_start3A_161 : memref<80x48xf32, #tpu.memory_space<hbm>>) target_semaphore(%run_scoped3A : memref<!tpu.dma_semaphore, #tpu.memory_space<semaphore_mem>>)
      %dma_wait3A_164 = arith.constant 0 : i32
      %dma_wait3A_165 = tpu.memref_slice %arg6[%arg0, %add3A_138, %dma_wait3A_164] : memref<2x10240x48xf32, #tpu.memory_space<hbm>> -> memref<1x80x48xf32, #tpu.memory_space<hbm>>
      %dma_wait3A_166 = tpu.memref_squeeze %dma_wait3A_165 : memref<1x80x48xf32, #tpu.memory_space<hbm>> -> memref<80x48xf32, #tpu.memory_space<hbm>>
      %dma_wait3A_167 = arith.constant 0 : i32
      %dma_wait3A_168 = tpu.memref_slice %arg16[%add3A_138, %dma_wait3A_167] : memref<10240x48xf32, #tpu.memory_space<vmem_shared>> -> memref<80x48xf32, #tpu.memory_space<vmem_shared>>
      tpu.wait_dma2 semaphore(%run_scoped3A : memref<!tpu.dma_semaphore, #tpu.memory_space<semaphore_mem>>) src(%dma_wait3A_168 : memref<80x48xf32, #tpu.memory_space<vmem_shared>>) dst(%dma_wait3A_166 : memref<80x48xf32, #tpu.memory_space<hbm>>)
      tpu.yield
    }) : () -> ()
    %mul3A_139 = arith.constant 640 : i32
    %mul3A_140 = arith.muli %arg1, %mul3A_139 : i32
    %add3A_141 = arith.constant 240 : i32
    %add3A_142 = arith.addi %mul3A_140, %add3A_141 : i32
    "tpu.region"() ({
      %run_scoped3A = tpu.sem_alloc : memref<!tpu.dma_semaphore, #tpu.memory_space<semaphore_mem>>
      %dma_start3A_159 = arith.constant 0 : i32
      %dma_start3A_160 = tpu.memref_slice %arg6[%arg0, %add3A_142, %dma_start3A_159] : memref<2x10240x48xf32, #tpu.memory_space<hbm>> -> memref<1x80x48xf32, #tpu.memory_space<hbm>>
      %dma_start3A_161 = tpu.memref_squeeze %dma_start3A_160 : memref<1x80x48xf32, #tpu.memory_space<hbm>> -> memref<80x48xf32, #tpu.memory_space<hbm>>
      %dma_start3A_162 = arith.constant 0 : i32
      %dma_start3A_163 = tpu.memref_slice %arg16[%add3A_142, %dma_start3A_162] : memref<10240x48xf32, #tpu.memory_space<vmem_shared>> -> memref<80x48xf32, #tpu.memory_space<vmem_shared>>
      tpu.enqueue_dma source(%dma_start3A_163 : memref<80x48xf32, #tpu.memory_space<vmem_shared>>) target(%dma_start3A_161 : memref<80x48xf32, #tpu.memory_space<hbm>>) target_semaphore(%run_scoped3A : memref<!tpu.dma_semaphore, #tpu.memory_space<semaphore_mem>>)
      %dma_wait3A_164 = arith.constant 0 : i32
      %dma_wait3A_165 = tpu.memref_slice %arg6[%arg0, %add3A_142, %dma_wait3A_164] : memref<2x10240x48xf32, #tpu.memory_space<hbm>> -> memref<1x80x48xf32, #tpu.memory_space<hbm>>
      %dma_wait3A_166 = tpu.memref_squeeze %dma_wait3A_165 : memref<1x80x48xf32, #tpu.memory_space<hbm>> -> memref<80x48xf32, #tpu.memory_space<hbm>>
      %dma_wait3A_167 = arith.constant 0 : i32
      %dma_wait3A_168 = tpu.memref_slice %arg16[%add3A_142, %dma_wait3A_167] : memref<10240x48xf32, #tpu.memory_space<vmem_shared>> -> memref<80x48xf32, #tpu.memory_space<vmem_shared>>
      tpu.wait_dma2 semaphore(%run_scoped3A : memref<!tpu.dma_semaphore, #tpu.memory_space<semaphore_mem>>) src(%dma_wait3A_168 : memref<80x48xf32, #tpu.memory_space<vmem_shared>>) dst(%dma_wait3A_166 : memref<80x48xf32, #tpu.memory_space<hbm>>)
      tpu.yield
    }) : () -> ()
    %mul3A_143 = arith.constant 640 : i32
    %mul3A_144 = arith.muli %arg1, %mul3A_143 : i32
    %add3A_145 = arith.constant 320 : i32
    %add3A_146 = arith.addi %mul3A_144, %add3A_145 : i32
    "tpu.region"() ({
      %run_scoped3A = tpu.sem_alloc : memref<!tpu.dma_semaphore, #tpu.memory_space<semaphore_mem>>
      %dma_start3A_159 = arith.constant 0 : i32
      %dma_start3A_160 = tpu.memref_slice %arg6[%arg0, %add3A_146, %dma_start3A_159] : memref<2x10240x48xf32, #tpu.memory_space<hbm>> -> memref<1x80x48xf32, #tpu.memory_space<hbm>>
      %dma_start3A_161 = tpu.memref_squeeze %dma_start3A_160 : memref<1x80x48xf32, #tpu.memory_space<hbm>> -> memref<80x48xf32, #tpu.memory_space<hbm>>
      %dma_start3A_162 = arith.constant 0 : i32
      %dma_start3A_163 = tpu.memref_slice %arg16[%add3A_146, %dma_start3A_162] : memref<10240x48xf32, #tpu.memory_space<vmem_shared>> -> memref<80x48xf32, #tpu.memory_space<vmem_shared>>
      tpu.enqueue_dma source(%dma_start3A_163 : memref<80x48xf32, #tpu.memory_space<vmem_shared>>) target(%dma_start3A_161 : memref<80x48xf32, #tpu.memory_space<hbm>>) target_semaphore(%run_scoped3A : memref<!tpu.dma_semaphore, #tpu.memory_space<semaphore_mem>>)
      %dma_wait3A_164 = arith.constant 0 : i32
      %dma_wait3A_165 = tpu.memref_slice %arg6[%arg0, %add3A_146, %dma_wait3A_164] : memref<2x10240x48xf32, #tpu.memory_space<hbm>> -> memref<1x80x48xf32, #tpu.memory_space<hbm>>
      %dma_wait3A_166 = tpu.memref_squeeze %dma_wait3A_165 : memref<1x80x48xf32, #tpu.memory_space<hbm>> -> memref<80x48xf32, #tpu.memory_space<hbm>>
      %dma_wait3A_167 = arith.constant 0 : i32
      %dma_wait3A_168 = tpu.memref_slice %arg16[%add3A_146, %dma_wait3A_167] : memref<10240x48xf32, #tpu.memory_space<vmem_shared>> -> memref<80x48xf32, #tpu.memory_space<vmem_shared>>
      tpu.wait_dma2 semaphore(%run_scoped3A : memref<!tpu.dma_semaphore, #tpu.memory_space<semaphore_mem>>) src(%dma_wait3A_168 : memref<80x48xf32, #tpu.memory_space<vmem_shared>>) dst(%dma_wait3A_166 : memref<80x48xf32, #tpu.memory_space<hbm>>)
      tpu.yield
    }) : () -> ()
    %mul3A_147 = arith.constant 640 : i32
    %mul3A_148 = arith.muli %arg1, %mul3A_147 : i32
    %add3A_149 = arith.constant 400 : i32
    %add3A_150 = arith.addi %mul3A_148, %add3A_149 : i32
    "tpu.region"() ({
      %run_scoped3A = tpu.sem_alloc : memref<!tpu.dma_semaphore, #tpu.memory_space<semaphore_mem>>
      %dma_start3A_159 = arith.constant 0 : i32
      %dma_start3A_160 = tpu.memref_slice %arg6[%arg0, %add3A_150, %dma_start3A_159] : memref<2x10240x48xf32, #tpu.memory_space<hbm>> -> memref<1x80x48xf32, #tpu.memory_space<hbm>>
      %dma_start3A_161 = tpu.memref_squeeze %dma_start3A_160 : memref<1x80x48xf32, #tpu.memory_space<hbm>> -> memref<80x48xf32, #tpu.memory_space<hbm>>
      %dma_start3A_162 = arith.constant 0 : i32
      %dma_start3A_163 = tpu.memref_slice %arg16[%add3A_150, %dma_start3A_162] : memref<10240x48xf32, #tpu.memory_space<vmem_shared>> -> memref<80x48xf32, #tpu.memory_space<vmem_shared>>
      tpu.enqueue_dma source(%dma_start3A_163 : memref<80x48xf32, #tpu.memory_space<vmem_shared>>) target(%dma_start3A_161 : memref<80x48xf32, #tpu.memory_space<hbm>>) target_semaphore(%run_scoped3A : memref<!tpu.dma_semaphore, #tpu.memory_space<semaphore_mem>>)
      %dma_wait3A_164 = arith.constant 0 : i32
      %dma_wait3A_165 = tpu.memref_slice %arg6[%arg0, %add3A_150, %dma_wait3A_164] : memref<2x10240x48xf32, #tpu.memory_space<hbm>> -> memref<1x80x48xf32, #tpu.memory_space<hbm>>
      %dma_wait3A_166 = tpu.memref_squeeze %dma_wait3A_165 : memref<1x80x48xf32, #tpu.memory_space<hbm>> -> memref<80x48xf32, #tpu.memory_space<hbm>>
      %dma_wait3A_167 = arith.constant 0 : i32
      %dma_wait3A_168 = tpu.memref_slice %arg16[%add3A_150, %dma_wait3A_167] : memref<10240x48xf32, #tpu.memory_space<vmem_shared>> -> memref<80x48xf32, #tpu.memory_space<vmem_shared>>
      tpu.wait_dma2 semaphore(%run_scoped3A : memref<!tpu.dma_semaphore, #tpu.memory_space<semaphore_mem>>) src(%dma_wait3A_168 : memref<80x48xf32, #tpu.memory_space<vmem_shared>>) dst(%dma_wait3A_166 : memref<80x48xf32, #tpu.memory_space<hbm>>)
      tpu.yield
    }) : () -> ()
    %mul3A_151 = arith.constant 640 : i32
    %mul3A_152 = arith.muli %arg1, %mul3A_151 : i32
    %add3A_153 = arith.constant 480 : i32
    %add3A_154 = arith.addi %mul3A_152, %add3A_153 : i32
    "tpu.region"() ({
      %run_scoped3A = tpu.sem_alloc : memref<!tpu.dma_semaphore, #tpu.memory_space<semaphore_mem>>
      %dma_start3A_159 = arith.constant 0 : i32
      %dma_start3A_160 = tpu.memref_slice %arg6[%arg0, %add3A_154, %dma_start3A_159] : memref<2x10240x48xf32, #tpu.memory_space<hbm>> -> memref<1x80x48xf32, #tpu.memory_space<hbm>>
      %dma_start3A_161 = tpu.memref_squeeze %dma_start3A_160 : memref<1x80x48xf32, #tpu.memory_space<hbm>> -> memref<80x48xf32, #tpu.memory_space<hbm>>
      %dma_start3A_162 = arith.constant 0 : i32
      %dma_start3A_163 = tpu.memref_slice %arg16[%add3A_154, %dma_start3A_162] : memref<10240x48xf32, #tpu.memory_space<vmem_shared>> -> memref<80x48xf32, #tpu.memory_space<vmem_shared>>
      tpu.enqueue_dma source(%dma_start3A_163 : memref<80x48xf32, #tpu.memory_space<vmem_shared>>) target(%dma_start3A_161 : memref<80x48xf32, #tpu.memory_space<hbm>>) target_semaphore(%run_scoped3A : memref<!tpu.dma_semaphore, #tpu.memory_space<semaphore_mem>>)
      %dma_wait3A_164 = arith.constant 0 : i32
      %dma_wait3A_165 = tpu.memref_slice %arg6[%arg0, %add3A_154, %dma_wait3A_164] : memref<2x10240x48xf32, #tpu.memory_space<hbm>> -> memref<1x80x48xf32, #tpu.memory_space<hbm>>
      %dma_wait3A_166 = tpu.memref_squeeze %dma_wait3A_165 : memref<1x80x48xf32, #tpu.memory_space<hbm>> -> memref<80x48xf32, #tpu.memory_space<hbm>>
      %dma_wait3A_167 = arith.constant 0 : i32
      %dma_wait3A_168 = tpu.memref_slice %arg16[%add3A_154, %dma_wait3A_167] : memref<10240x48xf32, #tpu.memory_space<vmem_shared>> -> memref<80x48xf32, #tpu.memory_space<vmem_shared>>
      tpu.wait_dma2 semaphore(%run_scoped3A : memref<!tpu.dma_semaphore, #tpu.memory_space<semaphore_mem>>) src(%dma_wait3A_168 : memref<80x48xf32, #tpu.memory_space<vmem_shared>>) dst(%dma_wait3A_166 : memref<80x48xf32, #tpu.memory_space<hbm>>)
      tpu.yield
    }) : () -> ()
    %mul3A_155 = arith.constant 640 : i32
    %mul3A_156 = arith.muli %arg1, %mul3A_155 : i32
    %add3A_157 = arith.constant 560 : i32
    %add3A_158 = arith.addi %mul3A_156, %add3A_157 : i32
    "tpu.region"() ({
      %run_scoped3A = tpu.sem_alloc : memref<!tpu.dma_semaphore, #tpu.memory_space<semaphore_mem>>
      %dma_start3A_159 = arith.constant 0 : i32
      %dma_start3A_160 = tpu.memref_slice %arg6[%arg0, %add3A_158, %dma_start3A_159] : memref<2x10240x48xf32, #tpu.memory_space<hbm>> -> memref<1x80x48xf32, #tpu.memory_space<hbm>>
      %dma_start3A_161 = tpu.memref_squeeze %dma_start3A_160 : memref<1x80x48xf32, #tpu.memory_space<hbm>> -> memref<80x48xf32, #tpu.memory_space<hbm>>
      %dma_start3A_162 = arith.constant 0 : i32
      %dma_start3A_163 = tpu.memref_slice %arg16[%add3A_158, %dma_start3A_162] : memref<10240x48xf32, #tpu.memory_space<vmem_shared>> -> memref<80x48xf32, #tpu.memory_space<vmem_shared>>
      tpu.enqueue_dma source(%dma_start3A_163 : memref<80x48xf32, #tpu.memory_space<vmem_shared>>) target(%dma_start3A_161 : memref<80x48xf32, #tpu.memory_space<hbm>>) target_semaphore(%run_scoped3A : memref<!tpu.dma_semaphore, #tpu.memory_space<semaphore_mem>>)
      %dma_wait3A_164 = arith.constant 0 : i32
      %dma_wait3A_165 = tpu.memref_slice %arg6[%arg0, %add3A_158, %dma_wait3A_164] : memref<2x10240x48xf32, #tpu.memory_space<hbm>> -> memref<1x80x48xf32, #tpu.memory_space<hbm>>
      %dma_wait3A_166 = tpu.memref_squeeze %dma_wait3A_165 : memref<1x80x48xf32, #tpu.memory_space<hbm>> -> memref<80x48xf32, #tpu.memory_space<hbm>>
      %dma_wait3A_167 = arith.constant 0 : i32
      %dma_wait3A_168 = tpu.memref_slice %arg16[%add3A_158, %dma_wait3A_167] : memref<10240x48xf32, #tpu.memory_space<vmem_shared>> -> memref<80x48xf32, #tpu.memory_space<vmem_shared>>
      tpu.wait_dma2 semaphore(%run_scoped3A : memref<!tpu.dma_semaphore, #tpu.memory_space<semaphore_mem>>) src(%dma_wait3A_168 : memref<80x48xf32, #tpu.memory_space<vmem_shared>>) dst(%dma_wait3A_166 : memref<80x48xf32, #tpu.memory_space<hbm>>)
      tpu.yield
    }) : () -> ()
    return
  }
}

module attributes {stable_mosaic.version = 14 : i64} {
  func.func @body(%arg0: i32, %arg1: memref<1024x128xf32, #tpu.memory_space<vmem>>, %arg2: memref<128x128xf32, #tpu.memory_space<vmem>>, %arg3: memref<128x64xf32, #tpu.memory_space<vmem>>, %arg4: memref<1024x128xf32, #tpu.memory_space<vmem>>, %arg5: memref<1024x64xf32, #tpu.memory_space<vmem>>) attributes {dimension_semantics = [#tpu.dimension_semantics<arbitrary>], iteration_bounds = array<i64: 10>, scalar_prefetch = 0 : i64, scratch_operands = 0 : i64, tpu.core_type = #tpu.core_type<tc>, window_params = [{transform_indices = @transform_0, window_bounds = array<i64: 1024, 128>}, {pipeline_mode = #tpu.pipeline_mode<synchronous>, transform_indices = @transform_1, window_bounds = array<i64: 128, 128>}, {pipeline_mode = #tpu.pipeline_mode<synchronous>, transform_indices = @transform_2, window_bounds = array<i64: 128, 64>}, {transform_indices = @transform_3, window_bounds = array<i64: 1024, 128>}, {transform_indices = @transform_4, window_bounds = array<i64: 1024, 64>}]} {
    %get3A = arith.constant 0 : index
    %get3A_0 = arith.constant 0 : index
    %get3A_1 = vector.load %arg1[%get3A, %get3A_0] : memref<1024x128xf32, #tpu.memory_space<vmem>>, vector<1024x128xf32>
    %get3A_2 = arith.constant 0 : index
    %get3A_3 = arith.constant 0 : index
    %get3A_4 = vector.load %arg2[%get3A_2, %get3A_3] : memref<128x128xf32, #tpu.memory_space<vmem>>, vector<128x128xf32>
    %dot_general3A = arith.constant dense<0.000000e+00> : vector<1024x128xf32>
    %dot_general3A_5 = tpu.matmul %get3A_1, %get3A_4, %dot_general3A {dimension_numbers = #tpu.dot_dimension_numbers<[1], [0], [0], [1], [0, 0, 1, 1], [], []>, transpose_lhs_hint = false} : vector<1024x128xf32>, vector<128x128xf32>, vector<1024x128xf32> -> vector<1024x128xf32>
    %swap3A = arith.constant 0 : index
    %swap3A_6 = arith.constant 0 : index
    %swap3A_7 = vector.load %arg4[%swap3A, %swap3A_6] : memref<1024x128xf32, #tpu.memory_space<vmem>>, vector<1024x128xf32>
    tpu.vector_store %arg4[%swap3A, %swap3A_6], %dot_general3A_5 {strides = array<i32>} : memref<1024x128xf32, #tpu.memory_space<vmem>>, vector<1024x128xf32>,
    %get3A_8 = arith.constant 0 : index
    %get3A_9 = arith.constant 0 : index
    %get3A_10 = vector.load %arg3[%get3A_8, %get3A_9] : memref<128x64xf32, #tpu.memory_space<vmem>>, vector<128x64xf32>
    %dot_general3A_11 = arith.constant dense<0.000000e+00> : vector<1024x64xf32>
    %dot_general3A_12 = tpu.matmul %get3A_1, %get3A_10, %dot_general3A_11 {dimension_numbers = #tpu.dot_dimension_numbers<[1], [0], [0], [1], [0, 0, 1, 1], [], []>, transpose_lhs_hint = false} : vector<1024x128xf32>, vector<128x64xf32>, vector<1024x64xf32> -> vector<1024x64xf32>
    %swap3A_13 = arith.constant 0 : index
    %swap3A_14 = arith.constant 0 : index
    %swap3A_15 = vector.load %arg5[%swap3A_13, %swap3A_14] : memref<1024x64xf32, #tpu.memory_space<vmem>>, vector<1024x64xf32>
    tpu.vector_store %arg5[%swap3A_13, %swap3A_14], %dot_general3A_12 {strides = array<i32>} : memref<1024x64xf32, #tpu.memory_space<vmem>>, vector<1024x64xf32>,
    return
  }
  func.func @transform_0(%arg0: i32) -> (i32, i32) {
    %c0_i32 = arith.constant 0 : i32
    %c0_i32_0 = arith.constant 0 : i32
    return %arg0, %c0_i32 : i32, i32
  }
  func.func @transform_1(%arg0: i32) -> (i32, i32) {
    %c0_i32 = arith.constant 0 : i32
    %c0_i32_0 = arith.constant 0 : i32
    %c0_i32_1 = arith.constant 0 : i32
    return %c0_i32, %c0_i32_0 : i32, i32
  }
  func.func @transform_2(%arg0: i32) -> (i32, i32) {
    %c0_i32 = arith.constant 0 : i32
    %c0_i32_0 = arith.constant 0 : i32
    %c0_i32_1 = arith.constant 0 : i32
    return %c0_i32, %c0_i32_0 : i32, i32
  }
  func.func @transform_3(%arg0: i32) -> (i32, i32) {
    %c0_i32 = arith.constant 0 : i32
    %c0_i32_0 = arith.constant 0 : i32
    return %arg0, %c0_i32 : i32, i32
  }
  func.func @transform_4(%arg0: i32) -> (i32, i32) {
    %c0_i32 = arith.constant 0 : i32
    %c0_i32_0 = arith.constant 0 : i32
    return %arg0, %c0_i32 : i32, i32
  }
}

module attributes {stable_mosaic.version = 14 : i64} {
  func.func @body(%arg0: i32, %arg1: memref<2x1024x128xf32, #tpu.memory_space<vmem>>, %arg2: memref<64x64xf32, #tpu.memory_space<vmem>>, %arg3: memref<64x16xf32, #tpu.memory_space<vmem>>, %arg4: memref<1x64xf32, #tpu.memory_space<vmem>>, %arg5: memref<1024x64xf32, #tpu.memory_space<vmem>>, %arg6: memref<1024x16xf32, #tpu.memory_space<vmem>>) attributes {dimension_semantics = [#tpu.dimension_semantics<arbitrary>], iteration_bounds = array<i64: 10>, scalar_prefetch = 0 : i64, scratch_operands = 0 : i64, tpu.core_type = #tpu.core_type<tc>, window_params = [{transform_indices = @transform_0, window_bounds = array<i64: 2, 1024, 128>}, {pipeline_mode = #tpu.pipeline_mode<synchronous>, transform_indices = @transform_1, window_bounds = array<i64: 64, 64>}, {pipeline_mode = #tpu.pipeline_mode<synchronous>, transform_indices = @transform_2, window_bounds = array<i64: 64, 16>}, {pipeline_mode = #tpu.pipeline_mode<synchronous>, transform_indices = @transform_3, window_bounds = array<i64: 1, 64>}, {transform_indices = @transform_4, window_bounds = array<i64: 1024, 64>}, {transform_indices = @transform_5, window_bounds = array<i64: 1024, 16>}]} {
    %get3A = arith.constant 0 : index
    %get3A_0 = arith.constant 0 : index
    %get3A_1 = arith.constant 0 : index
    %get3A_2 = vector.load %arg1[%get3A, %get3A_0, %get3A_1] : memref<2x1024x128xf32, #tpu.memory_space<vmem>>, vector<1x1024x128xf32>
    %get3A_3 = vector.shape_cast %get3A_2 : vector<1x1024x128xf32> to vector<1024x128xf32>
    %get3A_4 = arith.constant 1 : index
    %get3A_5 = arith.constant 0 : index
    %get3A_6 = arith.constant 0 : index
    %get3A_7 = vector.load %arg1[%get3A_4, %get3A_5, %get3A_6] : memref<2x1024x128xf32, #tpu.memory_space<vmem>>, vector<1x1024x128xf32>
    %get3A_8 = vector.shape_cast %get3A_7 : vector<1x1024x128xf32> to vector<1024x128xf32>
    %add3A = arith.addf %get3A_3, %get3A_8 : vector<1024x128xf32>
    %slice3A = vector.extract_strided_slice %add3A {offsets = [0, 0], sizes = [1024, 64], strides = [1, 1]} : vector<1024x128xf32> to vector<1024x64xf32>
    %slice3A_9 = vector.extract_strided_slice %add3A {offsets = [0, 64], sizes = [1024, 64], strides = [1, 1]} : vector<1024x128xf32> to vector<1024x64xf32>
    %add3A_10 = arith.constant 1.000000e-16 : f32
    %add3A_11 = vector.broadcast %add3A_10 : f32 to vector<1024x64xf32>
    %add3A_12 = arith.addf %slice3A_9, %add3A_11 : vector<1024x64xf32>
    %div3A = arith.divf %slice3A, %add3A_12 : vector<1024x64xf32>
    %get3A_13 = arith.constant 0 : index
    %get3A_14 = arith.constant 0 : index
    %get3A_15 = vector.load %arg4[%get3A_13, %get3A_14] : memref<1x64xf32, #tpu.memory_space<vmem>>, vector<1x64xf32>
    %add3A_16 = vector.broadcast %get3A_15 : vector<1x64xf32> to vector<1024x64xf32>
    %add3A_17 = arith.addf %div3A, %add3A_16 : vector<1024x64xf32>
    %gt3A = arith.constant 0.000000e+00 : f32
    %gt3A_18 = vector.broadcast %gt3A : f32 to vector<1024x64xf32>
    %gt3A_19 = arith.cmpf ogt, %add3A_17, %gt3A_18 : vector<1024x64xf32>
    %min3A = arith.constant 0.000000e+00 : f32
    %min3A_20 = vector.broadcast %min3A : f32 to vector<1024x64xf32>
    %min3A_21 = arith.minimumf %add3A_17, %min3A_20 : vector<1024x64xf32>
    %exp3A = math.exp %min3A_21 : vector<1024x64xf32>
    %sub3A = arith.constant 1.000000e+00 : f32
    %sub3A_22 = vector.broadcast %sub3A : f32 to vector<1024x64xf32>
    %sub3A_23 = arith.subf %exp3A, %sub3A_22 : vector<1024x64xf32>
    %select_n3A = arith.select %gt3A_19, %add3A_17, %sub3A_23 : vector<1024x64xi1>, vector<1024x64xf32>
    %get3A_24 = arith.constant 0 : index
    %get3A_25 = arith.constant 0 : index
    %get3A_26 = vector.load %arg2[%get3A_24, %get3A_25] : memref<64x64xf32, #tpu.memory_space<vmem>>, vector<64x64xf32>
    %dot_general3A = arith.constant dense<0.000000e+00> : vector<1024x64xf32>
    %dot_general3A_27 = tpu.matmul %select_n3A, %get3A_26, %dot_general3A {dimension_numbers = #tpu.dot_dimension_numbers<[1], [0], [0], [1], [0, 0, 1, 1], [], []>, transpose_lhs_hint = false} : vector<1024x64xf32>, vector<64x64xf32>, vector<1024x64xf32> -> vector<1024x64xf32>
    %swap3A = arith.constant 0 : index
    %swap3A_28 = arith.constant 0 : index
    %swap3A_29 = vector.load %arg5[%swap3A, %swap3A_28] : memref<1024x64xf32, #tpu.memory_space<vmem>>, vector<1024x64xf32>
    tpu.vector_store %arg5[%swap3A, %swap3A_28], %dot_general3A_27 {strides = array<i32>} : memref<1024x64xf32, #tpu.memory_space<vmem>>, vector<1024x64xf32>,
    %get3A_30 = arith.constant 0 : index
    %get3A_31 = arith.constant 0 : index
    %get3A_32 = vector.load %arg3[%get3A_30, %get3A_31] : memref<64x16xf32, #tpu.memory_space<vmem>>, vector<64x16xf32>
    %dot_general3A_33 = arith.constant dense<0.000000e+00> : vector<1024x16xf32>
    %dot_general3A_34 = tpu.matmul %select_n3A, %get3A_32, %dot_general3A_33 {dimension_numbers = #tpu.dot_dimension_numbers<[1], [0], [0], [1], [0, 0, 1, 1], [], []>, transpose_lhs_hint = false} : vector<1024x64xf32>, vector<64x16xf32>, vector<1024x16xf32> -> vector<1024x16xf32>
    %swap3A_35 = arith.constant 0 : index
    %swap3A_36 = arith.constant 0 : index
    %swap3A_37 = vector.load %arg6[%swap3A_35, %swap3A_36] : memref<1024x16xf32, #tpu.memory_space<vmem>>, vector<1024x16xf32>
    tpu.vector_store %arg6[%swap3A_35, %swap3A_36], %dot_general3A_34 {strides = array<i32>} : memref<1024x16xf32, #tpu.memory_space<vmem>>, vector<1024x16xf32>,
    return
  }
  func.func @transform_0(%arg0: i32) -> (i32, i32, i32) {
    %c0_i32 = arith.constant 0 : i32
    %c0_i32_0 = arith.constant 0 : i32
    %c0_i32_1 = arith.constant 0 : i32
    return %c0_i32, %arg0, %c0_i32_0 : i32, i32, i32
  }
  func.func @transform_1(%arg0: i32) -> (i32, i32) {
    %c0_i32 = arith.constant 0 : i32
    %c0_i32_0 = arith.constant 0 : i32
    %c0_i32_1 = arith.constant 0 : i32
    return %c0_i32, %c0_i32_0 : i32, i32
  }
  func.func @transform_2(%arg0: i32) -> (i32, i32) {
    %c0_i32 = arith.constant 0 : i32
    %c0_i32_0 = arith.constant 0 : i32
    %c0_i32_1 = arith.constant 0 : i32
    return %c0_i32, %c0_i32_0 : i32, i32
  }
  func.func @transform_3(%arg0: i32) -> (i32, i32) {
    %c0_i32 = arith.constant 0 : i32
    %c0_i32_0 = arith.constant 0 : i32
    %c0_i32_1 = arith.constant 0 : i32
    return %c0_i32, %c0_i32_0 : i32, i32
  }
  func.func @transform_4(%arg0: i32) -> (i32, i32) {
    %c0_i32 = arith.constant 0 : i32
    %c0_i32_0 = arith.constant 0 : i32
    return %arg0, %c0_i32 : i32, i32
  }
  func.func @transform_5(%arg0: i32) -> (i32, i32) {
    %c0_i32 = arith.constant 0 : i32
    %c0_i32_0 = arith.constant 0 : i32
    return %arg0, %c0_i32 : i32, i32
  }
}

module attributes {stable_mosaic.version = 14 : i64} {
  func.func @body(%arg0: i32, %arg1: memref<2x1000x48xf32, #tpu.memory_space<vmem>>, %arg2: memref<1x41xf32, #tpu.memory_space<vmem>>, %arg3: memref<1000x41xf32, #tpu.memory_space<vmem>>) attributes {dimension_semantics = [#tpu.dimension_semantics<arbitrary>], iteration_bounds = array<i64: 10>, scalar_prefetch = 0 : i64, scratch_operands = 0 : i64, tpu.core_type = #tpu.core_type<tc>, window_params = [{transform_indices = @transform_0, window_bounds = array<i64: 2, 1000, 48>}, {pipeline_mode = #tpu.pipeline_mode<synchronous>, transform_indices = @transform_1, window_bounds = array<i64: 1, 41>}, {transform_indices = @transform_2, window_bounds = array<i64: 1000, 41>}]} {
    %get3A = arith.constant 0 : index
    %get3A_0 = arith.constant 0 : index
    %get3A_1 = arith.constant 0 : index
    %get3A_2 = vector.load %arg1[%get3A, %get3A_0, %get3A_1] : memref<2x1000x48xf32, #tpu.memory_space<vmem>>, vector<1x1000x48xf32>
    %get3A_3 = vector.shape_cast %get3A_2 : vector<1x1000x48xf32> to vector<1000x48xf32>
    %get3A_4 = arith.constant 1 : index
    %get3A_5 = arith.constant 0 : index
    %get3A_6 = arith.constant 0 : index
    %get3A_7 = vector.load %arg1[%get3A_4, %get3A_5, %get3A_6] : memref<2x1000x48xf32, #tpu.memory_space<vmem>>, vector<1x1000x48xf32>
    %get3A_8 = vector.shape_cast %get3A_7 : vector<1x1000x48xf32> to vector<1000x48xf32>
    %add3A = arith.addf %get3A_3, %get3A_8 : vector<1000x48xf32>
    %slice3A = vector.extract_strided_slice %add3A {offsets = [0, 41], sizes = [1000, 1], strides = [1, 1]} : vector<1000x48xf32> to vector<1000x1xf32>
    %slice3A_9 = vector.extract_strided_slice %add3A {offsets = [0, 0], sizes = [1000, 41], strides = [1, 1]} : vector<1000x48xf32> to vector<1000x41xf32>
    %add3A_10 = arith.constant 1.000000e-16 : f32
    %add3A_11 = vector.broadcast %add3A_10 : f32 to vector<1000x1xf32>
    %add3A_12 = arith.addf %slice3A, %add3A_11 : vector<1000x1xf32>
    %div3A = vector.broadcast %add3A_12 : vector<1000x1xf32> to vector<1000x41xf32>
    %div3A_13 = arith.divf %slice3A_9, %div3A : vector<1000x41xf32>
    %get3A_14 = arith.constant 0 : index
    %get3A_15 = arith.constant 0 : index
    %get3A_16 = vector.load %arg2[%get3A_14, %get3A_15] : memref<1x41xf32, #tpu.memory_space<vmem>>, vector<1x41xf32>
    %add3A_17 = vector.broadcast %get3A_16 : vector<1x41xf32> to vector<1000x41xf32>
    %add3A_18 = arith.addf %div3A_13, %add3A_17 : vector<1000x41xf32>
    %reduce_max3A = arith.constant dense<0xFF800000> : vector<1000xf32>
    %reduce_max3A_19 = vector.multi_reduction <maximumf>, %add3A_18, %reduce_max3A [1] : vector<1000x41xf32> to vector<1000xf32>
    %broadcast_in_dim3A = vector.shape_cast %reduce_max3A_19 : vector<1000xf32> to vector<1000x1xf32>
    %sub3A = vector.broadcast %broadcast_in_dim3A : vector<1000x1xf32> to vector<1000x41xf32>
    %sub3A_20 = arith.subf %add3A_18, %sub3A : vector<1000x41xf32>
    %exp3A = math.exp %sub3A_20 : vector<1000x41xf32>
    %reduce_sum3A = arith.constant dense<0.000000e+00> : vector<1000xf32>
    %reduce_sum3A_21 = vector.multi_reduction <add>, %exp3A, %reduce_sum3A [1] : vector<1000x41xf32> to vector<1000xf32>
    %broadcast_in_dim3A_22 = vector.shape_cast %reduce_sum3A_21 : vector<1000xf32> to vector<1000x1xf32>
    %log3A = math.log %broadcast_in_dim3A_22 : vector<1000x1xf32>
    %sub3A_23 = vector.broadcast %log3A : vector<1000x1xf32> to vector<1000x41xf32>
    %sub3A_24 = arith.subf %sub3A_20, %sub3A_23 : vector<1000x41xf32>
    %swap3A = arith.constant 0 : index
    %swap3A_25 = arith.constant 0 : index
    %swap3A_26 = vector.load %arg3[%swap3A, %swap3A_25] : memref<1000x41xf32, #tpu.memory_space<vmem>>, vector<1000x41xf32>
    tpu.vector_store %arg3[%swap3A, %swap3A_25], %sub3A_24 {strides = array<i32>} : memref<1000x41xf32, #tpu.memory_space<vmem>>, vector<1000x41xf32>,
    return
  }
  func.func @transform_0(%arg0: i32) -> (i32, i32, i32) {
    %c0_i32 = arith.constant 0 : i32
    %c0_i32_0 = arith.constant 0 : i32
    %c0_i32_1 = arith.constant 0 : i32
    return %c0_i32, %arg0, %c0_i32_0 : i32, i32, i32
  }
  func.func @transform_1(%arg0: i32) -> (i32, i32) {
    %c0_i32 = arith.constant 0 : i32
    %c0_i32_0 = arith.constant 0 : i32
    %c0_i32_1 = arith.constant 0 : i32
    return %c0_i32, %c0_i32_0 : i32, i32
  }
  func.func @transform_2(%arg0: i32) -> (i32, i32) {
    %c0_i32 = arith.constant 0 : i32
    %c0_i32_0 = arith.constant 0 : i32
    return %arg0, %c0_i32 : i32, i32
  }
}

</mosaic_0001>

<sc_bundles>
// kernel: kernel.10.cloned.1.call-start
scs
__scs_entry_jumppad:
0x0: {  	(pc) =	sbr.rel $0x88, $3  }
0x1: {  	(tag) =	ssettag $0x0;
	lr =	simm.s32 $0x1  }
0x2: {  	[smem:$0x3F97] =	sst lr;
	_ =	strace $0xD0000000  }
0x3: {  	_ = 	snop  }
0x4: {  	_ = 	snop  }
0x5: {  	_ = 	snop  }
0x6: {  	_ = 	snop  }
0x7: {  	_ = 	snop  }
__scs_overlays_trampoline_lowered:
0x8: {  	[smem:$0x3FA6] =	sst s0  }
0x9: {  	[smem:$0x3FA7] =	sst s1  }
0xa: {  	[smem:$0x3FA8] =	sst s2  }
0xb: {  	[smem:$0x3FA9] =	sst s3  }
0xc: {  	[smem:$0x3FAA] =	sst s4  }
0xd: {  	[smem:$0x3FAB] =	sst s5  }
0xe: {  	[smem:$0x3FAC] =	sst s6  }
0xf: {  	[smem:$0x3FAD] =	sst s7  }
0x10: {  	[smem:$0x3FAE] =	sst s8  }
0x11: {  	[smem:$0x3FAF] =	sst s9;
	s0 =	simm.s32 @!p0 $0x0  }
0x12: {  	s1 =	sld [smem:$0x3F95];
	s0 =	simm.s32 @p0 $0x1  }
0x13: {  	[smem:$0x3FB0] =	sst s0;
	s0 =	simm.s32 @!p1 $0x0  }
0x14: {  	s2 =	sld [smem:$0x3F94];
	s0 =	simm.s32 @p1 $0x1  }
0x15: {  	[smem:$0x3FB1] =	sst s0;
	s0 =	simm.s32 @!p2 $0x0  }
0x16: {  	s3 =	sld [smem:$0x3FDB];
	s0 =	simm.s32 @p2 $0x1  }
0x17: {  	s4 =	simm.s32 $0x1BF5;
	[smem:$0x3FB3] =	sst s0  }
0x18: {  	s0 =	sld [smem:$0x3F96];
	_ =	swait.ge [sflag:s4], $0x0  }
0x19: {  	s7 =	sld [smem:$0x3F97]  }
0x1a: {  	s8 =	sadd.s32 $0xFFFFE003, lr  }
0x1b: {  	s9 =	sadd.s32 $0xFFFFFEF7, lr;
	s5 =	simm.s32 $0xFFFFFFFF;
	p2 =	slt.u32 s8, $0xFFFFF086  }
0x1c: {  	p1 =	slt.u32 s9, $0xF7A;
	s5 =	simm.s32 @!p2 $0x0  }
0x1d: {  	s5 =	simm.s32 @p1 $0x1;
	p0 =	seq.s32 s7, s2  }
0x1e: {  	s7 =	smul.u32 @!p0 $0xF7A, s2;
	p2 =	seq.s32 @!p0 s5, $0x0  }
0x1f: {  	s9 =	smul.u32 $0xF7A, s1;
	s8 =	simm.s32 @!p0 $0x1BF5;
	p2 =	por !p2, p0  }
0x20: {  	[sflag:s8] =	ssyncset.s32 @!p0 $0xFFFFF086;
	s6 =	sadd.s32 @!p0 s3, s7;
	s7 =	simm.s32 @!p0 $0x108  }
0x21: {  	s3 =	sadd.s32 s3, s9;
	s6 =	sadd.s32 @!p0 $0x88, s6;
	s7 =	simm.s32 @p2 $0x1082  }
0x22: {  	[simem:s7], [sflag:s8] =	dma.local @!p0 [hbm:s6], $0xF7A  }
0x23: {  	s9 =	sor.u32 $0xD0000000, s2;
	s6 =	simm.s32 $0x108;
	_ =	swait.ge @!p0 [sflag:s8], $0x0  }
0x24: {  	s3 =	sadd.s32 $0x88, s3;
	s6 =	simm.s32 @!p1 $0x1082;
	[sflag:s4] =	ssyncset.s32 $0xFFFFF086  }
0x25: {  	[simem:s6], [sflag:s4] =	dma.local [hbm:s3], $0xF7A  }
0x26: {  	[smem:$0x3F97] =	sst s1;
	(tag) =	ssettag s2;
	_ =	strace s9  }
0x27: {  	s1 =	sld [smem:$0x3FA7]  }
0x28: {  	s2 =	sld [smem:$0x3FA8]  }
0x29: {  	s4 =	sld [smem:$0x3FAA]  }
0x2a: {  	p0 =	seq.s32 s5, $0x0;
	s5 =	sld [smem:$0x3FAB]  }
0x2b: {  	s6 =	sld [smem:$0x3FAC]  }
0x2c: {  	s7 =	sld [smem:$0x3FAD]  }
0x2d: {  	s3 =	simm.s32 $0x108;
	s8 =	sld [smem:$0x3FAE]  }
0x2e: {  	s3 =	simm.s32 @!p0 $0x1082;
	s9 =	sld [smem:$0x3FAF]  }
0x2f: {  	lr =	sadd.s32 s0, s3;
	s0 =	sld [smem:$0x3FA6]  }
0x30: {  	s3 =	sld [smem:$0x3FA9]  }
0x31: {  	[smem:$0x3FB2] =	sst s10  }
0x32: {  	s10 =	sld [smem:$0x3FB0];
	_ =	sdelay $0x3  }
0x33: {  	p0 =	seq.s32 s10, $0x1;
	s10 =	sld [smem:$0x3FB2];
	_ =	sdelay $0x3  }
0x34: {  	[smem:$0x3FB2] =	sst s10  }
0x35: {  	s10 =	sld [smem:$0x3FB1];
	_ =	sdelay $0x3  }
0x36: {  	p1 =	seq.s32 s10, $0x1;
	s10 =	sld [smem:$0x3FB2];
	_ =	sdelay $0x3  }
0x37: {  	[smem:$0x3FB2] =	sst s10  }
0x38: {  	s10 =	sld [smem:$0x3FB3]  }
0x39: {  	_ = 	snop;
	(pc) =	sbr.ind lr, $3  }
0x3a: {  	_ = 	snop  }
0x3b: {  	_ = 	snop  }
0x3c: {  	p2 =	seq.s32 s10, $0x1;
	s10 =	sld [smem:$0x3FB2]  }
0x3d: {  	_ =	shalt  }
0x3e: {  	_ =	shalt  }
0x3f: {  	_ =	shalt  }
0x40: {  	_ =	shalt  }
0x41: {  	_ =	shalt  }
0x42: {  	_ =	shalt  }
0x43: {  	_ =	shalt  }
0x44: {  	_ =	shalt  }
0x45: {  	_ =	shalt  }
0x46: {  	_ =	shalt  }
0x47: {  	_ =	shalt  }
0x48: {  	_ =	shalt  }
0x49: {  	_ =	shalt  }
0x4a: {  	_ =	shalt  }
0x4b: {  	_ =	shalt  }
0x4c: {  	_ =	shalt  }
0x4d: {  	_ =	shalt  }
0x4e: {  	_ =	shalt  }
0x4f: {  	_ =	shalt  }
0x50: {  	_ =	shalt  }
0x51: {  	_ =	shalt  }
0x52: {  	_ =	shalt  }
0x53: {  	_ =	shalt  }
0x54: {  	_ =	shalt  }
0x55: {  	_ =	shalt  }
0x56: {  	_ =	shalt  }
0x57: {  	_ =	shalt  }
0x58: {  	_ =	shalt  }
0x59: {  	_ =	shalt  }
0x5a: {  	_ =	shalt  }
0x5b: {  	_ =	shalt  }
0x5c: {  	_ =	shalt  }
0x5d: {  	_ =	shalt  }
0x5e: {  	_ =	shalt  }
0x5f: {  	_ =	shalt  }
0x60: {  	_ =	shalt  }
0x61: {  	_ =	shalt  }
0x62: {  	_ =	shalt  }
0x63: {  	_ =	shalt  }
0x64: {  	_ =	shalt  }
0x65: {  	_ =	shalt  }
0x66: {  	_ =	shalt  }
0x67: {  	_ =	shalt  }
0x68: {  	_ =	shalt  }
0x69: {  	_ =	shalt  }
0x6a: {  	_ =	shalt  }
0x6b: {  	_ =	shalt  }
0x6c: {  	_ =	shalt  }
0x6d: {  	_ =	shalt  }
0x6e: {  	_ =	shalt  }
0x6f: {  	_ =	shalt  }
0x70: {  	_ =	shalt  }
0x71: {  	_ =	shalt  }
0x72: {  	_ =	shalt  }
0x73: {  	_ =	shalt  }
0x74: {  	_ =	shalt  }
0x75: {  	_ =	shalt  }
0x76: {  	_ =	shalt  }
0x77: {  	_ =	shalt  }
0x78: {  	_ =	shalt  }
0x79: {  	_ =	shalt  }
0x7a: {  	_ =	shalt  }
0x7b: {  	_ =	shalt  }
0x7c: {  	_ =	shalt  }
0x7d: {  	_ =	shalt  }
0x7e: {  	_ =	shalt  }
0x7f: {  	_ =	shalt  }
0x80: {  	_ =	shalt  }
0x81: {  	_ =	shalt  }
0x82: {  	_ =	shalt  }
0x83: {  	_ =	shalt  }
0x84: {  	_ =	shalt  }
0x85: {  	_ =	shalt  }
0x86: {  	_ =	shalt  }
0x87: {  	_ =	shalt  }
.Lfunc_end0:
.L_simem_size_0:
called_computation.1_lowered:
.L_overlay_start_0:
0x88: {  	s2 =	sld [smem:$0x3FD9]  }
0x89: {  	s3 =	sld [smem:$0x3FFE];
	_ =	sdelay $0x1  }
0x8a: {  	s1 =	srdreg.scid  }
0x8b: {  	s0 =	sand.u32 $0x1, s1  }
0x8c: {  	s17 =	sshll.u32 s0, $0xA;
	s2 =	sadd.s32 s3, s2  }
0x8d: {  	s2 =	sadd.s32 s2, s17  }
0x8e: {  	[smem:$0x3FBE] =	sst s2  }
0x8f: {  	_ = 	snop  }
0x90: {  	s2 =	sld [smem:$0x3FD0];
	(tm) =	ssettm $0x1  }
0x91: {  	s18 =	sld [smem:$0x3FFB];
	_ =	sdelay $0x3  }
0x92: {  	_ =	strace s18  }
0x93: {  	s3 =	sld [smem:$0x3FFC];
	_ =	sdelay $0x3  }
0x94: {  	_ =	strace s3  }
0x95: {  	s3 =	sld [smem:$0x3FFD];
	_ =	sdelay $0x3  }
0x96: {  	_ =	strace s3  }
0x97: {  	_ =	strace $0x8FFFFFFF  }
0x98: {  	s19 =	sld [smem:$0x3FDB];
	_ =	sdelay $0x1  }
0x99: {  	s4 =	simm.s32 $_scs_section_size  }
0x9a: {  	s5 =	simm.s32 $_size__tile_overlayer_lowered;
	s6 =	simm.s32 $_tile_overlayer_lowered  }
0x9b: {  	s22 =	simm.s32 $0x1BFF;
	s21 =	sshll.u32 s6, $0x1;
	s3 =	sadd.s32 s4, s19  }
0x9c: {  	s7 =	simm.s32 $0x0;
	s20 =	sshll.u32 s5, $0x1;
	s5 =	sadd.s32 s21, s3  }
0x9d: {  	[timem:s7], [sflag:s22] =	dma.local [hbm:s5], s20  }
0x9e: {  	_ =	swait.ge [sflag:s22], s20  }
0x9f: {  	s4 =	ssub.s32 $0x0, s20;
	[sflag:s22] =	ssyncset.done $0x0  }
0xa0: {  	[sflag:s22] =	ssyncadd.s32 s4;
	_ =	sdelay $0x1  }
0xa1: {  	s23 =	simm.s32 $0x1B8B  }
0xa2: {  	_ =	swait.ge [sflag:s23], $0x1  }
0xa3: {  	[sflag:s23] =	ssyncset.done $0x0  }
0xa4: {  	s25 =	simm.s32 $0x1B8E;
	s24 =	sld [smem:$0x3FFE];
	[sflag:s23] =	ssyncadd.s32 $0xFFFFFFFF  }
0xa5: {  	s26 =	simm.s32 $execute0_lowered;
	[smem:$0x3FD2] =	sst s25  }
0xa6: {  	s5 =	sshll.u32 s26, $0x1;
	_ =	strace $0x80000049;
	[dreg:$0x1] =	wrdreg $0xFFFFFFFF  }
0xa7: {  	s28 =	simm.s32 $_size_execute0_lowered;
	s3 =	sadd.s32 s3, s5;
	[dreg:$0x0] =	wrdreg $0x0  }
0xa8: {  	s5 =	sshll.u32 s28, $0x1;
	[dreg:$0x2] =	wrdreg s3  }
0xa9: {  	[dreg:$0x3] =	wrdreg s5  }
0xaa: {  	[dreg:$0x4] =	wrdreg $0xC0  }
0xab: {  	_ =	task [dreg:s7], $0x5FFFF  }
0xac: {  	[dreg:$0x1] =	wrdreg $0xFFFFFFFF  }
0xad: {  	[dreg:$0x0] =	wrdreg $0x60  }
0xae: {  	[dreg:$0x2] =	wrdreg s24  }
0xaf: {  	[dreg:$0x3] =	wrdreg s2  }
0xb0: {  	[dreg:$0x4] =	wrdreg $0x42400  }
0xb1: {  	[dreg:$0x5] =	wrdreg $0x9  }
0xb2: {  	_ =	task.clear_ibuf [dreg:s7], $0x6FFFF;
	_ =	strace $0x90000049  }
0xb3: {  	s29 =	simm.s32 $0x9;
	_ =	strace $0x8000004B  }
0xb4: {  	_ =	swait.ge [sflag:s29], $0x1  }
0xb5: {  	[sflag:s29] =	ssyncadd.s32 $0xFFFFFFFF  }
0xb6: {  	_ =	strace $0x9000004B  }
0xb7: {  	_ =	sfence  }
0xb8: {  	s30 =	sld [smem:$0x0];
	_ =	sdelay $0x2  }
0xb9: {  	s31 =	sshll.u32 s1, $0xD;
	s1 =	sshrl.u32 s1, $0x2  }
0xba: {  	s3 =	sand.u32 $0x4000, s31;
	s1 =	sadd.s32 s1, s30  }
0xbb: {  	s0 =	sor.u32 s3, s0;
	s1 =	sshll.u32 s1, $0x11  }
0xbc: {  	s0 =	sor.u32 s1, s0  }
0xbd: {  	s0 =	sadd.s32 $0x8F2B, s0  }
0xbe: {  	[sflag:s0] =	ssyncadd.remote.s32 $0x1  }
0xbf: {  	_ =	sfence.sel $0xFFFF  }
0xc0: {  	[dreg:$0x0] =	wrdreg $0xFFFFFFFF;
	(pc) =	sbr.abs _section_cstart, $3  }
0xc1: {  	[dreg:$0x1] =	wrdreg $0xFFFFFFFF  }
0xc2: {  	_ =	task.clear_ibuf [dreg:s7], $0x2FFFF;
	_ =	strace $0x9FFFFFFF  }
0xc3: {  	(tm) =	ssettm $0x7FFFFFFF  }
tec
execute0_lowered:
.L_overlay_start_1:
0x0: {  	(tag) =	ssettag $0x1  }
0x1: {  	s0 =	srdreg.scid;
	s7 =	rddreg [dreg:$0x0]  }
0x2: {  	s1 =	rddreg [dreg:$0x1];
	s6 =	sand.u32 $0x1, s0  }
0x3: {  	s10 =	stileid.u32;
	s0 =	smul.u32 $0xFFFFFFB0, s6  }
0x4: {  	s2 =	rddreg [dreg:$0x2];
	s3 =	simm.s32 $0x0;
	s4 =	smul.u32 $0xA80, s6  }
0x5: {  	s9 =	ssub.s32 $0x2, s6;
	s6 =	smul.u32 $0x78000, s6;
	s5 =	sadd.s32 $0xA8, s0  }
0x6: {  	[smem:$0x7FF] =	sst s3;
	s12 =	sshrl.u32 s9, $0x1;
	s8 =	smul.u32 s10, s5  }
0x7: {  	s11 =	sadd.s32 $0x1A600, s7;
	s9 =	ssub.s32 s9, s12;
	s10 =	smul.u32 $0x7800, s10  }
0x8: {  	s31 =	sadd.s32 $0xA7, s0;
	s0 =	simm.s32 $0x3340;
	s4 =	sadd.s32 s4, s8  }
0x9: {  	s8 =	sadd.s32 $0xF00, s10;
	s12 =	sadd.s32 $0x1E00, s10;
	s13 =	sadd.s32 $0x2D00, s10  }
0xa: {  	s17 =	sadd.s32 $0x3C00, s10;
	s18 =	sadd.s32 $0x4B00, s10;
	s19 =	sadd.s32 $0x5A00, s10  }
0xb: {  	s20 =	sadd.s32 $0x6900, s10;
	s14 =	sadd.s32 s10, s6;
	s15 =	sadd.s32 s6, s8  }
0xc: {  	s14 =	sshrl.u32 s14, $0x3;
	s16 =	sadd.s32 s6, s12;
	s21 =	sadd.s32 s6, s13  }
0xd: {  	s22 =	sadd.s32 s6, s17;
	s23 =	sadd.s32 s6, s18;
	s26 =	sadd.s32 s6, s19  }
0xe: {  	s6 =	sadd.s32 s6, s20;
	s15 =	sshrl.u32 s15, $0x3;
	s14 =	sadd.s32 s11, s14  }
0xf: {  	s16 =	sshrl.u32 s16, $0x3;
	[dreg:$0x4] =	wrdreg s14;
	s15 =	sadd.s32 s11, s15  }
0x10: {  	s6 =	sshrl.u32 s6, $0x3;
	s14 =	sadd.s32 s11, s16;
	[dreg:$0x5] =	wrdreg s15  }
0x11: {  	s6 =	sadd.s32 s11, s6;
	[dreg:$0x6] =	wrdreg s14;
	s14 =	sshrl.u32 s21, $0x3  }
0x12: {  	s15 =	sshrl.u32 s22, $0x3;
	[dreg:$0xb] =	wrdreg s6;
	s14 =	sadd.s32 s11, s14  }
0x13: {  	s25 =	sshrl.u32 s23, $0x3;
	s24 =	sadd.s32 s11, s15;
	[dreg:$0x7] =	wrdreg s14  }
0x14: {  	s28 =	sadd.s32 s17, s2;
	[dreg:$0x8] =	wrdreg s24;
	s14 =	sadd.s32 s11, s25  }
0x15: {  	s29 =	sadd.s32 s18, s2;
	[dreg:$0x9] =	wrdreg s14;
	s14 =	sshrl.u32 s26, $0x3  }
0x16: {  	s24 =	sadd.s32 s13, s2;
	s13 =	smul.u32 $0xA, s4;
	s14 =	sadd.s32 s11, s14  }
0x17: {  	s17 =	sadd.s32 s19, s2;
	s16 =	sadd.s32 $0x3D600, s7;
	[dreg:$0xa] =	wrdreg s14  }
0x18: {  	s18 =	sadd.s32 s1, s13;
	_ =	strace $0x8000004A;
	[dreg:$0x12] =	wrdreg s17  }
0x19: {  	s19 =	sadd.s32 s16, s13;
	s6 =	sor.u32 $0xA, s13;
	[dreg:$0x14] =	wrdreg s18  }
0x1a: {  	s30 =	sshrl.u32 s5, $0x1;
	s25 =	sadd.s32 s1, s6;
	[dreg:$0x15] =	wrdreg s19  }
0x1b: {  	s5 =	simm.s32 $0x7;
	s6 =	sadd.s32 s16, s6;
	[dreg:$0x16] =	wrdreg s25  }
0x1c: {  	s20 =	sadd.s32 s20, s2;
	s26 =	smax.u32 s9, $0x1;
	[dreg:$0x17] =	wrdreg s6  }
0x1d: {  	s23 =	sadd.s32 s12, s2;
	s21 =	sadd.s32 s10, s2;
	[dreg:$0x18] =	wrdreg s26  }
0x1e: {  	s12 =	simm.s32 $0xF0;
	s22 =	sadd.s32 s8, s2;
	[dreg:$0xc] =	wrdreg s21  }
0x1f: {  	s10 =	simm.s32 $0x3;
	s15 =	sadd.s32 $0x15600, s7;
	[dreg:$0xd] =	wrdreg s22  }
0x20: {  	s9 =	simm.s32 $0x1540;
	s11 =	simm.s32 $0xA0;
	[dreg:$0xe] =	wrdreg s23  }
0x21: {  	s13 =	simm.s32 $0x1;
	s14 =	sadd.s32 $0x1600, s7;
	[dreg:$0xf] =	wrdreg s24  }
0x22: {  	s7 =	simm.s32 $0x5;
	s6 =	simm.s32 $0x50;
	[dreg:$0x10] =	wrdreg s28  }
0x23: {  	v0 =	vimm.f32 $0.0e+00;
	vm0 =	vcmask $0x2300;
	vm1 =	vcmask $0x2724;
	s25 =	simm.s32 $0x2;
	s26 =	simm.s32 $0x6;
	[dreg:$0x11] =	wrdreg s29  }
0x24: {  	v1 =	vsel vm0, $0x3F800000, v0;
	v2 =	vsel vm1, $0x3F800000, v0;
	s17 =	simm.s32 $0x4;
	s18 =	simm.s32 $0x0;
	[dreg:$0x13] =	wrdreg s20  }
.LBB2_1:
0x25: {  	[dreg:$0x19] =	wrdreg s18;
	s8 =	simm.s32 $0xC0;
	s18 =	simm.s32 $0x0  }
.LBB2_2:
0x26: {  	p0 =	sne.s32 s8, $0x3B40;
	[tilespmem:s18+$0x3360] =	vst v0;
	s19 =	smov.u32 s8;
	s8 =	sadd.s32 $0xC0, s8  }
.Ltmp0:
0x27: {  	[tilespmem:s18+$0x3340] =	vst v0;
	(pc) =	sbr.rel @p0 .LBB2_2-.Ltmp0, $2  }
0x28: {  	[tilespmem:s18+$0x3350] =	vst v0;
	_ =	sdelay $0x2  }
0x29: {  	s18 =	sshra.s32 s19, $0x2  }
0x2a: {  	[tilespmem:s18+$0x3360] =	vst v0  }
0x2b: {  	[tilespmem:s18+$0x3340] =	vst v0  }
0x2c: {  	[tilespmem:s18+$0x3350] =	vst v0  }
0x2d: {  	[spmem:s21] =	stream.linear.scatter [tilespmem:s0], [sflag:$0x7], $0xF00, $0x38;
	[tilespmem:$0xBA40] =	vst v63  }
0x2e: {  	_ =	swait.ge [sflag:s5], $0xF00  }
0x2f: {  	[sflag:s5] =	ssyncset.done $0x0  }
0x30: {  	[sflag:s5] =	ssyncadd.s32 $0xFFFFF100  }
0x31: {  	[spmem:s22] =	stream.linear.scatter [tilespmem:s0], [sflag:$0x7], $0xF00, $0x38;
	[tilespmem:$0xBA40] =	vst v63  }
0x32: {  	_ =	swait.ge [sflag:s5], $0xF00  }
0x33: {  	[sflag:s5] =	ssyncset.done $0x0  }
0x34: {  	[sflag:s5] =	ssyncadd.s32 $0xFFFFF100  }
0x35: {  	[spmem:s23] =	stream.linear.scatter [tilespmem:s0], [sflag:$0x7], $0xF00, $0x38;
	[tilespmem:$0xBA40] =	vst v63  }
0x36: {  	_ =	swait.ge [sflag:s5], $0xF00  }
0x37: {  	[sflag:s5] =	ssyncset.done $0x0  }
0x38: {  	[sflag:s5] =	ssyncadd.s32 $0xFFFFF100  }
0x39: {  	[spmem:s24] =	stream.linear.scatter [tilespmem:s0], [sflag:$0x7], $0xF00, $0x38;
	[tilespmem:$0xBA40] =	vst v63  }
0x3a: {  	_ =	swait.ge [sflag:s5], $0xF00  }
0x3b: {  	[sflag:s5] =	ssyncset.done $0x0  }
0x3c: {  	[sflag:s5] =	ssyncadd.s32 $0xFFFFF100  }
0x3d: {  	[spmem:s28] =	stream.linear.scatter [tilespmem:s0], [sflag:$0x7], $0xF00, $0x38;
	[tilespmem:$0xBA40] =	vst v63  }
0x3e: {  	_ =	swait.ge [sflag:s5], $0xF00  }
0x3f: {  	[sflag:s5] =	ssyncset.done $0x0  }
0x40: {  	[sflag:s5] =	ssyncadd.s32 $0xFFFFF100  }
0x41: {  	[spmem:s29] =	stream.linear.scatter [tilespmem:s0], [sflag:$0x7], $0xF00, $0x38;
	[tilespmem:$0xBA40] =	vst v63  }
0x42: {  	_ =	swait.ge [sflag:s5], $0xF00  }
0x43: {  	[sflag:s5] =	ssyncset.done $0x0  }
0x44: {  	s8 =	rddreg [dreg:$0x12];
	[sflag:s5] =	ssyncadd.s32 $0xFFFFF100  }
0x45: {  	[spmem:s8] =	stream.linear.scatter [tilespmem:s0], [sflag:$0x7], $0xF00, $0x38;
	[tilespmem:$0xBA40] =	vst v63  }
0x46: {  	_ =	swait.ge [sflag:s5], $0xF00  }
0x47: {  	[sflag:s5] =	ssyncset.done $0x0  }
0x48: {  	[sflag:s5] =	ssyncadd.s32 $0xFFFFF100  }
0x49: {  	[spmem:s20] =	stream.linear.scatter [tilespmem:s0], [sflag:$0x7], $0xF00, $0x38;
	[tilespmem:$0xBA40] =	vst v63  }
0x4a: {  	_ =	swait.ge [sflag:s5], $0xF00  }
0x4b: {  	[sflag:s5] =	ssyncset.done $0x0  }
0x4c: {  	[sflag:s5] =	ssyncadd.s32 $0xFFFFF100  }
0x4d: {  	[bflag:$0x0] =	sbarrier.arrive $0xFFFF  }
0x4e: {  	s19 =	simm.s32 $0x0;
	s22 =	rddreg [dreg:$0x14]  }
0x4f: {  	[tilespmem:s19], [sflag:$0x5] =	stream.linear.gather [hbm4b:s22+s19], $0x50, $0x38;
	[tilespmem:$0xBA40] =	vst v63  }
0x50: {  	s23 =	rddreg [dreg:$0x15]  }
0x51: {  	[tilespmem:s6], [sflag:$0x5] =	stream.linear.gather [hbm4b:s23+s19], $0x50, $0x38;
	[tilespmem:$0xBA40] =	vst v63  }
0x52: {  	_ =	swait.ge [sflag:s7], $0x50  }
0x53: {  	[sflag:s7] =	ssyncset.done $0x0  }
0x54: {  	[sflag:s7] =	ssyncadd.s32 $0xFFFFFFB0  }
0x55: {  	_ =	swait.ge [sflag:s7], $0x50  }
0x56: {  	[sflag:s7] =	ssyncset.done $0x0  }
0x57: {  	s24 =	simm.s32 $0x140;
	[sflag:s7] =	ssyncadd.s32 $0xFFFFFFB0  }
0x58: {  	[tilespmem:s24], [sflag:$0x1] =	stream.indirect.gather [hbm4b:s14+s6], $0x40, s19, s6, $0xb8;
	[tilespmem:$0xBA40] =	vst v63  }
0x59: {  	_ = 	snop  }
0x5a: {  	[tilespmem:s9], [sflag:$0x2] =	stream.indirect.gather [hbm4b:s15+s6], $0x10, s6, s6, $0xb8;
	[tilespmem:$0xBA40] =	vst v63  }
0x5b: {  	s28 =	rddreg [dreg:$0x16]  }
0x5c: {  	[tilespmem:s11], [sflag:$0x6] =	stream.linear.gather [hbm4b:s28+s19], $0x50, $0x38;
	[tilespmem:$0xBA40] =	vst v63  }
0x5d: {  	s29 =	rddreg [dreg:$0x17]  }
0x5e: {  	[tilespmem:s12], [sflag:$0x6] =	stream.linear.gather [hbm4b:s29+s19], $0x50, $0x38;
	[tilespmem:$0xBA40] =	vst v63  }
.LBB2_4:
0x5f: {  	_ =	swait.ge [sflag:s13], $0x1400  }
0x60: {  	[sflag:s13] =	ssyncset.done $0x0  }
0x61: {  	[sflag:s13] =	ssyncadd.s32 $0xFFFFEC00  }
0x62: {  	_ =	swait.ge [sflag:s25], $0x500  }
0x63: {  	[sflag:s25] =	ssyncset.done $0x0  }
0x64: {  	[sflag:s25] =	ssyncadd.s32 $0xFFFFFB00  }
0x65: {  	_ =	swait.ge [sflag:s26], $0x50  }
0x66: {  	[sflag:s26] =	ssyncset.done $0x0  }
0x67: {  	[sflag:s26] =	ssyncadd.s32 $0xFFFFFFB0  }
0x68: {  	_ =	swait.ge [sflag:s26], $0x50  }
0x69: {  	[sflag:s26] =	ssyncset.done $0x0  }
0x6a: {  	s8 =	simm.s32 $0x1A40;
	[sflag:s26] =	ssyncadd.s32 $0xFFFFFFB0  }
0x6b: {  	[tilespmem:s8], [sflag:$0x3] =	stream.indirect.gather [hbm4b:s14+s6], $0x40, s11, s6, $0xb8;
	[tilespmem:$0xBA40] =	vst v63  }
0x6c: {  	s21 =	simm.s32 $0x2E40;
	s24 =	simm.s32 $0x1C0  }
0x6d: {  	[tilespmem:s21], [sflag:$0x4] =	stream.indirect.gather [hbm4b:s15+s6], $0x10, s12, s6, $0xb8;
	[tilespmem:$0xBA40] =	vst v63  }
0x6e: {  	s22 =	simm.s32 $0x1560;
	v3 =	vld [tilespmem:s24+$0x70]  }
0x6f: {  	v4 =	vld [tilespmem:s22+$0x10]  }
0x70: {  	v6 =	vld [tilespmem:s24+$0xFFFFFFF0]  }
0x71: {  	v7 =	vld [tilespmem:s22+$0xFFFFFFF0]  }
0x72: {  	v8 =	vld [tilespmem:s24+$0x30]  }
0x73: {  	v9 =	vld [tilespmem:s22+$0x0]  }
0x74: {  	v5 =	vld [tilespmem:s22+$0xFFFFFFE0];
	v3 =	vadd.f32 v4, v3  }
0x75: {  	v4 =	vld [tilespmem:s24+$0xFFFFFFB0]  }
0x76: {  	v10 =	vmul.f32 $2.000000030e-01, v3  }
0x77: {  	v6 =	vadd.f32 v7, v6  }
0x78: {  	v7 =	vadd.f32 v9, v8;
	v3 =	vmax.f32 v3, v10  }
0x79: {  	v8 =	vmul.f32 $2.000000030e-01, v6;
	v3 =	vmul.f32 $1.442695020e+00, v3  }
0x7a: {  	s21 =	simm.s32 $0x2C0;
	v4 =	vadd.f32 v5, v4;
	v5 =	vmul.f32 $2.000000030e-01, v7  }
0x7b: {  	s23 =	simm.s32 $0x15A0;
	v11 =	vld [tilespmem:s21+$0xFFFFFFF0];
	v6 =	vmax.f32 v6, v8;
	(erf) = vpow2.f32 v3  }
0x7c: {  	v12 =	vld [tilespmem:s23+$0xFFFFFFF0];
	v6 =	vmul.f32 $1.442695020e+00, v6;
	v5 =	vmax.f32 v7, v5  }
0x7d: {  	v14 =	vld [tilespmem:s21+$0x30];
	v8 =	vmul.f32 $2.000000030e-01, v4;
	v5 =	vmul.f32 $1.442695020e+00, v5  }
0x7e: {  	(erf) = vpow2.f32 v6;
	v6 =	vld [tilespmem:s21+$0x70]  }
0x7f: {  	v4 =	vmax.f32 v4, v8;
	(erf) = vpow2.f32 v5;
	v5 =	vld [tilespmem:s23+$0x10]  }
0x80: {  	v7 =	vld [tilespmem:s24+$0x40];
	v4 =	vmul.f32 $1.442695020e+00, v4  }
0x81: {  	v19 =	vld [tilespmem:s21+$0xFFFFFF80]  }
0x82: {  	v10 =	vld [tilespmem:s24+$0x0];
	(erf) = vpow2.f32 v4  }
0x83: {  	v3 =	vld [tilespmem:s24+$0xFFFFFFC0]  }
0x84: {  	v8 =	vld [tilespmem:s23+$0xFFFFFFE0];
	v5 =	vadd.f32 v5, v6;
	v13 =	vpop (erf)  }
0x85: {  	v4 =	vmul.f32 v13, v7;
	v7 =	vld [tilespmem:s23+$0x0]  }
0x86: {  	v6 =	vld [tilespmem:s21+$0xFFFFFFB0];
	v15 =	vmul.f32 $2.000000030e-01, v5  }
0x87: {  	s20 =	simm.s32 $0x33A0;
	s18 =	simm.s32 $0x15E0;
	v9 =	vld [tilespmem:s24+$0xFFFFFF80]  }
0x88: {  	v18 =	vld [tilespmem:s18+$0x10];
	v11 =	vadd.f32 v12, v11;
	[tilespmem:s20+$0x30] =	vst v4;
	v12 =	vmax.f32 v5, v15  }
0x89: {  	v16 =	vld [tilespmem:s24+$0x50];
	v12 =	vmul.f32 $1.442695020e+00, v12;
	v4 =	vpop (erf)  }
0x8a: {  	v20 =	vld [tilespmem:s18+$0xFFFFFFE0];
	v17 =	vmul.f32 v4, v3;
	v3 =	vpop (erf);
	v7 =	vadd.f32 v7, v14;
	v14 =	vmul.f32 $2.000000030e-01, v11  }
0x8b: {  	s22 =	simm.s32 $0x3C0;
	v23 =	vld [tilespmem:s18+$0xFFFFFFF0];
	v6 =	vadd.f32 v8, v6;
	(erf) = vpow2.f32 v12;
	v10 =	vmul.f32 v3, v10;
	v5 =	vpop (erf)  }
0x8c: {  	v21 =	vld [tilespmem:s22+$0xFFFFFFF0];
	v9 =	vmul.f32 v5, v9;
	[tilespmem:s20+$0xFFFFFFD0] =	vst v17;
	v8 =	vmul.f32 $2.000000030e-01, v7  }
0x8d: {  	v24 =	vld [tilespmem:s22+$0x30];
	v11 =	vmax.f32 v11, v14;
	v14 =	vmul.f32 $2.000000030e-01, v6;
	[tilespmem:s20+$0x0] =	vst v10  }
0x8e: {  	v30 =	vld [tilespmem:s22+$0xFFFFFFB0];
	v10 =	vmul.f32 $1.442695020e+00, v11;
	[tilespmem:s20+$0xFFFFFFA0] =	vst v9;
	v9 =	vmul.f32 v13, v16;
	v7 =	vmax.f32 v7, v8  }
0x8f: {  	v12 =	vld [tilespmem:s24+$0xFFFFFFD0];
	v6 =	vmax.f32 v6, v14;
	v7 =	vmul.f32 $1.442695020e+00, v7  }
0x90: {  	(erf) = vpow2.f32 v10;
	v6 =	vmul.f32 $1.442695020e+00, v6;
	[tilespmem:s20+$0x40] =	vst v9;
	v9 =	vld [tilespmem:s21+$0x40]  }
0x91: {  	v8 =	vld [tilespmem:s24+$0x10];
	(erf) = vpow2.f32 v7  }
0x92: {  	v16 =	vld [tilespmem:s24+$0xFFFFFF90];
	(erf) = vpow2.f32 v6  }
0x93: {  	v7 =	vld [tilespmem:s22+$0x70]  }
0x94: {  	v11 =	vld [tilespmem:s24+$0x60];
	v10 =	vpop (erf)  }
0x95: {  	v15 =	vld [tilespmem:s21+$0xFFFFFFC0];
	v22 =	vmul.f32 v10, v9  }
0x96: {  	s23 =	simm.s32 $0x3460;
	v31 =	vmul.f32 v2, v13;
	v17 =	vld [tilespmem:s21+$0x0]  }
0x97: {  	v20 =	vadd.f32 v20, v30;
	v14 =	vmul.f32 v2, v5;
	v27 =	vmul.f32 v5, v16;
	[tilespmem:s23+$0x30] =	vst v22;
	v22 =	vld [tilespmem:s18+$0x0]  }
0x98: {  	v26 =	vmul.f32 v4, v12;
	v29 =	vmul.f32 v3, v8;
	v7 =	vadd.f32 v18, v7  }
0x99: {  	v25 =	vmul.f32 v13, v11;
	[tilespmem:s20+$0xFFFFFFB0] =	vst v27;
	v27 =	vmul.f32 $2.000000030e-01, v20;
	v11 =	vpop (erf);
	v28 =	vld [tilespmem:s21+$0x50]  }
0x9a: {  	v21 =	vadd.f32 v23, v21;
	[tilespmem:s20+$0xFFFFFFE0] =	vst v26;
	v32 =	vmul.f32 $2.000000030e-01, v7;
	v13 =	vmul.f32 v11, v15;
	v12 =	vpop (erf)  }
0x9b: {  	v6 =	vmul.f32 v2, v4;
	v16 =	vld [tilespmem:s22+$0xFFFFFFC0];
	[tilespmem:s20+$0x10] =	vst v29;
	v20 =	vmax.f32 v20, v27;
	v15 =	vpop (erf);
	v23 =	vmul.f32 v12, v17  }
0x9c: {  	v18 =	vld [tilespmem:s22+$0xFFFFFF80];
	[tilespmem:s23+$0xFFFFFFD0] =	vst v13;
	v19 =	vmul.f32 v15, v19;
	v22 =	vadd.f32 v22, v24;
	v24 =	vmax.f32 v7, v32  }
0x9d: {  	v26 =	vmul.f32 $1.442695020e+00, v20;
	v20 =	vld [tilespmem:s24+$0x20];
	[tilespmem:s23+$0x0] =	vst v23;
	v24 =	vmul.f32 $1.442695020e+00, v24  }
0x9e: {  	v13 =	vmul.f32 $2.000000030e-01, v21;
	v28 =	vmul.f32 v10, v28;
	[tilespmem:s23+$0xFFFFFFA0] =	vst v19;
	v19 =	vld [tilespmem:s21+$0xFFFFFFD0]  }
0x9f: {  	v23 =	vmul.f32 $2.000000030e-01, v22;
	v62 =	vld [tilespmem:s21+$0x10];
	(erf) = vpow2.f32 v24  }
0xa0: {  	v9 =	vmul.f32 v2, v3;
	v25 =	vmul.f32 v1, v25;
	v21 =	vmax.f32 v21, v13;
	v61 =	vld [tilespmem:s21+$0xFFFFFF90];
	[tilespmem:s23+$0x40] =	vst v28  }
0xa1: {  	v8 =	vmul.f32 v2, v11;
	v63 =	vmul.f32 $1.442695020e+00, v21;
	v22 =	vmax.f32 v22, v23;
	v21 =	vld [tilespmem:s21+$0x60]  }
0xa2: {  	v7 =	vmul.f32 v2, v12;
	v23 =	vadd.f32 v25, v31;
	v24 =	vmul.f32 $1.442695020e+00, v22;
	v22 =	vld [tilespmem:s24+$0xFFFFFFA0]  }
0xa3: {  	(erf) = vpow2.f32 v63;
	v25 =	vld [tilespmem:s22+$0x40];
	v27 =	vmul.f32 v11, v19  }
0xa4: {  	v13 =	vmul.f32 v2, v15;
	[tilespmem:s20+$0x50] =	vst v23;
	v19 =	vld [tilespmem:s24+$0xFFFFFFE0];
	(erf) = vpow2.f32 v24  }
0xa5: {  	s28 =	simm.s32 $0x8;
	s29 =	simm.s32 $0x4C0;
	v17 =	vld [tilespmem:s22+$0x0];
	v23 =	vmul.f32 v12, v62;
	s24 =	simm.s32 $0x3460;
	v24 =	vmul.f32 v15, v61;
	[tilespmem:s23+$0xFFFFFFE0] =	vst v27  }
.LBB2_5:
0xa6: {  	v27 =	vld [tilespmem:s29+$0x70];
	s18 =	sadd.s32 $0x40, s18;
	(erf) = vpow2.f32 v26;
	v21 =	vmul.f32 v10, v21  }
0xa7: {  	v26 =	vld [tilespmem:s18+$0x10];
	[tilespmem:s23+$0xFFFFFFB0] =	vst v24;
	v22 =	vmul.f32 v5, v22;
	v5 =	vmov v15  }
0xa8: {  	s28 =	sadd.s32 $0x4, s28;
	v24 =	vld [tilespmem:s18+$0xFFFFFFE0];
	[tilespmem:s23+$0x10] =	vst v23;
	v15 =	vmul.f32 v1, v21;
	v21 =	vmul.f32 v2, v10;
	v10 =	vpop (erf)  }
0xa9: {  	p0 =	slt.u32 s28, $0x4C;
	v19 =	vmul.f32 v4, v19;
	v4 =	vmov v11;
	v23 =	vld [tilespmem:s29+$0xFFFFFFF0];
	v25 =	vmul.f32 v10, v25  }
0xaa: {  	s23 =	sadd.s32 $0xC0, s23;
	v28 =	vld [tilespmem:s18+$0xFFFFFFF0];
	v15 =	vadd.f32 v15, v21;
	v21 =	vmul.f32 v1, v22;
	v20 =	vmul.f32 v3, v20;
	v3 =	vmovc v12  }
0xab: {  	v19 =	vmul.f32 v1, v19;
	v22 =	vld [tilespmem:s29+$0x30];
	[tilespmem:s23+$0x30] =	vst v25  }
0xac: {  	v25 =	vld [tilespmem:s18+$0x0];
	v26 =	vadd.f32 v26, v27;
	v11 =	vpop (erf);
	[tilespmem:s24+$0x50] =	vst v15;
	v14 =	vadd.f32 v21, v14;
	v32 =	vmul.f32 v1, v20  }
0xad: {  	v19 =	vadd.f32 v19, v6;
	v16 =	vmul.f32 v11, v16;
	v20 =	vmul.f32 v2, v11;
	v21 =	vld [tilespmem:s22+$0x50];
	v12 =	vpop (erf)  }
0xae: {  	v27 =	vld [tilespmem:s29+$0xFFFFFFB0]  }
0xaf: {  	v6 =	vmovc v8;
	v29 =	vmul.f32 $2.000000030e-01, v26;
	v17 =	vmul.f32 v12, v17;
	[tilespmem:s20+$0xFFFFFFC0] =	vst v14;
	v30 =	vadd.f32 v32, v9  }
0xb0: {  	v32 =	vmul.f32 v2, v12;
	v31 =	vld [tilespmem:s29+$0xFFFFFF80];
	v23 =	vadd.f32 v28, v23;
	[tilespmem:s23+$0xFFFFFFD0] =	vst v16;
	v15 =	vpop (erf);
	v8 =	vmov v20  }
0xb1: {  	v16 =	vld [tilespmem:s29+$0xFFFFFFC0];
	v28 =	vmax.f32 v26, v29;
	v18 =	vmul.f32 v15, v18;
	v20 =	vmul.f32 v2, v15;
	[tilespmem:s23+$0x0] =	vst v17  }
0xb2: {  	v9 =	vmovc v7;
	v7 =	vmovc v32;
	v26 =	vmul.f32 $2.000000030e-01, v23;
	v22 =	vadd.f32 v25, v22;
	v17 =	vld [tilespmem:s29+$0x0];
	v25 =	vmul.f32 $1.442695020e+00, v28;
	[tilespmem:s20+$0xFFFFFFF0] =	vst v19  }
0xb3: {  	v14 =	vmovc v13;
	[tilespmem:s23+$0xFFFFFFA0] =	vst v18;
	v19 =	vld [tilespmem:s22+$0xFFFFFFD0];
	v28 =	vmul.f32 v10, v21;
	v13 =	vmov v20;
	v20 =	vadd.f32 v24, v27  }
0xb4: {  	v21 =	vmul.f32 $2.000000030e-01, v22;
	(erf) = vpow2.f32 v25;
	v24 =	vld [tilespmem:s22+$0xFFFFFF90];
	[tilespmem:s20+$0x20] =	vst v30;
	s20 =	smov.u32 s24;
	s24 =	smov.u32 s23;
	v23 =	vmax.f32 v23, v26  }
0xb5: {  	v27 =	vld [tilespmem:s22+$0x10];
	[tilespmem:s23+$0x40] =	vst v28;
	v18 =	vmov v31;
	v23 =	vmul.f32 $1.442695020e+00, v23  }
.Ltmp1:
0xb6: {  	v25 =	vmul.f32 $2.000000030e-01, v20;
	v22 =	vmax.f32 v22, v21;
	v21 =	vld [tilespmem:s22+$0x60];
	(pc) =	sbr.rel @p0 .LBB2_5-.Ltmp1, $4  }
0xb7: {  	v28 =	vmul.f32 $1.442695020e+00, v22;
	v22 =	vld [tilespmem:s21+$0xFFFFFFA0]  }
0xb8: {  	v20 =	vmax.f32 v20, v25;
	(erf) = vpow2.f32 v23;
	v23 =	vmul.f32 v11, v19;
	v19 =	vld [tilespmem:s21+$0xFFFFFFE0]  }
0xb9: {  	v26 =	vmul.f32 $1.442695020e+00, v20;
	v25 =	vld [tilespmem:s29+$0x40];
	(erf) = vpow2.f32 v28  }
0xba: {  	v24 =	vmul.f32 v15, v24;
	[tilespmem:s23+$0xFFFFFFE0] =	vst v23;
	v23 =	vmul.f32 v12, v27;
	v20 =	vld [tilespmem:s21+$0x20];
	s21 =	smov.u32 s22;
	s22 =	smov.u32 s29;
	s29 =	sadd.s32 $0x100, s29  }
0xbb: {  	(erf) = vpow2.f32 v26;
	_ =	sdelay $0x1  }
0xbc: {  	v26 =	vpop (erf)  }
0xbd: {  	v25 =	vmul.f32 v26, v25;
	_ =	sdelay $0x2  }
0xbe: {  	s8 =	sadd.s32 $0xC0, s23  }
0xbf: {  	[tilespmem:s8+$0x30] =	vst v25;
	v25 =	vpop (erf)  }
0xc0: {  	v27 =	vld [tilespmem:s22+$0x50];
	v28 =	vpop (erf)  }
0xc1: {  	v29 =	vpop (erf)  }
0xc2: {  	v18 =	vmul.f32 v29, v18  }
0xc3: {  	[tilespmem:s23+$0xFFFFFFB0] =	vst v24;
	v16 =	vmul.f32 v25, v16  }
0xc4: {  	v4 =	vmul.f32 v4, v19;
	v19 =	vld [tilespmem:s21+$0xFFFFFFA0];
	v17 =	vmul.f32 v28, v17;
	[tilespmem:s8+$0xFFFFFFA0] =	vst v18  }
0xc5: {  	[tilespmem:s8+$0xFFFFFFD0] =	vst v16;
	v16 =	vmul.f32 v26, v27;
	v18 =	vld [tilespmem:s22+$0xFFFFFF90]  }
0xc6: {  	[tilespmem:s8+$0x0] =	vst v17;
	v17 =	vld [tilespmem:s22+$0xFFFFFFD0]  }
0xc7: {  	v21 =	vmul.f32 v10, v21;
	v5 =	vmul.f32 v5, v22;
	v27 =	vld [tilespmem:s22+$0x10];
	[tilespmem:s8+$0x40] =	vst v16  }
0xc8: {  	v10 =	vmul.f32 v2, v10;
	[tilespmem:s23+$0x10] =	vst v23;
	v16 =	vld [tilespmem:s22+$0x60]  }
0xc9: {  	v21 =	vmul.f32 v1, v21;
	v23 =	vld [tilespmem:s21+$0x20];
	v5 =	vmul.f32 v1, v5  }
0xca: {  	v3 =	vmul.f32 v3, v20;
	v18 =	vmul.f32 v29, v18  }
0xcb: {  	v22 =	vld [tilespmem:s21+$0xFFFFFFE0];
	v4 =	vmul.f32 v1, v4;
	v17 =	vmul.f32 v25, v17  }
0xcc: {  	v3 =	vmul.f32 v1, v3;
	v20 =	vmul.f32 v28, v27;
	[tilespmem:s8+$0xFFFFFFB0] =	vst v18  }
0xcd: {  	v5 =	vadd.f32 v5, v14;
	v14 =	vmul.f32 v15, v19;
	[tilespmem:s8+$0xFFFFFFE0] =	vst v17;
	v16 =	vmul.f32 v26, v16;
	v17 =	vld [tilespmem:s22+$0xFFFFFFA0]  }
0xce: {  	v10 =	vadd.f32 v21, v10;
	v3 =	vadd.f32 v3, v9;
	v9 =	vmul.f32 v12, v23;
	[tilespmem:s8+$0x10] =	vst v20;
	v20 =	vld [tilespmem:s22+$0xFFFFFFE0]  }
0xcf: {  	[tilespmem:s20+$0xFFFFFFC0] =	vst v5;
	v5 =	vmul.f32 v1, v14;
	v15 =	vmul.f32 v1, v16;
	v16 =	vld [tilespmem:s22+$0x20]  }
0xd0: {  	[tilespmem:s24+$0x50] =	vst v10;
	v4 =	vadd.f32 v4, v6;
	v6 =	vmul.f32 v2, v26;
	v10 =	vmul.f32 v11, v22  }
0xd1: {  	[tilespmem:s20+$0x20] =	vst v3;
	v3 =	vadd.f32 v5, v13;
	v5 =	vmul.f32 v1, v9  }
0xd2: {  	[tilespmem:s20+$0xFFFFFFF0] =	vst v4;
	v4 =	vadd.f32 v15, v6;
	v6 =	vmul.f32 v1, v10;
	v10 =	vmul.f32 v29, v17  }
0xd3: {  	v18 =	vmul.f32 v2, v29;
	v9 =	vmul.f32 v25, v20  }
0xd4: {  	[tilespmem:s8+$0x50] =	vst v4;
	v4 =	vadd.f32 v6, v8;
	v8 =	vmul.f32 v28, v16;
	v6 =	vmul.f32 v1, v10  }
0xd5: {  	[tilespmem:s24+$0xFFFFFFC0] =	vst v3;
	v3 =	vadd.f32 v5, v7;
	v5 =	vmul.f32 v1, v9;
	v10 =	vmul.f32 v2, v25  }
0xd6: {  	v7 =	vmul.f32 v2, v28;
	[tilespmem:s24+$0xFFFFFFF0] =	vst v4;
	v4 =	vadd.f32 v6, v18;
	v6 =	vmul.f32 v1, v8  }
0xd7: {  	[tilespmem:s24+$0x20] =	vst v3;
	v3 =	vadd.f32 v5, v10  }
0xd8: {  	[tilespmem:s8+$0xFFFFFFC0] =	vst v4;
	v4 =	vadd.f32 v6, v7  }
0xd9: {  	s20 =	sshll.u32 s19, $0x1;
	[tilespmem:s8+$0xFFFFFFF0] =	vst v3  }
0xda: {  	[tilespmem:s8+$0x20] =	vst v4;
	s8 =	sadd.s32 $0x2, s20  }
0xdb: {  	[spmem:s2] =	stream.indirect.scatter.add.f32 [tilespmem:s0], [sflag:$0x7], $0x30, s6, s6, $0xb8;
	[tilespmem:$0xBA40] =	vst v63  }
0xdc: {  	s18 =	smov.u32 s31;
	p0 =	slt.s32 s8, s31  }
0xdd: {  	s18 =	smov.u32 @p0 s8  }
0xde: {  	s8 =	sadd.s32 s4, s18  }
0xdf: {  	s8 =	smul.u32 $0x50, s8  }
0xe0: {  	_ =	swait.ge [sflag:s5], $0xF00  }
0xe1: {  	[sflag:s5] =	ssyncset.done $0x0;
	s8 =	sshrl.u32 s8, $0x3  }
0xe2: {  	[sflag:s5] =	ssyncadd.s32 $0xFFFFF100;
	s21 =	sadd.s32 s1, s8  }
0xe3: {  	[tilespmem:s3], [sflag:$0x5] =	stream.linear.gather [hbm4b:s21+s3], $0x50, $0x38;
	[tilespmem:$0xBA40] =	vst v63  }
0xe4: {  	s8 =	sadd.s32 s16, s8  }
0xe5: {  	[tilespmem:s6], [sflag:$0x5] =	stream.linear.gather [hbm4b:s8+s3], $0x50, $0x38;
	[tilespmem:$0xBA40] =	vst v63  }
0xe6: {  	_ =	swait.ge [sflag:s10], $0x1400  }
0xe7: {  	[sflag:s10] =	ssyncset.done $0x0  }
0xe8: {  	[sflag:s10] =	ssyncadd.s32 $0xFFFFEC00  }
0xe9: {  	_ =	swait.ge [sflag:s17], $0x500  }
0xea: {  	[sflag:s17] =	ssyncset.done $0x0  }
0xeb: {  	[sflag:s17] =	ssyncadd.s32 $0xFFFFFB00  }
0xec: {  	_ =	swait.ge [sflag:s7], $0x50  }
0xed: {  	[sflag:s7] =	ssyncset.done $0x0  }
0xee: {  	[sflag:s7] =	ssyncadd.s32 $0xFFFFFFB0  }
0xef: {  	_ =	swait.ge [sflag:s7], $0x50  }
0xf0: {  	[sflag:s7] =	ssyncset.done $0x0  }
0xf1: {  	s22 =	simm.s32 $0x140;
	[sflag:s7] =	ssyncadd.s32 $0xFFFFFFB0  }
0xf2: {  	[tilespmem:s22], [sflag:$0x1] =	stream.indirect.gather [hbm4b:s14+s6], $0x40, s3, s6, $0xb8;
	[tilespmem:$0xBA40] =	vst v63  }
0xf3: {  	s18 =	simm.s32 $0x1AC0  }
0xf4: {  	[tilespmem:s9], [sflag:$0x2] =	stream.indirect.gather [hbm4b:s15+s6], $0x10, s6, s6, $0xb8;
	[tilespmem:$0xBA40] =	vst v63  }
0xf5: {  	s23 =	simm.s32 $0x2E60;
	v3 =	vld [tilespmem:s18+$0x70]  }
0xf6: {  	v4 =	vld [tilespmem:s23+$0x10]  }
0xf7: {  	v6 =	vld [tilespmem:s18+$0xFFFFFFF0]  }
0xf8: {  	v7 =	vld [tilespmem:s23+$0xFFFFFFF0]  }
0xf9: {  	v8 =	vld [tilespmem:s18+$0x30]  }
0xfa: {  	v9 =	vld [tilespmem:s23+$0x0]  }
0xfb: {  	v5 =	vld [tilespmem:s23+$0xFFFFFFE0];
	v3 =	vadd.f32 v4, v3  }
0xfc: {  	v4 =	vld [tilespmem:s18+$0xFFFFFFB0]  }
0xfd: {  	v10 =	vmul.f32 $2.000000030e-01, v3  }
0xfe: {  	v6 =	vadd.f32 v7, v6  }
0xff: {  	v7 =	vadd.f32 v9, v8;
	v3 =	vmax.f32 v3, v10  }
0x100: {  	v8 =	vmul.f32 $2.000000030e-01, v6;
	v3 =	vmul.f32 $1.442695020e+00, v3  }
0x101: {  	v4 =	vadd.f32 v5, v4;
	v5 =	vmul.f32 $2.000000030e-01, v7  }
0x102: {  	s22 =	simm.s32 $0x1BC0;
	v6 =	vmax.f32 v6, v8;
	(erf) = vpow2.f32 v3  }
0x103: {  	s24 =	simm.s32 $0x2EA0;
	v11 =	vld [tilespmem:s22+$0xFFFFFFF0];
	v6 =	vmul.f32 $1.442695020e+00, v6;
	v5 =	vmax.f32 v7, v5  }
0x104: {  	v12 =	vld [tilespmem:s24+$0xFFFFFFF0];
	v8 =	vmul.f32 $2.000000030e-01, v4;
	v5 =	vmul.f32 $1.442695020e+00, v5  }
0x105: {  	(erf) = vpow2.f32 v6;
	v6 =	vld [tilespmem:s22+$0x70]  }
0x106: {  	v4 =	vmax.f32 v4, v8;
	(erf) = vpow2.f32 v5;
	v5 =	vld [tilespmem:s24+$0x10]  }
0x107: {  	v7 =	vld [tilespmem:s18+$0x40];
	v4 =	vmul.f32 $1.442695020e+00, v4  }
0x108: {  	v14 =	vld [tilespmem:s22+$0x30]  }
0x109: {  	v10 =	vld [tilespmem:s18+$0x0];
	(erf) = vpow2.f32 v4  }
0x10a: {  	v3 =	vld [tilespmem:s18+$0xFFFFFFC0]  }
0x10b: {  	v8 =	vld [tilespmem:s24+$0xFFFFFFE0];
	v5 =	vadd.f32 v5, v6;
	v13 =	vpop (erf)  }
0x10c: {  	v4 =	vmul.f32 v13, v7;
	v7 =	vld [tilespmem:s24+$0x0]  }
0x10d: {  	v6 =	vld [tilespmem:s22+$0xFFFFFFB0];
	v15 =	vmul.f32 $2.000000030e-01, v5  }
0x10e: {  	s21 =	simm.s32 $0x33A0;
	v9 =	vld [tilespmem:s18+$0xFFFFFF80]  }
0x10f: {  	v11 =	vadd.f32 v12, v11;
	[tilespmem:s21+$0x30] =	vst v4;
	v12 =	vmax.f32 v5, v15  }
0x110: {  	v16 =	vld [tilespmem:s18+$0x50];
	v12 =	vmul.f32 $1.442695020e+00, v12;
	v4 =	vpop (erf)  }
0x111: {  	s28 =	simm.s32 $0x2EE0;
	v19 =	vld [tilespmem:s22+$0xFFFFFF80];
	v17 =	vmul.f32 v4, v3;
	v3 =	vpop (erf);
	v7 =	vadd.f32 v7, v14;
	v14 =	vmul.f32 $2.000000030e-01, v11  }
0x112: {  	v18 =	vld [tilespmem:s28+$0x10];
	v6 =	vadd.f32 v8, v6;
	(erf) = vpow2.f32 v12;
	v10 =	vmul.f32 v3, v10;
	v5 =	vpop (erf)  }
0x113: {  	s23 =	simm.s32 $0x1CC0;
	v23 =	vld [tilespmem:s28+$0xFFFFFFF0];
	v9 =	vmul.f32 v5, v9;
	[tilespmem:s21+$0xFFFFFFD0] =	vst v17;
	v8 =	vmul.f32 $2.000000030e-01, v7  }
0x114: {  	v21 =	vld [tilespmem:s23+$0xFFFFFFF0];
	v11 =	vmax.f32 v11, v14;
	v14 =	vmul.f32 $2.000000030e-01, v6;
	[tilespmem:s21+$0x0] =	vst v10  }
0x115: {  	v24 =	vld [tilespmem:s23+$0x30];
	v10 =	vmul.f32 $1.442695020e+00, v11;
	[tilespmem:s21+$0xFFFFFFA0] =	vst v9;
	v9 =	vmul.f32 v13, v16;
	v7 =	vmax.f32 v7, v8  }
0x116: {  	v12 =	vld [tilespmem:s18+$0xFFFFFFD0];
	v6 =	vmax.f32 v6, v14;
	v7 =	vmul.f32 $1.442695020e+00, v7  }
0x117: {  	(erf) = vpow2.f32 v10;
	v6 =	vmul.f32 $1.442695020e+00, v6;
	[tilespmem:s21+$0x40] =	vst v9;
	v9 =	vld [tilespmem:s22+$0x40]  }
0x118: {  	v8 =	vld [tilespmem:s18+$0x10];
	(erf) = vpow2.f32 v7  }
0x119: {  	v16 =	vld [tilespmem:s18+$0xFFFFFF90];
	(erf) = vpow2.f32 v6  }
0x11a: {  	v7 =	vld [tilespmem:s23+$0x70]  }
0x11b: {  	v11 =	vld [tilespmem:s18+$0x60];
	v10 =	vpop (erf)  }
0x11c: {  	v15 =	vld [tilespmem:s22+$0xFFFFFFC0];
	v22 =	vmul.f32 v10, v9  }
0x11d: {  	s24 =	simm.s32 $0x3460;
	v31 =	vmul.f32 v2, v13;
	v17 =	vld [tilespmem:s22+$0x0]  }
0x11e: {  	v14 =	vmul.f32 v2, v5;
	v6 =	vmul.f32 v2, v4;
	[tilespmem:s24+$0x30] =	vst v22;
	v22 =	vld [tilespmem:s28+$0x0]  }
0x11f: {  	v20 =	vld [tilespmem:s28+$0xFFFFFFE0];
	v26 =	vmul.f32 v4, v12;
	v60 =	vmul.f32 v3, v8;
	v7 =	vadd.f32 v18, v7  }
0x120: {  	v27 =	vmul.f32 v5, v16;
	v25 =	vmul.f32 v13, v11;
	v11 =	vpop (erf);
	v59 =	vld [tilespmem:s22+$0x50]  }
0x121: {  	v30 =	vld [tilespmem:s23+$0xFFFFFFB0];
	v32 =	vmul.f32 $2.000000030e-01, v7;
	v13 =	vmul.f32 v11, v15;
	v12 =	vpop (erf)  }
0x122: {  	v21 =	vadd.f32 v23, v21;
	v16 =	vld [tilespmem:s23+$0xFFFFFFC0];
	v9 =	vmul.f32 v2, v3;
	v15 =	vpop (erf);
	v23 =	vmul.f32 v12, v17  }
0x123: {  	v18 =	vld [tilespmem:s23+$0xFFFFFF80];
	[tilespmem:s24+$0xFFFFFFD0] =	vst v13;
	v19 =	vmul.f32 v15, v19;
	v22 =	vadd.f32 v22, v24;
	v24 =	vmax.f32 v7, v32  }
0x124: {  	v25 =	vmul.f32 v1, v25;
	v17 =	vld [tilespmem:s23+$0x0];
	[tilespmem:s24+$0x0] =	vst v23;
	v24 =	vmul.f32 $1.442695020e+00, v24  }
0x125: {  	v13 =	vmul.f32 $2.000000030e-01, v21;
	v28 =	vmul.f32 v10, v59;
	[tilespmem:s24+$0xFFFFFFA0] =	vst v19;
	v19 =	vld [tilespmem:s22+$0xFFFFFFD0]  }
0x126: {  	v23 =	vadd.f32 v20, v30;
	v20 =	vmul.f32 $2.000000030e-01, v22;
	v62 =	vld [tilespmem:s22+$0x10];
	(erf) = vpow2.f32 v24  }
0x127: {  	v8 =	vmul.f32 v2, v11;
	v7 =	vmul.f32 v2, v12;
	v21 =	vmax.f32 v21, v13;
	v61 =	vld [tilespmem:s22+$0xFFFFFF90];
	[tilespmem:s24+$0x40] =	vst v28  }
0x128: {  	[tilespmem:s21+$0xFFFFFFB0] =	vst v27;
	v63 =	vmul.f32 $1.442695020e+00, v21;
	v27 =	vmul.f32 $2.000000030e-01, v23;
	v21 =	vmax.f32 v22, v20;
	v20 =	vld [tilespmem:s22+$0x60]  }
0x129: {  	[tilespmem:s21+$0xFFFFFFE0] =	vst v26;
	v13 =	vmul.f32 v2, v15;
	v22 =	vadd.f32 v25, v31;
	v24 =	vmul.f32 $1.442695020e+00, v21;
	v21 =	vld [tilespmem:s18+$0xFFFFFFA0]  }
0x12a: {  	[tilespmem:s21+$0x10] =	vst v60;
	(erf) = vpow2.f32 v63;
	v25 =	vld [tilespmem:s23+$0x40];
	v23 =	vmax.f32 v23, v27;
	v27 =	vmul.f32 v11, v19  }
0x12b: {  	[tilespmem:s21+$0x50] =	vst v22;
	v26 =	vmul.f32 $1.442695020e+00, v23;
	v19 =	vld [tilespmem:s18+$0xFFFFFFE0];
	(erf) = vpow2.f32 v24  }
0x12c: {  	s29 =	simm.s32 $0x8;
	s8 =	simm.s32 $0x1DC0;
	v22 =	vld [tilespmem:s18+$0x20];
	v23 =	vmul.f32 v12, v62;
	s18 =	simm.s32 $0x3460;
	v24 =	vmul.f32 v15, v61;
	[tilespmem:s24+$0xFFFFFFE0] =	vst v27  }
.LBB2_7:
0x12d: {  	v27 =	vld [tilespmem:s8+$0x70];
	s28 =	sadd.s32 $0x40, s28;
	(erf) = vpow2.f32 v26;
	v20 =	vmul.f32 v10, v20  }
0x12e: {  	v26 =	vld [tilespmem:s28+$0x10];
	[tilespmem:s24+$0xFFFFFFB0] =	vst v24;
	v21 =	vmul.f32 v5, v21;
	v5 =	vmov v15  }
0x12f: {  	s29 =	sadd.s32 $0x4, s29;
	v24 =	vld [tilespmem:s28+$0xFFFFFFE0];
	[tilespmem:s24+$0x10] =	vst v23;
	v15 =	vmul.f32 v1, v20;
	v20 =	vmul.f32 v2, v10;
	v10 =	vpop (erf)  }
0x130: {  	p0 =	slt.u32 s29, $0x4C;
	v19 =	vmul.f32 v4, v19;
	v4 =	vmov v11;
	v23 =	vld [tilespmem:s8+$0xFFFFFFF0];
	v25 =	vmul.f32 v10, v25  }
0x131: {  	s24 =	sadd.s32 $0xC0, s24;
	v28 =	vld [tilespmem:s28+$0xFFFFFFF0];
	v15 =	vadd.f32 v15, v20;
	v20 =	vmul.f32 v1, v21;
	v21 =	vmul.f32 v3, v22;
	v3 =	vmovc v12  }
0x132: {  	v19 =	vmul.f32 v1, v19;
	v22 =	vld [tilespmem:s8+$0x30];
	[tilespmem:s24+$0x30] =	vst v25  }
0x133: {  	v25 =	vld [tilespmem:s28+$0x0];
	v26 =	vadd.f32 v26, v27;
	v11 =	vpop (erf);
	[tilespmem:s18+$0x50] =	vst v15;
	v14 =	vadd.f32 v20, v14;
	v32 =	vmul.f32 v1, v21  }
0x134: {  	v19 =	vadd.f32 v19, v6;
	v16 =	vmul.f32 v11, v16;
	v20 =	vmul.f32 v2, v11;
	v21 =	vld [tilespmem:s23+$0x50];
	v12 =	vpop (erf)  }
0x135: {  	v27 =	vld [tilespmem:s8+$0xFFFFFFB0]  }
0x136: {  	v6 =	vmovc v8;
	v29 =	vmul.f32 $2.000000030e-01, v26;
	v17 =	vmul.f32 v12, v17;
	[tilespmem:s21+$0xFFFFFFC0] =	vst v14;
	v30 =	vadd.f32 v32, v9  }
0x137: {  	v32 =	vmul.f32 v2, v12;
	v31 =	vld [tilespmem:s8+$0xFFFFFF80];
	v23 =	vadd.f32 v28, v23;
	[tilespmem:s24+$0xFFFFFFD0] =	vst v16;
	v15 =	vpop (erf);
	v8 =	vmov v20  }
0x138: {  	v16 =	vld [tilespmem:s8+$0xFFFFFFC0];
	v28 =	vmax.f32 v26, v29;
	v18 =	vmul.f32 v15, v18;
	v20 =	vmul.f32 v2, v15;
	[tilespmem:s24+$0x0] =	vst v17  }
0x139: {  	v9 =	vmovc v7;
	v7 =	vmovc v32;
	v26 =	vmul.f32 $2.000000030e-01, v23;
	v22 =	vadd.f32 v25, v22;
	v17 =	vld [tilespmem:s8+$0x0];
	v25 =	vmul.f32 $1.442695020e+00, v28;
	[tilespmem:s21+$0xFFFFFFF0] =	vst v19  }
0x13a: {  	v14 =	vmovc v13;
	[tilespmem:s24+$0xFFFFFFA0] =	vst v18;
	v19 =	vld [tilespmem:s23+$0xFFFFFFD0];
	v28 =	vmul.f32 v10, v21;
	v13 =	vmov v20;
	v24 =	vadd.f32 v24, v27  }
0x13b: {  	v20 =	vmul.f32 $2.000000030e-01, v22;
	(erf) = vpow2.f32 v25;
	v27 =	vld [tilespmem:s23+$0xFFFFFF90];
	[tilespmem:s21+$0x20] =	vst v30;
	s21 =	smov.u32 s18;
	s18 =	smov.u32 s24;
	v21 =	vmax.f32 v23, v26  }
0x13c: {  	v23 =	vld [tilespmem:s23+$0x10];
	[tilespmem:s24+$0x40] =	vst v28;
	v18 =	vmov v31;
	v26 =	vmul.f32 $1.442695020e+00, v21  }
.Ltmp2:
0x13d: {  	v25 =	vmul.f32 $2.000000030e-01, v24;
	v21 =	vmax.f32 v22, v20;
	v20 =	vld [tilespmem:s23+$0x60];
	(pc) =	sbr.rel @p0 .LBB2_7-.Ltmp2, $4  }
0x13e: {  	v22 =	vmul.f32 $1.442695020e+00, v21;
	v21 =	vld [tilespmem:s22+$0xFFFFFFA0]  }
0x13f: {  	v24 =	vmax.f32 v24, v25;
	(erf) = vpow2.f32 v26;
	v28 =	vmul.f32 v11, v19;
	v19 =	vld [tilespmem:s22+$0xFFFFFFE0]  }
0x140: {  	v26 =	vmul.f32 $1.442695020e+00, v24;
	v25 =	vld [tilespmem:s8+$0x40];
	(erf) = vpow2.f32 v22  }
0x141: {  	v24 =	vmul.f32 v15, v27;
	[tilespmem:s24+$0xFFFFFFE0] =	vst v28;
	v23 =	vmul.f32 v12, v23;
	v22 =	vld [tilespmem:s22+$0x20];
	s22 =	smov.u32 s23;
	s23 =	smov.u32 s8;
	s8 =	sadd.s32 $0x100, s8  }
0x142: {  	(erf) = vpow2.f32 v26;
	_ =	sdelay $0x5  }
0x143: {  	v62 =	vpop (erf)  }
0x144: {  	v25 =	vmul.f32 v62, v25;
	v63 =	vpop (erf)  }
0x145: {  	s8 =	sadd.s32 $0xC0, s24;
	v28 =	vpop (erf);
	v16 =	vmul.f32 v63, v16  }
0x146: {  	[tilespmem:s8+$0x30] =	vst v25;
	v17 =	vmul.f32 v28, v17;
	v29 =	vpop (erf)  }
0x147: {  	v27 =	vld [tilespmem:s23+$0x50];
	[tilespmem:s8+$0xFFFFFFD0] =	vst v16;
	v18 =	vmul.f32 v29, v18  }
0x148: {  	[tilespmem:s8+$0x0] =	vst v17;
	v32 =	vld [tilespmem:s23+$0xFFFFFFD0]  }
0x149: {  	v33 =	vld [tilespmem:s23+$0x10];
	[tilespmem:s8+$0xFFFFFFA0] =	vst v18  }
0x14a: {  	v20 =	vmul.f32 v10, v20;
	v18 =	vld [tilespmem:s23+$0xFFFFFF90]  }
0x14b: {  	v35 =	vmul.f32 v2, v10;
	v37 =	vld [tilespmem:s22+$0xFFFFFFE0];
	v5 =	vmul.f32 v5, v21;
	[tilespmem:s24+$0xFFFFFFB0] =	vst v24  }
0x14c: {  	[tilespmem:s24+$0x10] =	vst v23;
	v20 =	vmul.f32 v1, v20;
	v36 =	vld [tilespmem:s22+$0xFFFFFFA0];
	v31 =	vmul.f32 v62, v27  }
0x14d: {  	v4 =	vmul.f32 v4, v19;
	v38 =	vld [tilespmem:s22+$0x20];
	v17 =	vmul.f32 v63, v32  }
0x14e: {  	v5 =	vmul.f32 v1, v5;
	[tilespmem:s8+$0x40] =	vst v31;
	v16 =	vmul.f32 v28, v33  }
0x14f: {  	v3 =	vmul.f32 v3, v22;
	v34 =	vld [tilespmem:s23+$0x60];
	[tilespmem:s8+$0xFFFFFFE0] =	vst v17;
	v18 =	vmul.f32 v29, v18  }
0x150: {  	v46 =	vmul.f32 v2, v62;
	v47 =	vmul.f32 v11, v37;
	[tilespmem:s8+$0x10] =	vst v16;
	v42 =	vld [tilespmem:s23+$0xFFFFFFE0]  }
0x151: {  	v10 =	vadd.f32 v20, v35;
	v3 =	vmul.f32 v1, v3;
	v43 =	vmul.f32 v15, v36;
	v45 =	vld [tilespmem:s23+$0x20];
	[tilespmem:s8+$0xFFFFFFB0] =	vst v18  }
0x152: {  	v4 =	vmul.f32 v1, v4;
	v5 =	vadd.f32 v5, v14;
	v49 =	vmul.f32 v12, v38;
	v40 =	vld [tilespmem:s23+$0xFFFFFFA0]  }
0x153: {  	[tilespmem:s18+$0x50] =	vst v10;
	v51 =	vmul.f32 v1, v47;
	v3 =	vadd.f32 v3, v9;
	v48 =	vmul.f32 v1, v43  }
0x154: {  	v4 =	vadd.f32 v4, v6;
	[tilespmem:s21+$0xFFFFFFC0] =	vst v5;
	v58 =	vmul.f32 v2, v63;
	v39 =	vmul.f32 v62, v34  }
0x155: {  	v53 =	vmul.f32 v1, v49;
	[tilespmem:s21+$0x20] =	vst v3;
	v3 =	vadd.f32 v48, v13;
	v54 =	vmul.f32 v63, v42  }
0x156: {  	[tilespmem:s21+$0xFFFFFFF0] =	vst v4;
	v55 =	vadd.f32 v51, v8;
	v44 =	vmul.f32 v1, v39;
	v57 =	vmul.f32 v28, v45  }
0x157: {  	[tilespmem:s18+$0xFFFFFFC0] =	vst v3;
	v3 =	vadd.f32 v53, v7;
	v59 =	vmul.f32 v1, v54;
	v52 =	vmul.f32 v29, v40  }
0x158: {  	v60 =	vmul.f32 v2, v28;
	[tilespmem:s18+$0xFFFFFFF0] =	vst v55;
	v50 =	vadd.f32 v44, v46;
	v62 =	vmul.f32 v1, v57  }
0x159: {  	v41 =	vmul.f32 v2, v29;
	[tilespmem:s18+$0x20] =	vst v3;
	v3 =	vadd.f32 v59, v58;
	v56 =	vmul.f32 v1, v52  }
0x15a: {  	[tilespmem:s8+$0x50] =	vst v50;
	v63 =	vadd.f32 v62, v60  }
0x15b: {  	[tilespmem:s8+$0xFFFFFFF0] =	vst v3;
	v61 =	vadd.f32 v56, v41  }
0x15c: {  	[tilespmem:s8+$0x20] =	vst v63  }
0x15d: {  	[tilespmem:s8+$0xFFFFFFC0] =	vst v61;
	s8 =	sadd.s32 $0x3, s20  }
0x15e: {  	[spmem:s2] =	stream.indirect.scatter.add.f32 [tilespmem:s0], [sflag:$0x7], $0x30, s12, s6, $0xb8;
	[tilespmem:$0xBA40] =	vst v63  }
0x15f: {  	s18 =	smov.u32 s31;
	p0 =	slt.s32 s8, s31  }
0x160: {  	s18 =	smov.u32 @p0 s8  }
0x161: {  	s8 =	sadd.s32 s4, s18  }
0x162: {  	s19 =	sadd.s32 $0x1, s19;
	s8 =	smul.u32 $0x50, s8  }
0x163: {  	_ =	swait.ge [sflag:s5], $0xF00;
	p0 =	sne.s32 s19, s30  }
.Ltmp3:
0x164: {  	[sflag:s5] =	ssyncset.done $0x0;
	s8 =	sshrl.u32 s8, $0x3;
	(pc) =	sbr.rel @p0 .LBB2_4-.Ltmp3, $4  }
0x165: {  	[sflag:s5] =	ssyncadd.s32 $0xFFFFF100;
	s29 =	sadd.s32 s1, s8  }
0x166: {  	[tilespmem:s11], [sflag:$0x6] =	stream.linear.gather [hbm4b:s29+s3], $0x50, $0x38;
	[tilespmem:$0xBA40] =	vst v63  }
0x167: {  	s8 =	sadd.s32 s16, s8  }
0x168: {  	[tilespmem:s12], [sflag:$0x6] =	stream.linear.gather [hbm4b:s8+s3], $0x50, $0x38;
	[tilespmem:$0xBA40] =	vst v63  }
0x169: {  	_ =	swait.ge [sflag:s13], $0x1400  }
0x16a: {  	[sflag:s13] =	ssyncset.done $0x0  }
0x16b: {  	[sflag:s13] =	ssyncadd.s32 $0xFFFFEC00  }
0x16c: {  	_ =	swait.ge [sflag:s25], $0x500  }
0x16d: {  	[sflag:s25] =	ssyncset.done $0x0  }
0x16e: {  	[sflag:s25] =	ssyncadd.s32 $0xFFFFFB00  }
0x16f: {  	_ =	swait.ge [sflag:s26], $0x50  }
0x170: {  	[sflag:s26] =	ssyncset.done $0x0  }
0x171: {  	[sflag:s26] =	ssyncadd.s32 $0xFFFFFFB0  }
0x172: {  	_ =	swait.ge [sflag:s26], $0x50  }
0x173: {  	[sflag:s26] =	ssyncset.done $0x0  }
0x174: {  	[sflag:s26] =	ssyncadd.s32 $0xFFFFFFB0  }
0x175: {  	s8 =	stileid.u32;
	[bflag:$0x0] =	sbarrier.arrive $0xFFFF  }
0x176: {  	s8 =	sshll.u32 s8, $0x6;
	s21 =	rddreg [dreg:$0xc]  }
0x177: {  	s8 =	sor.u32 $0x1C07, s8;
	s19 =	rddreg [dreg:$0x4];
	s18 =	sshrl.u32 s21, $0x3  }
0x178: {  	[hbm:s19], [sflag:s8] =	dma.local [spmem:s18], $0x1E0  }
0x179: {  	_ =	swait.ge [sflag:s5], $0x1E0  }
0x17a: {  	[sflag:s5] =	ssyncset.done $0x0;
	s22 =	rddreg [dreg:$0xd]  }
0x17b: {  	s24 =	rddreg [dreg:$0x5];
	[sflag:s5] =	ssyncadd.s32 $0xFFFFFE20;
	s23 =	sshrl.u32 s22, $0x3  }
0x17c: {  	[hbm:s24], [sflag:s8] =	dma.local [spmem:s23], $0x1E0  }
0x17d: {  	_ =	swait.ge [sflag:s5], $0x1E0  }
0x17e: {  	[sflag:s5] =	ssyncset.done $0x0;
	s23 =	rddreg [dreg:$0xe]  }
0x17f: {  	s24 =	rddreg [dreg:$0x6];
	[sflag:s5] =	ssyncadd.s32 $0xFFFFFE20;
	s20 =	sshrl.u32 s23, $0x3  }
0x180: {  	[hbm:s24], [sflag:s8] =	dma.local [spmem:s20], $0x1E0  }
0x181: {  	_ =	swait.ge [sflag:s5], $0x1E0  }
0x182: {  	[sflag:s5] =	ssyncset.done $0x0;
	s24 =	rddreg [dreg:$0xf]  }
0x183: {  	s20 =	rddreg [dreg:$0x7];
	[sflag:s5] =	ssyncadd.s32 $0xFFFFFE20;
	s19 =	sshrl.u32 s24, $0x3  }
0x184: {  	[hbm:s20], [sflag:s8] =	dma.local [spmem:s19], $0x1E0  }
0x185: {  	_ =	swait.ge [sflag:s5], $0x1E0  }
0x186: {  	[sflag:s5] =	ssyncset.done $0x0;
	s28 =	rddreg [dreg:$0x10]  }
0x187: {  	s20 =	rddreg [dreg:$0x8];
	[sflag:s5] =	ssyncadd.s32 $0xFFFFFE20;
	s19 =	sshrl.u32 s28, $0x3  }
0x188: {  	[hbm:s20], [sflag:s8] =	dma.local [spmem:s19], $0x1E0  }
0x189: {  	_ =	swait.ge [sflag:s5], $0x1E0  }
0x18a: {  	[sflag:s5] =	ssyncset.done $0x0;
	s29 =	rddreg [dreg:$0x11]  }
0x18b: {  	s20 =	rddreg [dreg:$0x9];
	[sflag:s5] =	ssyncadd.s32 $0xFFFFFE20;
	s19 =	sshrl.u32 s29, $0x3  }
0x18c: {  	[hbm:s20], [sflag:s8] =	dma.local [spmem:s19], $0x1E0  }
0x18d: {  	_ =	swait.ge [sflag:s5], $0x1E0  }
0x18e: {  	[sflag:s5] =	ssyncset.done $0x0;
	s19 =	rddreg [dreg:$0x12]  }
0x18f: {  	s20 =	rddreg [dreg:$0xa];
	[sflag:s5] =	ssyncadd.s32 $0xFFFFFE20;
	s18 =	sshrl.u32 s19, $0x3  }
0x190: {  	[hbm:s20], [sflag:s8] =	dma.local [spmem:s18], $0x1E0  }
0x191: {  	_ =	swait.ge [sflag:s5], $0x1E0  }
0x192: {  	[sflag:s5] =	ssyncset.done $0x0;
	s20 =	rddreg [dreg:$0x13]  }
0x193: {  	s19 =	rddreg [dreg:$0xb];
	[sflag:s5] =	ssyncadd.s32 $0xFFFFFE20;
	s18 =	sshrl.u32 s20, $0x3  }
0x194: {  	[hbm:s19], [sflag:s8] =	dma.local [spmem:s18], $0x1E0  }
0x195: {  	_ =	swait.ge [sflag:s5], $0x1E0  }
0x196: {  	s8 =	rddreg [dreg:$0x19]  }
0x197: {  	s19 =	rddreg [dreg:$0x18];
	s18 =	sadd.s32 $0x1, s8  }
0x198: {  	p0 =	sne.s32 s18, s19  }
.Ltmp4:
0x199: {  	_ = 	snop;
	(pc) =	sbr.rel @p0 .LBB2_1-.Ltmp4, $3  }
0x19a: {  	_ =	sdelay $0x1  }
0x19b: {  	[sflag:s5] =	ssyncset.done $0x0  }
0x19c: {  	[sflag:s5] =	ssyncadd.s32 $0xFFFFFE20  }
0x19d: {  	_ =	sfence.sel $0x180000  }
0x19e: {  	[bflag:$0x0] =	sbarrier.arrive $0xFFFF  }
0x19f: {  	_ =	strace $0x9000004A  }
0x1a0: {  	s0 =	stileid.u32;
	[bflag:$0x2] =	sbarrier.arrive $0xFFFF  }
0x1a1: {  	p0 =	sne.s32 s0, $0x0;
	s0 =	rddreg [dreg:$0x3]  }
0x1a2: {  	s0 =	sadd.s32 @!p0 $0x100000, s0  }
0x1a3: {  	[sflag:s0] =	ssyncadd.tile.s32 @!p0 $0x1;
	_ =	shalt  }
.Lfunc_end2:
_tile_overlayer_lowered:
.L_overlay_start_2:
0x1a4: {  	(tag) =	ssettag $0x2  }
0x1a5: {  	s0 =	rddreg [dreg:$0x0];
	s2 =	stileid.u32  }
0x1a6: {  	s1 =	rddreg [dreg:$0x1];
	p0 =	sne.s32 s2, $0x0  }
0x1a7: {  	s3 =	rddreg [dreg:$0x2];
	[bflag:$0x3] =	sbarrier.arrive $0xFFFF;
	s2 =	simm.s32 @!p0 $0x1C07  }
0x1a8: {  	[timem:s3], [sflag:s2] =	dma.local @!p0 [hbm:s0], s1  }
0x1a9: {  	s0 =	simm.s32 @!p0 $0x7  }
0x1aa: {  	_ =	swait.ge @!p0 [sflag:s0], s1  }
0x1ab: {  	s1 =	ssub.s32 @!p0 $0x0, s1;
	[sflag:s0] =	ssyncset.done @!p0 $0x0  }
0x1ac: {  	[sflag:s0] =	ssyncadd.s32 @!p0 s1  }
0x1ad: {  	[bflag:$0x3] =	sbarrier.arrive $0xFFFF  }
0x1ae: {  	_ =	shalt  }

// kernel: kernel.7.cloned.1.call-start
scs
__scs_entry_jumppad:
0x0: {  	(pc) =	sbr.rel $0x88, $3  }
0x1: {  	(tag) =	ssettag $0x0;
	lr =	simm.s32 $0x1  }
0x2: {  	[smem:$0x3F97] =	sst lr;
	_ =	strace $0xD0000000  }
0x3: {  	_ = 	snop  }
0x4: {  	_ = 	snop  }
0x5: {  	_ = 	snop  }
0x6: {  	_ = 	snop  }
0x7: {  	_ = 	snop  }
__scs_overlays_trampoline_lowered:
0x8: {  	[smem:$0x3FA6] =	sst s0  }
0x9: {  	[smem:$0x3FA7] =	sst s1  }
0xa: {  	[smem:$0x3FA8] =	sst s2  }
0xb: {  	[smem:$0x3FA9] =	sst s3  }
0xc: {  	[smem:$0x3FAA] =	sst s4  }
0xd: {  	[smem:$0x3FAB] =	sst s5  }
0xe: {  	[smem:$0x3FAC] =	sst s6  }
0xf: {  	[smem:$0x3FAD] =	sst s7  }
0x10: {  	[smem:$0x3FAE] =	sst s8  }
0x11: {  	[smem:$0x3FAF] =	sst s9;
	s0 =	simm.s32 @!p0 $0x0  }
0x12: {  	s1 =	sld [smem:$0x3F95];
	s0 =	simm.s32 @p0 $0x1  }
0x13: {  	[smem:$0x3FB0] =	sst s0;
	s0 =	simm.s32 @!p1 $0x0  }
0x14: {  	s2 =	sld [smem:$0x3F94];
	s0 =	simm.s32 @p1 $0x1  }
0x15: {  	[smem:$0x3FB1] =	sst s0;
	s0 =	simm.s32 @!p2 $0x0  }
0x16: {  	s3 =	sld [smem:$0x3FDB];
	s0 =	simm.s32 @p2 $0x1  }
0x17: {  	s4 =	simm.s32 $0x1BF5;
	[smem:$0x3FB3] =	sst s0  }
0x18: {  	s0 =	sld [smem:$0x3F96];
	_ =	swait.ge [sflag:s4], $0x0  }
0x19: {  	s7 =	sld [smem:$0x3F97]  }
0x1a: {  	s8 =	sadd.s32 $0xFFFFE003, lr  }
0x1b: {  	s9 =	sadd.s32 $0xFFFFFEF7, lr;
	s5 =	simm.s32 $0xFFFFFFFF;
	p2 =	slt.u32 s8, $0xFFFFF086  }
0x1c: {  	p1 =	slt.u32 s9, $0xF7A;
	s5 =	simm.s32 @!p2 $0x0  }
0x1d: {  	s5 =	simm.s32 @p1 $0x1;
	p0 =	seq.s32 s7, s2  }
0x1e: {  	s7 =	smul.u32 @!p0 $0xF7A, s2;
	p2 =	seq.s32 @!p0 s5, $0x0  }
0x1f: {  	s9 =	smul.u32 $0xF7A, s1;
	s8 =	simm.s32 @!p0 $0x1BF5;
	p2 =	por !p2, p0  }
0x20: {  	[sflag:s8] =	ssyncset.s32 @!p0 $0xFFFFF086;
	s6 =	sadd.s32 @!p0 s3, s7;
	s7 =	simm.s32 @!p0 $0x108  }
0x21: {  	s3 =	sadd.s32 s3, s9;
	s6 =	sadd.s32 @!p0 $0x88, s6;
	s7 =	simm.s32 @p2 $0x1082  }
0x22: {  	[simem:s7], [sflag:s8] =	dma.local @!p0 [hbm:s6], $0xF7A  }
0x23: {  	s9 =	sor.u32 $0xD0000000, s2;
	s6 =	simm.s32 $0x108;
	_ =	swait.ge @!p0 [sflag:s8], $0x0  }
0x24: {  	s3 =	sadd.s32 $0x88, s3;
	s6 =	simm.s32 @!p1 $0x1082;
	[sflag:s4] =	ssyncset.s32 $0xFFFFF086  }
0x25: {  	[simem:s6], [sflag:s4] =	dma.local [hbm:s3], $0xF7A  }
0x26: {  	[smem:$0x3F97] =	sst s1;
	(tag) =	ssettag s2;
	_ =	strace s9  }
0x27: {  	s1 =	sld [smem:$0x3FA7]  }
0x28: {  	s2 =	sld [smem:$0x3FA8]  }
0x29: {  	s4 =	sld [smem:$0x3FAA]  }
0x2a: {  	p0 =	seq.s32 s5, $0x0;
	s5 =	sld [smem:$0x3FAB]  }
0x2b: {  	s6 =	sld [smem:$0x3FAC]  }
0x2c: {  	s7 =	sld [smem:$0x3FAD]  }
0x2d: {  	s3 =	simm.s32 $0x108;
	s8 =	sld [smem:$0x3FAE]  }
0x2e: {  	s3 =	simm.s32 @!p0 $0x1082;
	s9 =	sld [smem:$0x3FAF]  }
0x2f: {  	lr =	sadd.s32 s0, s3;
	s0 =	sld [smem:$0x3FA6]  }
0x30: {  	s3 =	sld [smem:$0x3FA9]  }
0x31: {  	[smem:$0x3FB2] =	sst s10  }
0x32: {  	s10 =	sld [smem:$0x3FB0];
	_ =	sdelay $0x3  }
0x33: {  	p0 =	seq.s32 s10, $0x1;
	s10 =	sld [smem:$0x3FB2];
	_ =	sdelay $0x3  }
0x34: {  	[smem:$0x3FB2] =	sst s10  }
0x35: {  	s10 =	sld [smem:$0x3FB1];
	_ =	sdelay $0x3  }
0x36: {  	p1 =	seq.s32 s10, $0x1;
	s10 =	sld [smem:$0x3FB2];
	_ =	sdelay $0x3  }
0x37: {  	[smem:$0x3FB2] =	sst s10  }
0x38: {  	s10 =	sld [smem:$0x3FB3]  }
0x39: {  	_ = 	snop;
	(pc) =	sbr.ind lr, $3  }
0x3a: {  	_ = 	snop  }
0x3b: {  	_ = 	snop  }
0x3c: {  	p2 =	seq.s32 s10, $0x1;
	s10 =	sld [smem:$0x3FB2]  }
0x3d: {  	_ =	shalt  }
0x3e: {  	_ =	shalt  }
0x3f: {  	_ =	shalt  }
0x40: {  	_ =	shalt  }
0x41: {  	_ =	shalt  }
0x42: {  	_ =	shalt  }
0x43: {  	_ =	shalt  }
0x44: {  	_ =	shalt  }
0x45: {  	_ =	shalt  }
0x46: {  	_ =	shalt  }
0x47: {  	_ =	shalt  }
0x48: {  	_ =	shalt  }
0x49: {  	_ =	shalt  }
0x4a: {  	_ =	shalt  }
0x4b: {  	_ =	shalt  }
0x4c: {  	_ =	shalt  }
0x4d: {  	_ =	shalt  }
0x4e: {  	_ =	shalt  }
0x4f: {  	_ =	shalt  }
0x50: {  	_ =	shalt  }
0x51: {  	_ =	shalt  }
0x52: {  	_ =	shalt  }
0x53: {  	_ =	shalt  }
0x54: {  	_ =	shalt  }
0x55: {  	_ =	shalt  }
0x56: {  	_ =	shalt  }
0x57: {  	_ =	shalt  }
0x58: {  	_ =	shalt  }
0x59: {  	_ =	shalt  }
0x5a: {  	_ =	shalt  }
0x5b: {  	_ =	shalt  }
0x5c: {  	_ =	shalt  }
0x5d: {  	_ =	shalt  }
0x5e: {  	_ =	shalt  }
0x5f: {  	_ =	shalt  }
0x60: {  	_ =	shalt  }
0x61: {  	_ =	shalt  }
0x62: {  	_ =	shalt  }
0x63: {  	_ =	shalt  }
0x64: {  	_ =	shalt  }
0x65: {  	_ =	shalt  }
0x66: {  	_ =	shalt  }
0x67: {  	_ =	shalt  }
0x68: {  	_ =	shalt  }
0x69: {  	_ =	shalt  }
0x6a: {  	_ =	shalt  }
0x6b: {  	_ =	shalt  }
0x6c: {  	_ =	shalt  }
0x6d: {  	_ =	shalt  }
0x6e: {  	_ =	shalt  }
0x6f: {  	_ =	shalt  }
0x70: {  	_ =	shalt  }
0x71: {  	_ =	shalt  }
0x72: {  	_ =	shalt  }
0x73: {  	_ =	shalt  }
0x74: {  	_ =	shalt  }
0x75: {  	_ =	shalt  }
0x76: {  	_ =	shalt  }
0x77: {  	_ =	shalt  }
0x78: {  	_ =	shalt  }
0x79: {  	_ =	shalt  }
0x7a: {  	_ =	shalt  }
0x7b: {  	_ =	shalt  }
0x7c: {  	_ =	shalt  }
0x7d: {  	_ =	shalt  }
0x7e: {  	_ =	shalt  }
0x7f: {  	_ =	shalt  }
0x80: {  	_ =	shalt  }
0x81: {  	_ =	shalt  }
0x82: {  	_ =	shalt  }
0x83: {  	_ =	shalt  }
0x84: {  	_ =	shalt  }
0x85: {  	_ =	shalt  }
0x86: {  	_ =	shalt  }
0x87: {  	_ =	shalt  }
.Lfunc_end0:
.L_simem_size_0:
called_computation_lowered:
.L_overlay_start_0:
0x88: {  	s2 =	sld [smem:$0x3FD9]  }
0x89: {  	s3 =	sld [smem:$0x3FFE];
	_ =	sdelay $0x1  }
0x8a: {  	s1 =	srdreg.scid  }
0x8b: {  	s0 =	sand.u32 $0x1, s1  }
0x8c: {  	s17 =	sshll.u32 s0, $0xA;
	s2 =	sadd.s32 s3, s2  }
0x8d: {  	s2 =	sadd.s32 s2, s17  }
0x8e: {  	[smem:$0x3FBE] =	sst s2  }
0x8f: {  	_ = 	snop  }
0x90: {  	s2 =	sld [smem:$0x3FD0];
	(tm) =	ssettm $0x1  }
0x91: {  	s18 =	sld [smem:$0x3FFB];
	_ =	sdelay $0x3  }
0x92: {  	_ =	strace s18  }
0x93: {  	s3 =	sld [smem:$0x3FFC];
	_ =	sdelay $0x3  }
0x94: {  	_ =	strace s3  }
0x95: {  	s3 =	sld [smem:$0x3FFD];
	_ =	sdelay $0x3  }
0x96: {  	_ =	strace s3  }
0x97: {  	_ =	strace $0x8FFFFFFF  }
0x98: {  	s19 =	sld [smem:$0x3FDB];
	_ =	sdelay $0x1  }
0x99: {  	s4 =	simm.s32 $_scs_section_size  }
0x9a: {  	s5 =	simm.s32 $_size__tile_overlayer_lowered;
	s6 =	simm.s32 $_tile_overlayer_lowered  }
0x9b: {  	s22 =	simm.s32 $0x1BFF;
	s21 =	sshll.u32 s6, $0x1;
	s3 =	sadd.s32 s4, s19  }
0x9c: {  	s7 =	simm.s32 $0x0;
	s20 =	sshll.u32 s5, $0x1;
	s5 =	sadd.s32 s21, s3  }
0x9d: {  	[timem:s7], [sflag:s22] =	dma.local [hbm:s5], s20  }
0x9e: {  	_ =	swait.ge [sflag:s22], s20  }
0x9f: {  	s4 =	ssub.s32 $0x0, s20;
	[sflag:s22] =	ssyncset.done $0x0  }
0xa0: {  	[sflag:s22] =	ssyncadd.s32 s4;
	_ =	sdelay $0x1  }
0xa1: {  	s23 =	simm.s32 $0x1B8B  }
0xa2: {  	_ =	swait.ge [sflag:s23], $0x1  }
0xa3: {  	[sflag:s23] =	ssyncset.done $0x0  }
0xa4: {  	s25 =	simm.s32 $0x1B8E;
	s24 =	sld [smem:$0x3FFE];
	[sflag:s23] =	ssyncadd.s32 $0xFFFFFFFF  }
0xa5: {  	s26 =	simm.s32 $execute0_lowered;
	[smem:$0x3FD2] =	sst s25  }
0xa6: {  	s5 =	sshll.u32 s26, $0x1;
	_ =	strace $0x80000046;
	[dreg:$0x1] =	wrdreg $0xFFFFFFFF  }
0xa7: {  	s28 =	simm.s32 $_size_execute0_lowered;
	s3 =	sadd.s32 s3, s5;
	[dreg:$0x0] =	wrdreg $0x0  }
0xa8: {  	s5 =	sshll.u32 s28, $0x1;
	[dreg:$0x2] =	wrdreg s3  }
0xa9: {  	[dreg:$0x3] =	wrdreg s5  }
0xaa: {  	[dreg:$0x4] =	wrdreg $0xC0  }
0xab: {  	_ =	task [dreg:s7], $0x5FFFF  }
0xac: {  	[dreg:$0x1] =	wrdreg $0xFFFFFFFF  }
0xad: {  	[dreg:$0x0] =	wrdreg $0x60  }
0xae: {  	[dreg:$0x2] =	wrdreg s24  }
0xaf: {  	[dreg:$0x3] =	wrdreg s2  }
0xb0: {  	[dreg:$0x4] =	wrdreg $0x79400  }
0xb1: {  	[dreg:$0x5] =	wrdreg $0x9  }
0xb2: {  	_ =	task.clear_ibuf [dreg:s7], $0x6FFFF;
	_ =	strace $0x90000046  }
0xb3: {  	s29 =	simm.s32 $0x9;
	_ =	strace $0x80000048  }
0xb4: {  	_ =	swait.ge [sflag:s29], $0x1  }
0xb5: {  	[sflag:s29] =	ssyncadd.s32 $0xFFFFFFFF  }
0xb6: {  	_ =	strace $0x90000048  }
0xb7: {  	_ =	sfence  }
0xb8: {  	s30 =	sld [smem:$0x0];
	_ =	sdelay $0x2  }
0xb9: {  	s31 =	sshll.u32 s1, $0xD;
	s1 =	sshrl.u32 s1, $0x2  }
0xba: {  	s3 =	sand.u32 $0x4000, s31;
	s1 =	sadd.s32 s1, s30  }
0xbb: {  	s0 =	sor.u32 s3, s0;
	s1 =	sshll.u32 s1, $0x11  }
0xbc: {  	s0 =	sor.u32 s1, s0  }
0xbd: {  	s0 =	sadd.s32 $0x8F2B, s0  }
0xbe: {  	[sflag:s0] =	ssyncadd.remote.s32 $0x1  }
0xbf: {  	_ =	sfence.sel $0xFFFF  }
0xc0: {  	[dreg:$0x0] =	wrdreg $0xFFFFFFFF;
	(pc) =	sbr.abs _section_cstart, $3  }
0xc1: {  	[dreg:$0x1] =	wrdreg $0xFFFFFFFF  }
0xc2: {  	_ =	task.clear_ibuf [dreg:s7], $0x2FFFF;
	_ =	strace $0x9FFFFFFF  }
0xc3: {  	(tm) =	ssettm $0x7FFFFFFF  }
tec
execute0_lowered:
.L_overlay_start_1:
0x0: {  	(tag) =	ssettag $0x1  }
0x1: {  	s0 =	srdreg.scid  }
0x2: {  	s5 =	sand.u32 $0x1, s0  }
0x3: {  	s6 =	rddreg [dreg:$0x0];
	s0 =	smul.u32 $0xFFFFFFB0, s5  }
0x4: {  	s9 =	stileid.u32;
	s2 =	rddreg [dreg:$0x1]  }
0x5: {  	s3 =	rddreg [dreg:$0x2];
	s4 =	smul.u32 $0xA80, s5;
	s1 =	sadd.s32 $0xA8, s0  }
0x6: {  	s29 =	simm.s32 $0x3;
	s8 =	ssub.s32 $0x2, s5;
	s7 =	smul.u32 s9, s1  }
0x7: {  	s10 =	sadd.s32 $0x47600, s6;
	s11 =	sshrl.u32 s8, $0x1;
	s9 =	smul.u32 $0x14000, s9  }
0x8: {  	s5 =	smul.u32 $0x140000, s5;
	s8 =	ssub.s32 s8, s11;
	s31 =	sadd.s32 $0xA7, s0  }
0x9: {  	s0 =	simm.s32 $0x140;
	s4 =	sadd.s32 s4, s7;
	s7 =	sor.u32 $0x2800, s9  }
0xa: {  	s12 =	sadd.s32 $0x5000, s9;
	s13 =	sadd.s32 $0x7800, s9;
	s17 =	sadd.s32 $0xA000, s9  }
0xb: {  	s18 =	sadd.s32 $0xC800, s9;
	s19 =	sadd.s32 $0xF000, s9;
	s26 =	sadd.s32 s9, s5  }
0xc: {  	s20 =	sadd.s32 $0x11800, s9;
	s14 =	sadd.s32 s5, s7;
	s11 =	sshrl.u32 s26, $0x3  }
0xd: {  	s15 =	sadd.s32 s5, s12;
	s16 =	sadd.s32 s5, s13;
	s21 =	sadd.s32 s5, s17  }
0xe: {  	s22 =	sadd.s32 s5, s18;
	s25 =	sadd.s32 s5, s19;
	s5 =	sadd.s32 s5, s20  }
0xf: {  	s14 =	sshrl.u32 s14, $0x3;
	s11 =	sadd.s32 s10, s11;
	s15 =	sshrl.u32 s15, $0x3  }
0x10: {  	s24 =	sshrl.u32 s22, $0x3;
	[dreg:$0x4] =	wrdreg s11;
	s14 =	sadd.s32 s10, s14  }
0x11: {  	s5 =	sshrl.u32 s5, $0x3;
	s11 =	sadd.s32 s10, s15;
	[dreg:$0x5] =	wrdreg s14  }
0x12: {  	s5 =	sadd.s32 s10, s5;
	[dreg:$0x6] =	wrdreg s11;
	s11 =	sshrl.u32 s16, $0x3  }
0x13: {  	s14 =	sshrl.u32 s21, $0x3;
	[dreg:$0xb] =	wrdreg s5;
	s11 =	sadd.s32 s10, s11  }
0x14: {  	s26 =	sshrl.u32 s25, $0x3;
	s23 =	sadd.s32 s10, s14;
	[dreg:$0x7] =	wrdreg s11  }
0x15: {  	s16 =	sadd.s32 $0x3D600, s6;
	s14 =	sadd.s32 s10, s26;
	[dreg:$0x8] =	wrdreg s23  }
0x16: {  	s11 =	sadd.s32 s10, s24;
	[dreg:$0xa] =	wrdreg s14;
	s23 =	sadd.s32 s12, s3  }
0x17: {  	s10 =	smul.u32 $0xA, s4;
	[dreg:$0x9] =	wrdreg s11;
	s11 =	simm.s32 $0x0  }
0x18: {  	s24 =	sadd.s32 s13, s3;
	s12 =	sadd.s32 s18, s3;
	[smem:$0x7FF] =	sst s11  }
0x19: {  	s13 =	sadd.s32 s2, s10;
	_ =	strace $0x80000047;
	[dreg:$0x11] =	wrdreg s12  }
0x1a: {  	s30 =	sshrl.u32 s1, $0x1;
	s5 =	sadd.s32 s16, s10;
	[dreg:$0x14] =	wrdreg s13  }
0x1b: {  	s1 =	simm.s32 $0x4;
	s26 =	smax.u32 s8, $0x1;
	[dreg:$0x15] =	wrdreg s5  }
0x1c: {  	s28 =	sadd.s32 s17, s3;
	s21 =	sadd.s32 s9, s3;
	[dreg:$0x18] =	wrdreg s26  }
0x1d: {  	s19 =	sadd.s32 s19, s3;
	s22 =	sadd.s32 s7, s3;
	[dreg:$0xc] =	wrdreg s21  }
0x1e: {  	s20 =	sadd.s32 s20, s3;
	s7 =	simm.s32 $0x5;
	[dreg:$0xd] =	wrdreg s22  }
0x1f: {  	s15 =	sadd.s32 $0x29600, s6;
	s9 =	simm.s32 $0xA0;
	[dreg:$0xe] =	wrdreg s23  }
0x20: {  	s14 =	sadd.s32 $0x1600, s6;
	s6 =	simm.s32 $0x50;
	[dreg:$0xf] =	wrdreg s24  }
0x21: {  	s17 =	sor.u32 $0xA, s10;
	s10 =	simm.s32 $0xF0;
	[dreg:$0x10] =	wrdreg s28  }
0x22: {  	s18 =	sadd.s32 s2, s17;
	s25 =	sadd.s32 s16, s17;
	[dreg:$0x12] =	wrdreg s19  }
0x23: {  	s5 =	simm.s32 $0x7;
	s12 =	simm.s32 $0x1;
	[dreg:$0x13] =	wrdreg s20  }
0x24: {  	s13 =	simm.s32 $0x2;
	s26 =	simm.s32 $0x3D40;
	[dreg:$0x16] =	wrdreg s18  }
0x25: {  	v0 =	vimm.f32 $0.0e+00;
	s17 =	simm.s32 $0x0;
	[dreg:$0x17] =	wrdreg s25;
	s25 =	simm.s32 $0x6  }
.LBB2_1:
0x26: {  	[dreg:$0x19] =	wrdreg s17;
	s8 =	simm.s32 $0x0;
	s17 =	simm.s32 $0x200  }
.LBB2_2:
0x27: {  	p0 =	sne.s32 s17, $0x9E00;
	[tilespmem:s8+$0x1B0] =	vst v0  }
0x28: {  	[tilespmem:s8+$0x140] =	vst v0  }
0x29: {  	[tilespmem:s8+$0x150] =	vst v0  }
.Ltmp0:
0x2a: {  	[tilespmem:s8+$0x160] =	vst v0;
	(pc) =	sbr.rel @p0 .LBB2_2-.Ltmp0, $4  }
0x2b: {  	[tilespmem:s8+$0x170] =	vst v0  }
0x2c: {  	[tilespmem:s8+$0x180] =	vst v0  }
0x2d: {  	[tilespmem:s8+$0x190] =	vst v0  }
0x2e: {  	[tilespmem:s8+$0x1A0] =	vst v0;
	s8 =	sshra.s32 s17, $0x2;
	s17 =	sadd.s32 $0x200, s17  }
0x2f: {  	[tilespmem:s8+$0x1B0] =	vst v0  }
0x30: {  	[tilespmem:s8+$0x140] =	vst v0  }
0x31: {  	[tilespmem:s8+$0x150] =	vst v0  }
0x32: {  	[tilespmem:s8+$0x160] =	vst v0  }
0x33: {  	[tilespmem:s8+$0x170] =	vst v0  }
0x34: {  	[tilespmem:s8+$0x180] =	vst v0  }
0x35: {  	[tilespmem:s8+$0x190] =	vst v0  }
0x36: {  	[tilespmem:s8+$0x1A0] =	vst v0  }
0x37: {  	[spmem:s21] =	stream.linear.scatter [tilespmem:s0], [sflag:$0x7], $0x2800, $0x38;
	[tilespmem:$0x1B940] =	vst v63  }
0x38: {  	_ =	swait.ge [sflag:s5], $0x2800  }
0x39: {  	[sflag:s5] =	ssyncset.done $0x0  }
0x3a: {  	[sflag:s5] =	ssyncadd.s32 $0xFFFFD800  }
0x3b: {  	[spmem:s22] =	stream.linear.scatter [tilespmem:s0], [sflag:$0x7], $0x2800, $0x38;
	[tilespmem:$0x1B940] =	vst v63  }
0x3c: {  	_ =	swait.ge [sflag:s5], $0x2800  }
0x3d: {  	[sflag:s5] =	ssyncset.done $0x0  }
0x3e: {  	[sflag:s5] =	ssyncadd.s32 $0xFFFFD800  }
0x3f: {  	[spmem:s23] =	stream.linear.scatter [tilespmem:s0], [sflag:$0x7], $0x2800, $0x38;
	[tilespmem:$0x1B940] =	vst v63  }
0x40: {  	_ =	swait.ge [sflag:s5], $0x2800  }
0x41: {  	[sflag:s5] =	ssyncset.done $0x0  }
0x42: {  	[sflag:s5] =	ssyncadd.s32 $0xFFFFD800  }
0x43: {  	[spmem:s24] =	stream.linear.scatter [tilespmem:s0], [sflag:$0x7], $0x2800, $0x38;
	[tilespmem:$0x1B940] =	vst v63  }
0x44: {  	_ =	swait.ge [sflag:s5], $0x2800  }
0x45: {  	[sflag:s5] =	ssyncset.done $0x0  }
0x46: {  	[sflag:s5] =	ssyncadd.s32 $0xFFFFD800  }
0x47: {  	[spmem:s28] =	stream.linear.scatter [tilespmem:s0], [sflag:$0x7], $0x2800, $0x38;
	[tilespmem:$0x1B940] =	vst v63  }
0x48: {  	_ =	swait.ge [sflag:s5], $0x2800  }
0x49: {  	[sflag:s5] =	ssyncset.done $0x0  }
0x4a: {  	s18 =	rddreg [dreg:$0x11];
	[sflag:s5] =	ssyncadd.s32 $0xFFFFD800  }
0x4b: {  	[spmem:s18] =	stream.linear.scatter [tilespmem:s0], [sflag:$0x7], $0x2800, $0x38;
	[tilespmem:$0x1B940] =	vst v63  }
0x4c: {  	_ =	swait.ge [sflag:s5], $0x2800  }
0x4d: {  	[sflag:s5] =	ssyncset.done $0x0  }
0x4e: {  	[sflag:s5] =	ssyncadd.s32 $0xFFFFD800  }
0x4f: {  	[spmem:s19] =	stream.linear.scatter [tilespmem:s0], [sflag:$0x7], $0x2800, $0x38;
	[tilespmem:$0x1B940] =	vst v63  }
0x50: {  	_ =	swait.ge [sflag:s5], $0x2800  }
0x51: {  	[sflag:s5] =	ssyncset.done $0x0  }
0x52: {  	[sflag:s5] =	ssyncadd.s32 $0xFFFFD800  }
0x53: {  	[spmem:s20] =	stream.linear.scatter [tilespmem:s0], [sflag:$0x7], $0x2800, $0x38;
	[tilespmem:$0x1B940] =	vst v63  }
0x54: {  	_ =	swait.ge [sflag:s5], $0x2800  }
0x55: {  	[sflag:s5] =	ssyncset.done $0x0  }
0x56: {  	[sflag:s5] =	ssyncadd.s32 $0xFFFFD800  }
0x57: {  	[bflag:$0x0] =	sbarrier.arrive $0xFFFF  }
0x58: {  	s18 =	simm.s32 $0x0;
	s21 =	rddreg [dreg:$0x14]  }
0x59: {  	[tilespmem:s18], [sflag:$0x5] =	stream.linear.gather [hbm4b:s21+s18], $0x50, $0x38;
	[tilespmem:$0x1B940] =	vst v63  }
0x5a: {  	s22 =	rddreg [dreg:$0x15]  }
0x5b: {  	[tilespmem:s6], [sflag:$0x5] =	stream.linear.gather [hbm4b:s22+s18], $0x50, $0x38;
	[tilespmem:$0x1B940] =	vst v63  }
0x5c: {  	_ =	swait.ge [sflag:s7], $0x50  }
0x5d: {  	[sflag:s7] =	ssyncset.done $0x0  }
0x5e: {  	[sflag:s7] =	ssyncadd.s32 $0xFFFFFFB0  }
0x5f: {  	_ =	swait.ge [sflag:s7], $0x50  }
0x60: {  	[sflag:s7] =	ssyncset.done $0x0  }
0x61: {  	[sflag:s7] =	ssyncadd.s32 $0xFFFFFFB0  }
0x62: {  	[tilespmem:s0], [sflag:$0x1] =	stream.indirect.gather [hbm4b:s14+s6], $0x80, s18, s6, $0xb8;
	[tilespmem:$0x1B940] =	vst v63  }
0x63: {  	s23 =	simm.s32 $0x2940  }
0x64: {  	[tilespmem:s23], [sflag:$0x2] =	stream.indirect.gather [hbm4b:s15+s6], $0x40, s6, s6, $0xb8;
	[tilespmem:$0x1B940] =	vst v63  }
0x65: {  	s24 =	rddreg [dreg:$0x16]  }
0x66: {  	[tilespmem:s9], [sflag:$0x6] =	stream.linear.gather [hbm4b:s24+s18], $0x50, $0x38;
	[tilespmem:$0x1B940] =	vst v63  }
0x67: {  	s28 =	rddreg [dreg:$0x17]  }
0x68: {  	[tilespmem:s10], [sflag:$0x6] =	stream.linear.gather [hbm4b:s28+s18], $0x50, $0x38;
	[tilespmem:$0x1B940] =	vst v63  }
.LBB2_4:
0x69: {  	_ =	swait.ge [sflag:s12], $0x2800  }
0x6a: {  	[sflag:s12] =	ssyncset.done $0x0  }
0x6b: {  	[sflag:s12] =	ssyncadd.s32 $0xFFFFD800  }
0x6c: {  	_ =	swait.ge [sflag:s13], $0x1400  }
0x6d: {  	[sflag:s13] =	ssyncset.done $0x0  }
0x6e: {  	[sflag:s13] =	ssyncadd.s32 $0xFFFFEC00  }
0x6f: {  	_ =	swait.ge [sflag:s25], $0x50  }
0x70: {  	[sflag:s25] =	ssyncset.done $0x0  }
0x71: {  	[sflag:s25] =	ssyncadd.s32 $0xFFFFFFB0  }
0x72: {  	_ =	swait.ge [sflag:s25], $0x50  }
0x73: {  	[sflag:s25] =	ssyncset.done $0x0  }
0x74: {  	[sflag:s25] =	ssyncadd.s32 $0xFFFFFFB0  }
0x75: {  	[tilespmem:s26], [sflag:$0x3] =	stream.indirect.gather [hbm4b:s14+s6], $0x80, s9, s6, $0xb8;
	[tilespmem:$0x1B940] =	vst v63  }
0x76: {  	s8 =	simm.s32 $0x6540;
	s19 =	simm.s32 $0x240  }
0x77: {  	[tilespmem:s8], [sflag:$0x4] =	stream.indirect.gather [hbm4b:s15+s6], $0x40, s10, s6, $0xb8;
	[tilespmem:$0x1B940] =	vst v63  }
0x78: {  	s24 =	simm.s32 $0x29C0;
	v1 =	vld [tilespmem:s19+$0xC0]  }
0x79: {  	v2 =	vld [tilespmem:s24+$0x40];
	_ =	sdelay $0x4  }
0x7a: {  	v1 =	vadd.f32 v2, v1;
	_ =	sdelay $0x1  }
0x7b: {  	v2 =	vmul.f32 $2.000000030e-01, v1;
	_ =	sdelay $0x1  }
0x7c: {  	v1 =	vmax.f32 v1, v2  }
0x7d: {  	v3 =	vld [tilespmem:s24+$0xFFFFFFC0];
	v1 =	vmul.f32 $1.442695020e+00, v1  }
0x7e: {  	v4 =	vld [tilespmem:s24+$0x0]  }
0x7f: {  	v2 =	vld [tilespmem:s19+$0xFFFFFFC0];
	(erf) = vpow2.f32 v1  }
0x80: {  	v1 =	vld [tilespmem:s19+$0x40]  }
0x81: {  	v5 =	vld [tilespmem:s24+$0xFFFFFF80]  }
0x82: {  	v6 =	vld [tilespmem:s19+$0xFFFFFF40];
	_ =	sdelay $0x1  }
0x83: {  	v7 =	vld [tilespmem:s19+$0x80];
	v2 =	vadd.f32 v3, v2  }
0x84: {  	v1 =	vadd.f32 v4, v1  }
0x85: {  	v3 =	vmul.f32 $2.000000030e-01, v2  }
0x86: {  	v4 =	vadd.f32 v5, v6;
	v5 =	vmul.f32 $2.000000030e-01, v1  }
0x87: {  	v8 =	vld [tilespmem:s19+$0xFFFFFFD0];
	v2 =	vmax.f32 v2, v3;
	v6 =	vpop (erf)  }
0x88: {  	v12 =	vld [tilespmem:s19+$0x50];
	v2 =	vmul.f32 $1.442695020e+00, v2;
	v1 =	vmax.f32 v1, v5;
	v3 =	vmul.f32 v6, v7  }
0x89: {  	v13 =	vld [tilespmem:s19+$0xFFFFFF10];
	[tilespmem:s19+$0xC0] =	vst v6;
	v1 =	vmul.f32 $1.442695020e+00, v1  }
0x8a: {  	(erf) = vpow2.f32 v2;
	v2 =	vld [tilespmem:s19+$0xD0];
	v7 =	vmul.f32 $2.000000030e-01, v4;
	[tilespmem:s19+$0x80] =	vst v3  }
0x8b: {  	(erf) = vpow2.f32 v1;
	v1 =	vld [tilespmem:s24+$0x50]  }
0x8c: {  	v14 =	vld [tilespmem:s19+$0xFFFFFF90];
	v3 =	vmax.f32 v4, v7  }
0x8d: {  	v15 =	vld [tilespmem:s19+$0x10];
	v3 =	vmul.f32 $1.442695020e+00, v3  }
0x8e: {  	v21 =	vld [tilespmem:s19+$0xFFFFFF60]  }
0x8f: {  	v22 =	vld [tilespmem:s19+$0x60];
	(erf) = vpow2.f32 v3  }
0x90: {  	v11 =	vld [tilespmem:s19+$0x20];
	v1 =	vadd.f32 v1, v2  }
0x91: {  	v4 =	vld [tilespmem:s19+$0xFFFFFF80]  }
0x92: {  	v6 =	vld [tilespmem:s19+$0x0];
	v2 =	vmul.f32 $2.000000030e-01, v1  }
0x93: {  	v10 =	vld [tilespmem:s19+$0xFFFFFF70]  }
0x94: {  	s21 =	simm.s32 $0x2AC0;
	v5 =	vld [tilespmem:s19+$0xFFFFFF00];
	v1 =	vmax.f32 v1, v2  }
0x95: {  	v17 =	vld [tilespmem:s21+$0x40];
	v3 =	vpop (erf);
	v1 =	vmul.f32 $1.442695020e+00, v1  }
0x96: {  	v20 =	vld [tilespmem:s19+$0xFFFFFFF0];
	[tilespmem:s19+$0xFFFFFFC0] =	vst v3;
	v9 =	vpop (erf);
	v2 =	vmul.f32 v3, v4  }
0x97: {  	v18 =	vld [tilespmem:s19+$0x70];
	[tilespmem:s19+$0x40] =	vst v9;
	v6 =	vmul.f32 v9, v6;
	(erf) = vpow2.f32 v1  }
0x98: {  	v7 =	vld [tilespmem:s19+$0xFFFFFF50];
	v9 =	vpop (erf);
	[tilespmem:s19+$0xFFFFFF80] =	vst v2  }
0x99: {  	[tilespmem:s19+$0x0] =	vst v6;
	v6 =	vld [tilespmem:s19+$0x90];
	v5 =	vmul.f32 v9, v5  }
0x9a: {  	v1 =	vld [tilespmem:s24+$0xFFFFFFD0];
	[tilespmem:s19+$0xFFFFFF40] =	vst v9  }
0x9b: {  	v2 =	vld [tilespmem:s24+$0x10];
	[tilespmem:s19+$0xFFFFFF00] =	vst v5  }
0x9c: {  	v5 =	vld [tilespmem:s24+$0xFFFFFF90]  }
0x9d: {  	s20 =	simm.s32 $0x440;
	v19 =	vld [tilespmem:s19+$0xFFFFFF30]  }
0x9e: {  	v23 =	vld [tilespmem:s20+$0x40]  }
0x9f: {  	v24 =	vld [tilespmem:s20+$0xFFFFFF00];
	v1 =	vadd.f32 v1, v8  }
0xa0: {  	v8 =	vld [tilespmem:s20+$0xC0];
	v2 =	vadd.f32 v2, v12;
	v16 =	vpop (erf)  }
0xa1: {  	v25 =	vld [tilespmem:s20+$0xFFFFFF80];
	v12 =	vmul.f32 $2.000000030e-01, v1;
	v5 =	vadd.f32 v5, v7;
	v6 =	vmul.f32 v16, v6  }
0xa2: {  	v26 =	vld [tilespmem:s20+$0x80];
	v7 =	vmul.f32 $2.000000030e-01, v2;
	[tilespmem:s19+$0xD0] =	vst v16  }
0xa3: {  	v1 =	vmax.f32 v1, v12;
	v12 =	vld [tilespmem:s19+$0xE0];
	[tilespmem:s19+$0x90] =	vst v6;
	v6 =	vmul.f32 $2.000000030e-01, v5  }
0xa4: {  	v1 =	vmul.f32 $1.442695020e+00, v1;
	v2 =	vmax.f32 v2, v7;
	v7 =	vld [tilespmem:s24+$0x60]  }
0xa5: {  	v28 =	vld [tilespmem:s20+$0xFFFFFF50];
	v8 =	vadd.f32 v17, v8;
	v2 =	vmul.f32 $1.442695020e+00, v2;
	v5 =	vmax.f32 v5, v6  }
0xa6: {  	v17 =	vld [tilespmem:s21+$0xFFFFFFC0];
	(erf) = vpow2.f32 v1;
	v1 =	vmul.f32 $1.442695020e+00, v5  }
0xa7: {  	v16 =	vmul.f32 $2.000000030e-01, v8;
	(erf) = vpow2.f32 v2;
	v6 =	vld [tilespmem:s21+$0xFFFFFF80]  }
0xa8: {  	v5 =	vld [tilespmem:s20+$0xFFFFFFC0];
	(erf) = vpow2.f32 v1  }
0xa9: {  	v1 =	vmax.f32 v8, v16;
	v8 =	vld [tilespmem:s21+$0x0];
	v7 =	vadd.f32 v7, v12  }
0xaa: {  	v1 =	vmul.f32 $1.442695020e+00, v1;
	v12 =	vld [tilespmem:s20+$0xFFFFFF40]  }
0xab: {  	v29 =	vld [tilespmem:s20+$0xFFFFFFD0];
	v16 =	vmul.f32 $2.000000030e-01, v7  }
0xac: {  	v30 =	vld [tilespmem:s19+$0xF0];
	(erf) = vpow2.f32 v1  }
0xad: {  	s23 =	simm.s32 $0x2BC0;
	v34 =	vld [tilespmem:s20+$0x90];
	v5 =	vadd.f32 v17, v5  }
0xae: {  	v36 =	vld [tilespmem:s23+$0x40];
	v7 =	vmax.f32 v7, v16;
	v8 =	vadd.f32 v8, v23  }
0xaf: {  	s22 =	simm.s32 $0x640;
	v51 =	vld [tilespmem:s20+$0xE0];
	v7 =	vmul.f32 $1.442695020e+00, v7;
	v6 =	vadd.f32 v6, v12;
	v12 =	vmul.f32 $2.000000030e-01, v5;
	v16 =	vpop (erf)  }
0xb0: {  	v53 =	vld [tilespmem:s22+$0xFFFFFFC0];
	v17 =	vmul.f32 $2.000000030e-01, v8;
	v14 =	vmul.f32 v16, v14;
	[tilespmem:s19+$0xFFFFFFD0] =	vst v16;
	v16 =	vpop (erf)  }
0xb1: {  	v55 =	vld [tilespmem:s22+$0x40];
	(erf) = vpow2.f32 v7;
	v7 =	vmul.f32 $2.000000030e-01, v6;
	v5 =	vmax.f32 v5, v12;
	v27 =	vpop (erf)  }
0xb2: {  	v56 =	vld [tilespmem:s22+$0xFFFFFF40];
	v5 =	vmul.f32 $1.442695020e+00, v5;
	v8 =	vmax.f32 v8, v17;
	[tilespmem:s19+$0xFFFFFF90] =	vst v14;
	v12 =	vmul.f32 v27, v13  }
0xb3: {  	v4 =	vld [tilespmem:s19+$0xFFFFFFE0];
	v13 =	vmul.f32 v16, v15;
	[tilespmem:s19+$0xFFFFFF50] =	vst v27  }
0xb4: {  	v6 =	vmax.f32 v6, v7;
	v7 =	vmul.f32 $1.442695020e+00, v8;
	(erf) = vpow2.f32 v5;
	v5 =	vld [tilespmem:s19+$0xA0];
	[tilespmem:s19+$0xFFFFFF10] =	vst v12  }
0xb5: {  	v6 =	vmul.f32 $1.442695020e+00, v6;
	v8 =	vpop (erf);
	[tilespmem:s19+$0x10] =	vst v13;
	v13 =	vld [tilespmem:s24+$0xFFFFFFE0]  }
0xb6: {  	[tilespmem:s19+$0x50] =	vst v16;
	(erf) = vpow2.f32 v7;
	v7 =	vld [tilespmem:s24+$0xFFFFFFA0];
	v12 =	vmul.f32 v8, v26  }
0xb7: {  	[tilespmem:s20+$0xC0] =	vst v8;
	(erf) = vpow2.f32 v6;
	v6 =	vld [tilespmem:s24+$0x20]  }
0xb8: {  	v8 =	vld [tilespmem:s20+$0xD0];
	[tilespmem:s20+$0x80] =	vst v12  }
0xb9: {  	v14 =	vld [tilespmem:s21+$0x50]  }
0xba: {  	v57 =	vld [tilespmem:s22+$0xFFFFFF00]  }
0xbb: {  	v58 =	vld [tilespmem:s22+$0xFFFFFF80];
	v7 =	vadd.f32 v7, v21  }
0xbc: {  	v59 =	vld [tilespmem:s22+$0xFFFFFF50];
	v4 =	vadd.f32 v13, v4  }
0xbd: {  	v61 =	vld [tilespmem:s22+$0xFFFFFFD0];
	v26 =	vpop (erf);
	v6 =	vadd.f32 v6, v22;
	v21 =	vmul.f32 $2.000000030e-01, v7  }
0xbe: {  	v38 =	vld [tilespmem:s22+$0x50];
	v5 =	vmul.f32 v26, v5;
	[tilespmem:s19+$0xE0] =	vst v26;
	v26 =	vmul.f32 $2.000000030e-01, v4;
	v8 =	vadd.f32 v14, v8  }
0xbf: {  	v3 =	vld [tilespmem:s19+$0xFFFFFF20];
	v7 =	vmax.f32 v7, v21;
	v21 =	vmul.f32 $2.000000030e-01, v6  }
0xc0: {  	v9 =	vld [tilespmem:s19+$0xFFFFFFA0];
	v4 =	vmax.f32 v4, v26;
	v7 =	vmul.f32 $1.442695020e+00, v7;
	v26 =	vmul.f32 $2.000000030e-01, v8  }
0xc1: {  	v2 =	vld [tilespmem:s19+$0xFFFFFFB0];
	v4 =	vmul.f32 $1.442695020e+00, v4;
	v6 =	vmax.f32 v6, v21  }
0xc2: {  	v23 =	vld [tilespmem:s20+$0x0];
	[tilespmem:s19+$0xA0] =	vst v5;
	v5 =	vpop (erf);
	v6 =	vmul.f32 $1.442695020e+00, v6;
	(erf) = vpow2.f32 v7;
	v7 =	vmax.f32 v8, v26  }
0xc3: {  	v1 =	vld [tilespmem:s19+$0x30];
	(erf) = vpow2.f32 v4;
	v4 =	vmul.f32 $1.442695020e+00, v7  }
0xc4: {  	v17 =	vld [tilespmem:s20+$0xFFFFFF90];
	v22 =	vpop (erf);
	(erf) = vpow2.f32 v6  }
0xc5: {  	v15 =	vld [tilespmem:s20+$0x50];
	v25 =	vmul.f32 v5, v25;
	[tilespmem:s20+$0xFFFFFFC0] =	vst v5;
	v27 =	vpop (erf);
	(erf) = vpow2.f32 v4  }
0xc6: {  	v16 =	vld [tilespmem:s20+$0xFFFFFF10];
	[tilespmem:s20+$0x40] =	vst v22  }
0xc7: {  	v31 =	vld [tilespmem:s24+$0x70];
	v5 =	vmul.f32 v22, v23;
	[tilespmem:s20+$0xFFFFFF80] =	vst v25  }
0xc8: {  	v12 =	vld [tilespmem:s20+$0x10];
	v24 =	vmul.f32 v27, v24;
	[tilespmem:s20+$0xFFFFFF40] =	vst v27  }
0xc9: {  	v32 =	vld [tilespmem:s21+$0xFFFFFFD0];
	[tilespmem:s20+$0x0] =	vst v5  }
0xca: {  	[tilespmem:s20+$0xFFFFFF00] =	vst v24;
	v5 =	vld [tilespmem:s21+$0x10]  }
0xcb: {  	v33 =	vld [tilespmem:s21+$0xFFFFFF90];
	v21 =	vpop (erf)  }
0xcc: {  	v13 =	vld [tilespmem:s20+$0xFFFFFF60];
	v30 =	vadd.f32 v31, v30;
	v35 =	vmul.f32 v21, v3;
	v27 =	vpop (erf)  }
0xcd: {  	v14 =	vld [tilespmem:s20+$0xFFFFFFE0];
	[tilespmem:s19+$0xFFFFFF60] =	vst v21;
	v26 =	vpop (erf)  }
0xce: {  	v23 =	vld [tilespmem:s20+$0x60];
	v49 =	vmul.f32 $2.000000030e-01, v30;
	v29 =	vadd.f32 v32, v29;
	[tilespmem:s19+$0xFFFFFF20] =	vst v35;
	v31 =	vpop (erf)  }
0xcf: {  	v5 =	vadd.f32 v5, v15;
	v48 =	vld [tilespmem:s24+$0xFFFFFFB0];
	v34 =	vmul.f32 v31, v34  }
0xd0: {  	v30 =	vmax.f32 v30, v49;
	v15 =	vld [tilespmem:s22+$0xC0];
	v28 =	vadd.f32 v33, v28;
	[tilespmem:s20+$0xD0] =	vst v31;
	v31 =	vmul.f32 $2.000000030e-01, v29  }
0xd1: {  	v22 =	vld [tilespmem:s20+$0xFFFFFF20];
	v30 =	vmul.f32 $1.442695020e+00, v30;
	v50 =	vmul.f32 $2.000000030e-01, v5;
	[tilespmem:s20+$0x90] =	vst v34  }
0xd2: {  	v52 =	vmul.f32 $2.000000030e-01, v28;
	v29 =	vmax.f32 v29, v31;
	v31 =	vld [tilespmem:s21+$0x60]  }
0xd3: {  	v25 =	vld [tilespmem:s20+$0x20];
	(erf) = vpow2.f32 v30;
	v33 =	vmax.f32 v5, v50  }
0xd4: {  	v8 =	vld [tilespmem:s20+$0xFFFFFF70];
	v28 =	vmax.f32 v28, v52;
	v29 =	vmul.f32 $1.442695020e+00, v29;
	v10 =	vadd.f32 v48, v10  }
0xd5: {  	v7 =	vld [tilespmem:s20+$0xFFFFFFF0];
	v30 =	vmul.f32 $1.442695020e+00, v33;
	v15 =	vadd.f32 v36, v15;
	v28 =	vmul.f32 $1.442695020e+00, v28  }
0xd6: {  	(erf) = vpow2.f32 v29;
	v29 =	vld [tilespmem:s23+$0xFFFFFFC0];
	v54 =	vmul.f32 $2.000000030e-01, v10  }
0xd7: {  	v24 =	vld [tilespmem:s20+$0xFFFFFFA0];
	v36 =	vmul.f32 $2.000000030e-01, v15;
	(erf) = vpow2.f32 v30;
	v31 =	vadd.f32 v31, v51  }
0xd8: {  	v30 =	vld [tilespmem:s23+$0x0];
	(erf) = vpow2.f32 v28;
	v10 =	vmax.f32 v10, v54  }
0xd9: {  	v15 =	vmax.f32 v15, v36;
	v28 =	vld [tilespmem:s23+$0xFFFFFF80];
	v10 =	vmul.f32 $1.442695020e+00, v10;
	v34 =	vmul.f32 $2.000000030e-01, v31  }
0xda: {  	v6 =	vld [tilespmem:s20+$0x70];
	v15 =	vmul.f32 $1.442695020e+00, v15  }
0xdb: {  	v4 =	vld [tilespmem:s20+$0xFFFFFF30];
	v29 =	vadd.f32 v29, v53;
	(erf) = vpow2.f32 v10;
	v10 =	vmax.f32 v31, v34  }
0xdc: {  	v3 =	vld [tilespmem:s20+$0xFFFFFFB0];
	v10 =	vmul.f32 $1.442695020e+00, v10  }
0xdd: {  	v21 =	vld [tilespmem:s19+$0xB0];
	v30 =	vadd.f32 v30, v55;
	(erf) = vpow2.f32 v15;
	v15 =	vmul.f32 $2.000000030e-01, v29  }
0xde: {  	v5 =	vld [tilespmem:s20+$0x30];
	v54 =	vmul.f32 v26, v11;
	v28 =	vadd.f32 v28, v56  }
0xdf: {  	v60 =	vpop (erf);
	v11 =	vld [tilespmem:s22+$0x20];
	v37 =	vmul.f32 $2.000000030e-01, v30;
	(erf) = vpow2.f32 v10;
	v29 =	vmax.f32 v29, v15  }
0xe0: {  	[tilespmem:s19+$0xFFFFFFE0] =	vst v27;
	v31 =	vld [tilespmem:s22+$0x0];
	v29 =	vmul.f32 $1.442695020e+00, v29;
	v10 =	vpop (erf)  }
0xe1: {  	v40 =	vmul.f32 $2.000000030e-01, v28;
	v15 =	vld [tilespmem:s22+$0xFFFFFF10];
	v30 =	vmax.f32 v30, v37;
	v39 =	vpop (erf);
	v62 =	vmul.f32 v10, v17;
	[tilespmem:s20+$0xFFFFFFD0] =	vst v10  }
0xe2: {  	v17 =	vmul.f32 $1.442695020e+00, v30;
	v30 =	vld [tilespmem:s22+$0x80];
	(erf) = vpow2.f32 v29;
	v10 =	vpop (erf);
	[tilespmem:s20+$0x50] =	vst v39  }
0xe3: {  	v28 =	vmax.f32 v28, v40;
	v12 =	vmul.f32 v39, v12;
	v41 =	vmul.f32 v10, v16;
	v16 =	vld [tilespmem:s22+$0xFFFFFF90];
	[tilespmem:s20+$0xFFFFFF50] =	vst v10  }
0xe4: {  	v10 =	vmul.f32 $1.442695020e+00, v28;
	(erf) = vpow2.f32 v17;
	v28 =	vld [tilespmem:s20+$0xA0];
	[tilespmem:s20+$0xFFFFFF90] =	vst v62  }
0xe5: {  	v27 =	vmul.f32 v27, v9;
	v29 =	vpop (erf);
	v44 =	vld [tilespmem:s21+$0xFFFFFFE0];
	[tilespmem:s20+$0xFFFFFF10] =	vst v41  }
0xe6: {  	[tilespmem:s20+$0x10] =	vst v12;
	(erf) = vpow2.f32 v10;
	v63 =	vpop (erf);
	v10 =	vld [tilespmem:s21+$0xFFFFFFA0]  }
0xe7: {  	[tilespmem:s19+$0xFFFFFFA0] =	vst v27;
	v45 =	vld [tilespmem:s21+$0x20];
	v30 =	vmul.f32 v63, v30  }
0xe8: {  	v17 =	vld [tilespmem:s22+$0x10];
	[tilespmem:s22+$0xC0] =	vst v63;
	v46 =	vpop (erf)  }
0xe9: {  	[tilespmem:s22+$0x80] =	vst v30;
	v28 =	vmul.f32 v46, v28;
	v30 =	vld [tilespmem:s22+$0xD0]  }
0xea: {  	[tilespmem:s20+$0xE0] =	vst v46;
	v47 =	vld [tilespmem:s23+$0x50];
	v39 =	vadd.f32 v44, v14  }
0xeb: {  	v21 =	vmul.f32 v60, v21;
	[tilespmem:s20+$0xA0] =	vst v28;
	v28 =	vld [tilespmem:s20+$0xF0];
	v10 =	vadd.f32 v10, v13  }
0xec: {  	[tilespmem:s19+$0xF0] =	vst v60;
	v60 =	vmul.f32 v29, v19;
	v23 =	vadd.f32 v45, v23;
	v13 =	vpop (erf);
	v42 =	vld [tilespmem:s21+$0x70];
	v49 =	vmul.f32 $2.000000030e-01, v39  }
0xed: {  	v12 =	vld [tilespmem:s22+$0xFFFFFF60];
	[tilespmem:s22+$0xFFFFFFC0] =	vst v13;
	v14 =	vpop (erf);
	v32 =	vmul.f32 v13, v58;
	v48 =	vmul.f32 $2.000000030e-01, v10  }
0xee: {  	v19 =	vld [tilespmem:s22+$0xFFFFFF30];
	v50 =	vmul.f32 $2.000000030e-01, v23;
	[tilespmem:s22+$0x40] =	vst v14;
	v31 =	vmul.f32 v14, v31;
	v9 =	vmax.f32 v39, v49  }
0xef: {  	v13 =	vld [tilespmem:s22+$0xFFFFFFE0];
	v43 =	vpop (erf);
	[tilespmem:s22+$0xFFFFFF80] =	vst v32;
	v30 =	vadd.f32 v47, v30;
	v39 =	vmul.f32 $1.442695020e+00, v9;
	v41 =	vmax.f32 v10, v48  }
0xf0: {  	v36 =	vmul.f32 v43, v57;
	[tilespmem:s22+$0x0] =	vst v31;
	v31 =	vld [tilespmem:s23+$0xFFFFFFD0];
	v51 =	vmul.f32 $1.442695020e+00, v41  }
0xf1: {  	v9 =	vmax.f32 v23, v50;
	[tilespmem:s22+$0xFFFFFF40] =	vst v43;
	v23 =	vld [tilespmem:s23+$0x10];
	v52 =	vmul.f32 $2.000000030e-01, v30;
	v27 =	vadd.f32 v42, v28  }
0xf2: {  	v14 =	vld [tilespmem:s22+$0x60];
	v53 =	vmul.f32 $1.442695020e+00, v9;
	[tilespmem:s22+$0xFFFFFF00] =	vst v36;
	(erf) = vpow2.f32 v51  }
0xf3: {  	[tilespmem:s19+$0x60] =	vst v26;
	v26 =	vmax.f32 v30, v52;
	v30 =	vld [tilespmem:s23+$0xFFFFFF90];
	v55 =	vmul.f32 $2.000000030e-01, v27;
	(erf) = vpow2.f32 v39  }
0xf4: {  	[tilespmem:s19+$0xB0] =	vst v21;
	v10 =	vld [tilespmem:s22+$0xFFFFFF20];
	v26 =	vmul.f32 $1.442695020e+00, v26;
	(erf) = vpow2.f32 v53  }
0xf5: {  	[tilespmem:s19+$0x20] =	vst v54;
	v9 =	vld [tilespmem:s22+$0xFFFFFFA0];
	v28 =	vadd.f32 v31, v61;
	v21 =	vmax.f32 v27, v55  }
0xf6: {  	v57 =	vld [tilespmem:s24+$0x30];
	v56 =	vadd.f32 v23, v38;
	(erf) = vpow2.f32 v26;
	v21 =	vmul.f32 $1.442695020e+00, v21  }
0xf7: {  	v31 =	vld [tilespmem:s24+$0xFFFFFFF0];
	v58 =	vmul.f32 $2.000000030e-01, v28  }
0xf8: {  	v27 =	vld [tilespmem:s22+$0x70];
	v59 =	vadd.f32 v30, v59;
	v30 =	vmul.f32 $2.000000030e-01, v56;
	(erf) = vpow2.f32 v21  }
0xf9: {  	v23 =	vld [tilespmem:s22+$0xFFFFFF70];
	v28 =	vmax.f32 v28, v58  }
0xfa: {  	[tilespmem:s19+$0xFFFFFF70] =	vst v29;
	v26 =	vld [tilespmem:s22+$0xFFFFFFF0];
	v29 =	vmul.f32 $2.000000030e-01, v59;
	v28 =	vmul.f32 $1.442695020e+00, v28;
	v30 =	vmax.f32 v56, v30  }
0xfb: {  	[tilespmem:s19+$0xFFFFFF30] =	vst v60;
	v33 =	vmul.f32 $1.442695020e+00, v30;
	v30 =	vld [tilespmem:s22+$0x90];
	v61 =	vpop (erf)  }
0xfc: {  	v21 =	vld [tilespmem:s22+$0xFFFFFFB0];
	v32 =	vmax.f32 v59, v29;
	(erf) = vpow2.f32 v28;
	v22 =	vmul.f32 v61, v22;
	[tilespmem:s20+$0xFFFFFF60] =	vst v61;
	v62 =	vpop (erf)  }
0xfd: {  	v29 =	vadd.f32 v31, v20;
	v28 =	vld [tilespmem:s20+$0xB0];
	v31 =	vmul.f32 $1.442695020e+00, v32;
	(erf) = vpow2.f32 v33;
	[tilespmem:s20+$0xFFFFFFE0] =	vst v62;
	v63 =	vpop (erf)  }
0xfe: {  	v20 =	vld [tilespmem:s22+$0x30];
	[tilespmem:s20+$0xFFFFFF20] =	vst v22;
	v22 =	vmul.f32 v62, v24;
	v24 =	vmul.f32 v63, v25;
	v25 =	vadd.f32 v57, v18  }
0xff: {  	s28 =	simm.s32 $0x840;
	s17 =	simm.s32 $0x2BC0;
	s24 =	simm.s32 $0x8;
	v32 =	vmul.f32 $2.000000030e-01, v29;
	(erf) = vpow2.f32 v31;
	v33 =	vpop (erf);
	[tilespmem:s20+$0x60] =	vst v63;
	v31 =	vld [tilespmem:s21+$0xFFFFFFB0]  }
.LBB2_5:
0x100: {  	v34 =	vld [tilespmem:s28+$0xC0];
	v30 =	vmul.f32 v33, v30;
	s23 =	sadd.s32 $0x100, s23;
	[tilespmem:s20+$0xFFFFFFA0] =	vst v22;
	v35 =	vmul.f32 $2.000000030e-01, v25;
	v18 =	vmovc v26;
	v22 =	vmovc v6;
	v6 =	vmov v27  }
0x101: {  	s24 =	sadd.s32 $0x4, s24;
	v26 =	vld [tilespmem:s23+$0x40];
	[tilespmem:s22+$0xD0] =	vst v33;
	v27 =	vpop (erf);
	v29 =	vmax.f32 v29, v32  }
0x102: {  	p0 =	slt.u32 s24, $0x4C;
	[tilespmem:s22+$0x90] =	vst v30;
	v30 =	vld [tilespmem:s22+$0xE0];
	v33 =	vmul.f32 v27, v28;
	v29 =	vmul.f32 $1.442695020e+00, v29;
	v25 =	vmax.f32 v25, v35  }
0x103: {  	v32 =	vld [tilespmem:s17+$0x60];
	[tilespmem:s20+$0x20] =	vst v24;
	v24 =	vmul.f32 $1.442695020e+00, v25  }
0x104: {  	v25 =	vld [tilespmem:s23+$0xFFFFFF80];
	v31 =	vadd.f32 v31, v8;
	[tilespmem:s20+$0xB0] =	vst v33;
	(erf) = vpow2.f32 v29;
	v8 =	vmov v23  }
0x105: {  	v23 =	vld [tilespmem:s28+$0xFFFFFFC0];
	v28 =	vpop (erf);
	[tilespmem:s20+$0xF0] =	vst v27;
	(erf) = vpow2.f32 v24  }
0x106: {  	v24 =	vld [tilespmem:s23+$0xFFFFFFC0];
	v26 =	vadd.f32 v26, v34;
	v16 =	vmul.f32 v28, v16;
	[tilespmem:s22+$0xFFFFFFD0] =	vst v28;
	v27 =	vpop (erf);
	v28 =	vmul.f32 $2.000000030e-01, v31  }
0x107: {  	v29 =	vld [tilespmem:s28+$0x40];
	v17 =	vmul.f32 v27, v17;
	[tilespmem:s22+$0x50] =	vst v27  }
0x108: {  	v27 =	vld [tilespmem:s23+$0x0];
	v33 =	vmul.f32 $2.000000030e-01, v26;
	[tilespmem:s22+$0xFFFFFF90] =	vst v16;
	v16 =	vadd.f32 v32, v30;
	v30 =	vpop (erf);
	v28 =	vmax.f32 v31, v28  }
0x109: {  	v31 =	vld [tilespmem:s28+$0xFFFFFF40];
	v15 =	vmul.f32 v30, v15;
	[tilespmem:s22+$0x10] =	vst v17;
	v17 =	vmul.f32 $1.442695020e+00, v28  }
0x10a: {  	v28 =	vld [tilespmem:s28+$0xFFFFFF00];
	v26 =	vmax.f32 v26, v33;
	[tilespmem:s22+$0xFFFFFF50] =	vst v30;
	v30 =	vmul.f32 $2.000000030e-01, v16  }
0x10b: {  	v23 =	vadd.f32 v24, v23;
	v32 =	vld [tilespmem:s28+$0xFFFFFF80];
	v26 =	vmul.f32 $1.442695020e+00, v26;
	[tilespmem:s22+$0xFFFFFF10] =	vst v15;
	(erf) = vpow2.f32 v17  }
0x10c: {  	v33 =	vld [tilespmem:s28+$0x0];
	v15 =	vmax.f32 v16, v30  }
0x10d: {  	v24 =	vld [tilespmem:s28+$0xFFFFFF50];
	v17 =	vadd.f32 v27, v29;
	(erf) = vpow2.f32 v26;
	v15 =	vmul.f32 $1.442695020e+00, v15;
	v16 =	vpop (erf)  }
0x10e: {  	v26 =	vmul.f32 $2.000000030e-01, v23;
	v25 =	vadd.f32 v25, v31;
	v27 =	vld [tilespmem:s28+$0xFFFFFFD0];
	v29 =	vmul.f32 v16, v2;
	[tilespmem:s19+$0xFFFFFFF0] =	vst v16;
	v16 =	vpop (erf)  }
0x10f: {  	v2 =	vmovc v3;
	v3 =	vmov v21;
	v30 =	vmul.f32 $2.000000030e-01, v17;
	v31 =	vld [tilespmem:s28+$0x50];
	(erf) = vpow2.f32 v15;
	[tilespmem:s19+$0x70] =	vst v16  }
0x110: {  	v23 =	vmax.f32 v23, v26;
	v26 =	vmul.f32 v16, v1;
	v1 =	vmovc v5;
	v21 =	vmul.f32 $2.000000030e-01, v25;
	v15 =	vld [tilespmem:s28+$0xFFFFFF10];
	[tilespmem:s19+$0xFFFFFFB0] =	vst v29  }
0x111: {  	v5 =	vmov v20;
	v29 =	vmul.f32 $1.442695020e+00, v23;
	v16 =	vld [tilespmem:s28+$0xFFFFFF90];
	v17 =	vmax.f32 v17, v30  }
0x112: {  	v20 =	vmax.f32 v25, v21;
	v21 =	vmul.f32 $1.442695020e+00, v17;
	v25 =	vld [tilespmem:s28+$0x80];
	[tilespmem:s19+$0x30] =	vst v26;
	s19 =	smov.u32 s20;
	s20 =	smov.u32 s22;
	s22 =	smov.u32 s28  }
0x113: {  	v20 =	vmul.f32 $1.442695020e+00, v20;
	v17 =	vld [tilespmem:s28+$0x10];
	(erf) = vpow2.f32 v29  }
0x114: {  	(erf) = vpow2.f32 v21;
	v21 =	vld [tilespmem:s20+$0xA0];
	v23 =	vpop (erf)  }
0x115: {  	(erf) = vpow2.f32 v20;
	v20 =	vld [tilespmem:s17+$0xFFFFFFA0];
	v26 =	vmul.f32 v23, v4;
	[tilespmem:s19+$0xFFFFFF70] =	vst v23;
	v4 =	vmov v19  }
0x116: {  	v19 =	vpop (erf);
	v23 =	vld [tilespmem:s17+$0xFFFFFFE0]  }
0x117: {  	v25 =	vmul.f32 v19, v25;
	v29 =	vld [tilespmem:s17+$0x20];
	[tilespmem:s19+$0xFFFFFF30] =	vst v26  }
0x118: {  	v26 =	vld [tilespmem:s28+$0xFFFFFF60];
	[tilespmem:s28+$0xC0] =	vst v19;
	v19 =	vpop (erf)  }
0x119: {  	[tilespmem:s28+$0x80] =	vst v25;
	v25 =	vld [tilespmem:s28+$0xD0];
	v21 =	vmul.f32 v19, v21  }
0x11a: {  	v30 =	vld [tilespmem:s23+$0x50];
	v20 =	vadd.f32 v20, v12;
	[tilespmem:s20+$0xE0] =	vst v19  }
0x11b: {  	v19 =	vadd.f32 v23, v13;
	[tilespmem:s20+$0xA0] =	vst v21;
	v21 =	vld [tilespmem:s20+$0xF0]  }
0x11c: {  	v12 =	vpop (erf);
	v23 =	vmul.f32 $2.000000030e-01, v20;
	v29 =	vadd.f32 v29, v14;
	v34 =	vld [tilespmem:s17+$0x70]  }
0x11d: {  	v32 =	vmul.f32 v12, v32;
	[tilespmem:s28+$0xFFFFFFC0] =	vst v12;
	v13 =	vld [tilespmem:s28+$0xFFFFFFE0];
	v14 =	vpop (erf);
	v35 =	vmul.f32 $2.000000030e-01, v19;
	v12 =	vmov v26  }
0x11e: {  	v26 =	vmul.f32 v14, v33;
	[tilespmem:s28+$0x40] =	vst v14;
	v14 =	vld [tilespmem:s28+$0x60];
	v33 =	vpop (erf);
	v20 =	vmax.f32 v20, v23;
	v23 =	vmul.f32 $2.000000030e-01, v29  }
0x11f: {  	v28 =	vmul.f32 v33, v28;
	v36 =	vld [tilespmem:s28+$0xFFFFFF20];
	[tilespmem:s28+$0xFFFFFF80] =	vst v32;
	v25 =	vadd.f32 v30, v25;
	v19 =	vmax.f32 v19, v35  }
0x120: {  	v20 =	vmul.f32 $1.442695020e+00, v20;
	v30 =	vld [tilespmem:s23+$0xFFFFFFD0];
	[tilespmem:s28+$0x0] =	vst v26;
	v19 =	vmul.f32 $1.442695020e+00, v19;
	v23 =	vmax.f32 v29, v23  }
0x121: {  	[tilespmem:s28+$0xFFFFFF00] =	vst v28;
	v26 =	vld [tilespmem:s23+$0x10];
	v28 =	vmul.f32 $2.000000030e-01, v25;
	v23 =	vmul.f32 $1.442695020e+00, v23;
	v21 =	vadd.f32 v34, v21  }
0x122: {  	[tilespmem:s28+$0xFFFFFF40] =	vst v33;
	v32 =	vld [tilespmem:s28+$0xFFFFFFA0];
	(erf) = vpow2.f32 v20  }
0x123: {  	v20 =	vld [tilespmem:s23+$0xFFFFFF90];
	v25 =	vmax.f32 v25, v28;
	v28 =	vmul.f32 $2.000000030e-01, v21;
	(erf) = vpow2.f32 v19  }
0x124: {  	v33 =	vld [tilespmem:s28+$0x20];
	v19 =	vmul.f32 $1.442695020e+00, v25;
	(erf) = vpow2.f32 v23  }
0x125: {  	v25 =	vadd.f32 v30, v27;
	v21 =	vmax.f32 v21, v28;
	v28 =	vld [tilespmem:s21+$0xFFFFFFF0]  }
0x126: {  	v29 =	vadd.f32 v26, v31;
	(erf) = vpow2.f32 v19;
	v19 =	vmul.f32 $1.442695020e+00, v21;
	v21 =	vld [tilespmem:s21+$0x30];
	s21 =	smov.u32 s17;
	s17 =	smov.u32 s23  }
0x127: {  	v23 =	vld [tilespmem:s28+$0xFFFFFF70];
	v27 =	vmul.f32 $2.000000030e-01, v25  }
0x128: {  	v20 =	vadd.f32 v20, v24;
	v26 =	vld [tilespmem:s28+$0xFFFFFFF0];
	v24 =	vmul.f32 $2.000000030e-01, v29;
	(erf) = vpow2.f32 v19  }
0x129: {  	v25 =	vmax.f32 v25, v27;
	v27 =	vld [tilespmem:s28+$0x70]  }
0x12a: {  	v37 =	vmul.f32 $2.000000030e-01, v20;
	v19 =	vld [tilespmem:s28+$0xFFFFFF30];
	v38 =	vmul.f32 $1.442695020e+00, v25;
	v24 =	vmax.f32 v29, v24  }
.Ltmp1:
0x12b: {  	v29 =	vadd.f32 v28, v7;
	v24 =	vmul.f32 $1.442695020e+00, v24;
	v30 =	vld [tilespmem:s28+$0x90];
	v35 =	vpop (erf);
	v25 =	vadd.f32 v21, v22;
	(pc) =	sbr.rel @p0 .LBB2_5-.Ltmp1, $4  }
0x12c: {  	v7 =	vmax.f32 v20, v37;
	v21 =	vld [tilespmem:s28+$0xFFFFFFB0];
	(erf) = vpow2.f32 v38;
	v22 =	vmul.f32 v35, v10;
	[tilespmem:s20+$0xFFFFFF60] =	vst v35;
	v31 =	vpop (erf)  }
0x12d: {  	v10 =	vmov v36;
	v35 =	vmul.f32 $1.442695020e+00, v7;
	(erf) = vpow2.f32 v24;
	[tilespmem:s20+$0xFFFFFFE0] =	vst v31;
	v28 =	vld [tilespmem:s20+$0xB0];
	v34 =	vpop (erf)  }
0x12e: {  	v20 =	vld [tilespmem:s28+$0x30];
	[tilespmem:s20+$0xFFFFFF20] =	vst v22;
	v22 =	vmul.f32 v31, v9;
	v24 =	vmul.f32 v34, v11;
	v9 =	vmovc v32;
	v11 =	vmov v33  }
0x12f: {  	s28 =	sadd.s32 $0x200, s28;
	v32 =	vmul.f32 $2.000000030e-01, v29;
	(erf) = vpow2.f32 v35;
	v33 =	vpop (erf);
	v31 =	vld [tilespmem:s21+$0xFFFFFFB0];
	[tilespmem:s20+$0x60] =	vst v34;
	v7 =	vmov v18  }
0x130: {  	_ = 	snop  }
0x131: {  	v18 =	vmul.f32 v33, v30  }
0x132: {  	[tilespmem:s22+$0xD0] =	vst v33  }
0x133: {  	[tilespmem:s22+$0x90] =	vst v18;
	v18 =	vld [tilespmem:s22+$0xE0]  }
0x134: {  	v30 =	vld [tilespmem:s17+$0x60]  }
0x135: {  	v42 =	vpop (erf)  }
0x136: {  	v36 =	vmul.f32 $2.000000030e-01, v25;
	v34 =	vpop (erf)  }
0x137: {  	v8 =	vadd.f32 v31, v8;
	v35 =	vpop (erf)  }
0x138: {  	v29 =	vmax.f32 v29, v32;
	v25 =	vmax.f32 v25, v36;
	v31 =	vpop (erf)  }
0x139: {  	v18 =	vadd.f32 v30, v18;
	v30 =	vmul.f32 $2.000000030e-01, v8;
	v15 =	vmul.f32 v31, v15  }
0x13a: {  	v29 =	vmul.f32 $1.442695020e+00, v29;
	v25 =	vmul.f32 $1.442695020e+00, v25;
	[tilespmem:s22+$0xFFFFFF50] =	vst v31  }
0x13b: {  	v31 =	vmul.f32 $2.000000030e-01, v18;
	v8 =	vmax.f32 v8, v30;
	[tilespmem:s22+$0xFFFFFF10] =	vst v15;
	v15 =	vmul.f32 v34, v16  }
0x13c: {  	(erf) = vpow2.f32 v29;
	[tilespmem:s22+$0xFFFFFFD0] =	vst v34;
	v8 =	vmul.f32 $1.442695020e+00, v8;
	v16 =	vld [tilespmem:s17+$0xFFFFFFA0]  }
0x13d: {  	v17 =	vmul.f32 v35, v17;
	(erf) = vpow2.f32 v25;
	v18 =	vmax.f32 v18, v31;
	[tilespmem:s22+$0xFFFFFF90] =	vst v15  }
0x13e: {  	[tilespmem:s22+$0x50] =	vst v35;
	v15 =	vmul.f32 $1.442695020e+00, v18;
	(erf) = vpow2.f32 v8;
	v8 =	vld [tilespmem:s17+$0xFFFFFFE0]  }
0x13f: {  	[tilespmem:s22+$0x10] =	vst v17  }
0x140: {  	(erf) = vpow2.f32 v15;
	v15 =	vld [tilespmem:s17+$0x20]  }
0x141: {  	v12 =	vadd.f32 v16, v12;
	_ =	sdelay $0x1  }
0x142: {  	v16 =	vmul.f32 $2.000000030e-01, v12;
	v8 =	vadd.f32 v8, v13;
	_ =	sdelay $0x1  }
0x143: {  	v14 =	vadd.f32 v15, v14;
	v12 =	vmax.f32 v12, v16;
	v16 =	vmul.f32 $2.000000030e-01, v8  }
0x144: {  	v13 =	vld [tilespmem:s22+$0xA0];
	v12 =	vmul.f32 $1.442695020e+00, v12  }
0x145: {  	v15 =	vpop (erf);
	v18 =	vmul.f32 $2.000000030e-01, v14;
	v8 =	vmax.f32 v8, v16  }
0x146: {  	v17 =	vpop (erf);
	(erf) = vpow2.f32 v12;
	v8 =	vmul.f32 $1.442695020e+00, v8  }
0x147: {  	v25 =	vpop (erf);
	v14 =	vmax.f32 v14, v18  }
0x148: {  	v14 =	vmul.f32 $1.442695020e+00, v14;
	v12 =	vpop (erf);
	(erf) = vpow2.f32 v8  }
0x149: {  	v13 =	vmul.f32 v12, v13  }
0x14a: {  	[tilespmem:s22+$0xE0] =	vst v12;
	(erf) = vpow2.f32 v14  }
0x14b: {  	v8 =	vld [tilespmem:s22+$0xF0];
	[tilespmem:s22+$0xA0] =	vst v13  }
0x14c: {  	[tilespmem:s20+$0xFFFFFFA0] =	vst v22;
	v12 =	vld [tilespmem:s17+$0x70]  }
0x14d: {  	v13 =	vld [tilespmem:s21+$0xFFFFFFF0]  }
0x14e: {  	[tilespmem:s20+$0x20] =	vst v24  }
0x14f: {  	v16 =	vld [tilespmem:s21+$0x30];
	v14 =	vpop (erf)  }
0x150: {  	v10 =	vmul.f32 v14, v10  }
0x151: {  	[tilespmem:s22+$0xFFFFFF60] =	vst v14;
	v8 =	vadd.f32 v12, v8;
	v12 =	vpop (erf)  }
0x152: {  	v7 =	vadd.f32 v13, v7;
	[tilespmem:s22+$0xFFFFFF20] =	vst v10;
	v9 =	vmul.f32 v12, v9  }
0x153: {  	[tilespmem:s22+$0xFFFFFFE0] =	vst v12;
	v14 =	vpop (erf);
	v10 =	vmul.f32 $2.000000030e-01, v8;
	v12 =	vld [tilespmem:s17+$0xFFFFFFB0]  }
0x154: {  	v6 =	vadd.f32 v16, v6;
	v11 =	vmul.f32 v14, v11;
	[tilespmem:s22+$0xFFFFFFA0] =	vst v9;
	v9 =	vmul.f32 $2.000000030e-01, v7  }
0x155: {  	v8 =	vmax.f32 v8, v10  }
0x156: {  	[tilespmem:s22+$0x20] =	vst v11;
	v11 =	vmul.f32 $2.000000030e-01, v6;
	v8 =	vmul.f32 $1.442695020e+00, v8;
	v7 =	vmax.f32 v7, v9  }
0x157: {  	v7 =	vmul.f32 $1.442695020e+00, v7  }
0x158: {  	[tilespmem:s22+$0x60] =	vst v14;
	v10 =	vld [tilespmem:s17+$0xFFFFFFF0];
	v6 =	vmax.f32 v6, v11;
	(erf) = vpow2.f32 v8;
	v8 =	vadd.f32 v12, v23  }
0x159: {  	v13 =	vld [tilespmem:s17+$0x30];
	v6 =	vmul.f32 $1.442695020e+00, v6  }
0x15a: {  	(erf) = vpow2.f32 v7;
	v11 =	vmul.f32 $2.000000030e-01, v8;
	_ =	sdelay $0x1  }
0x15b: {  	v1 =	vmul.f32 v17, v1;
	(erf) = vpow2.f32 v6;
	v6 =	vmax.f32 v8, v11  }
0x15c: {  	v7 =	vadd.f32 v10, v26;
	v6 =	vmul.f32 $1.442695020e+00, v6  }
0x15d: {  	[tilespmem:s19+$0x30] =	vst v1;
	v1 =	vmul.f32 v25, v4;
	v8 =	vadd.f32 v13, v27  }
0x15e: {  	[tilespmem:s20+$0xF0] =	vst v42;
	v10 =	vmul.f32 $2.000000030e-01, v7;
	(erf) = vpow2.f32 v6  }
0x15f: {  	v2 =	vmul.f32 v15, v2;
	[tilespmem:s19+$0xFFFFFFF0] =	vst v15;
	v11 =	vmul.f32 $2.000000030e-01, v8  }
0x160: {  	[tilespmem:s19+$0x70] =	vst v17;
	v6 =	vmax.f32 v7, v10  }
0x161: {  	[tilespmem:s19+$0xFFFFFFB0] =	vst v2;
	v9 =	vmul.f32 v42, v28;
	v2 =	vmul.f32 $1.442695020e+00, v6;
	v6 =	vmax.f32 v8, v11;
	v4 =	vpop (erf)  }
0x162: {  	[tilespmem:s20+$0xFFFFFF30] =	vst v1;
	v6 =	vmul.f32 $1.442695020e+00, v6;
	v1 =	vpop (erf)  }
0x163: {  	[tilespmem:s20+$0xB0] =	vst v9;
	v9 =	vld [tilespmem:s22+$0xB0];
	(erf) = vpow2.f32 v2;
	v2 =	vmul.f32 v1, v3  }
0x164: {  	[tilespmem:s20+$0xFFFFFF70] =	vst v25;
	(erf) = vpow2.f32 v6  }
0x165: {  	[tilespmem:s20+$0xFFFFFFF0] =	vst v1;
	v1 =	vpop (erf)  }
0x166: {  	[tilespmem:s20+$0x70] =	vst v1;
	v1 =	vmul.f32 v1, v5  }
0x167: {  	[tilespmem:s20+$0xFFFFFFB0] =	vst v2;
	v2 =	vpop (erf)  }
0x168: {  	v7 =	vmul.f32 v4, v9;
	[tilespmem:s20+$0x30] =	vst v1;
	v1 =	vmul.f32 v2, v19  }
0x169: {  	[tilespmem:s22+$0xF0] =	vst v4  }
0x16a: {  	[tilespmem:s22+$0xB0] =	vst v7  }
0x16b: {  	s19 =	sshll.u32 s18, $0x1;
	[tilespmem:s22+$0xFFFFFF70] =	vst v2  }
0x16c: {  	s8 =	sadd.s32 $0x2, s19;
	[tilespmem:s22+$0xFFFFFF30] =	vst v1;
	v1 =	vpop (erf)  }
0x16d: {  	p0 =	slt.s32 s8, s31;
	s17 =	smov.u32 s31;
	v2 =	vmul.f32 v1, v21;
	[tilespmem:s22+$0xFFFFFFF0] =	vst v1;
	v1 =	vpop (erf)  }
0x16e: {  	s17 =	smov.u32 @p0 s8;
	[tilespmem:s22+$0x70] =	vst v1;
	v1 =	vmul.f32 v1, v20  }
0x16f: {  	s8 =	sadd.s32 s4, s17;
	[tilespmem:s22+$0xFFFFFFB0] =	vst v2  }
0x170: {  	s8 =	smul.u32 $0x50, s8;
	[tilespmem:s22+$0x30] =	vst v1  }
0x171: {  	[spmem:s3] =	stream.indirect.scatter.add.f32 [tilespmem:s0], [sflag:$0x7], $0x80, s6, s6, $0xb8;
	[tilespmem:$0x1B940] =	vst v63  }
0x172: {  	_ =	swait.ge [sflag:s5], $0x2800  }
0x173: {  	s8 =	sshrl.u32 s8, $0x3;
	[sflag:s5] =	ssyncset.done $0x0  }
0x174: {  	s23 =	sadd.s32 s2, s8;
	[sflag:s5] =	ssyncadd.s32 $0xFFFFD800  }
0x175: {  	[tilespmem:s11], [sflag:$0x5] =	stream.linear.gather [hbm4b:s23+s11], $0x50, $0x38;
	[tilespmem:$0x1B940] =	vst v63  }
0x176: {  	s8 =	sadd.s32 s16, s8  }
0x177: {  	[tilespmem:s6], [sflag:$0x5] =	stream.linear.gather [hbm4b:s8+s11], $0x50, $0x38;
	[tilespmem:$0x1B940] =	vst v63  }
0x178: {  	_ =	swait.ge [sflag:s29], $0x2800  }
0x179: {  	[sflag:s29] =	ssyncset.done $0x0  }
0x17a: {  	[sflag:s29] =	ssyncadd.s32 $0xFFFFD800  }
0x17b: {  	_ =	swait.ge [sflag:s1], $0x1400  }
0x17c: {  	[sflag:s1] =	ssyncset.done $0x0  }
0x17d: {  	[sflag:s1] =	ssyncadd.s32 $0xFFFFEC00  }
0x17e: {  	_ =	swait.ge [sflag:s7], $0x50  }
0x17f: {  	[sflag:s7] =	ssyncset.done $0x0  }
0x180: {  	[sflag:s7] =	ssyncadd.s32 $0xFFFFFFB0  }
0x181: {  	_ =	swait.ge [sflag:s7], $0x50  }
0x182: {  	[sflag:s7] =	ssyncset.done $0x0  }
0x183: {  	[sflag:s7] =	ssyncadd.s32 $0xFFFFFFB0  }
0x184: {  	[tilespmem:s0], [sflag:$0x1] =	stream.indirect.gather [hbm4b:s14+s6], $0x80, s11, s6, $0xb8;
	[tilespmem:$0x1B940] =	vst v63  }
0x185: {  	s24 =	simm.s32 $0x2940;
	s20 =	simm.s32 $0x3E40  }
0x186: {  	[tilespmem:s24], [sflag:$0x2] =	stream.indirect.gather [hbm4b:s15+s6], $0x40, s6, s6, $0xb8;
	[tilespmem:$0x1B940] =	vst v63  }
0x187: {  	s8 =	simm.s32 $0x65C0;
	v1 =	vld [tilespmem:s20+$0xC0]  }
0x188: {  	v2 =	vld [tilespmem:s8+$0x40];
	_ =	sdelay $0x4  }
0x189: {  	v1 =	vadd.f32 v2, v1;
	_ =	sdelay $0x1  }
0x18a: {  	v2 =	vmul.f32 $2.000000030e-01, v1;
	_ =	sdelay $0x1  }
0x18b: {  	v1 =	vmax.f32 v1, v2  }
0x18c: {  	v3 =	vld [tilespmem:s8+$0xFFFFFFC0];
	v1 =	vmul.f32 $1.442695020e+00, v1  }
0x18d: {  	v4 =	vld [tilespmem:s8+$0x0]  }
0x18e: {  	v2 =	vld [tilespmem:s20+$0xFFFFFFC0];
	(erf) = vpow2.f32 v1  }
0x18f: {  	v1 =	vld [tilespmem:s20+$0x40]  }
0x190: {  	v5 =	vld [tilespmem:s8+$0xFFFFFF80]  }
0x191: {  	v6 =	vld [tilespmem:s20+$0xFFFFFF40];
	_ =	sdelay $0x1  }
0x192: {  	v7 =	vld [tilespmem:s20+$0x80];
	v2 =	vadd.f32 v3, v2  }
0x193: {  	v1 =	vadd.f32 v4, v1  }
0x194: {  	v3 =	vmul.f32 $2.000000030e-01, v2  }
0x195: {  	v4 =	vadd.f32 v5, v6;
	v5 =	vmul.f32 $2.000000030e-01, v1  }
0x196: {  	v8 =	vld [tilespmem:s20+$0xFFFFFFD0];
	v2 =	vmax.f32 v2, v3;
	v6 =	vpop (erf)  }
0x197: {  	v12 =	vld [tilespmem:s20+$0x50];
	v2 =	vmul.f32 $1.442695020e+00, v2;
	v1 =	vmax.f32 v1, v5;
	v3 =	vmul.f32 v6, v7  }
0x198: {  	v13 =	vld [tilespmem:s20+$0xFFFFFF10];
	[tilespmem:s20+$0xC0] =	vst v6;
	v1 =	vmul.f32 $1.442695020e+00, v1  }
0x199: {  	(erf) = vpow2.f32 v2;
	v2 =	vld [tilespmem:s20+$0xD0];
	v7 =	vmul.f32 $2.000000030e-01, v4;
	[tilespmem:s20+$0x80] =	vst v3  }
0x19a: {  	(erf) = vpow2.f32 v1;
	v1 =	vld [tilespmem:s8+$0x50]  }
0x19b: {  	v14 =	vld [tilespmem:s20+$0xFFFFFF90];
	v3 =	vmax.f32 v4, v7  }
0x19c: {  	v15 =	vld [tilespmem:s20+$0x10];
	v3 =	vmul.f32 $1.442695020e+00, v3  }
0x19d: {  	v21 =	vld [tilespmem:s20+$0xFFFFFF60]  }
0x19e: {  	v22 =	vld [tilespmem:s20+$0x60];
	(erf) = vpow2.f32 v3  }
0x19f: {  	v11 =	vld [tilespmem:s20+$0x20];
	v1 =	vadd.f32 v1, v2  }
0x1a0: {  	v4 =	vld [tilespmem:s20+$0xFFFFFF80]  }
0x1a1: {  	v6 =	vld [tilespmem:s20+$0x0];
	v2 =	vmul.f32 $2.000000030e-01, v1  }
0x1a2: {  	v10 =	vld [tilespmem:s20+$0xFFFFFF70]  }
0x1a3: {  	s22 =	simm.s32 $0x66C0;
	v5 =	vld [tilespmem:s20+$0xFFFFFF00];
	v1 =	vmax.f32 v1, v2  }
0x1a4: {  	v17 =	vld [tilespmem:s22+$0x40];
	v3 =	vpop (erf);
	v1 =	vmul.f32 $1.442695020e+00, v1  }
0x1a5: {  	v20 =	vld [tilespmem:s20+$0xFFFFFFF0];
	[tilespmem:s20+$0xFFFFFFC0] =	vst v3;
	v9 =	vpop (erf);
	v2 =	vmul.f32 v3, v4  }
0x1a6: {  	v18 =	vld [tilespmem:s20+$0x70];
	[tilespmem:s20+$0x40] =	vst v9;
	v6 =	vmul.f32 v9, v6;
	(erf) = vpow2.f32 v1  }
0x1a7: {  	v7 =	vld [tilespmem:s20+$0xFFFFFF50];
	v9 =	vpop (erf);
	[tilespmem:s20+$0xFFFFFF80] =	vst v2  }
0x1a8: {  	[tilespmem:s20+$0x0] =	vst v6;
	v6 =	vld [tilespmem:s20+$0x90];
	v5 =	vmul.f32 v9, v5  }
0x1a9: {  	v1 =	vld [tilespmem:s8+$0xFFFFFFD0];
	[tilespmem:s20+$0xFFFFFF40] =	vst v9  }
0x1aa: {  	v2 =	vld [tilespmem:s8+$0x10];
	[tilespmem:s20+$0xFFFFFF00] =	vst v5  }
0x1ab: {  	v5 =	vld [tilespmem:s8+$0xFFFFFF90]  }
0x1ac: {  	s21 =	simm.s32 $0x4040;
	v19 =	vld [tilespmem:s20+$0xFFFFFF30]  }
0x1ad: {  	v23 =	vld [tilespmem:s21+$0x40]  }
0x1ae: {  	v24 =	vld [tilespmem:s21+$0xFFFFFF00];
	v1 =	vadd.f32 v1, v8  }
0x1af: {  	v8 =	vld [tilespmem:s21+$0xC0];
	v2 =	vadd.f32 v2, v12;
	v16 =	vpop (erf)  }
0x1b0: {  	v25 =	vld [tilespmem:s21+$0xFFFFFF80];
	v12 =	vmul.f32 $2.000000030e-01, v1;
	v5 =	vadd.f32 v5, v7;
	v6 =	vmul.f32 v16, v6  }
0x1b1: {  	v26 =	vld [tilespmem:s21+$0x80];
	v7 =	vmul.f32 $2.000000030e-01, v2;
	[tilespmem:s20+$0xD0] =	vst v16  }
0x1b2: {  	v1 =	vmax.f32 v1, v12;
	v12 =	vld [tilespmem:s20+$0xE0];
	[tilespmem:s20+$0x90] =	vst v6;
	v6 =	vmul.f32 $2.000000030e-01, v5  }
0x1b3: {  	v1 =	vmul.f32 $1.442695020e+00, v1;
	v2 =	vmax.f32 v2, v7;
	v7 =	vld [tilespmem:s8+$0x60]  }
0x1b4: {  	v28 =	vld [tilespmem:s21+$0xFFFFFF50];
	v8 =	vadd.f32 v17, v8;
	v2 =	vmul.f32 $1.442695020e+00, v2;
	v5 =	vmax.f32 v5, v6  }
0x1b5: {  	v17 =	vld [tilespmem:s22+$0xFFFFFFC0];
	(erf) = vpow2.f32 v1;
	v1 =	vmul.f32 $1.442695020e+00, v5  }
0x1b6: {  	v16 =	vmul.f32 $2.000000030e-01, v8;
	(erf) = vpow2.f32 v2;
	v6 =	vld [tilespmem:s22+$0xFFFFFF80]  }
0x1b7: {  	v5 =	vld [tilespmem:s21+$0xFFFFFFC0];
	(erf) = vpow2.f32 v1  }
0x1b8: {  	v1 =	vmax.f32 v8, v16;
	v8 =	vld [tilespmem:s22+$0x0];
	v7 =	vadd.f32 v7, v12  }
0x1b9: {  	v1 =	vmul.f32 $1.442695020e+00, v1;
	v12 =	vld [tilespmem:s21+$0xFFFFFF40]  }
0x1ba: {  	v29 =	vld [tilespmem:s21+$0xFFFFFFD0];
	v16 =	vmul.f32 $2.000000030e-01, v7  }
0x1bb: {  	v30 =	vld [tilespmem:s20+$0xF0];
	(erf) = vpow2.f32 v1  }
0x1bc: {  	s24 =	simm.s32 $0x67C0;
	v45 =	vld [tilespmem:s21+$0x90];
	v5 =	vadd.f32 v17, v5  }
0x1bd: {  	v49 =	vld [tilespmem:s24+$0x40];
	v7 =	vmax.f32 v7, v16;
	v8 =	vadd.f32 v8, v23  }
0x1be: {  	s23 =	simm.s32 $0x4240;
	v51 =	vld [tilespmem:s21+$0xE0];
	v7 =	vmul.f32 $1.442695020e+00, v7;
	v6 =	vadd.f32 v6, v12;
	v12 =	vmul.f32 $2.000000030e-01, v5;
	v16 =	vpop (erf)  }
0x1bf: {  	v53 =	vld [tilespmem:s23+$0xFFFFFFC0];
	v17 =	vmul.f32 $2.000000030e-01, v8;
	v14 =	vmul.f32 v16, v14;
	[tilespmem:s20+$0xFFFFFFD0] =	vst v16;
	v16 =	vpop (erf)  }
0x1c0: {  	v55 =	vld [tilespmem:s23+$0x40];
	(erf) = vpow2.f32 v7;
	v7 =	vmul.f32 $2.000000030e-01, v6;
	v5 =	vmax.f32 v5, v12;
	v27 =	vpop (erf)  }
0x1c1: {  	v56 =	vld [tilespmem:s23+$0xFFFFFF40];
	v5 =	vmul.f32 $1.442695020e+00, v5;
	v8 =	vmax.f32 v8, v17;
	[tilespmem:s20+$0xFFFFFF90] =	vst v14;
	v12 =	vmul.f32 v27, v13  }
0x1c2: {  	v4 =	vld [tilespmem:s20+$0xFFFFFFE0];
	v13 =	vmul.f32 v16, v15;
	[tilespmem:s20+$0xFFFFFF50] =	vst v27  }
0x1c3: {  	v6 =	vmax.f32 v6, v7;
	v7 =	vmul.f32 $1.442695020e+00, v8;
	(erf) = vpow2.f32 v5;
	v5 =	vld [tilespmem:s20+$0xA0];
	[tilespmem:s20+$0xFFFFFF10] =	vst v12  }
0x1c4: {  	v6 =	vmul.f32 $1.442695020e+00, v6;
	v8 =	vpop (erf);
	[tilespmem:s20+$0x10] =	vst v13;
	v13 =	vld [tilespmem:s8+$0xFFFFFFE0]  }
0x1c5: {  	[tilespmem:s20+$0x50] =	vst v16;
	(erf) = vpow2.f32 v7;
	v7 =	vld [tilespmem:s8+$0xFFFFFFA0];
	v12 =	vmul.f32 v8, v26  }
0x1c6: {  	[tilespmem:s21+$0xC0] =	vst v8;
	(erf) = vpow2.f32 v6;
	v6 =	vld [tilespmem:s8+$0x20]  }
0x1c7: {  	v8 =	vld [tilespmem:s21+$0xD0];
	[tilespmem:s21+$0x80] =	vst v12  }
0x1c8: {  	v14 =	vld [tilespmem:s22+$0x50]  }
0x1c9: {  	v57 =	vld [tilespmem:s23+$0xFFFFFF00]  }
0x1ca: {  	v58 =	vld [tilespmem:s23+$0xFFFFFF80];
	v7 =	vadd.f32 v7, v21  }
0x1cb: {  	v59 =	vld [tilespmem:s23+$0xFFFFFF50];
	v4 =	vadd.f32 v13, v4  }
0x1cc: {  	v61 =	vld [tilespmem:s23+$0xFFFFFFD0];
	v26 =	vpop (erf);
	v6 =	vadd.f32 v6, v22;
	v21 =	vmul.f32 $2.000000030e-01, v7  }
0x1cd: {  	v38 =	vld [tilespmem:s23+$0x50];
	v5 =	vmul.f32 v26, v5;
	[tilespmem:s20+$0xE0] =	vst v26;
	v26 =	vmul.f32 $2.000000030e-01, v4;
	v8 =	vadd.f32 v14, v8  }
0x1ce: {  	v3 =	vld [tilespmem:s20+$0xFFFFFF20];
	v7 =	vmax.f32 v7, v21;
	v21 =	vmul.f32 $2.000000030e-01, v6  }
0x1cf: {  	v9 =	vld [tilespmem:s20+$0xFFFFFFA0];
	v4 =	vmax.f32 v4, v26;
	v7 =	vmul.f32 $1.442695020e+00, v7;
	v26 =	vmul.f32 $2.000000030e-01, v8  }
0x1d0: {  	v2 =	vld [tilespmem:s20+$0xFFFFFFB0];
	v4 =	vmul.f32 $1.442695020e+00, v4;
	v6 =	vmax.f32 v6, v21  }
0x1d1: {  	v23 =	vld [tilespmem:s21+$0x0];
	[tilespmem:s20+$0xA0] =	vst v5;
	v5 =	vpop (erf);
	v6 =	vmul.f32 $1.442695020e+00, v6;
	(erf) = vpow2.f32 v7;
	v7 =	vmax.f32 v8, v26  }
0x1d2: {  	v1 =	vld [tilespmem:s20+$0x30];
	(erf) = vpow2.f32 v4;
	v4 =	vmul.f32 $1.442695020e+00, v7  }
0x1d3: {  	v17 =	vld [tilespmem:s21+$0xFFFFFF90];
	v22 =	vpop (erf);
	(erf) = vpow2.f32 v6  }
0x1d4: {  	v15 =	vld [tilespmem:s21+$0x50];
	v25 =	vmul.f32 v5, v25;
	[tilespmem:s21+$0xFFFFFFC0] =	vst v5;
	v27 =	vpop (erf);
	(erf) = vpow2.f32 v4  }
0x1d5: {  	v16 =	vld [tilespmem:s21+$0xFFFFFF10];
	[tilespmem:s21+$0x40] =	vst v22  }
0x1d6: {  	v31 =	vld [tilespmem:s8+$0x70];
	v5 =	vmul.f32 v22, v23;
	[tilespmem:s21+$0xFFFFFF80] =	vst v25  }
0x1d7: {  	v12 =	vld [tilespmem:s21+$0x10];
	v24 =	vmul.f32 v27, v24;
	[tilespmem:s21+$0xFFFFFF40] =	vst v27  }
0x1d8: {  	v43 =	vld [tilespmem:s22+$0xFFFFFFD0];
	[tilespmem:s21+$0x0] =	vst v5  }
0x1d9: {  	[tilespmem:s21+$0xFFFFFF00] =	vst v24;
	v5 =	vld [tilespmem:s22+$0x10]  }
0x1da: {  	v44 =	vld [tilespmem:s22+$0xFFFFFF90];
	v21 =	vpop (erf)  }
0x1db: {  	v13 =	vld [tilespmem:s21+$0xFFFFFF60];
	v30 =	vadd.f32 v31, v30;
	v46 =	vmul.f32 v21, v3;
	v27 =	vpop (erf)  }
0x1dc: {  	v14 =	vld [tilespmem:s21+$0xFFFFFFE0];
	[tilespmem:s20+$0xFFFFFF60] =	vst v21;
	v26 =	vpop (erf)  }
0x1dd: {  	v23 =	vld [tilespmem:s21+$0x60];
	v48 =	vmul.f32 $2.000000030e-01, v30;
	v29 =	vadd.f32 v43, v29;
	[tilespmem:s20+$0xFFFFFF20] =	vst v46;
	v31 =	vpop (erf)  }
0x1de: {  	v5 =	vadd.f32 v5, v15;
	v47 =	vld [tilespmem:s8+$0xFFFFFFB0];
	v34 =	vmul.f32 v31, v45  }
0x1df: {  	v30 =	vmax.f32 v30, v48;
	v15 =	vld [tilespmem:s23+$0xC0];
	v28 =	vadd.f32 v44, v28;
	[tilespmem:s21+$0xD0] =	vst v31;
	v31 =	vmul.f32 $2.000000030e-01, v29  }
0x1e0: {  	v22 =	vld [tilespmem:s21+$0xFFFFFF20];
	v30 =	vmul.f32 $1.442695020e+00, v30;
	v50 =	vmul.f32 $2.000000030e-01, v5;
	[tilespmem:s21+$0x90] =	vst v34  }
0x1e1: {  	v52 =	vmul.f32 $2.000000030e-01, v28;
	v29 =	vmax.f32 v29, v31;
	v31 =	vld [tilespmem:s22+$0x60]  }
0x1e2: {  	v25 =	vld [tilespmem:s21+$0x20];
	(erf) = vpow2.f32 v30;
	v33 =	vmax.f32 v5, v50  }
0x1e3: {  	v8 =	vld [tilespmem:s21+$0xFFFFFF70];
	v28 =	vmax.f32 v28, v52;
	v29 =	vmul.f32 $1.442695020e+00, v29;
	v10 =	vadd.f32 v47, v10  }
0x1e4: {  	v7 =	vld [tilespmem:s21+$0xFFFFFFF0];
	v30 =	vmul.f32 $1.442695020e+00, v33;
	v15 =	vadd.f32 v49, v15;
	v28 =	vmul.f32 $1.442695020e+00, v28  }
0x1e5: {  	(erf) = vpow2.f32 v29;
	v29 =	vld [tilespmem:s24+$0xFFFFFFC0];
	v54 =	vmul.f32 $2.000000030e-01, v10  }
0x1e6: {  	v24 =	vld [tilespmem:s21+$0xFFFFFFA0];
	v36 =	vmul.f32 $2.000000030e-01, v15;
	(erf) = vpow2.f32 v30;
	v31 =	vadd.f32 v31, v51  }
0x1e7: {  	v30 =	vld [tilespmem:s24+$0x0];
	(erf) = vpow2.f32 v28;
	v10 =	vmax.f32 v10, v54  }
0x1e8: {  	v15 =	vmax.f32 v15, v36;
	v28 =	vld [tilespmem:s24+$0xFFFFFF80];
	v10 =	vmul.f32 $1.442695020e+00, v10;
	v34 =	vmul.f32 $2.000000030e-01, v31  }
0x1e9: {  	v6 =	vld [tilespmem:s21+$0x70];
	v15 =	vmul.f32 $1.442695020e+00, v15  }
0x1ea: {  	v4 =	vld [tilespmem:s21+$0xFFFFFF30];
	v29 =	vadd.f32 v29, v53;
	(erf) = vpow2.f32 v10;
	v10 =	vmax.f32 v31, v34  }
0x1eb: {  	v3 =	vld [tilespmem:s21+$0xFFFFFFB0];
	v10 =	vmul.f32 $1.442695020e+00, v10  }
0x1ec: {  	v21 =	vld [tilespmem:s20+$0xB0];
	v30 =	vadd.f32 v30, v55;
	(erf) = vpow2.f32 v15;
	v15 =	vmul.f32 $2.000000030e-01, v29  }
0x1ed: {  	v5 =	vld [tilespmem:s21+$0x30];
	v54 =	vmul.f32 v26, v11;
	v28 =	vadd.f32 v28, v56  }
0x1ee: {  	v60 =	vpop (erf);
	v11 =	vld [tilespmem:s23+$0x20];
	v37 =	vmul.f32 $2.000000030e-01, v30;
	(erf) = vpow2.f32 v10;
	v29 =	vmax.f32 v29, v15  }
0x1ef: {  	[tilespmem:s20+$0xFFFFFFE0] =	vst v27;
	v31 =	vld [tilespmem:s23+$0x0];
	v29 =	vmul.f32 $1.442695020e+00, v29;
	v10 =	vpop (erf)  }
0x1f0: {  	v40 =	vmul.f32 $2.000000030e-01, v28;
	v15 =	vld [tilespmem:s23+$0xFFFFFF10];
	v30 =	vmax.f32 v30, v37;
	v39 =	vpop (erf);
	v62 =	vmul.f32 v10, v17;
	[tilespmem:s21+$0xFFFFFFD0] =	vst v10  }
0x1f1: {  	v17 =	vmul.f32 $1.442695020e+00, v30;
	v30 =	vld [tilespmem:s23+$0x80];
	(erf) = vpow2.f32 v29;
	v10 =	vpop (erf);
	[tilespmem:s21+$0x50] =	vst v39  }
0x1f2: {  	v28 =	vmax.f32 v28, v40;
	v12 =	vmul.f32 v39, v12;
	v41 =	vmul.f32 v10, v16;
	v16 =	vld [tilespmem:s23+$0xFFFFFF90];
	[tilespmem:s21+$0xFFFFFF50] =	vst v10  }
0x1f3: {  	v10 =	vmul.f32 $1.442695020e+00, v28;
	(erf) = vpow2.f32 v17;
	v28 =	vld [tilespmem:s21+$0xA0];
	[tilespmem:s21+$0xFFFFFF90] =	vst v62  }
0x1f4: {  	v27 =	vmul.f32 v27, v9;
	v29 =	vpop (erf);
	v44 =	vld [tilespmem:s22+$0xFFFFFFE0];
	[tilespmem:s21+$0xFFFFFF10] =	vst v41  }
0x1f5: {  	[tilespmem:s21+$0x10] =	vst v12;
	(erf) = vpow2.f32 v10;
	v63 =	vpop (erf);
	v10 =	vld [tilespmem:s22+$0xFFFFFFA0]  }
0x1f6: {  	[tilespmem:s20+$0xFFFFFFA0] =	vst v27;
	v45 =	vld [tilespmem:s22+$0x20];
	v30 =	vmul.f32 v63, v30  }
0x1f7: {  	v17 =	vld [tilespmem:s23+$0x10];
	[tilespmem:s23+$0xC0] =	vst v63;
	v46 =	vpop (erf)  }
0x1f8: {  	[tilespmem:s23+$0x80] =	vst v30;
	v28 =	vmul.f32 v46, v28;
	v30 =	vld [tilespmem:s23+$0xD0]  }
0x1f9: {  	[tilespmem:s21+$0xE0] =	vst v46;
	v47 =	vld [tilespmem:s24+$0x50];
	v39 =	vadd.f32 v44, v14  }
0x1fa: {  	v21 =	vmul.f32 v60, v21;
	[tilespmem:s21+$0xA0] =	vst v28;
	v28 =	vld [tilespmem:s21+$0xF0];
	v10 =	vadd.f32 v10, v13  }
0x1fb: {  	[tilespmem:s20+$0xF0] =	vst v60;
	v60 =	vmul.f32 v29, v19;
	v23 =	vadd.f32 v45, v23;
	v13 =	vpop (erf);
	v42 =	vld [tilespmem:s22+$0x70];
	v49 =	vmul.f32 $2.000000030e-01, v39  }
0x1fc: {  	v12 =	vld [tilespmem:s23+$0xFFFFFF60];
	[tilespmem:s23+$0xFFFFFFC0] =	vst v13;
	v14 =	vpop (erf);
	v32 =	vmul.f32 v13, v58;
	v48 =	vmul.f32 $2.000000030e-01, v10  }
0x1fd: {  	v19 =	vld [tilespmem:s23+$0xFFFFFF30];
	v50 =	vmul.f32 $2.000000030e-01, v23;
	[tilespmem:s23+$0x40] =	vst v14;
	v31 =	vmul.f32 v14, v31;
	v9 =	vmax.f32 v39, v49  }
0x1fe: {  	v13 =	vld [tilespmem:s23+$0xFFFFFFE0];
	v43 =	vpop (erf);
	[tilespmem:s23+$0xFFFFFF80] =	vst v32;
	v30 =	vadd.f32 v47, v30;
	v39 =	vmul.f32 $1.442695020e+00, v9;
	v41 =	vmax.f32 v10, v48  }
0x1ff: {  	v36 =	vmul.f32 v43, v57;
	[tilespmem:s23+$0x0] =	vst v31;
	v31 =	vld [tilespmem:s24+$0xFFFFFFD0];
	v51 =	vmul.f32 $1.442695020e+00, v41  }
0x200: {  	v9 =	vmax.f32 v23, v50;
	[tilespmem:s23+$0xFFFFFF40] =	vst v43;
	v23 =	vld [tilespmem:s24+$0x10];
	v52 =	vmul.f32 $2.000000030e-01, v30;
	v27 =	vadd.f32 v42, v28  }
0x201: {  	v14 =	vld [tilespmem:s23+$0x60];
	v53 =	vmul.f32 $1.442695020e+00, v9;
	[tilespmem:s23+$0xFFFFFF00] =	vst v36;
	(erf) = vpow2.f32 v51  }
0x202: {  	[tilespmem:s20+$0x60] =	vst v26;
	v26 =	vmax.f32 v30, v52;
	v30 =	vld [tilespmem:s24+$0xFFFFFF90];
	v55 =	vmul.f32 $2.000000030e-01, v27;
	(erf) = vpow2.f32 v39  }
0x203: {  	[tilespmem:s20+$0xB0] =	vst v21;
	v10 =	vld [tilespmem:s23+$0xFFFFFF20];
	v26 =	vmul.f32 $1.442695020e+00, v26;
	(erf) = vpow2.f32 v53  }
0x204: {  	[tilespmem:s20+$0x20] =	vst v54;
	v9 =	vld [tilespmem:s23+$0xFFFFFFA0];
	v28 =	vadd.f32 v31, v61;
	v21 =	vmax.f32 v27, v55  }
0x205: {  	v57 =	vld [tilespmem:s8+$0x30];
	v56 =	vadd.f32 v23, v38;
	(erf) = vpow2.f32 v26;
	v21 =	vmul.f32 $1.442695020e+00, v21  }
0x206: {  	v31 =	vld [tilespmem:s8+$0xFFFFFFF0];
	v58 =	vmul.f32 $2.000000030e-01, v28  }
0x207: {  	v27 =	vld [tilespmem:s23+$0x70];
	v59 =	vadd.f32 v30, v59;
	v30 =	vmul.f32 $2.000000030e-01, v56;
	(erf) = vpow2.f32 v21  }
0x208: {  	v23 =	vld [tilespmem:s23+$0xFFFFFF70];
	v28 =	vmax.f32 v28, v58  }
0x209: {  	[tilespmem:s20+$0xFFFFFF70] =	vst v29;
	v26 =	vld [tilespmem:s23+$0xFFFFFFF0];
	v29 =	vmul.f32 $2.000000030e-01, v59;
	v28 =	vmul.f32 $1.442695020e+00, v28;
	v30 =	vmax.f32 v56, v30  }
0x20a: {  	[tilespmem:s20+$0xFFFFFF30] =	vst v60;
	v33 =	vmul.f32 $1.442695020e+00, v30;
	v30 =	vld [tilespmem:s23+$0x90];
	v61 =	vpop (erf)  }
0x20b: {  	v21 =	vld [tilespmem:s23+$0xFFFFFFB0];
	v32 =	vmax.f32 v59, v29;
	(erf) = vpow2.f32 v28;
	v22 =	vmul.f32 v61, v22;
	[tilespmem:s21+$0xFFFFFF60] =	vst v61;
	v62 =	vpop (erf)  }
0x20c: {  	v29 =	vadd.f32 v31, v20;
	v28 =	vld [tilespmem:s21+$0xB0];
	v31 =	vmul.f32 $1.442695020e+00, v32;
	(erf) = vpow2.f32 v33;
	[tilespmem:s21+$0xFFFFFFE0] =	vst v62;
	v63 =	vpop (erf)  }
0x20d: {  	v20 =	vld [tilespmem:s23+$0x30];
	[tilespmem:s21+$0xFFFFFF20] =	vst v22;
	v22 =	vmul.f32 v62, v24;
	v24 =	vmul.f32 v63, v25;
	v25 =	vadd.f32 v57, v18  }
0x20e: {  	s28 =	simm.s32 $0x8;
	s17 =	simm.s32 $0x67C0;
	s8 =	simm.s32 $0x4440;
	v32 =	vmul.f32 $2.000000030e-01, v29;
	(erf) = vpow2.f32 v31;
	v33 =	vpop (erf);
	[tilespmem:s21+$0x60] =	vst v63;
	v31 =	vld [tilespmem:s22+$0xFFFFFFB0]  }
.LBB2_7:
0x20f: {  	v34 =	vld [tilespmem:s8+$0xC0];
	v30 =	vmul.f32 v33, v30;
	s24 =	sadd.s32 $0x100, s24;
	[tilespmem:s21+$0xFFFFFFA0] =	vst v22;
	v35 =	vmul.f32 $2.000000030e-01, v25;
	v18 =	vmovc v26;
	v22 =	vmovc v6;
	v6 =	vmov v27  }
0x210: {  	s28 =	sadd.s32 $0x4, s28;
	v26 =	vld [tilespmem:s24+$0x40];
	[tilespmem:s23+$0xD0] =	vst v33;
	v27 =	vpop (erf);
	v29 =	vmax.f32 v29, v32  }
0x211: {  	p0 =	slt.u32 s28, $0x4C;
	[tilespmem:s23+$0x90] =	vst v30;
	v30 =	vld [tilespmem:s23+$0xE0];
	v33 =	vmul.f32 v27, v28;
	v29 =	vmul.f32 $1.442695020e+00, v29;
	v25 =	vmax.f32 v25, v35  }
0x212: {  	v32 =	vld [tilespmem:s17+$0x60];
	[tilespmem:s21+$0x20] =	vst v24;
	v24 =	vmul.f32 $1.442695020e+00, v25  }
0x213: {  	v25 =	vld [tilespmem:s24+$0xFFFFFF80];
	v31 =	vadd.f32 v31, v8;
	[tilespmem:s21+$0xB0] =	vst v33;
	(erf) = vpow2.f32 v29;
	v8 =	vmov v23  }
0x214: {  	v23 =	vld [tilespmem:s8+$0xFFFFFFC0];
	v28 =	vpop (erf);
	[tilespmem:s21+$0xF0] =	vst v27;
	(erf) = vpow2.f32 v24  }
0x215: {  	v24 =	vld [tilespmem:s24+$0xFFFFFFC0];
	v26 =	vadd.f32 v26, v34;
	v16 =	vmul.f32 v28, v16;
	[tilespmem:s23+$0xFFFFFFD0] =	vst v28;
	v27 =	vpop (erf);
	v28 =	vmul.f32 $2.000000030e-01, v31  }
0x216: {  	v29 =	vld [tilespmem:s8+$0x40];
	v17 =	vmul.f32 v27, v17;
	[tilespmem:s23+$0x50] =	vst v27  }
0x217: {  	v27 =	vld [tilespmem:s24+$0x0];
	v33 =	vmul.f32 $2.000000030e-01, v26;
	[tilespmem:s23+$0xFFFFFF90] =	vst v16;
	v16 =	vadd.f32 v32, v30;
	v30 =	vpop (erf);
	v28 =	vmax.f32 v31, v28  }
0x218: {  	v31 =	vld [tilespmem:s8+$0xFFFFFF40];
	v15 =	vmul.f32 v30, v15;
	[tilespmem:s23+$0x10] =	vst v17;
	v17 =	vmul.f32 $1.442695020e+00, v28  }
0x219: {  	v28 =	vld [tilespmem:s8+$0xFFFFFF00];
	v26 =	vmax.f32 v26, v33;
	[tilespmem:s23+$0xFFFFFF50] =	vst v30;
	v30 =	vmul.f32 $2.000000030e-01, v16  }
0x21a: {  	v23 =	vadd.f32 v24, v23;
	v32 =	vld [tilespmem:s8+$0xFFFFFF80];
	v26 =	vmul.f32 $1.442695020e+00, v26;
	[tilespmem:s23+$0xFFFFFF10] =	vst v15;
	(erf) = vpow2.f32 v17  }
0x21b: {  	v33 =	vld [tilespmem:s8+$0x0];
	v15 =	vmax.f32 v16, v30  }
0x21c: {  	v24 =	vld [tilespmem:s8+$0xFFFFFF50];
	v17 =	vadd.f32 v27, v29;
	(erf) = vpow2.f32 v26;
	v15 =	vmul.f32 $1.442695020e+00, v15;
	v16 =	vpop (erf)  }
0x21d: {  	v26 =	vmul.f32 $2.000000030e-01, v23;
	v25 =	vadd.f32 v25, v31;
	v27 =	vld [tilespmem:s8+$0xFFFFFFD0];
	v29 =	vmul.f32 v16, v2;
	[tilespmem:s20+$0xFFFFFFF0] =	vst v16;
	v16 =	vpop (erf)  }
0x21e: {  	v2 =	vmovc v3;
	v3 =	vmov v21;
	v30 =	vmul.f32 $2.000000030e-01, v17;
	v31 =	vld [tilespmem:s8+$0x50];
	(erf) = vpow2.f32 v15;
	[tilespmem:s20+$0x70] =	vst v16  }
0x21f: {  	v23 =	vmax.f32 v23, v26;
	v26 =	vmul.f32 v16, v1;
	v1 =	vmovc v5;
	v21 =	vmul.f32 $2.000000030e-01, v25;
	v15 =	vld [tilespmem:s8+$0xFFFFFF10];
	[tilespmem:s20+$0xFFFFFFB0] =	vst v29  }
0x220: {  	v5 =	vmov v20;
	v29 =	vmul.f32 $1.442695020e+00, v23;
	v16 =	vld [tilespmem:s8+$0xFFFFFF90];
	v17 =	vmax.f32 v17, v30  }
0x221: {  	v20 =	vmax.f32 v25, v21;
	v21 =	vmul.f32 $1.442695020e+00, v17;
	v25 =	vld [tilespmem:s8+$0x80];
	[tilespmem:s20+$0x30] =	vst v26;
	s20 =	smov.u32 s21;
	s21 =	smov.u32 s23;
	s23 =	smov.u32 s8  }
0x222: {  	v20 =	vmul.f32 $1.442695020e+00, v20;
	v17 =	vld [tilespmem:s8+$0x10];
	(erf) = vpow2.f32 v29  }
0x223: {  	(erf) = vpow2.f32 v21;
	v21 =	vld [tilespmem:s21+$0xA0];
	v23 =	vpop (erf)  }
0x224: {  	(erf) = vpow2.f32 v20;
	v20 =	vld [tilespmem:s17+$0xFFFFFFA0];
	v26 =	vmul.f32 v23, v4;
	[tilespmem:s20+$0xFFFFFF70] =	vst v23;
	v4 =	vmov v19  }
0x225: {  	v19 =	vpop (erf);
	v23 =	vld [tilespmem:s17+$0xFFFFFFE0]  }
0x226: {  	v25 =	vmul.f32 v19, v25;
	v29 =	vld [tilespmem:s17+$0x20];
	[tilespmem:s20+$0xFFFFFF30] =	vst v26  }
0x227: {  	v26 =	vld [tilespmem:s8+$0xFFFFFF60];
	[tilespmem:s8+$0xC0] =	vst v19;
	v19 =	vpop (erf)  }
0x228: {  	[tilespmem:s8+$0x80] =	vst v25;
	v25 =	vld [tilespmem:s8+$0xD0];
	v21 =	vmul.f32 v19, v21  }
0x229: {  	v30 =	vld [tilespmem:s24+$0x50];
	v20 =	vadd.f32 v20, v12;
	[tilespmem:s21+$0xE0] =	vst v19  }
0x22a: {  	v19 =	vadd.f32 v23, v13;
	[tilespmem:s21+$0xA0] =	vst v21;
	v21 =	vld [tilespmem:s21+$0xF0]  }
0x22b: {  	v12 =	vpop (erf);
	v23 =	vmul.f32 $2.000000030e-01, v20;
	v29 =	vadd.f32 v29, v14;
	v34 =	vld [tilespmem:s17+$0x70]  }
0x22c: {  	v32 =	vmul.f32 v12, v32;
	[tilespmem:s8+$0xFFFFFFC0] =	vst v12;
	v13 =	vld [tilespmem:s8+$0xFFFFFFE0];
	v14 =	vpop (erf);
	v35 =	vmul.f32 $2.000000030e-01, v19;
	v12 =	vmov v26  }
0x22d: {  	v26 =	vmul.f32 v14, v33;
	[tilespmem:s8+$0x40] =	vst v14;
	v14 =	vld [tilespmem:s8+$0x60];
	v33 =	vpop (erf);
	v20 =	vmax.f32 v20, v23;
	v23 =	vmul.f32 $2.000000030e-01, v29  }
0x22e: {  	v28 =	vmul.f32 v33, v28;
	v36 =	vld [tilespmem:s8+$0xFFFFFF20];
	[tilespmem:s8+$0xFFFFFF80] =	vst v32;
	v25 =	vadd.f32 v30, v25;
	v19 =	vmax.f32 v19, v35  }
0x22f: {  	v20 =	vmul.f32 $1.442695020e+00, v20;
	v30 =	vld [tilespmem:s24+$0xFFFFFFD0];
	[tilespmem:s8+$0x0] =	vst v26;
	v19 =	vmul.f32 $1.442695020e+00, v19;
	v23 =	vmax.f32 v29, v23  }
0x230: {  	[tilespmem:s8+$0xFFFFFF00] =	vst v28;
	v26 =	vld [tilespmem:s24+$0x10];
	v28 =	vmul.f32 $2.000000030e-01, v25;
	v23 =	vmul.f32 $1.442695020e+00, v23;
	v21 =	vadd.f32 v34, v21  }
0x231: {  	[tilespmem:s8+$0xFFFFFF40] =	vst v33;
	v32 =	vld [tilespmem:s8+$0xFFFFFFA0];
	(erf) = vpow2.f32 v20  }
0x232: {  	v20 =	vld [tilespmem:s24+$0xFFFFFF90];
	v25 =	vmax.f32 v25, v28;
	v28 =	vmul.f32 $2.000000030e-01, v21;
	(erf) = vpow2.f32 v19  }
0x233: {  	v33 =	vld [tilespmem:s8+$0x20];
	v19 =	vmul.f32 $1.442695020e+00, v25;
	(erf) = vpow2.f32 v23  }
0x234: {  	v25 =	vadd.f32 v30, v27;
	v21 =	vmax.f32 v21, v28;
	v28 =	vld [tilespmem:s22+$0xFFFFFFF0]  }
0x235: {  	v29 =	vadd.f32 v26, v31;
	(erf) = vpow2.f32 v19;
	v19 =	vmul.f32 $1.442695020e+00, v21;
	v21 =	vld [tilespmem:s22+$0x30];
	s22 =	smov.u32 s17;
	s17 =	smov.u32 s24  }
0x236: {  	v23 =	vld [tilespmem:s8+$0xFFFFFF70];
	v27 =	vmul.f32 $2.000000030e-01, v25  }
0x237: {  	v20 =	vadd.f32 v20, v24;
	v26 =	vld [tilespmem:s8+$0xFFFFFFF0];
	v24 =	vmul.f32 $2.000000030e-01, v29;
	(erf) = vpow2.f32 v19  }
0x238: {  	v25 =	vmax.f32 v25, v27;
	v27 =	vld [tilespmem:s8+$0x70]  }
0x239: {  	v37 =	vmul.f32 $2.000000030e-01, v20;
	v19 =	vld [tilespmem:s8+$0xFFFFFF30];
	v38 =	vmul.f32 $1.442695020e+00, v25;
	v24 =	vmax.f32 v29, v24  }
.Ltmp2:
0x23a: {  	v29 =	vadd.f32 v28, v7;
	v24 =	vmul.f32 $1.442695020e+00, v24;
	v30 =	vld [tilespmem:s8+$0x90];
	v35 =	vpop (erf);
	v25 =	vadd.f32 v21, v22;
	(pc) =	sbr.rel @p0 .LBB2_7-.Ltmp2, $4  }
0x23b: {  	v7 =	vmax.f32 v20, v37;
	v21 =	vld [tilespmem:s8+$0xFFFFFFB0];
	(erf) = vpow2.f32 v38;
	v22 =	vmul.f32 v35, v10;
	[tilespmem:s21+$0xFFFFFF60] =	vst v35;
	v31 =	vpop (erf)  }
0x23c: {  	v10 =	vmov v36;
	v35 =	vmul.f32 $1.442695020e+00, v7;
	(erf) = vpow2.f32 v24;
	[tilespmem:s21+$0xFFFFFFE0] =	vst v31;
	v28 =	vld [tilespmem:s21+$0xB0];
	v34 =	vpop (erf)  }
0x23d: {  	v20 =	vld [tilespmem:s8+$0x30];
	[tilespmem:s21+$0xFFFFFF20] =	vst v22;
	v22 =	vmul.f32 v31, v9;
	v24 =	vmul.f32 v34, v11;
	v9 =	vmovc v32;
	v11 =	vmov v33  }
0x23e: {  	s8 =	sadd.s32 $0x200, s8;
	v32 =	vmul.f32 $2.000000030e-01, v29;
	(erf) = vpow2.f32 v35;
	v33 =	vpop (erf);
	v31 =	vld [tilespmem:s22+$0xFFFFFFB0];
	[tilespmem:s21+$0x60] =	vst v34;
	v7 =	vmov v18  }
0x23f: {  	_ =	sdelay $0x2  }
0x240: {  	v18 =	vmul.f32 v33, v30  }
0x241: {  	[tilespmem:s23+$0xD0] =	vst v33  }
0x242: {  	v56 =	vld [tilespmem:s23+$0xE0];
	v58 =	vpop (erf);
	[tilespmem:s23+$0x90] =	vst v18  }
0x243: {  	v57 =	vld [tilespmem:s17+$0x60];
	v34 =	vpop (erf)  }
0x244: {  	v35 =	vpop (erf)  }
0x245: {  	v60 =	vpop (erf)  }
0x246: {  	v15 =	vmul.f32 v60, v15  }
0x247: {  	v59 =	vmul.f32 $2.000000030e-01, v25;
	v8 =	vadd.f32 v31, v8;
	[tilespmem:s23+$0xFFFFFF50] =	vst v60  }
0x248: {  	v29 =	vmax.f32 v29, v32;
	v18 =	vadd.f32 v57, v56;
	[tilespmem:s23+$0xFFFFFF10] =	vst v15  }
0x249: {  	v29 =	vmul.f32 $1.442695020e+00, v29;
	v25 =	vmax.f32 v25, v59;
	v61 =	vmul.f32 $2.000000030e-01, v8;
	v63 =	vld [tilespmem:s17+$0xFFFFFFA0]  }
0x24a: {  	v25 =	vmul.f32 $1.442695020e+00, v25;
	v62 =	vmul.f32 $2.000000030e-01, v18  }
0x24b: {  	(erf) = vpow2.f32 v29;
	v16 =	vmul.f32 v34, v16;
	[tilespmem:s23+$0xFFFFFFD0] =	vst v34;
	v8 =	vmax.f32 v8, v61  }
0x24c: {  	v17 =	vmul.f32 v35, v17;
	[tilespmem:s23+$0x50] =	vst v35;
	v8 =	vmul.f32 $1.442695020e+00, v8;
	v15 =	vmax.f32 v18, v62  }
0x24d: {  	(erf) = vpow2.f32 v25;
	[tilespmem:s23+$0xFFFFFF90] =	vst v16;
	v15 =	vmul.f32 $1.442695020e+00, v15  }
0x24e: {  	[tilespmem:s23+$0x10] =	vst v17;
	v25 =	vld [tilespmem:s17+$0xFFFFFFE0];
	(erf) = vpow2.f32 v8;
	v12 =	vadd.f32 v63, v12  }
0x24f: {  	v30 =	vld [tilespmem:s17+$0x20];
	(erf) = vpow2.f32 v15  }
0x250: {  	v31 =	vmul.f32 $2.000000030e-01, v12;
	_ =	sdelay $0x1  }
0x251: {  	v12 =	vmax.f32 v12, v31  }
0x252: {  	v8 =	vadd.f32 v25, v13;
	v12 =	vmul.f32 $1.442695020e+00, v12  }
0x253: {  	v32 =	vld [tilespmem:s23+$0xA0];
	v14 =	vadd.f32 v30, v14  }
0x254: {  	v34 =	vpop (erf);
	v35 =	vmul.f32 $2.000000030e-01, v8;
	(erf) = vpow2.f32 v12  }
0x255: {  	v36 =	vpop (erf);
	v37 =	vmul.f32 $2.000000030e-01, v14  }
0x256: {  	v8 =	vmax.f32 v8, v35;
	v38 =	vpop (erf)  }
0x257: {  	v8 =	vmul.f32 $1.442695020e+00, v8;
	v14 =	vmax.f32 v14, v37;
	v39 =	vpop (erf)  }
0x258: {  	v14 =	vmul.f32 $1.442695020e+00, v14;
	v13 =	vmul.f32 v39, v32  }
0x259: {  	[tilespmem:s23+$0xE0] =	vst v39;
	(erf) = vpow2.f32 v8  }
0x25a: {  	v40 =	vld [tilespmem:s23+$0xF0];
	(erf) = vpow2.f32 v14;
	[tilespmem:s23+$0xA0] =	vst v13  }
0x25b: {  	[tilespmem:s21+$0xFFFFFFA0] =	vst v22;
	v12 =	vld [tilespmem:s17+$0x70]  }
0x25c: {  	v41 =	vld [tilespmem:s22+$0xFFFFFFF0]  }
0x25d: {  	v42 =	vpop (erf)  }
0x25e: {  	[tilespmem:s21+$0x20] =	vst v24;
	v10 =	vmul.f32 v42, v10  }
0x25f: {  	v43 =	vld [tilespmem:s22+$0x30];
	[tilespmem:s23+$0xFFFFFF60] =	vst v42  }
0x260: {  	v8 =	vadd.f32 v12, v40;
	[tilespmem:s23+$0xFFFFFF20] =	vst v10  }
0x261: {  	v7 =	vadd.f32 v41, v7;
	v47 =	vld [tilespmem:s17+$0xFFFFFFB0]  }
0x262: {  	v44 =	vpop (erf);
	v45 =	vmul.f32 $2.000000030e-01, v8  }
0x263: {  	v48 =	vmul.f32 $2.000000030e-01, v7;
	[tilespmem:s23+$0xFFFFFFE0] =	vst v44;
	v46 =	vpop (erf);
	v9 =	vmul.f32 v44, v9  }
0x264: {  	v6 =	vadd.f32 v43, v6;
	v11 =	vmul.f32 v46, v11;
	[tilespmem:s23+$0x60] =	vst v46;
	v8 =	vmax.f32 v8, v45  }
0x265: {  	v7 =	vmax.f32 v7, v48;
	[tilespmem:s23+$0xFFFFFFA0] =	vst v9;
	v8 =	vmul.f32 $1.442695020e+00, v8  }
0x266: {  	v50 =	vmul.f32 $2.000000030e-01, v6;
	v7 =	vmul.f32 $1.442695020e+00, v7;
	[tilespmem:s23+$0x20] =	vst v11;
	v49 =	vld [tilespmem:s17+$0xFFFFFFF0];
	v52 =	vadd.f32 v47, v23  }
0x267: {  	v51 =	vld [tilespmem:s17+$0x30];
	(erf) = vpow2.f32 v8  }
0x268: {  	v6 =	vmax.f32 v6, v50;
	(erf) = vpow2.f32 v7;
	v54 =	vmul.f32 $2.000000030e-01, v52  }
0x269: {  	v6 =	vmul.f32 $1.442695020e+00, v6  }
0x26a: {  	v1 =	vmul.f32 v36, v1;
	v56 =	vmax.f32 v52, v54  }
0x26b: {  	(erf) = vpow2.f32 v6;
	v55 =	vadd.f32 v49, v26;
	v6 =	vmul.f32 $1.442695020e+00, v56  }
0x26c: {  	v53 =	vmul.f32 v58, v28;
	[tilespmem:s20+$0x30] =	vst v1;
	v1 =	vmul.f32 v38, v4;
	v57 =	vadd.f32 v51, v27  }
0x26d: {  	[tilespmem:s21+$0xF0] =	vst v58;
	v10 =	vmul.f32 $2.000000030e-01, v55;
	(erf) = vpow2.f32 v6  }
0x26e: {  	[tilespmem:s21+$0xB0] =	vst v53;
	v2 =	vmul.f32 v34, v2;
	v59 =	vmul.f32 $2.000000030e-01, v57  }
0x26f: {  	[tilespmem:s20+$0xFFFFFFF0] =	vst v34;
	v60 =	vmax.f32 v55, v10  }
0x270: {  	[tilespmem:s20+$0xFFFFFFB0] =	vst v2;
	v2 =	vmul.f32 $1.442695020e+00, v60;
	v61 =	vmax.f32 v57, v59;
	v62 =	vpop (erf)  }
0x271: {  	[tilespmem:s21+$0xFFFFFF30] =	vst v1;
	v6 =	vmul.f32 $1.442695020e+00, v61;
	v1 =	vpop (erf)  }
0x272: {  	v58 =	vld [tilespmem:s23+$0xB0];
	[tilespmem:s20+$0x70] =	vst v36;
	(erf) = vpow2.f32 v2;
	v2 =	vmul.f32 v1, v3  }
0x273: {  	[tilespmem:s21+$0xFFFFFF70] =	vst v38;
	(erf) = vpow2.f32 v6  }
0x274: {  	[tilespmem:s21+$0xFFFFFFF0] =	vst v1;
	v1 =	vpop (erf)  }
0x275: {  	[tilespmem:s21+$0x70] =	vst v1;
	v1 =	vmul.f32 v1, v5  }
0x276: {  	[tilespmem:s21+$0xFFFFFFB0] =	vst v2;
	v2 =	vpop (erf)  }
0x277: {  	v63 =	vmul.f32 v62, v58;
	[tilespmem:s21+$0x30] =	vst v1;
	v1 =	vmul.f32 v2, v19  }
0x278: {  	[tilespmem:s23+$0xF0] =	vst v62  }
0x279: {  	[tilespmem:s23+$0xB0] =	vst v63  }
0x27a: {  	[tilespmem:s23+$0xFFFFFF70] =	vst v2  }
0x27b: {  	s8 =	sadd.s32 $0x3, s19;
	[tilespmem:s23+$0xFFFFFF30] =	vst v1;
	v1 =	vpop (erf)  }
0x27c: {  	p0 =	slt.s32 s8, s31;
	s17 =	smov.u32 s31;
	v2 =	vmul.f32 v1, v21;
	[tilespmem:s23+$0xFFFFFFF0] =	vst v1;
	v1 =	vpop (erf)  }
0x27d: {  	s17 =	smov.u32 @p0 s8;
	[tilespmem:s23+$0x70] =	vst v1;
	v1 =	vmul.f32 v1, v20  }
0x27e: {  	s8 =	sadd.s32 s4, s17;
	[tilespmem:s23+$0xFFFFFFB0] =	vst v2  }
0x27f: {  	s18 =	sadd.s32 $0x1, s18;
	s8 =	smul.u32 $0x50, s8;
	[tilespmem:s23+$0x30] =	vst v1  }
0x280: {  	[spmem:s3] =	stream.indirect.scatter.add.f32 [tilespmem:s26], [sflag:$0x7], $0x80, s10, s6, $0xb8;
	[tilespmem:$0x1B940] =	vst v63  }
0x281: {  	p0 =	sne.s32 s18, s30;
	_ =	swait.ge [sflag:s5], $0x2800  }
.Ltmp3:
0x282: {  	s8 =	sshrl.u32 s8, $0x3;
	[sflag:s5] =	ssyncset.done $0x0;
	(pc) =	sbr.rel @p0 .LBB2_4-.Ltmp3, $4  }
0x283: {  	s28 =	sadd.s32 s2, s8;
	[sflag:s5] =	ssyncadd.s32 $0xFFFFD800  }
0x284: {  	[tilespmem:s9], [sflag:$0x6] =	stream.linear.gather [hbm4b:s28+s11], $0x50, $0x38;
	[tilespmem:$0x1B940] =	vst v63  }
0x285: {  	s8 =	sadd.s32 s16, s8  }
0x286: {  	[tilespmem:s10], [sflag:$0x6] =	stream.linear.gather [hbm4b:s8+s11], $0x50, $0x38;
	[tilespmem:$0x1B940] =	vst v63  }
0x287: {  	_ =	swait.ge [sflag:s12], $0x2800  }
0x288: {  	[sflag:s12] =	ssyncset.done $0x0  }
0x289: {  	[sflag:s12] =	ssyncadd.s32 $0xFFFFD800  }
0x28a: {  	_ =	swait.ge [sflag:s13], $0x1400  }
0x28b: {  	[sflag:s13] =	ssyncset.done $0x0  }
0x28c: {  	[sflag:s13] =	ssyncadd.s32 $0xFFFFEC00  }
0x28d: {  	_ =	swait.ge [sflag:s25], $0x50  }
0x28e: {  	[sflag:s25] =	ssyncset.done $0x0  }
0x28f: {  	[sflag:s25] =	ssyncadd.s32 $0xFFFFFFB0  }
0x290: {  	_ =	swait.ge [sflag:s25], $0x50  }
0x291: {  	[sflag:s25] =	ssyncset.done $0x0  }
0x292: {  	[sflag:s25] =	ssyncadd.s32 $0xFFFFFFB0  }
0x293: {  	s8 =	stileid.u32;
	[bflag:$0x0] =	sbarrier.arrive $0xFFFF  }
0x294: {  	s8 =	sshll.u32 s8, $0x6;
	s21 =	rddreg [dreg:$0xc]  }
0x295: {  	s8 =	sor.u32 $0x1C07, s8;
	s18 =	rddreg [dreg:$0x4];
	s17 =	sshrl.u32 s21, $0x3  }
0x296: {  	[hbm:s18], [sflag:s8] =	dma.local [spmem:s17], $0x500  }
0x297: {  	_ =	swait.ge [sflag:s5], $0x500  }
0x298: {  	[sflag:s5] =	ssyncset.done $0x0;
	s22 =	rddreg [dreg:$0xd]  }
0x299: {  	s19 =	rddreg [dreg:$0x5];
	[sflag:s5] =	ssyncadd.s32 $0xFFFFFB00;
	s18 =	sshrl.u32 s22, $0x3  }
0x29a: {  	[hbm:s19], [sflag:s8] =	dma.local [spmem:s18], $0x500  }
0x29b: {  	_ =	swait.ge [sflag:s5], $0x500  }
0x29c: {  	[sflag:s5] =	ssyncset.done $0x0;
	s23 =	rddreg [dreg:$0xe]  }
0x29d: {  	s24 =	rddreg [dreg:$0x6];
	[sflag:s5] =	ssyncadd.s32 $0xFFFFFB00;
	s20 =	sshrl.u32 s23, $0x3  }
0x29e: {  	[hbm:s24], [sflag:s8] =	dma.local [spmem:s20], $0x500  }
0x29f: {  	_ =	swait.ge [sflag:s5], $0x500  }
0x2a0: {  	[sflag:s5] =	ssyncset.done $0x0;
	s24 =	rddreg [dreg:$0xf]  }
0x2a1: {  	s20 =	rddreg [dreg:$0x7];
	[sflag:s5] =	ssyncadd.s32 $0xFFFFFB00;
	s19 =	sshrl.u32 s24, $0x3  }
0x2a2: {  	[hbm:s20], [sflag:s8] =	dma.local [spmem:s19], $0x500  }
0x2a3: {  	_ =	swait.ge [sflag:s5], $0x500  }
0x2a4: {  	[sflag:s5] =	ssyncset.done $0x0;
	s28 =	rddreg [dreg:$0x10]  }
0x2a5: {  	s20 =	rddreg [dreg:$0x8];
	[sflag:s5] =	ssyncadd.s32 $0xFFFFFB00;
	s19 =	sshrl.u32 s28, $0x3  }
0x2a6: {  	[hbm:s20], [sflag:s8] =	dma.local [spmem:s19], $0x500  }
0x2a7: {  	_ =	swait.ge [sflag:s5], $0x500  }
0x2a8: {  	[sflag:s5] =	ssyncset.done $0x0;
	s19 =	rddreg [dreg:$0x11]  }
0x2a9: {  	s20 =	rddreg [dreg:$0x9];
	[sflag:s5] =	ssyncadd.s32 $0xFFFFFB00;
	s17 =	sshrl.u32 s19, $0x3  }
0x2aa: {  	[hbm:s20], [sflag:s8] =	dma.local [spmem:s17], $0x500  }
0x2ab: {  	_ =	swait.ge [sflag:s5], $0x500  }
0x2ac: {  	[sflag:s5] =	ssyncset.done $0x0;
	s19 =	rddreg [dreg:$0x12]  }
0x2ad: {  	s20 =	rddreg [dreg:$0xa];
	[sflag:s5] =	ssyncadd.s32 $0xFFFFFB00;
	s18 =	sshrl.u32 s19, $0x3  }
0x2ae: {  	[hbm:s20], [sflag:s8] =	dma.local [spmem:s18], $0x500  }
0x2af: {  	_ =	swait.ge [sflag:s5], $0x500  }
0x2b0: {  	[sflag:s5] =	ssyncset.done $0x0;
	s20 =	rddreg [dreg:$0x13]  }
0x2b1: {  	s18 =	rddreg [dreg:$0xb];
	[sflag:s5] =	ssyncadd.s32 $0xFFFFFB00;
	s17 =	sshrl.u32 s20, $0x3  }
0x2b2: {  	[hbm:s18], [sflag:s8] =	dma.local [spmem:s17], $0x500  }
0x2b3: {  	_ =	swait.ge [sflag:s5], $0x500  }
0x2b4: {  	s8 =	rddreg [dreg:$0x19]  }
0x2b5: {  	s18 =	rddreg [dreg:$0x18];
	s17 =	sadd.s32 $0x1, s8  }
0x2b6: {  	p0 =	sne.s32 s17, s18  }
.Ltmp4:
0x2b7: {  	_ = 	snop;
	(pc) =	sbr.rel @p0 .LBB2_1-.Ltmp4, $3  }
0x2b8: {  	_ =	sdelay $0x1  }
0x2b9: {  	[sflag:s5] =	ssyncset.done $0x0  }
0x2ba: {  	[sflag:s5] =	ssyncadd.s32 $0xFFFFFB00  }
0x2bb: {  	_ =	sfence.sel $0x180000  }
0x2bc: {  	[bflag:$0x0] =	sbarrier.arrive $0xFFFF  }
0x2bd: {  	_ =	strace $0x90000047  }
0x2be: {  	s0 =	stileid.u32;
	[bflag:$0x2] =	sbarrier.arrive $0xFFFF  }
0x2bf: {  	p0 =	sne.s32 s0, $0x0;
	s0 =	rddreg [dreg:$0x3]  }
0x2c0: {  	s0 =	sadd.s32 @!p0 $0x100000, s0  }
0x2c1: {  	[sflag:s0] =	ssyncadd.tile.s32 @!p0 $0x1;
	_ =	shalt  }
.Lfunc_end2:
_tile_overlayer_lowered:
.L_overlay_start_2:
0x2c2: {  	(tag) =	ssettag $0x2  }
0x2c3: {  	s0 =	rddreg [dreg:$0x0];
	s2 =	stileid.u32  }
0x2c4: {  	s1 =	rddreg [dreg:$0x1];
	p0 =	sne.s32 s2, $0x0  }
0x2c5: {  	s3 =	rddreg [dreg:$0x2];
	[bflag:$0x3] =	sbarrier.arrive $0xFFFF;
	s2 =	simm.s32 @!p0 $0x1C07  }
0x2c6: {  	[timem:s3], [sflag:s2] =	dma.local @!p0 [hbm:s0], s1  }
0x2c7: {  	s0 =	simm.s32 @!p0 $0x7  }
0x2c8: {  	_ =	swait.ge @!p0 [sflag:s0], s1  }
0x2c9: {  	s1 =	ssub.s32 @!p0 $0x0, s1;
	[sflag:s0] =	ssyncset.done @!p0 $0x0  }
0x2ca: {  	[sflag:s0] =	ssyncadd.s32 @!p0 s1  }
0x2cb: {  	[bflag:$0x3] =	sbarrier.arrive $0xFFFF  }
0x2cc: {  	_ =	shalt  }

</sc_bundles>
